<compile_context>
chip_gen: v7x
topology: tpu7x:2x2x1
jax: 0.10.2.dev20260603
libtpu: 0.0.44.dev20260713+nightly
codegen_flags: <defaults>
</compile_context>

<pallas_src>
import functools

import jax
import jax.numpy as jnp
from jax import lax
from jax.experimental import pallas as pl
from jax.experimental.pallas import tpu as pltpu
from jax.experimental.pallas import tpu_sc as plsc

_N = 10000
_E = 320000
_H = 4
_DI = 128
_DP = 32
_LR = 0.2
_PC = 64
_VW = 80
_NT = 16
_SB = 80
_EPT = _E // _NT
_NB = _EPT // _SB
_RPT = _N // _NT
_FC = 125
_TB = 1000


def _tc_body(x_ref, w_ref, a_ref, h_ref, s1_ref):
    x = x_ref[...]
    h0 = jnp.dot(x, w_ref[0], preferred_element_type=jnp.float32)
    h1 = jnp.dot(x, w_ref[1], preferred_element_type=jnp.float32)
    hh = jnp.concatenate([h0, h1], axis=1)
    z32 = jnp.zeros((_DP,), jnp.float32)
    a1p = jnp.stack(
        [jnp.concatenate([a_ref[0, 0, :_DP], z32]),
         jnp.concatenate([z32, a_ref[1, 0, :_DP]])], axis=1)
    a2p = jnp.stack(
        [jnp.concatenate([a_ref[0, 0, _DP:], z32]),
         jnp.concatenate([z32, a_ref[1, 0, _DP:]])], axis=1)
    s1p = jnp.dot(hh, a1p, preferred_element_type=jnp.float32)
    s2p = jnp.dot(hh, a2p, preferred_element_type=jnp.float32)
    h_ref[...] = jnp.concatenate(
        [hh, s2p, jnp.zeros((_TB, _VW - _PC - 2), jnp.float32)], axis=1)
    s1_ref[...] = s1p


_tc_call = pl.pallas_call(
    _tc_body,
    grid=(2, _N // _TB),
    in_specs=[
        pl.BlockSpec((_TB, _DI), lambda c, j: (j, 0)),
        pl.BlockSpec((2, _DI, _DP), lambda c, j: (c, 0, 0)),
        pl.BlockSpec((2, 1, 2 * _DP), lambda c, j: (c, 0, 0)),
    ],
    out_specs=[
        pl.BlockSpec((_TB, _VW), lambda c, j: (c * (_N // _TB) + j, 0)),
        pl.BlockSpec((_TB, 2), lambda c, j: (c * (_N // _TB) + j, 0)),
    ],
    out_shape=[
        jax.ShapeDtypeStruct((2 * _N, _VW), jnp.float32),
        jax.ShapeDtypeStruct((2 * _N, 2), jnp.float32),
    ],
)


@functools.partial(
    pl.kernel,
    out_type=jax.ShapeDtypeStruct((_N, _DI), jnp.float32),
    mesh=plsc.VectorSubcoreMesh(core_axis_name="c", subcore_axis_name="s",
                                num_cores=2, num_subcores=_NT),
    compiler_params=pltpu.CompilerParams(use_tc_tiling_on_sc=False,
                                         needs_layout_passes=False),
    scratch_types=[
        pltpu.VMEM((2 * _N,), jnp.float32),
        pltpu.VMEM((_SB,), jnp.int32),
        pltpu.VMEM((_SB,), jnp.int32),
        pltpu.VMEM((_SB,), jnp.int32),
        pltpu.VMEM((_SB,), jnp.int32),
        pltpu.VMEM((1, _SB), jnp.int32),
        pltpu.VMEM((1, _SB), jnp.int32),
        pltpu.VMEM((1, _SB), jnp.int32),
        pltpu.VMEM((1, _SB), jnp.int32),
        pltpu.VMEM((1, _SB), jnp.int32),
        pltpu.VMEM((1, _SB), jnp.int32),
        pltpu.VMEM((1, _SB), jnp.int32),
        pltpu.VMEM((1, _SB), jnp.int32),
        pltpu.VMEM((_SB, _VW), jnp.float32),
        pltpu.VMEM((_SB, _VW), jnp.float32),
        pltpu.VMEM((_SB, _VW), jnp.float32),
        pltpu.VMEM((_SB, _VW), jnp.float32),
        pltpu.VMEM((_SB, _VW), jnp.float32),
        pltpu.VMEM((_SB, _VW), jnp.float32),
        pltpu.VMEM((_FC, _VW), jnp.float32),
        pltpu.VMEM((_FC, _PC), jnp.float32),
        pltpu.VMEM_SHARED((_N, _VW), jnp.float32),
        pltpu.SemaphoreType.DMA,
        pltpu.SemaphoreType.DMA,
        pltpu.SemaphoreType.DMA,
        pltpu.SemaphoreType.DMA,
        pltpu.SemaphoreType.DMA,
        pltpu.SemaphoreType.DMA,
        pltpu.SemaphoreType.DMA,
        pltpu.SemaphoreType.DMA,
    ],
)
def _sc_call(hcat, s1flat, src_hbm, dst_hbm, out_hbm,
             s1_vm, pfs0, pfs1, pfd0, pfd1, src0, src1,
             srcs0, srcs1, srcs2, srcs3, dsti0, dsti1, hg0, hg1,
             val0, val1, val2, val3, accf, outf, acc_sh,
             sg0, sg1, ss0, ss1, ss2, ss3, si0, si1):
    c = lax.axis_index("c")
    s = lax.axis_index("s")
    cn = c * _N
    iota = lax.iota(jnp.int32, 16)
    zf = jnp.zeros((16,), jnp.float32)
    c64 = jnp.full((16,), _PC, jnp.int32)
    c65 = jnp.full((16,), _PC + 1, jnp.int32)

    pfss = (pfs0, pfs1)
    pfds = (pfd0, pfd1)
    srcs = (src0, src1)
    srcss = (srcs0, srcs1, srcs2, srcs3)
    dstis = (dsti0, dsti1)
    hgs = (hg0, hg1)
    vals = (val0, val1, val2, val3)
    sgs = (sg0, sg1)
    sss = (ss0, ss1, ss2, ss3)
    sis = (si0, si1)

    def _zrow(r, carry):
        for q in range(_VW // 16):
            val0[r, pl.ds(q * 16, 16)] = zf
            val1[r, pl.ds(q * 16, 16)] = zf
            val2[r, pl.ds(q * 16, 16)] = zf
            val3[r, pl.ds(q * 16, 16)] = zf
        return carry
    lax.fori_loop(0, _SB, _zrow, 0)
    row0 = s * _RPT
    for k in range(_RPT // _SB):
        pltpu.sync_copy(val0, acc_sh.at[pl.ds(row0 + k * _SB, _SB)])
    pltpu.sync_copy(val0.at[pl.ds(0, _RPT % _SB)],
                    acc_sh.at[pl.ds(row0 + (_RPT // _SB) * _SB, _RPT % _SB)])

    pltpu.sync_copy(s1flat.at[pl.ds(cn * 2, 2 * _N)], s1_vm)

    plsc.subcore_barrier()

    rb0 = (s * _EPT) // _SB

    def _fire_idx(par, row):
        off = jnp.minimum(row, _E // _SB - 1) * _SB
        pltpu.async_copy(src_hbm.at[pl.ds(off, _SB)], pfss[par], sis[par])
        pltpu.async_copy(dst_hbm.at[pl.ds(off, _SB)], pfds[par], sis[par])

    def _wait_idx(par):
        pltpu.make_async_copy(src_hbm.at[pl.ds(0, _SB)], pfss[par],
                              sis[par]).wait()
        pltpu.make_async_copy(dst_hbm.at[pl.ds(0, _SB)], pfds[par],
                              sis[par]).wait()

    def _promote_idx(par):
        for q in range(_SB // 16):
            srcs[par][0, pl.ds(q * 16, 16)] = pfss[par][pl.ds(q * 16, 16)]
            dstis[par][0, pl.ds(q * 16, 16)] = (
                pfds[par][pl.ds(q * 16, 16)] + cn)

    def _fire_gather(par):
        pltpu.async_copy(hcat.at[dstis[par].at[0]], hgs[par], sgs[par])

    def _wait_gather(par):
        pltpu.make_async_copy(hcat.at[pl.ds(0, _SB)], hgs[par],
                              sgs[par]).wait()

    def _fire_scatter(par, r):
        for q in range(_SB // 16):
            srcss[r][0, pl.ds(q * 16, 16)] = srcs[par][0, pl.ds(q * 16, 16)]
        pltpu.async_copy(vals[r], acc_sh.at[srcss[r].at[0]], sss[r],
                         add=True)

    def _wait_scatter(r):
        pltpu.make_async_copy(hcat.at[pl.ds(0, _SB)], vals[r],
                              sss[r]).wait()

    def _compute(par, r):
        hgp, valp, srcp = hgs[par], vals[r], srcs[par]

        def _grp(q):
            srcv = srcp[0, pl.ds(q * 16, 16)]
            rows = q * 16 + iota
            s2a = plsc.load_gather(hgp, [rows, c64])
            s2b = plsc.load_gather(hgp, [rows, c65])
            src2 = srcv * 2
            s1a = plsc.load_gather(s1_vm, [src2])
            s1b = plsc.load_gather(s1_vm, [src2 + 1])
            a0 = s1a + s2a
            a1 = s1b + s2b
            p0 = jnp.exp(jnp.maximum(a0, a0 * _LR))
            p1 = jnp.exp(jnp.maximum(a1, a1 * _LR))
            plsc.store_scatter(valp, [rows, c64], p0)
            plsc.store_scatter(valp, [rows, c65], p1)
        plsc.parallel_loop(0, _SB // 16)(_grp)

        def _scale(e):
            pv = valp[e, pl.ds(_PC, 16)]
            pe0 = pv[0]
            pe1 = pv[1]
            for jj in range(_DP // 16):
                valp[e, pl.ds(jj * 16, 16)] = (
                    hgp[e, pl.ds(jj * 16, 16)] * pe0)
            for jj in range(_DP // 16):
                valp[e, pl.ds(_DP + jj * 16, 16)] = (
                    hgp[e, pl.ds(_DP + jj * 16, 16)] * pe1)
        plsc.parallel_loop(0, _SB)(_scale)

    def _step(par, r, pf_row, wait_sc):
        if wait_sc:
            _wait_scatter(r)
        _wait_gather(par)
        _compute(par, r)
        _fire_scatter(par, r)
        _wait_idx(par)
        _promote_idx(par)
        _fire_gather(par)
        _fire_idx(par, pf_row)

    for par in range(2):
        _fire_idx(par, rb0 + par)
    for par in range(2):
        _wait_idx(par)
        _promote_idx(par)
        _fire_gather(par)
        _fire_idx(par, rb0 + par + 2)
    for b in range(4):
        _step(b % 2, b, rb0 + b + 4, False)

    def _body(t, carry):
        b = 4 * t + 4
        for i in range(4):
            _step(i % 2, i, rb0 + b + i + 4, True)
        return carry
    lax.fori_loop(0, (_NB - 4 - 2) // 4, _body, 0)

    for b in range(_NB - 2, _NB):
        _step(b % 2, b % 4, rb0 + b + 4, True)

    for r in range(4):
        _wait_scatter(r)
    for par in range(2):
        _wait_gather(par)
        _wait_idx(par)

    plsc.subcore_barrier()

    def _chunk(k, carry):
        r0 = row0 + k * _FC
        pltpu.sync_copy(acc_sh.at[pl.ds(r0, _FC)], accf)

        def _fin(r, carry2):
            rv = r + jnp.zeros((16,), jnp.int32)
            d0 = plsc.load_gather(accf, [rv, c64])
            d1 = plsc.load_gather(accf, [rv, c65])
            i0 = 1.0 / (d0 + 1e-16)
            i1 = 1.0 / (d1 + 1e-16)
            for jj in range(_PC // 16):
                seg = accf[r, pl.ds(jj * 16, 16)]
                outf[r, pl.ds(jj * 16, 16)] = seg * (i0 if jj < 2 else i1)
            return carry2
        lax.fori_loop(0, _FC, _fin, 0)
        pltpu.sync_copy(outf,
                        out_hbm.at[pl.ds(r0, _FC), pl.ds(c * _PC, _PC)])
        return carry
    lax.fori_loop(0, _RPT // _FC, _chunk, 0)


@jax.jit
def kernel(input, adj, W, a):
    src = adj[0]
    dst = adj[1]
    hcat, s1cat = _tc_call(input, W, a)
    s1flat = s1cat.reshape(4 * _N)
    return _sc_call(hcat, s1flat, src, dst)

# --- scband reference (transcript-rebuilt; emitter-appended) ---
"""Pipeline reference for scband-graph-att-conv-34668976013389 (READ-ONLY COPY).

The authoritative reference and input builder live on the scoring server;
editing this copy changes nothing except your own understanding.
"""

import jax, jax.numpy as jnp
import numpy as np

N_NODES = 10000
N_EDGES = 320000
D_IN = 128
HEADS = 4
D_OUT_PERHEAD = 32  # out_features=128 / heads=4
LRELU_ALPHA = 0.2


def setup_inputs(seed: int = 0) -> dict:
    key = jax.random.key(seed)
    k1, k2, k3, k4 = jax.random.split(key, 4)
    x = jax.random.normal(k1, (N_NODES, D_IN), dtype=jnp.float32)
    adj = jax.random.randint(k2, (2, N_EDGES), 0, N_NODES, dtype=jnp.int32)
    gain = float(np.sqrt(2.0))  # calculate_gain('relu')
    w_std = gain * np.sqrt(2.0 / (D_IN + D_OUT_PERHEAD))
    a_std = gain * np.sqrt(2.0 / (1 + 2 * D_OUT_PERHEAD))
    W = jax.random.normal(k3, (HEADS, D_IN, D_OUT_PERHEAD), dtype=jnp.float32) * w_std
    a = jax.random.normal(k4, (HEADS, 1, 2 * D_OUT_PERHEAD), dtype=jnp.float32) * a_std
    return {"input": x, "adj": adj, "W": W, "a": a}


def _sparse_softmax(src, index, num_nodes):
    mx = jax.ops.segment_max(src, index, num_segments=num_nodes)
    out = jnp.exp(src - mx[index])
    denom = jax.ops.segment_sum(out, index, num_segments=num_nodes)
    return out / (denom[index] + 1e-16)


def reference(input, adj, W, a):
    n = input.shape[0]
    src = adj[0]
    dst = adj[1]
    outs = []
    for hd in range(W.shape[0]):
        h = input @ W[hd]  # [N, d_out]
        edge_h = jnp.concatenate([h[src], h[dst]], axis=1)  # [E, 2*d_out]
        alpha = (edge_h @ a[hd].T)[:, 0]  # a.mm(edge_h).squeeze()
        alpha = jnp.where(alpha > 0, alpha, LRELU_ALPHA * alpha)  # LeakyReLU(0.2)
        alpha = _sparse_softmax(alpha, src, n)
        # dropout in eval mode = identity
        out = jax.ops.segment_sum(alpha[:, None] * h[dst], src, num_segments=n)  # spmm
        outs.append(out)
    return jnp.concatenate(outs, axis=1)

if __name__ == "__main__":
    import jax
    _d = setup_inputs()
    print(jax.jit(kernel)(*tuple(_d.values())))

</pallas_src>

<mosaic_0001>
#map = affine_map<(d0, d1) -> (0, 0)>
#map1 = affine_map<(d0, d1) -> (0)>
module attributes {stable_mosaic.version = 14 : i64} {
  func.func @_sc_call(%arg0: i32, %arg1: i32, %arg2: memref<20000x80xf32, #tpu.memory_space<hbm>>, %arg3: memref<40000xf32, #tpu.memory_space<hbm>>, %arg4: memref<320000xi32, #tpu.memory_space<hbm>>, %arg5: memref<320000xi32, #tpu.memory_space<hbm>>, %arg6: memref<10000x128xf32, #tpu.memory_space<hbm>>, %arg7: memref<20000xf32, #tpu.memory_space<vmem>>, %arg8: memref<80xi32, #tpu.memory_space<vmem>>, %arg9: memref<80xi32, #tpu.memory_space<vmem>>, %arg10: memref<80xi32, #tpu.memory_space<vmem>>, %arg11: memref<80xi32, #tpu.memory_space<vmem>>, %arg12: memref<1x80xi32, #tpu.memory_space<vmem>>, %arg13: memref<1x80xi32, #tpu.memory_space<vmem>>, %arg14: memref<1x80xi32, #tpu.memory_space<vmem>>, %arg15: memref<1x80xi32, #tpu.memory_space<vmem>>, %arg16: memref<1x80xi32, #tpu.memory_space<vmem>>, %arg17: memref<1x80xi32, #tpu.memory_space<vmem>>, %arg18: memref<1x80xi32, #tpu.memory_space<vmem>>, %arg19: memref<1x80xi32, #tpu.memory_space<vmem>>, %arg20: memref<80x80xf32, #tpu.memory_space<vmem>>, %arg21: memref<80x80xf32, #tpu.memory_space<vmem>>, %arg22: memref<80x80xf32, #tpu.memory_space<vmem>>, %arg23: memref<80x80xf32, #tpu.memory_space<vmem>>, %arg24: memref<80x80xf32, #tpu.memory_space<vmem>>, %arg25: memref<80x80xf32, #tpu.memory_space<vmem>>, %arg26: memref<125x80xf32, #tpu.memory_space<vmem>>, %arg27: memref<125x64xf32, #tpu.memory_space<vmem>>, %arg28: memref<10000x80xf32, #tpu.memory_space<vmem_shared>>, %arg29: memref<!tpu.dma_semaphore, #tpu.memory_space<semaphore_mem>>, %arg30: memref<!tpu.dma_semaphore, #tpu.memory_space<semaphore_mem>>, %arg31: memref<!tpu.dma_semaphore, #tpu.memory_space<semaphore_mem>>, %arg32: memref<!tpu.dma_semaphore, #tpu.memory_space<semaphore_mem>>, %arg33: memref<!tpu.dma_semaphore, #tpu.memory_space<semaphore_mem>>, %arg34: memref<!tpu.dma_semaphore, #tpu.memory_space<semaphore_mem>>, %arg35: memref<!tpu.dma_semaphore, #tpu.memory_space<semaphore_mem>>, %arg36: memref<!tpu.dma_semaphore, #tpu.memory_space<semaphore_mem>>) attributes {dimension_semantics = [#tpu.dimension_semantics<core_parallel>, #tpu.dimension_semantics<subcore_parallel>], iteration_bounds = array<i64: 2, 16>, scalar_prefetch = 0 : i64, scratch_operands = 30 : i64, tpu.core_type = #tpu.core_type<sc_vector_subcore>, window_params = [{transform_indices = #map}, {transform_indices = #map1}, {transform_indices = #map1}, {transform_indices = #map1}, {transform_indices = #map}]} {
    %mul3A = arith.constant 10000 : i32
    %mul3A_0 = arith.muli %arg0, %mul3A : i32
    %iota3A = tpu.iota {dimensions = array<i32: 0>} : vector<16xi32>
    %broadcast_in_dim3A = arith.constant 0.000000e+00 : f32
    %broadcast_in_dim3A_1 = vector.broadcast %broadcast_in_dim3A : f32 to vector<16xf32>
    %broadcast_in_dim3A_2 = arith.constant 64 : i32
    %broadcast_in_dim3A_3 = vector.broadcast %broadcast_in_dim3A_2 : i32 to vector<16xi32>
    %broadcast_in_dim3A_4 = arith.constant 65 : i32
    %broadcast_in_dim3A_5 = vector.broadcast %broadcast_in_dim3A_4 : i32 to vector<16xi32>
    %scan3A = arith.constant 0 : i32
    %scan3A_6 = arith.constant 0 : i32
    %scan3A_7 = arith.constant 80 : i32
    %scan3A_8 = arith.addi %scan3A_6, %scan3A_7 : i32
    %scan3A_9 = arith.constant 1 : i32
    scf.for %scan3A_1269 = %scan3A_6 to %scan3A_8 step %scan3A_9  : i32 {
      %swap3A_1270 = arith.index_cast %scan3A_1269 : i32 to index
      %swap3A_1271 = arith.constant 0 : index
      %swap3A_1272 = tpu.vector_load %arg22[%swap3A_1270, %swap3A_1271] {strides = array<i32>} : memref<80x80xf32, #tpu.memory_space<vmem>>, vector<16xf32>,
      tpu.vector_store %arg22[%swap3A_1270, %swap3A_1271], %broadcast_in_dim3A_1 {strides = array<i32>} : memref<80x80xf32, #tpu.memory_space<vmem>>, vector<16xf32>,
      %swap3A_1273 = arith.index_cast %scan3A_1269 : i32 to index
      %swap3A_1274 = arith.constant 0 : index
      %swap3A_1275 = tpu.vector_load %arg23[%swap3A_1273, %swap3A_1274] {strides = array<i32>} : memref<80x80xf32, #tpu.memory_space<vmem>>, vector<16xf32>,
      tpu.vector_store %arg23[%swap3A_1273, %swap3A_1274], %broadcast_in_dim3A_1 {strides = array<i32>} : memref<80x80xf32, #tpu.memory_space<vmem>>, vector<16xf32>,
      %swap3A_1276 = arith.index_cast %scan3A_1269 : i32 to index
      %swap3A_1277 = arith.constant 0 : index
      %swap3A_1278 = tpu.vector_load %arg24[%swap3A_1276, %swap3A_1277] {strides = array<i32>} : memref<80x80xf32, #tpu.memory_space<vmem>>, vector<16xf32>,
      tpu.vector_store %arg24[%swap3A_1276, %swap3A_1277], %broadcast_in_dim3A_1 {strides = array<i32>} : memref<80x80xf32, #tpu.memory_space<vmem>>, vector<16xf32>,
      %swap3A_1279 = arith.index_cast %scan3A_1269 : i32 to index
      %swap3A_1280 = arith.constant 0 : index
      %swap3A_1281 = tpu.vector_load %arg25[%swap3A_1279, %swap3A_1280] {strides = array<i32>} : memref<80x80xf32, #tpu.memory_space<vmem>>, vector<16xf32>,
      tpu.vector_store %arg25[%swap3A_1279, %swap3A_1280], %broadcast_in_dim3A_1 {strides = array<i32>} : memref<80x80xf32, #tpu.memory_space<vmem>>, vector<16xf32>,
      %swap3A_1282 = arith.index_cast %scan3A_1269 : i32 to index
      %swap3A_1283 = arith.constant 16 : index
      %swap3A_1284 = tpu.vector_load %arg22[%swap3A_1282, %swap3A_1283] {strides = array<i32>} : memref<80x80xf32, #tpu.memory_space<vmem>>, vector<16xf32>,
      tpu.vector_store %arg22[%swap3A_1282, %swap3A_1283], %broadcast_in_dim3A_1 {strides = array<i32>} : memref<80x80xf32, #tpu.memory_space<vmem>>, vector<16xf32>,
      %swap3A_1285 = arith.index_cast %scan3A_1269 : i32 to index
      %swap3A_1286 = arith.constant 16 : index
      %swap3A_1287 = tpu.vector_load %arg23[%swap3A_1285, %swap3A_1286] {strides = array<i32>} : memref<80x80xf32, #tpu.memory_space<vmem>>, vector<16xf32>,
      tpu.vector_store %arg23[%swap3A_1285, %swap3A_1286], %broadcast_in_dim3A_1 {strides = array<i32>} : memref<80x80xf32, #tpu.memory_space<vmem>>, vector<16xf32>,
      %swap3A_1288 = arith.index_cast %scan3A_1269 : i32 to index
      %swap3A_1289 = arith.constant 16 : index
      %swap3A_1290 = tpu.vector_load %arg24[%swap3A_1288, %swap3A_1289] {strides = array<i32>} : memref<80x80xf32, #tpu.memory_space<vmem>>, vector<16xf32>,
      tpu.vector_store %arg24[%swap3A_1288, %swap3A_1289], %broadcast_in_dim3A_1 {strides = array<i32>} : memref<80x80xf32, #tpu.memory_space<vmem>>, vector<16xf32>,
      %swap3A_1291 = arith.index_cast %scan3A_1269 : i32 to index
      %swap3A_1292 = arith.constant 16 : index
      %swap3A_1293 = tpu.vector_load %arg25[%swap3A_1291, %swap3A_1292] {strides = array<i32>} : memref<80x80xf32, #tpu.memory_space<vmem>>, vector<16xf32>,
      tpu.vector_store %arg25[%swap3A_1291, %swap3A_1292], %broadcast_in_dim3A_1 {strides = array<i32>} : memref<80x80xf32, #tpu.memory_space<vmem>>, vector<16xf32>,
      %swap3A_1294 = arith.index_cast %scan3A_1269 : i32 to index
      %swap3A_1295 = arith.constant 32 : index
      %swap3A_1296 = tpu.vector_load %arg22[%swap3A_1294, %swap3A_1295] {strides = array<i32>} : memref<80x80xf32, #tpu.memory_space<vmem>>, vector<16xf32>,
      tpu.vector_store %arg22[%swap3A_1294, %swap3A_1295], %broadcast_in_dim3A_1 {strides = array<i32>} : memref<80x80xf32, #tpu.memory_space<vmem>>, vector<16xf32>,
      %swap3A_1297 = arith.index_cast %scan3A_1269 : i32 to index
      %swap3A_1298 = arith.constant 32 : index
      %swap3A_1299 = tpu.vector_load %arg23[%swap3A_1297, %swap3A_1298] {strides = array<i32>} : memref<80x80xf32, #tpu.memory_space<vmem>>, vector<16xf32>,
      tpu.vector_store %arg23[%swap3A_1297, %swap3A_1298], %broadcast_in_dim3A_1 {strides = array<i32>} : memref<80x80xf32, #tpu.memory_space<vmem>>, vector<16xf32>,
      %swap3A_1300 = arith.index_cast %scan3A_1269 : i32 to index
      %swap3A_1301 = arith.constant 32 : index
      %swap3A_1302 = tpu.vector_load %arg24[%swap3A_1300, %swap3A_1301] {strides = array<i32>} : memref<80x80xf32, #tpu.memory_space<vmem>>, vector<16xf32>,
      tpu.vector_store %arg24[%swap3A_1300, %swap3A_1301], %broadcast_in_dim3A_1 {strides = array<i32>} : memref<80x80xf32, #tpu.memory_space<vmem>>, vector<16xf32>,
      %swap3A_1303 = arith.index_cast %scan3A_1269 : i32 to index
      %swap3A_1304 = arith.constant 32 : index
      %swap3A_1305 = tpu.vector_load %arg25[%swap3A_1303, %swap3A_1304] {strides = array<i32>} : memref<80x80xf32, #tpu.memory_space<vmem>>, vector<16xf32>,
      tpu.vector_store %arg25[%swap3A_1303, %swap3A_1304], %broadcast_in_dim3A_1 {strides = array<i32>} : memref<80x80xf32, #tpu.memory_space<vmem>>, vector<16xf32>,
      %swap3A_1306 = arith.index_cast %scan3A_1269 : i32 to index
      %swap3A_1307 = arith.constant 48 : index
      %swap3A_1308 = tpu.vector_load %arg22[%swap3A_1306, %swap3A_1307] {strides = array<i32>} : memref<80x80xf32, #tpu.memory_space<vmem>>, vector<16xf32>,
      tpu.vector_store %arg22[%swap3A_1306, %swap3A_1307], %broadcast_in_dim3A_1 {strides = array<i32>} : memref<80x80xf32, #tpu.memory_space<vmem>>, vector<16xf32>,
      %swap3A_1309 = arith.index_cast %scan3A_1269 : i32 to index
      %swap3A_1310 = arith.constant 48 : index
      %swap3A_1311 = tpu.vector_load %arg23[%swap3A_1309, %swap3A_1310] {strides = array<i32>} : memref<80x80xf32, #tpu.memory_space<vmem>>, vector<16xf32>,
      tpu.vector_store %arg23[%swap3A_1309, %swap3A_1310], %broadcast_in_dim3A_1 {strides = array<i32>} : memref<80x80xf32, #tpu.memory_space<vmem>>, vector<16xf32>,
      %swap3A_1312 = arith.index_cast %scan3A_1269 : i32 to index
      %swap3A_1313 = arith.constant 48 : index
      %swap3A_1314 = tpu.vector_load %arg24[%swap3A_1312, %swap3A_1313] {strides = array<i32>} : memref<80x80xf32, #tpu.memory_space<vmem>>, vector<16xf32>,
      tpu.vector_store %arg24[%swap3A_1312, %swap3A_1313], %broadcast_in_dim3A_1 {strides = array<i32>} : memref<80x80xf32, #tpu.memory_space<vmem>>, vector<16xf32>,
      %swap3A_1315 = arith.index_cast %scan3A_1269 : i32 to index
      %swap3A_1316 = arith.constant 48 : index
      %swap3A_1317 = tpu.vector_load %arg25[%swap3A_1315, %swap3A_1316] {strides = array<i32>} : memref<80x80xf32, #tpu.memory_space<vmem>>, vector<16xf32>,
      tpu.vector_store %arg25[%swap3A_1315, %swap3A_1316], %broadcast_in_dim3A_1 {strides = array<i32>} : memref<80x80xf32, #tpu.memory_space<vmem>>, vector<16xf32>,
      %swap3A_1318 = arith.index_cast %scan3A_1269 : i32 to index
      %swap3A_1319 = arith.constant 64 : index
      %swap3A_1320 = tpu.vector_load %arg22[%swap3A_1318, %swap3A_1319] {strides = array<i32>} : memref<80x80xf32, #tpu.memory_space<vmem>>, vector<16xf32>,
      tpu.vector_store %arg22[%swap3A_1318, %swap3A_1319], %broadcast_in_dim3A_1 {strides = array<i32>} : memref<80x80xf32, #tpu.memory_space<vmem>>, vector<16xf32>,
      %swap3A_1321 = arith.index_cast %scan3A_1269 : i32 to index
      %swap3A_1322 = arith.constant 64 : index
      %swap3A_1323 = tpu.vector_load %arg23[%swap3A_1321, %swap3A_1322] {strides = array<i32>} : memref<80x80xf32, #tpu.memory_space<vmem>>, vector<16xf32>,
      tpu.vector_store %arg23[%swap3A_1321, %swap3A_1322], %broadcast_in_dim3A_1 {strides = array<i32>} : memref<80x80xf32, #tpu.memory_space<vmem>>, vector<16xf32>,
      %swap3A_1324 = arith.index_cast %scan3A_1269 : i32 to index
      %swap3A_1325 = arith.constant 64 : index
      %swap3A_1326 = tpu.vector_load %arg24[%swap3A_1324, %swap3A_1325] {strides = array<i32>} : memref<80x80xf32, #tpu.memory_space<vmem>>, vector<16xf32>,
      tpu.vector_store %arg24[%swap3A_1324, %swap3A_1325], %broadcast_in_dim3A_1 {strides = array<i32>} : memref<80x80xf32, #tpu.memory_space<vmem>>, vector<16xf32>,
      %swap3A_1327 = arith.index_cast %scan3A_1269 : i32 to index
      %swap3A_1328 = arith.constant 64 : index
      %swap3A_1329 = tpu.vector_load %arg25[%swap3A_1327, %swap3A_1328] {strides = array<i32>} : memref<80x80xf32, #tpu.memory_space<vmem>>, vector<16xf32>,
      tpu.vector_store %arg25[%swap3A_1327, %swap3A_1328], %broadcast_in_dim3A_1 {strides = array<i32>} : memref<80x80xf32, #tpu.memory_space<vmem>>, vector<16xf32>,
    }
    %scan3A_10 = arith.constant 80 : i32
    %mul3A_11 = arith.constant 625 : i32
    %mul3A_12 = arith.muli %arg1, %mul3A_11 : i32
    %add3A = arith.constant 0 : i32
    %add3A_13 = arith.addi %mul3A_12, %add3A : i32
    "tpu.region"() ({
      %run_scoped3A = tpu.sem_alloc : memref<!tpu.dma_semaphore, #tpu.memory_space<semaphore_mem>>
      %dma_start3A_1269 = arith.constant 0 : i32
      %dma_start3A_1270 = tpu.memref_slice %arg28[%add3A_13, %dma_start3A_1269] : memref<10000x80xf32, #tpu.memory_space<vmem_shared>> -> memref<80x80xf32, #tpu.memory_space<vmem_shared>>
      %dma_start3A_1271 = arith.constant 0 : i32
      %dma_start3A_1272 = tpu.memref_slice %arg28[%add3A_13, %dma_start3A_1271] : memref<10000x80xf32, #tpu.memory_space<vmem_shared>> -> memref<80x80xf32, #tpu.memory_space<vmem_shared>>
      tpu.enqueue_dma source(%arg22 : memref<80x80xf32, #tpu.memory_space<vmem>>) target(%dma_start3A_1272 : memref<80x80xf32, #tpu.memory_space<vmem_shared>>) target_semaphore(%run_scoped3A : memref<!tpu.dma_semaphore, #tpu.memory_space<semaphore_mem>>)
      %dma_wait3A_1273 = arith.constant 0 : i32
      %dma_wait3A_1274 = tpu.memref_slice %arg28[%add3A_13, %dma_wait3A_1273] : memref<10000x80xf32, #tpu.memory_space<vmem_shared>> -> memref<80x80xf32, #tpu.memory_space<vmem_shared>>
      %dma_wait3A_1275 = arith.constant 0 : i32
      %dma_wait3A_1276 = tpu.memref_slice %arg28[%add3A_13, %dma_wait3A_1275] : memref<10000x80xf32, #tpu.memory_space<vmem_shared>> -> memref<80x80xf32, #tpu.memory_space<vmem_shared>>
      tpu.wait_dma2 semaphore(%run_scoped3A : memref<!tpu.dma_semaphore, #tpu.memory_space<semaphore_mem>>) src(%arg22 : memref<80x80xf32, #tpu.memory_space<vmem>>) dst(%dma_wait3A_1276 : memref<80x80xf32, #tpu.memory_space<vmem_shared>>)
      tpu.yield
    }) : () -> ()
    %add3A_14 = arith.constant 80 : i32
    %add3A_15 = arith.addi %mul3A_12, %add3A_14 : i32
    "tpu.region"() ({
      %run_scoped3A = tpu.sem_alloc : memref<!tpu.dma_semaphore, #tpu.memory_space<semaphore_mem>>
      %dma_start3A_1269 = arith.constant 0 : i32
      %dma_start3A_1270 = tpu.memref_slice %arg28[%add3A_15, %dma_start3A_1269] : memref<10000x80xf32, #tpu.memory_space<vmem_shared>> -> memref<80x80xf32, #tpu.memory_space<vmem_shared>>
      %dma_start3A_1271 = arith.constant 0 : i32
      %dma_start3A_1272 = tpu.memref_slice %arg28[%add3A_15, %dma_start3A_1271] : memref<10000x80xf32, #tpu.memory_space<vmem_shared>> -> memref<80x80xf32, #tpu.memory_space<vmem_shared>>
      tpu.enqueue_dma source(%arg22 : memref<80x80xf32, #tpu.memory_space<vmem>>) target(%dma_start3A_1272 : memref<80x80xf32, #tpu.memory_space<vmem_shared>>) target_semaphore(%run_scoped3A : memref<!tpu.dma_semaphore, #tpu.memory_space<semaphore_mem>>)
      %dma_wait3A_1273 = arith.constant 0 : i32
      %dma_wait3A_1274 = tpu.memref_slice %arg28[%add3A_15, %dma_wait3A_1273] : memref<10000x80xf32, #tpu.memory_space<vmem_shared>> -> memref<80x80xf32, #tpu.memory_space<vmem_shared>>
      %dma_wait3A_1275 = arith.constant 0 : i32
      %dma_wait3A_1276 = tpu.memref_slice %arg28[%add3A_15, %dma_wait3A_1275] : memref<10000x80xf32, #tpu.memory_space<vmem_shared>> -> memref<80x80xf32, #tpu.memory_space<vmem_shared>>
      tpu.wait_dma2 semaphore(%run_scoped3A : memref<!tpu.dma_semaphore, #tpu.memory_space<semaphore_mem>>) src(%arg22 : memref<80x80xf32, #tpu.memory_space<vmem>>) dst(%dma_wait3A_1276 : memref<80x80xf32, #tpu.memory_space<vmem_shared>>)
      tpu.yield
    }) : () -> ()
    %add3A_16 = arith.constant 160 : i32
    %add3A_17 = arith.addi %mul3A_12, %add3A_16 : i32
    "tpu.region"() ({
      %run_scoped3A = tpu.sem_alloc : memref<!tpu.dma_semaphore, #tpu.memory_space<semaphore_mem>>
      %dma_start3A_1269 = arith.constant 0 : i32
      %dma_start3A_1270 = tpu.memref_slice %arg28[%add3A_17, %dma_start3A_1269] : memref<10000x80xf32, #tpu.memory_space<vmem_shared>> -> memref<80x80xf32, #tpu.memory_space<vmem_shared>>
      %dma_start3A_1271 = arith.constant 0 : i32
      %dma_start3A_1272 = tpu.memref_slice %arg28[%add3A_17, %dma_start3A_1271] : memref<10000x80xf32, #tpu.memory_space<vmem_shared>> -> memref<80x80xf32, #tpu.memory_space<vmem_shared>>
      tpu.enqueue_dma source(%arg22 : memref<80x80xf32, #tpu.memory_space<vmem>>) target(%dma_start3A_1272 : memref<80x80xf32, #tpu.memory_space<vmem_shared>>) target_semaphore(%run_scoped3A : memref<!tpu.dma_semaphore, #tpu.memory_space<semaphore_mem>>)
      %dma_wait3A_1273 = arith.constant 0 : i32
      %dma_wait3A_1274 = tpu.memref_slice %arg28[%add3A_17, %dma_wait3A_1273] : memref<10000x80xf32, #tpu.memory_space<vmem_shared>> -> memref<80x80xf32, #tpu.memory_space<vmem_shared>>
      %dma_wait3A_1275 = arith.constant 0 : i32
      %dma_wait3A_1276 = tpu.memref_slice %arg28[%add3A_17, %dma_wait3A_1275] : memref<10000x80xf32, #tpu.memory_space<vmem_shared>> -> memref<80x80xf32, #tpu.memory_space<vmem_shared>>
      tpu.wait_dma2 semaphore(%run_scoped3A : memref<!tpu.dma_semaphore, #tpu.memory_space<semaphore_mem>>) src(%arg22 : memref<80x80xf32, #tpu.memory_space<vmem>>) dst(%dma_wait3A_1276 : memref<80x80xf32, #tpu.memory_space<vmem_shared>>)
      tpu.yield
    }) : () -> ()
    %add3A_18 = arith.constant 240 : i32
    %add3A_19 = arith.addi %mul3A_12, %add3A_18 : i32
    "tpu.region"() ({
      %run_scoped3A = tpu.sem_alloc : memref<!tpu.dma_semaphore, #tpu.memory_space<semaphore_mem>>
      %dma_start3A_1269 = arith.constant 0 : i32
      %dma_start3A_1270 = tpu.memref_slice %arg28[%add3A_19, %dma_start3A_1269] : memref<10000x80xf32, #tpu.memory_space<vmem_shared>> -> memref<80x80xf32, #tpu.memory_space<vmem_shared>>
      %dma_start3A_1271 = arith.constant 0 : i32
      %dma_start3A_1272 = tpu.memref_slice %arg28[%add3A_19, %dma_start3A_1271] : memref<10000x80xf32, #tpu.memory_space<vmem_shared>> -> memref<80x80xf32, #tpu.memory_space<vmem_shared>>
      tpu.enqueue_dma source(%arg22 : memref<80x80xf32, #tpu.memory_space<vmem>>) target(%dma_start3A_1272 : memref<80x80xf32, #tpu.memory_space<vmem_shared>>) target_semaphore(%run_scoped3A : memref<!tpu.dma_semaphore, #tpu.memory_space<semaphore_mem>>)
      %dma_wait3A_1273 = arith.constant 0 : i32
      %dma_wait3A_1274 = tpu.memref_slice %arg28[%add3A_19, %dma_wait3A_1273] : memref<10000x80xf32, #tpu.memory_space<vmem_shared>> -> memref<80x80xf32, #tpu.memory_space<vmem_shared>>
      %dma_wait3A_1275 = arith.constant 0 : i32
      %dma_wait3A_1276 = tpu.memref_slice %arg28[%add3A_19, %dma_wait3A_1275] : memref<10000x80xf32, #tpu.memory_space<vmem_shared>> -> memref<80x80xf32, #tpu.memory_space<vmem_shared>>
      tpu.wait_dma2 semaphore(%run_scoped3A : memref<!tpu.dma_semaphore, #tpu.memory_space<semaphore_mem>>) src(%arg22 : memref<80x80xf32, #tpu.memory_space<vmem>>) dst(%dma_wait3A_1276 : memref<80x80xf32, #tpu.memory_space<vmem_shared>>)
      tpu.yield
    }) : () -> ()
    %add3A_20 = arith.constant 320 : i32
    %add3A_21 = arith.addi %mul3A_12, %add3A_20 : i32
    "tpu.region"() ({
      %run_scoped3A = tpu.sem_alloc : memref<!tpu.dma_semaphore, #tpu.memory_space<semaphore_mem>>
      %dma_start3A_1269 = arith.constant 0 : i32
      %dma_start3A_1270 = tpu.memref_slice %arg28[%add3A_21, %dma_start3A_1269] : memref<10000x80xf32, #tpu.memory_space<vmem_shared>> -> memref<80x80xf32, #tpu.memory_space<vmem_shared>>
      %dma_start3A_1271 = arith.constant 0 : i32
      %dma_start3A_1272 = tpu.memref_slice %arg28[%add3A_21, %dma_start3A_1271] : memref<10000x80xf32, #tpu.memory_space<vmem_shared>> -> memref<80x80xf32, #tpu.memory_space<vmem_shared>>
      tpu.enqueue_dma source(%arg22 : memref<80x80xf32, #tpu.memory_space<vmem>>) target(%dma_start3A_1272 : memref<80x80xf32, #tpu.memory_space<vmem_shared>>) target_semaphore(%run_scoped3A : memref<!tpu.dma_semaphore, #tpu.memory_space<semaphore_mem>>)
      %dma_wait3A_1273 = arith.constant 0 : i32
      %dma_wait3A_1274 = tpu.memref_slice %arg28[%add3A_21, %dma_wait3A_1273] : memref<10000x80xf32, #tpu.memory_space<vmem_shared>> -> memref<80x80xf32, #tpu.memory_space<vmem_shared>>
      %dma_wait3A_1275 = arith.constant 0 : i32
      %dma_wait3A_1276 = tpu.memref_slice %arg28[%add3A_21, %dma_wait3A_1275] : memref<10000x80xf32, #tpu.memory_space<vmem_shared>> -> memref<80x80xf32, #tpu.memory_space<vmem_shared>>
      tpu.wait_dma2 semaphore(%run_scoped3A : memref<!tpu.dma_semaphore, #tpu.memory_space<semaphore_mem>>) src(%arg22 : memref<80x80xf32, #tpu.memory_space<vmem>>) dst(%dma_wait3A_1276 : memref<80x80xf32, #tpu.memory_space<vmem_shared>>)
      tpu.yield
    }) : () -> ()
    %add3A_22 = arith.constant 400 : i32
    %add3A_23 = arith.addi %mul3A_12, %add3A_22 : i32
    "tpu.region"() ({
      %run_scoped3A = tpu.sem_alloc : memref<!tpu.dma_semaphore, #tpu.memory_space<semaphore_mem>>
      %dma_start3A_1269 = arith.constant 0 : i32
      %dma_start3A_1270 = tpu.memref_slice %arg28[%add3A_23, %dma_start3A_1269] : memref<10000x80xf32, #tpu.memory_space<vmem_shared>> -> memref<80x80xf32, #tpu.memory_space<vmem_shared>>
      %dma_start3A_1271 = arith.constant 0 : i32
      %dma_start3A_1272 = tpu.memref_slice %arg28[%add3A_23, %dma_start3A_1271] : memref<10000x80xf32, #tpu.memory_space<vmem_shared>> -> memref<80x80xf32, #tpu.memory_space<vmem_shared>>
      tpu.enqueue_dma source(%arg22 : memref<80x80xf32, #tpu.memory_space<vmem>>) target(%dma_start3A_1272 : memref<80x80xf32, #tpu.memory_space<vmem_shared>>) target_semaphore(%run_scoped3A : memref<!tpu.dma_semaphore, #tpu.memory_space<semaphore_mem>>)
      %dma_wait3A_1273 = arith.constant 0 : i32
      %dma_wait3A_1274 = tpu.memref_slice %arg28[%add3A_23, %dma_wait3A_1273] : memref<10000x80xf32, #tpu.memory_space<vmem_shared>> -> memref<80x80xf32, #tpu.memory_space<vmem_shared>>
      %dma_wait3A_1275 = arith.constant 0 : i32
      %dma_wait3A_1276 = tpu.memref_slice %arg28[%add3A_23, %dma_wait3A_1275] : memref<10000x80xf32, #tpu.memory_space<vmem_shared>> -> memref<80x80xf32, #tpu.memory_space<vmem_shared>>
      tpu.wait_dma2 semaphore(%run_scoped3A : memref<!tpu.dma_semaphore, #tpu.memory_space<semaphore_mem>>) src(%arg22 : memref<80x80xf32, #tpu.memory_space<vmem>>) dst(%dma_wait3A_1276 : memref<80x80xf32, #tpu.memory_space<vmem_shared>>)
      tpu.yield
    }) : () -> ()
    %add3A_24 = arith.constant 480 : i32
    %add3A_25 = arith.addi %mul3A_12, %add3A_24 : i32
    "tpu.region"() ({
      %run_scoped3A = tpu.sem_alloc : memref<!tpu.dma_semaphore, #tpu.memory_space<semaphore_mem>>
      %dma_start3A_1269 = arith.constant 0 : i32
      %dma_start3A_1270 = tpu.memref_slice %arg28[%add3A_25, %dma_start3A_1269] : memref<10000x80xf32, #tpu.memory_space<vmem_shared>> -> memref<80x80xf32, #tpu.memory_space<vmem_shared>>
      %dma_start3A_1271 = arith.constant 0 : i32
      %dma_start3A_1272 = tpu.memref_slice %arg28[%add3A_25, %dma_start3A_1271] : memref<10000x80xf32, #tpu.memory_space<vmem_shared>> -> memref<80x80xf32, #tpu.memory_space<vmem_shared>>
      tpu.enqueue_dma source(%arg22 : memref<80x80xf32, #tpu.memory_space<vmem>>) target(%dma_start3A_1272 : memref<80x80xf32, #tpu.memory_space<vmem_shared>>) target_semaphore(%run_scoped3A : memref<!tpu.dma_semaphore, #tpu.memory_space<semaphore_mem>>)
      %dma_wait3A_1273 = arith.constant 0 : i32
      %dma_wait3A_1274 = tpu.memref_slice %arg28[%add3A_25, %dma_wait3A_1273] : memref<10000x80xf32, #tpu.memory_space<vmem_shared>> -> memref<80x80xf32, #tpu.memory_space<vmem_shared>>
      %dma_wait3A_1275 = arith.constant 0 : i32
      %dma_wait3A_1276 = tpu.memref_slice %arg28[%add3A_25, %dma_wait3A_1275] : memref<10000x80xf32, #tpu.memory_space<vmem_shared>> -> memref<80x80xf32, #tpu.memory_space<vmem_shared>>
      tpu.wait_dma2 semaphore(%run_scoped3A : memref<!tpu.dma_semaphore, #tpu.memory_space<semaphore_mem>>) src(%arg22 : memref<80x80xf32, #tpu.memory_space<vmem>>) dst(%dma_wait3A_1276 : memref<80x80xf32, #tpu.memory_space<vmem_shared>>)
      tpu.yield
    }) : () -> ()
    %add3A_26 = arith.constant 560 : i32
    %add3A_27 = arith.addi %mul3A_12, %add3A_26 : i32
    "tpu.region"() ({
      %run_scoped3A = tpu.sem_alloc : memref<!tpu.dma_semaphore, #tpu.memory_space<semaphore_mem>>
      %dma_start3A_1269 = arith.constant 0 : i32
      %dma_start3A_1270 = arith.constant 0 : i32
      %dma_start3A_1271 = tpu.memref_slice %arg22[%dma_start3A_1269, %dma_start3A_1270] : memref<80x80xf32, #tpu.memory_space<vmem>> -> memref<65x80xf32, #tpu.memory_space<vmem>>
      %dma_start3A_1272 = arith.constant 0 : i32
      %dma_start3A_1273 = tpu.memref_slice %arg28[%add3A_27, %dma_start3A_1272] : memref<10000x80xf32, #tpu.memory_space<vmem_shared>> -> memref<65x80xf32, #tpu.memory_space<vmem_shared>>
      %dma_start3A_1274 = arith.constant 0 : i32
      %dma_start3A_1275 = tpu.memref_slice %arg28[%add3A_27, %dma_start3A_1274] : memref<10000x80xf32, #tpu.memory_space<vmem_shared>> -> memref<65x80xf32, #tpu.memory_space<vmem_shared>>
      %dma_start3A_1276 = arith.constant 0 : i32
      %dma_start3A_1277 = arith.constant 0 : i32
      %dma_start3A_1278 = tpu.memref_slice %arg22[%dma_start3A_1276, %dma_start3A_1277] : memref<80x80xf32, #tpu.memory_space<vmem>> -> memref<65x80xf32, #tpu.memory_space<vmem>>
      tpu.enqueue_dma source(%dma_start3A_1278 : memref<65x80xf32, #tpu.memory_space<vmem>>) target(%dma_start3A_1275 : memref<65x80xf32, #tpu.memory_space<vmem_shared>>) target_semaphore(%run_scoped3A : memref<!tpu.dma_semaphore, #tpu.memory_space<semaphore_mem>>)
      %dma_wait3A_1279 = arith.constant 0 : i32
      %dma_wait3A_1280 = arith.constant 0 : i32
      %dma_wait3A_1281 = tpu.memref_slice %arg22[%dma_wait3A_1279, %dma_wait3A_1280] : memref<80x80xf32, #tpu.memory_space<vmem>> -> memref<65x80xf32, #tpu.memory_space<vmem>>
      %dma_wait3A_1282 = arith.constant 0 : i32
      %dma_wait3A_1283 = tpu.memref_slice %arg28[%add3A_27, %dma_wait3A_1282] : memref<10000x80xf32, #tpu.memory_space<vmem_shared>> -> memref<65x80xf32, #tpu.memory_space<vmem_shared>>
      %dma_wait3A_1284 = arith.constant 0 : i32
      %dma_wait3A_1285 = tpu.memref_slice %arg28[%add3A_27, %dma_wait3A_1284] : memref<10000x80xf32, #tpu.memory_space<vmem_shared>> -> memref<65x80xf32, #tpu.memory_space<vmem_shared>>
      %dma_wait3A_1286 = arith.constant 0 : i32
      %dma_wait3A_1287 = arith.constant 0 : i32
      %dma_wait3A_1288 = tpu.memref_slice %arg22[%dma_wait3A_1286, %dma_wait3A_1287] : memref<80x80xf32, #tpu.memory_space<vmem>> -> memref<65x80xf32, #tpu.memory_space<vmem>>
      tpu.wait_dma2 semaphore(%run_scoped3A : memref<!tpu.dma_semaphore, #tpu.memory_space<semaphore_mem>>) src(%dma_wait3A_1288 : memref<65x80xf32, #tpu.memory_space<vmem>>) dst(%dma_wait3A_1285 : memref<65x80xf32, #tpu.memory_space<vmem_shared>>)
      tpu.yield
    }) : () -> ()
    %mul3A_28 = arith.constant 2 : i32
    %mul3A_29 = arith.muli %mul3A_0, %mul3A_28 : i32
    "tpu.region"() ({
      %run_scoped3A = tpu.sem_alloc : memref<!tpu.dma_semaphore, #tpu.memory_space<semaphore_mem>>
      %dma_start3A_1269 = tpu.memref_slice %arg3[%mul3A_29] : memref<40000xf32, #tpu.memory_space<hbm>> -> memref<20000xf32, #tpu.memory_space<hbm>>
      %dma_start3A_1270 = tpu.memref_slice %arg3[%mul3A_29] : memref<40000xf32, #tpu.memory_space<hbm>> -> memref<20000xf32, #tpu.memory_space<hbm>>
      tpu.enqueue_dma source(%dma_start3A_1270 : memref<20000xf32, #tpu.memory_space<hbm>>) target(%arg7 : memref<20000xf32, #tpu.memory_space<vmem>>) target_semaphore(%run_scoped3A : memref<!tpu.dma_semaphore, #tpu.memory_space<semaphore_mem>>)
      %dma_wait3A_1271 = tpu.memref_slice %arg3[%mul3A_29] : memref<40000xf32, #tpu.memory_space<hbm>> -> memref<20000xf32, #tpu.memory_space<hbm>>
      %dma_wait3A_1272 = tpu.memref_slice %arg3[%mul3A_29] : memref<40000xf32, #tpu.memory_space<hbm>> -> memref<20000xf32, #tpu.memory_space<hbm>>
      tpu.wait_dma2 semaphore(%run_scoped3A : memref<!tpu.dma_semaphore, #tpu.memory_space<semaphore_mem>>) src(%dma_wait3A_1272 : memref<20000xf32, #tpu.memory_space<hbm>>) dst(%arg7 : memref<20000xf32, #tpu.memory_space<vmem>>)
      tpu.yield
    }) : () -> ()
    %barrier3A = arith.constant 0 : index
    tpu.barrier barrier_id(%barrier3A)
    %mul3A_30 = arith.constant 20000 : i32
    %mul3A_31 = arith.muli %arg1, %mul3A_30 : i32
    %jit3A = arith.constant 80 : i32
    %div3A = arith.divsi %mul3A_31, %jit3A : i32
    %sign3A = arith.constant 0 : i32
    %sign3A_32 = arith.cmpi sgt, %mul3A_31, %sign3A : i32
    %sign3A_33 = arith.extui %sign3A_32 : i1 to i32
    %sign3A_34 = arith.constant 0 : i32
    %sign3A_35 = arith.cmpi slt, %mul3A_31, %sign3A_34 : i32
    %sign3A_36 = arith.extui %sign3A_35 : i1 to i32
    %sign3A_37 = arith.subi %sign3A_33, %sign3A_36 : i32
    %sign3A_38 = arith.constant 0 : i32
    %sign3A_39 = arith.cmpi sgt, %jit3A, %sign3A_38 : i32
    %sign3A_40 = arith.extui %sign3A_39 : i1 to i32
    %sign3A_41 = arith.constant 0 : i32
    %sign3A_42 = arith.cmpi slt, %jit3A, %sign3A_41 : i32
    %sign3A_43 = arith.extui %sign3A_42 : i1 to i32
    %sign3A_44 = arith.subi %sign3A_40, %sign3A_43 : i32
    %ne3A = arith.cmpi ne, %sign3A_37, %sign3A_44 : i32
    %rem3A = arith.remsi %mul3A_31, %jit3A : i32
    %ne3A_45 = arith.constant 0 : i32
    %ne3A_46 = arith.cmpi ne, %rem3A, %ne3A_45 : i32
    %and3A = arith.andi %ne3A, %ne3A_46 : i1
    %sub3A = arith.constant 1 : i32
    %sub3A_47 = arith.subi %div3A, %sub3A : i32
    %select_n3A = arith.select %and3A, %sub3A_47, %div3A : i32
    %add3A_48 = arith.constant 0 : i32
    %add3A_49 = arith.addi %select_n3A, %add3A_48 : i32
    %min3A = arith.constant 3999 : i32
    %min3A_50 = arith.minsi %add3A_49, %min3A : i32
    %mul3A_51 = arith.constant 80 : i32
    %mul3A_52 = arith.muli %min3A_50, %mul3A_51 : i32
    %dma_start3A = tpu.memref_slice %arg4[%mul3A_52] : memref<320000xi32, #tpu.memory_space<hbm>> -> memref<80xi32, #tpu.memory_space<hbm>>
    %dma_start3A_53 = tpu.memref_slice %arg4[%mul3A_52] : memref<320000xi32, #tpu.memory_space<hbm>> -> memref<80xi32, #tpu.memory_space<hbm>>
    tpu.enqueue_dma source(%dma_start3A_53 : memref<80xi32, #tpu.memory_space<hbm>>) target(%arg8 : memref<80xi32, #tpu.memory_space<vmem>>) target_semaphore(%arg35 : memref<!tpu.dma_semaphore, #tpu.memory_space<semaphore_mem>>)
    %dma_start3A_54 = tpu.memref_slice %arg5[%mul3A_52] : memref<320000xi32, #tpu.memory_space<hbm>> -> memref<80xi32, #tpu.memory_space<hbm>>
    %dma_start3A_55 = tpu.memref_slice %arg5[%mul3A_52] : memref<320000xi32, #tpu.memory_space<hbm>> -> memref<80xi32, #tpu.memory_space<hbm>>
    tpu.enqueue_dma source(%dma_start3A_55 : memref<80xi32, #tpu.memory_space<hbm>>) target(%arg10 : memref<80xi32, #tpu.memory_space<vmem>>) target_semaphore(%arg35 : memref<!tpu.dma_semaphore, #tpu.memory_space<semaphore_mem>>)
    %add3A_56 = arith.constant 1 : i32
    %add3A_57 = arith.addi %select_n3A, %add3A_56 : i32
    %min3A_58 = arith.constant 3999 : i32
    %min3A_59 = arith.minsi %add3A_57, %min3A_58 : i32
    %mul3A_60 = arith.constant 80 : i32
    %mul3A_61 = arith.muli %min3A_59, %mul3A_60 : i32
    %dma_start3A_62 = tpu.memref_slice %arg4[%mul3A_61] : memref<320000xi32, #tpu.memory_space<hbm>> -> memref<80xi32, #tpu.memory_space<hbm>>
    %dma_start3A_63 = tpu.memref_slice %arg4[%mul3A_61] : memref<320000xi32, #tpu.memory_space<hbm>> -> memref<80xi32, #tpu.memory_space<hbm>>
    tpu.enqueue_dma source(%dma_start3A_63 : memref<80xi32, #tpu.memory_space<hbm>>) target(%arg9 : memref<80xi32, #tpu.memory_space<vmem>>) target_semaphore(%arg36 : memref<!tpu.dma_semaphore, #tpu.memory_space<semaphore_mem>>)
    %dma_start3A_64 = tpu.memref_slice %arg5[%mul3A_61] : memref<320000xi32, #tpu.memory_space<hbm>> -> memref<80xi32, #tpu.memory_space<hbm>>
    %dma_start3A_65 = tpu.memref_slice %arg5[%mul3A_61] : memref<320000xi32, #tpu.memory_space<hbm>> -> memref<80xi32, #tpu.memory_space<hbm>>
    tpu.enqueue_dma source(%dma_start3A_65 : memref<80xi32, #tpu.memory_space<hbm>>) target(%arg11 : memref<80xi32, #tpu.memory_space<vmem>>) target_semaphore(%arg36 : memref<!tpu.dma_semaphore, #tpu.memory_space<semaphore_mem>>)
    %dma_wait3A = arith.constant 0 : i32
    %dma_wait3A_66 = tpu.memref_slice %arg4[%dma_wait3A] : memref<320000xi32, #tpu.memory_space<hbm>> -> memref<80xi32, #tpu.memory_space<hbm>>
    %dma_wait3A_67 = arith.constant 0 : i32
    %dma_wait3A_68 = tpu.memref_slice %arg4[%dma_wait3A_67] : memref<320000xi32, #tpu.memory_space<hbm>> -> memref<80xi32, #tpu.memory_space<hbm>>
    tpu.wait_dma2 semaphore(%arg35 : memref<!tpu.dma_semaphore, #tpu.memory_space<semaphore_mem>>) src(%dma_wait3A_68 : memref<80xi32, #tpu.memory_space<hbm>>) dst(%arg8 : memref<80xi32, #tpu.memory_space<vmem>>)
    %dma_wait3A_69 = arith.constant 0 : i32
    %dma_wait3A_70 = tpu.memref_slice %arg5[%dma_wait3A_69] : memref<320000xi32, #tpu.memory_space<hbm>> -> memref<80xi32, #tpu.memory_space<hbm>>
    %dma_wait3A_71 = arith.constant 0 : i32
    %dma_wait3A_72 = tpu.memref_slice %arg5[%dma_wait3A_71] : memref<320000xi32, #tpu.memory_space<hbm>> -> memref<80xi32, #tpu.memory_space<hbm>>
    tpu.wait_dma2 semaphore(%arg35 : memref<!tpu.dma_semaphore, #tpu.memory_space<semaphore_mem>>) src(%dma_wait3A_72 : memref<80xi32, #tpu.memory_space<hbm>>) dst(%arg10 : memref<80xi32, #tpu.memory_space<vmem>>)
    %get3A = arith.constant 0 : index
    %get3A_73 = tpu.vector_load %arg8[%get3A] {strides = array<i32>} : memref<80xi32, #tpu.memory_space<vmem>>, vector<16xi32>,
    %swap3A = arith.constant 0 : i32
    %swap3A_74 = arith.index_cast %swap3A : i32 to index
    %swap3A_75 = arith.constant 0 : index
    %swap3A_76 = tpu.vector_load %arg12[%swap3A_74, %swap3A_75] {strides = array<i32>} : memref<1x80xi32, #tpu.memory_space<vmem>>, vector<16xi32>,
    tpu.vector_store %arg12[%swap3A_74, %swap3A_75], %get3A_73 {strides = array<i32>} : memref<1x80xi32, #tpu.memory_space<vmem>>, vector<16xi32>,
    %get3A_77 = arith.constant 0 : index
    %get3A_78 = tpu.vector_load %arg10[%get3A_77] {strides = array<i32>} : memref<80xi32, #tpu.memory_space<vmem>>, vector<16xi32>,
    %add3A_79 = vector.broadcast %mul3A_0 : i32 to vector<16xi32>
    %add3A_80 = arith.addi %get3A_78, %add3A_79 : vector<16xi32>
    %swap3A_81 = arith.constant 0 : i32
    %swap3A_82 = arith.index_cast %swap3A_81 : i32 to index
    %swap3A_83 = arith.constant 0 : index
    %swap3A_84 = tpu.vector_load %arg18[%swap3A_82, %swap3A_83] {strides = array<i32>} : memref<1x80xi32, #tpu.memory_space<vmem>>, vector<16xi32>,
    tpu.vector_store %arg18[%swap3A_82, %swap3A_83], %add3A_80 {strides = array<i32>} : memref<1x80xi32, #tpu.memory_space<vmem>>, vector<16xi32>,
    %get3A_85 = arith.constant 16 : index
    %get3A_86 = tpu.vector_load %arg8[%get3A_85] {strides = array<i32>} : memref<80xi32, #tpu.memory_space<vmem>>, vector<16xi32>,
    %swap3A_87 = arith.constant 0 : i32
    %swap3A_88 = arith.index_cast %swap3A_87 : i32 to index
    %swap3A_89 = arith.constant 16 : index
    %swap3A_90 = tpu.vector_load %arg12[%swap3A_88, %swap3A_89] {strides = array<i32>} : memref<1x80xi32, #tpu.memory_space<vmem>>, vector<16xi32>,
    tpu.vector_store %arg12[%swap3A_88, %swap3A_89], %get3A_86 {strides = array<i32>} : memref<1x80xi32, #tpu.memory_space<vmem>>, vector<16xi32>,
    %get3A_91 = arith.constant 16 : index
    %get3A_92 = tpu.vector_load %arg10[%get3A_91] {strides = array<i32>} : memref<80xi32, #tpu.memory_space<vmem>>, vector<16xi32>,
    %add3A_93 = vector.broadcast %mul3A_0 : i32 to vector<16xi32>
    %add3A_94 = arith.addi %get3A_92, %add3A_93 : vector<16xi32>
    %swap3A_95 = arith.constant 0 : i32
    %swap3A_96 = arith.index_cast %swap3A_95 : i32 to index
    %swap3A_97 = arith.constant 16 : index
    %swap3A_98 = tpu.vector_load %arg18[%swap3A_96, %swap3A_97] {strides = array<i32>} : memref<1x80xi32, #tpu.memory_space<vmem>>, vector<16xi32>,
    tpu.vector_store %arg18[%swap3A_96, %swap3A_97], %add3A_94 {strides = array<i32>} : memref<1x80xi32, #tpu.memory_space<vmem>>, vector<16xi32>,
    %get3A_99 = arith.constant 32 : index
    %get3A_100 = tpu.vector_load %arg8[%get3A_99] {strides = array<i32>} : memref<80xi32, #tpu.memory_space<vmem>>, vector<16xi32>,
    %swap3A_101 = arith.constant 0 : i32
    %swap3A_102 = arith.index_cast %swap3A_101 : i32 to index
    %swap3A_103 = arith.constant 32 : index
    %swap3A_104 = tpu.vector_load %arg12[%swap3A_102, %swap3A_103] {strides = array<i32>} : memref<1x80xi32, #tpu.memory_space<vmem>>, vector<16xi32>,
    tpu.vector_store %arg12[%swap3A_102, %swap3A_103], %get3A_100 {strides = array<i32>} : memref<1x80xi32, #tpu.memory_space<vmem>>, vector<16xi32>,
    %get3A_105 = arith.constant 32 : index
    %get3A_106 = tpu.vector_load %arg10[%get3A_105] {strides = array<i32>} : memref<80xi32, #tpu.memory_space<vmem>>, vector<16xi32>,
    %add3A_107 = vector.broadcast %mul3A_0 : i32 to vector<16xi32>
    %add3A_108 = arith.addi %get3A_106, %add3A_107 : vector<16xi32>
    %swap3A_109 = arith.constant 0 : i32
    %swap3A_110 = arith.index_cast %swap3A_109 : i32 to index
    %swap3A_111 = arith.constant 32 : index
    %swap3A_112 = tpu.vector_load %arg18[%swap3A_110, %swap3A_111] {strides = array<i32>} : memref<1x80xi32, #tpu.memory_space<vmem>>, vector<16xi32>,
    tpu.vector_store %arg18[%swap3A_110, %swap3A_111], %add3A_108 {strides = array<i32>} : memref<1x80xi32, #tpu.memory_space<vmem>>, vector<16xi32>,
    %get3A_113 = arith.constant 48 : index
    %get3A_114 = tpu.vector_load %arg8[%get3A_113] {strides = array<i32>} : memref<80xi32, #tpu.memory_space<vmem>>, vector<16xi32>,
    %swap3A_115 = arith.constant 0 : i32
    %swap3A_116 = arith.index_cast %swap3A_115 : i32 to index
    %swap3A_117 = arith.constant 48 : index
    %swap3A_118 = tpu.vector_load %arg12[%swap3A_116, %swap3A_117] {strides = array<i32>} : memref<1x80xi32, #tpu.memory_space<vmem>>, vector<16xi32>,
    tpu.vector_store %arg12[%swap3A_116, %swap3A_117], %get3A_114 {strides = array<i32>} : memref<1x80xi32, #tpu.memory_space<vmem>>, vector<16xi32>,
    %get3A_119 = arith.constant 48 : index
    %get3A_120 = tpu.vector_load %arg10[%get3A_119] {strides = array<i32>} : memref<80xi32, #tpu.memory_space<vmem>>, vector<16xi32>,
    %add3A_121 = vector.broadcast %mul3A_0 : i32 to vector<16xi32>
    %add3A_122 = arith.addi %get3A_120, %add3A_121 : vector<16xi32>
    %swap3A_123 = arith.constant 0 : i32
    %swap3A_124 = arith.index_cast %swap3A_123 : i32 to index
    %swap3A_125 = arith.constant 48 : index
    %swap3A_126 = tpu.vector_load %arg18[%swap3A_124, %swap3A_125] {strides = array<i32>} : memref<1x80xi32, #tpu.memory_space<vmem>>, vector<16xi32>,
    tpu.vector_store %arg18[%swap3A_124, %swap3A_125], %add3A_122 {strides = array<i32>} : memref<1x80xi32, #tpu.memory_space<vmem>>, vector<16xi32>,
    %get3A_127 = arith.constant 64 : index
    %get3A_128 = tpu.vector_load %arg8[%get3A_127] {strides = array<i32>} : memref<80xi32, #tpu.memory_space<vmem>>, vector<16xi32>,
    %swap3A_129 = arith.constant 0 : i32
    %swap3A_130 = arith.index_cast %swap3A_129 : i32 to index
    %swap3A_131 = arith.constant 64 : index
    %swap3A_132 = tpu.vector_load %arg12[%swap3A_130, %swap3A_131] {strides = array<i32>} : memref<1x80xi32, #tpu.memory_space<vmem>>, vector<16xi32>,
    tpu.vector_store %arg12[%swap3A_130, %swap3A_131], %get3A_128 {strides = array<i32>} : memref<1x80xi32, #tpu.memory_space<vmem>>, vector<16xi32>,
    %get3A_133 = arith.constant 64 : index
    %get3A_134 = tpu.vector_load %arg10[%get3A_133] {strides = array<i32>} : memref<80xi32, #tpu.memory_space<vmem>>, vector<16xi32>,
    %add3A_135 = vector.broadcast %mul3A_0 : i32 to vector<16xi32>
    %add3A_136 = arith.addi %get3A_134, %add3A_135 : vector<16xi32>
    %swap3A_137 = arith.constant 0 : i32
    %swap3A_138 = arith.index_cast %swap3A_137 : i32 to index
    %swap3A_139 = arith.constant 64 : index
    %swap3A_140 = tpu.vector_load %arg18[%swap3A_138, %swap3A_139] {strides = array<i32>} : memref<1x80xi32, #tpu.memory_space<vmem>>, vector<16xi32>,
    tpu.vector_store %arg18[%swap3A_138, %swap3A_139], %add3A_136 {strides = array<i32>} : memref<1x80xi32, #tpu.memory_space<vmem>>, vector<16xi32>,
    %dma_start3A_141 = arith.constant 0 : i32
    %dma_start3A_142 = arith.constant 0 : i32
    %dma_start3A_143 = tpu.memref_slice %arg18[%dma_start3A_141, %dma_start3A_142] : memref<1x80xi32, #tpu.memory_space<vmem>> -> memref<1x80xi32, #tpu.memory_space<vmem>>
    %dma_start3A_144 = tpu.memref_squeeze %dma_start3A_143 : memref<1x80xi32, #tpu.memory_space<vmem>> -> memref<80xi32, #tpu.memory_space<vmem>>
    %dma_start3A_145 = arith.constant 0 : i32
    %dma_start3A_146 = arith.constant 0 : i32
    %dma_start3A_147 = tpu.memref_slice %arg2[%dma_start3A_145, %dma_start3A_146] : memref<20000x80xf32, #tpu.memory_space<hbm>> -> memref<20000x80xf32, #tpu.memory_space<hbm>>
    tpu.enqueue_indirect_dma source(%dma_start3A_147 : memref<20000x80xf32, #tpu.memory_space<hbm>>) target(%arg20 : memref<80x80xf32, #tpu.memory_space<vmem>>) offsets(%dma_start3A_144 : memref<80xi32, #tpu.memory_space<vmem>>) semaphore(%arg29 : memref<!tpu.dma_semaphore, #tpu.memory_space<semaphore_mem>>)
    %add3A_148 = arith.constant 0 : i32
    %add3A_149 = arith.addi %select_n3A, %add3A_148 : i32
    %add3A_150 = arith.constant 2 : i32
    %add3A_151 = arith.addi %add3A_149, %add3A_150 : i32
    %min3A_152 = arith.constant 3999 : i32
    %min3A_153 = arith.minsi %add3A_151, %min3A_152 : i32
    %mul3A_154 = arith.constant 80 : i32
    %mul3A_155 = arith.muli %min3A_153, %mul3A_154 : i32
    %dma_start3A_156 = tpu.memref_slice %arg4[%mul3A_155] : memref<320000xi32, #tpu.memory_space<hbm>> -> memref<80xi32, #tpu.memory_space<hbm>>
    %dma_start3A_157 = tpu.memref_slice %arg4[%mul3A_155] : memref<320000xi32, #tpu.memory_space<hbm>> -> memref<80xi32, #tpu.memory_space<hbm>>
    tpu.enqueue_dma source(%dma_start3A_157 : memref<80xi32, #tpu.memory_space<hbm>>) target(%arg8 : memref<80xi32, #tpu.memory_space<vmem>>) target_semaphore(%arg35 : memref<!tpu.dma_semaphore, #tpu.memory_space<semaphore_mem>>)
    %dma_start3A_158 = tpu.memref_slice %arg5[%mul3A_155] : memref<320000xi32, #tpu.memory_space<hbm>> -> memref<80xi32, #tpu.memory_space<hbm>>
    %dma_start3A_159 = tpu.memref_slice %arg5[%mul3A_155] : memref<320000xi32, #tpu.memory_space<hbm>> -> memref<80xi32, #tpu.memory_space<hbm>>
    tpu.enqueue_dma source(%dma_start3A_159 : memref<80xi32, #tpu.memory_space<hbm>>) target(%arg10 : memref<80xi32, #tpu.memory_space<vmem>>) target_semaphore(%arg35 : memref<!tpu.dma_semaphore, #tpu.memory_space<semaphore_mem>>)
    %dma_wait3A_160 = arith.constant 0 : i32
    %dma_wait3A_161 = tpu.memref_slice %arg4[%dma_wait3A_160] : memref<320000xi32, #tpu.memory_space<hbm>> -> memref<80xi32, #tpu.memory_space<hbm>>
    %dma_wait3A_162 = arith.constant 0 : i32
    %dma_wait3A_163 = tpu.memref_slice %arg4[%dma_wait3A_162] : memref<320000xi32, #tpu.memory_space<hbm>> -> memref<80xi32, #tpu.memory_space<hbm>>
    tpu.wait_dma2 semaphore(%arg36 : memref<!tpu.dma_semaphore, #tpu.memory_space<semaphore_mem>>) src(%dma_wait3A_163 : memref<80xi32, #tpu.memory_space<hbm>>) dst(%arg9 : memref<80xi32, #tpu.memory_space<vmem>>)
    %dma_wait3A_164 = arith.constant 0 : i32
    %dma_wait3A_165 = tpu.memref_slice %arg5[%dma_wait3A_164] : memref<320000xi32, #tpu.memory_space<hbm>> -> memref<80xi32, #tpu.memory_space<hbm>>
    %dma_wait3A_166 = arith.constant 0 : i32
    %dma_wait3A_167 = tpu.memref_slice %arg5[%dma_wait3A_166] : memref<320000xi32, #tpu.memory_space<hbm>> -> memref<80xi32, #tpu.memory_space<hbm>>
    tpu.wait_dma2 semaphore(%arg36 : memref<!tpu.dma_semaphore, #tpu.memory_space<semaphore_mem>>) src(%dma_wait3A_167 : memref<80xi32, #tpu.memory_space<hbm>>) dst(%arg11 : memref<80xi32, #tpu.memory_space<vmem>>)
    %get3A_168 = arith.constant 0 : index
    %get3A_169 = tpu.vector_load %arg9[%get3A_168] {strides = array<i32>} : memref<80xi32, #tpu.memory_space<vmem>>, vector<16xi32>,
    %swap3A_170 = arith.constant 0 : i32
    %swap3A_171 = arith.index_cast %swap3A_170 : i32 to index
    %swap3A_172 = arith.constant 0 : index
    %swap3A_173 = tpu.vector_load %arg13[%swap3A_171, %swap3A_172] {strides = array<i32>} : memref<1x80xi32, #tpu.memory_space<vmem>>, vector<16xi32>,
    tpu.vector_store %arg13[%swap3A_171, %swap3A_172], %get3A_169 {strides = array<i32>} : memref<1x80xi32, #tpu.memory_space<vmem>>, vector<16xi32>,
    %get3A_174 = arith.constant 0 : index
    %get3A_175 = tpu.vector_load %arg11[%get3A_174] {strides = array<i32>} : memref<80xi32, #tpu.memory_space<vmem>>, vector<16xi32>,
    %add3A_176 = vector.broadcast %mul3A_0 : i32 to vector<16xi32>
    %add3A_177 = arith.addi %get3A_175, %add3A_176 : vector<16xi32>
    %swap3A_178 = arith.constant 0 : i32
    %swap3A_179 = arith.index_cast %swap3A_178 : i32 to index
    %swap3A_180 = arith.constant 0 : index
    %swap3A_181 = tpu.vector_load %arg19[%swap3A_179, %swap3A_180] {strides = array<i32>} : memref<1x80xi32, #tpu.memory_space<vmem>>, vector<16xi32>,
    tpu.vector_store %arg19[%swap3A_179, %swap3A_180], %add3A_177 {strides = array<i32>} : memref<1x80xi32, #tpu.memory_space<vmem>>, vector<16xi32>,
    %get3A_182 = arith.constant 16 : index
    %get3A_183 = tpu.vector_load %arg9[%get3A_182] {strides = array<i32>} : memref<80xi32, #tpu.memory_space<vmem>>, vector<16xi32>,
    %swap3A_184 = arith.constant 0 : i32
    %swap3A_185 = arith.index_cast %swap3A_184 : i32 to index
    %swap3A_186 = arith.constant 16 : index
    %swap3A_187 = tpu.vector_load %arg13[%swap3A_185, %swap3A_186] {strides = array<i32>} : memref<1x80xi32, #tpu.memory_space<vmem>>, vector<16xi32>,
    tpu.vector_store %arg13[%swap3A_185, %swap3A_186], %get3A_183 {strides = array<i32>} : memref<1x80xi32, #tpu.memory_space<vmem>>, vector<16xi32>,
    %get3A_188 = arith.constant 16 : index
    %get3A_189 = tpu.vector_load %arg11[%get3A_188] {strides = array<i32>} : memref<80xi32, #tpu.memory_space<vmem>>, vector<16xi32>,
    %add3A_190 = vector.broadcast %mul3A_0 : i32 to vector<16xi32>
    %add3A_191 = arith.addi %get3A_189, %add3A_190 : vector<16xi32>
    %swap3A_192 = arith.constant 0 : i32
    %swap3A_193 = arith.index_cast %swap3A_192 : i32 to index
    %swap3A_194 = arith.constant 16 : index
    %swap3A_195 = tpu.vector_load %arg19[%swap3A_193, %swap3A_194] {strides = array<i32>} : memref<1x80xi32, #tpu.memory_space<vmem>>, vector<16xi32>,
    tpu.vector_store %arg19[%swap3A_193, %swap3A_194], %add3A_191 {strides = array<i32>} : memref<1x80xi32, #tpu.memory_space<vmem>>, vector<16xi32>,
    %get3A_196 = arith.constant 32 : index
    %get3A_197 = tpu.vector_load %arg9[%get3A_196] {strides = array<i32>} : memref<80xi32, #tpu.memory_space<vmem>>, vector<16xi32>,
    %swap3A_198 = arith.constant 0 : i32
    %swap3A_199 = arith.index_cast %swap3A_198 : i32 to index
    %swap3A_200 = arith.constant 32 : index
    %swap3A_201 = tpu.vector_load %arg13[%swap3A_199, %swap3A_200] {strides = array<i32>} : memref<1x80xi32, #tpu.memory_space<vmem>>, vector<16xi32>,
    tpu.vector_store %arg13[%swap3A_199, %swap3A_200], %get3A_197 {strides = array<i32>} : memref<1x80xi32, #tpu.memory_space<vmem>>, vector<16xi32>,
    %get3A_202 = arith.constant 32 : index
    %get3A_203 = tpu.vector_load %arg11[%get3A_202] {strides = array<i32>} : memref<80xi32, #tpu.memory_space<vmem>>, vector<16xi32>,
    %add3A_204 = vector.broadcast %mul3A_0 : i32 to vector<16xi32>
    %add3A_205 = arith.addi %get3A_203, %add3A_204 : vector<16xi32>
    %swap3A_206 = arith.constant 0 : i32
    %swap3A_207 = arith.index_cast %swap3A_206 : i32 to index
    %swap3A_208 = arith.constant 32 : index
    %swap3A_209 = tpu.vector_load %arg19[%swap3A_207, %swap3A_208] {strides = array<i32>} : memref<1x80xi32, #tpu.memory_space<vmem>>, vector<16xi32>,
    tpu.vector_store %arg19[%swap3A_207, %swap3A_208], %add3A_205 {strides = array<i32>} : memref<1x80xi32, #tpu.memory_space<vmem>>, vector<16xi32>,
    %get3A_210 = arith.constant 48 : index
    %get3A_211 = tpu.vector_load %arg9[%get3A_210] {strides = array<i32>} : memref<80xi32, #tpu.memory_space<vmem>>, vector<16xi32>,
    %swap3A_212 = arith.constant 0 : i32
    %swap3A_213 = arith.index_cast %swap3A_212 : i32 to index
    %swap3A_214 = arith.constant 48 : index
    %swap3A_215 = tpu.vector_load %arg13[%swap3A_213, %swap3A_214] {strides = array<i32>} : memref<1x80xi32, #tpu.memory_space<vmem>>, vector<16xi32>,
    tpu.vector_store %arg13[%swap3A_213, %swap3A_214], %get3A_211 {strides = array<i32>} : memref<1x80xi32, #tpu.memory_space<vmem>>, vector<16xi32>,
    %get3A_216 = arith.constant 48 : index
    %get3A_217 = tpu.vector_load %arg11[%get3A_216] {strides = array<i32>} : memref<80xi32, #tpu.memory_space<vmem>>, vector<16xi32>,
    %add3A_218 = vector.broadcast %mul3A_0 : i32 to vector<16xi32>
    %add3A_219 = arith.addi %get3A_217, %add3A_218 : vector<16xi32>
    %swap3A_220 = arith.constant 0 : i32
    %swap3A_221 = arith.index_cast %swap3A_220 : i32 to index
    %swap3A_222 = arith.constant 48 : index
    %swap3A_223 = tpu.vector_load %arg19[%swap3A_221, %swap3A_222] {strides = array<i32>} : memref<1x80xi32, #tpu.memory_space<vmem>>, vector<16xi32>,
    tpu.vector_store %arg19[%swap3A_221, %swap3A_222], %add3A_219 {strides = array<i32>} : memref<1x80xi32, #tpu.memory_space<vmem>>, vector<16xi32>,
    %get3A_224 = arith.constant 64 : index
    %get3A_225 = tpu.vector_load %arg9[%get3A_224] {strides = array<i32>} : memref<80xi32, #tpu.memory_space<vmem>>, vector<16xi32>,
    %swap3A_226 = arith.constant 0 : i32
    %swap3A_227 = arith.index_cast %swap3A_226 : i32 to index
    %swap3A_228 = arith.constant 64 : index
    %swap3A_229 = tpu.vector_load %arg13[%swap3A_227, %swap3A_228] {strides = array<i32>} : memref<1x80xi32, #tpu.memory_space<vmem>>, vector<16xi32>,
    tpu.vector_store %arg13[%swap3A_227, %swap3A_228], %get3A_225 {strides = array<i32>} : memref<1x80xi32, #tpu.memory_space<vmem>>, vector<16xi32>,
    %get3A_230 = arith.constant 64 : index
    %get3A_231 = tpu.vector_load %arg11[%get3A_230] {strides = array<i32>} : memref<80xi32, #tpu.memory_space<vmem>>, vector<16xi32>,
    %add3A_232 = vector.broadcast %mul3A_0 : i32 to vector<16xi32>
    %add3A_233 = arith.addi %get3A_231, %add3A_232 : vector<16xi32>
    %swap3A_234 = arith.constant 0 : i32
    %swap3A_235 = arith.index_cast %swap3A_234 : i32 to index
    %swap3A_236 = arith.constant 64 : index
    %swap3A_237 = tpu.vector_load %arg19[%swap3A_235, %swap3A_236] {strides = array<i32>} : memref<1x80xi32, #tpu.memory_space<vmem>>, vector<16xi32>,
    tpu.vector_store %arg19[%swap3A_235, %swap3A_236], %add3A_233 {strides = array<i32>} : memref<1x80xi32, #tpu.memory_space<vmem>>, vector<16xi32>,
    %dma_start3A_238 = arith.constant 0 : i32
    %dma_start3A_239 = arith.constant 0 : i32
    %dma_start3A_240 = tpu.memref_slice %arg19[%dma_start3A_238, %dma_start3A_239] : memref<1x80xi32, #tpu.memory_space<vmem>> -> memref<1x80xi32, #tpu.memory_space<vmem>>
    %dma_start3A_241 = tpu.memref_squeeze %dma_start3A_240 : memref<1x80xi32, #tpu.memory_space<vmem>> -> memref<80xi32, #tpu.memory_space<vmem>>
    %dma_start3A_242 = arith.constant 0 : i32
    %dma_start3A_243 = arith.constant 0 : i32
    %dma_start3A_244 = tpu.memref_slice %arg2[%dma_start3A_242, %dma_start3A_243] : memref<20000x80xf32, #tpu.memory_space<hbm>> -> memref<20000x80xf32, #tpu.memory_space<hbm>>
    tpu.enqueue_indirect_dma source(%dma_start3A_244 : memref<20000x80xf32, #tpu.memory_space<hbm>>) target(%arg21 : memref<80x80xf32, #tpu.memory_space<vmem>>) offsets(%dma_start3A_241 : memref<80xi32, #tpu.memory_space<vmem>>) semaphore(%arg30 : memref<!tpu.dma_semaphore, #tpu.memory_space<semaphore_mem>>)
    %add3A_245 = arith.constant 1 : i32
    %add3A_246 = arith.addi %select_n3A, %add3A_245 : i32
    %add3A_247 = arith.constant 2 : i32
    %add3A_248 = arith.addi %add3A_246, %add3A_247 : i32
    %min3A_249 = arith.constant 3999 : i32
    %min3A_250 = arith.minsi %add3A_248, %min3A_249 : i32
    %mul3A_251 = arith.constant 80 : i32
    %mul3A_252 = arith.muli %min3A_250, %mul3A_251 : i32
    %dma_start3A_253 = tpu.memref_slice %arg4[%mul3A_252] : memref<320000xi32, #tpu.memory_space<hbm>> -> memref<80xi32, #tpu.memory_space<hbm>>
    %dma_start3A_254 = tpu.memref_slice %arg4[%mul3A_252] : memref<320000xi32, #tpu.memory_space<hbm>> -> memref<80xi32, #tpu.memory_space<hbm>>
    tpu.enqueue_dma source(%dma_start3A_254 : memref<80xi32, #tpu.memory_space<hbm>>) target(%arg9 : memref<80xi32, #tpu.memory_space<vmem>>) target_semaphore(%arg36 : memref<!tpu.dma_semaphore, #tpu.memory_space<semaphore_mem>>)
    %dma_start3A_255 = tpu.memref_slice %arg5[%mul3A_252] : memref<320000xi32, #tpu.memory_space<hbm>> -> memref<80xi32, #tpu.memory_space<hbm>>
    %dma_start3A_256 = tpu.memref_slice %arg5[%mul3A_252] : memref<320000xi32, #tpu.memory_space<hbm>> -> memref<80xi32, #tpu.memory_space<hbm>>
    tpu.enqueue_dma source(%dma_start3A_256 : memref<80xi32, #tpu.memory_space<hbm>>) target(%arg11 : memref<80xi32, #tpu.memory_space<vmem>>) target_semaphore(%arg36 : memref<!tpu.dma_semaphore, #tpu.memory_space<semaphore_mem>>)
    %add3A_257 = arith.constant 0 : i32
    %add3A_258 = arith.addi %select_n3A, %add3A_257 : i32
    %add3A_259 = arith.constant 4 : i32
    %add3A_260 = arith.addi %add3A_258, %add3A_259 : i32
    %dma_wait3A_261 = arith.constant 0 : i32
    %dma_wait3A_262 = arith.constant 0 : i32
    %dma_wait3A_263 = tpu.memref_slice %arg2[%dma_wait3A_261, %dma_wait3A_262] : memref<20000x80xf32, #tpu.memory_space<hbm>> -> memref<80x80xf32, #tpu.memory_space<hbm>>
    %dma_wait3A_264 = arith.constant 0 : i32
    %dma_wait3A_265 = arith.constant 0 : i32
    %dma_wait3A_266 = tpu.memref_slice %arg2[%dma_wait3A_264, %dma_wait3A_265] : memref<20000x80xf32, #tpu.memory_space<hbm>> -> memref<80x80xf32, #tpu.memory_space<hbm>>
    tpu.wait_dma2 semaphore(%arg29 : memref<!tpu.dma_semaphore, #tpu.memory_space<semaphore_mem>>) src(%dma_wait3A_266 : memref<80x80xf32, #tpu.memory_space<hbm>>) dst(%arg20 : memref<80x80xf32, #tpu.memory_space<vmem>>)
    %parallel_loop3A = arith.constant 0 : i32
    %parallel_loop3A_267 = arith.constant 5 : i32
    %parallel_loop3A_268 = arith.constant 1 : i32
    scf.for %parallel_loop3A_1269 = %parallel_loop3A to %parallel_loop3A_267 step %parallel_loop3A_268  : i32 {
      %parallel_loop3A_1270 = arith.constant 16 : i32
      %parallel_loop3A_1271 = arith.muli %parallel_loop3A_1269, %parallel_loop3A_1270 : i32
      %parallel_loop3A_1272 = arith.constant 0 : i32
      %parallel_loop3A_1273 = arith.index_cast %parallel_loop3A_1272 : i32 to index
      %parallel_loop3A_1274 = arith.index_cast %parallel_loop3A_1271 : i32 to index
      %parallel_loop3A_1275 = tpu.vector_load %arg12[%parallel_loop3A_1273, %parallel_loop3A_1274] {strides = array<i32>} : memref<1x80xi32, #tpu.memory_space<vmem>>, vector<16xi32>,
      %parallel_loop3A_1276 = arith.constant 16 : i32
      %parallel_loop3A_1277 = arith.muli %parallel_loop3A_1269, %parallel_loop3A_1276 : i32
      %parallel_loop3A_1278 = vector.broadcast %parallel_loop3A_1277 : i32 to vector<16xi32>
      %parallel_loop3A_1279 = arith.addi %parallel_loop3A_1278, %iota3A : vector<16xi32>
      %parallel_loop3A_1280 = tpu.vector_load_idx %arg20[%parallel_loop3A_1279, %broadcast_in_dim3A_3] : memref<80x80xf32, #tpu.memory_space<vmem>>[vector<16xi32>, vector<16xi32>], vector<16xf32>,
      %parallel_loop3A_1281 = tpu.vector_load_idx %arg20[%parallel_loop3A_1279, %broadcast_in_dim3A_5] : memref<80x80xf32, #tpu.memory_space<vmem>>[vector<16xi32>, vector<16xi32>], vector<16xf32>,
      %parallel_loop3A_1282 = arith.constant 2 : i32
      %parallel_loop3A_1283 = vector.broadcast %parallel_loop3A_1282 : i32 to vector<16xi32>
      %parallel_loop3A_1284 = arith.muli %parallel_loop3A_1275, %parallel_loop3A_1283 : vector<16xi32>
      %parallel_loop3A_1285 = tpu.vector_load_idx %arg7[%parallel_loop3A_1284] : memref<20000xf32, #tpu.memory_space<vmem>>[vector<16xi32>], vector<16xf32>,
      %parallel_loop3A_1286 = arith.constant 1 : i32
      %parallel_loop3A_1287 = vector.broadcast %parallel_loop3A_1286 : i32 to vector<16xi32>
      %parallel_loop3A_1288 = arith.addi %parallel_loop3A_1284, %parallel_loop3A_1287 : vector<16xi32>
      %parallel_loop3A_1289 = tpu.vector_load_idx %arg7[%parallel_loop3A_1288] : memref<20000xf32, #tpu.memory_space<vmem>>[vector<16xi32>], vector<16xf32>,
      %parallel_loop3A_1290 = arith.addf %parallel_loop3A_1285, %parallel_loop3A_1280 : vector<16xf32>
      %parallel_loop3A_1291 = arith.addf %parallel_loop3A_1289, %parallel_loop3A_1281 : vector<16xf32>
      %parallel_loop3A_1292 = arith.constant 2.000000e-01 : f32
      %parallel_loop3A_1293 = vector.broadcast %parallel_loop3A_1292 : f32 to vector<16xf32>
      %parallel_loop3A_1294 = arith.mulf %parallel_loop3A_1290, %parallel_loop3A_1293 : vector<16xf32>
      %parallel_loop3A_1295 = arith.maximumf %parallel_loop3A_1290, %parallel_loop3A_1294 : vector<16xf32>
      %parallel_loop3A_1296 = math.exp %parallel_loop3A_1295 : vector<16xf32>
      %parallel_loop3A_1297 = arith.constant 2.000000e-01 : f32
      %parallel_loop3A_1298 = vector.broadcast %parallel_loop3A_1297 : f32 to vector<16xf32>
      %parallel_loop3A_1299 = arith.mulf %parallel_loop3A_1291, %parallel_loop3A_1298 : vector<16xf32>
      %parallel_loop3A_1300 = arith.maximumf %parallel_loop3A_1291, %parallel_loop3A_1299 : vector<16xf32>
      %parallel_loop3A_1301 = math.exp %parallel_loop3A_1300 : vector<16xf32>
      tpu.vector_store_idx %arg22[%parallel_loop3A_1279, %broadcast_in_dim3A_3], %parallel_loop3A_1296 : memref<80x80xf32, #tpu.memory_space<vmem>>[vector<16xi32>, vector<16xi32>], vector<16xf32>,
      tpu.vector_store_idx %arg22[%parallel_loop3A_1279, %broadcast_in_dim3A_5], %parallel_loop3A_1301 : memref<80x80xf32, #tpu.memory_space<vmem>>[vector<16xi32>, vector<16xi32>], vector<16xf32>,
    } {sc.loop_unroll_factor = 1 : i64, sc.parallel_access}
    %parallel_loop3A_269 = arith.constant 0 : i32
    %parallel_loop3A_270 = arith.constant 80 : i32
    %parallel_loop3A_271 = arith.constant 1 : i32
    scf.for %parallel_loop3A_1269 = %parallel_loop3A_269 to %parallel_loop3A_270 step %parallel_loop3A_271  : i32 {
      %parallel_loop3A_1270 = arith.index_cast %parallel_loop3A_1269 : i32 to index
      %parallel_loop3A_1271 = arith.constant 64 : index
      %parallel_loop3A_1272 = tpu.vector_load %arg22[%parallel_loop3A_1270, %parallel_loop3A_1271] {strides = array<i32>} : memref<80x80xf32, #tpu.memory_space<vmem>>, vector<16xf32>,
      %parallel_loop3A_1273 = vector.extract_strided_slice %parallel_loop3A_1272 {offsets = [0], sizes = [1], strides = [1]} : vector<16xf32> to vector<1xf32>
      %parallel_loop3A_1274 = vector.extract %parallel_loop3A_1273[0] : f32 from vector<1xf32>
      %parallel_loop3A_1275 = vector.extract_strided_slice %parallel_loop3A_1272 {offsets = [1], sizes = [1], strides = [1]} : vector<16xf32> to vector<1xf32>
      %parallel_loop3A_1276 = vector.extract %parallel_loop3A_1275[0] : f32 from vector<1xf32>
      %parallel_loop3A_1277 = arith.index_cast %parallel_loop3A_1269 : i32 to index
      %parallel_loop3A_1278 = arith.constant 0 : index
      %parallel_loop3A_1279 = tpu.vector_load %arg20[%parallel_loop3A_1277, %parallel_loop3A_1278] {strides = array<i32>} : memref<80x80xf32, #tpu.memory_space<vmem>>, vector<16xf32>,
      %parallel_loop3A_1280 = vector.broadcast %parallel_loop3A_1274 : f32 to vector<16xf32>
      %parallel_loop3A_1281 = arith.mulf %parallel_loop3A_1279, %parallel_loop3A_1280 : vector<16xf32>
      %parallel_loop3A_1282 = arith.index_cast %parallel_loop3A_1269 : i32 to index
      %parallel_loop3A_1283 = arith.constant 0 : index
      %parallel_loop3A_1284 = tpu.vector_load %arg22[%parallel_loop3A_1282, %parallel_loop3A_1283] {strides = array<i32>} : memref<80x80xf32, #tpu.memory_space<vmem>>, vector<16xf32>,
      tpu.vector_store %arg22[%parallel_loop3A_1282, %parallel_loop3A_1283], %parallel_loop3A_1281 {strides = array<i32>} : memref<80x80xf32, #tpu.memory_space<vmem>>, vector<16xf32>,
      %parallel_loop3A_1285 = arith.index_cast %parallel_loop3A_1269 : i32 to index
      %parallel_loop3A_1286 = arith.constant 16 : index
      %parallel_loop3A_1287 = tpu.vector_load %arg20[%parallel_loop3A_1285, %parallel_loop3A_1286] {strides = array<i32>} : memref<80x80xf32, #tpu.memory_space<vmem>>, vector<16xf32>,
      %parallel_loop3A_1288 = vector.broadcast %parallel_loop3A_1274 : f32 to vector<16xf32>
      %parallel_loop3A_1289 = arith.mulf %parallel_loop3A_1287, %parallel_loop3A_1288 : vector<16xf32>
      %parallel_loop3A_1290 = arith.index_cast %parallel_loop3A_1269 : i32 to index
      %parallel_loop3A_1291 = arith.constant 16 : index
      %parallel_loop3A_1292 = tpu.vector_load %arg22[%parallel_loop3A_1290, %parallel_loop3A_1291] {strides = array<i32>} : memref<80x80xf32, #tpu.memory_space<vmem>>, vector<16xf32>,
      tpu.vector_store %arg22[%parallel_loop3A_1290, %parallel_loop3A_1291], %parallel_loop3A_1289 {strides = array<i32>} : memref<80x80xf32, #tpu.memory_space<vmem>>, vector<16xf32>,
      %parallel_loop3A_1293 = arith.index_cast %parallel_loop3A_1269 : i32 to index
      %parallel_loop3A_1294 = arith.constant 32 : index
      %parallel_loop3A_1295 = tpu.vector_load %arg20[%parallel_loop3A_1293, %parallel_loop3A_1294] {strides = array<i32>} : memref<80x80xf32, #tpu.memory_space<vmem>>, vector<16xf32>,
      %parallel_loop3A_1296 = vector.broadcast %parallel_loop3A_1276 : f32 to vector<16xf32>
      %parallel_loop3A_1297 = arith.mulf %parallel_loop3A_1295, %parallel_loop3A_1296 : vector<16xf32>
      %parallel_loop3A_1298 = arith.index_cast %parallel_loop3A_1269 : i32 to index
      %parallel_loop3A_1299 = arith.constant 32 : index
      %parallel_loop3A_1300 = tpu.vector_load %arg22[%parallel_loop3A_1298, %parallel_loop3A_1299] {strides = array<i32>} : memref<80x80xf32, #tpu.memory_space<vmem>>, vector<16xf32>,
      tpu.vector_store %arg22[%parallel_loop3A_1298, %parallel_loop3A_1299], %parallel_loop3A_1297 {strides = array<i32>} : memref<80x80xf32, #tpu.memory_space<vmem>>, vector<16xf32>,
      %parallel_loop3A_1301 = arith.index_cast %parallel_loop3A_1269 : i32 to index
      %parallel_loop3A_1302 = arith.constant 48 : index
      %parallel_loop3A_1303 = tpu.vector_load %arg20[%parallel_loop3A_1301, %parallel_loop3A_1302] {strides = array<i32>} : memref<80x80xf32, #tpu.memory_space<vmem>>, vector<16xf32>,
      %parallel_loop3A_1304 = vector.broadcast %parallel_loop3A_1276 : f32 to vector<16xf32>
      %parallel_loop3A_1305 = arith.mulf %parallel_loop3A_1303, %parallel_loop3A_1304 : vector<16xf32>
      %parallel_loop3A_1306 = arith.index_cast %parallel_loop3A_1269 : i32 to index
      %parallel_loop3A_1307 = arith.constant 48 : index
      %parallel_loop3A_1308 = tpu.vector_load %arg22[%parallel_loop3A_1306, %parallel_loop3A_1307] {strides = array<i32>} : memref<80x80xf32, #tpu.memory_space<vmem>>, vector<16xf32>,
      tpu.vector_store %arg22[%parallel_loop3A_1306, %parallel_loop3A_1307], %parallel_loop3A_1305 {strides = array<i32>} : memref<80x80xf32, #tpu.memory_space<vmem>>, vector<16xf32>,
    } {sc.loop_unroll_factor = 1 : i64, sc.parallel_access}
    %get3A_272 = arith.constant 0 : i32
    %get3A_273 = arith.index_cast %get3A_272 : i32 to index
    %get3A_274 = arith.constant 0 : index
    %get3A_275 = tpu.vector_load %arg12[%get3A_273, %get3A_274] {strides = array<i32>} : memref<1x80xi32, #tpu.memory_space<vmem>>, vector<16xi32>,
    %swap3A_276 = arith.constant 0 : i32
    %swap3A_277 = arith.index_cast %swap3A_276 : i32 to index
    %swap3A_278 = arith.constant 0 : index
    %swap3A_279 = tpu.vector_load %arg14[%swap3A_277, %swap3A_278] {strides = array<i32>} : memref<1x80xi32, #tpu.memory_space<vmem>>, vector<16xi32>,
    tpu.vector_store %arg14[%swap3A_277, %swap3A_278], %get3A_275 {strides = array<i32>} : memref<1x80xi32, #tpu.memory_space<vmem>>, vector<16xi32>,
    %get3A_280 = arith.constant 0 : i32
    %get3A_281 = arith.index_cast %get3A_280 : i32 to index
    %get3A_282 = arith.constant 16 : index
    %get3A_283 = tpu.vector_load %arg12[%get3A_281, %get3A_282] {strides = array<i32>} : memref<1x80xi32, #tpu.memory_space<vmem>>, vector<16xi32>,
    %swap3A_284 = arith.constant 0 : i32
    %swap3A_285 = arith.index_cast %swap3A_284 : i32 to index
    %swap3A_286 = arith.constant 16 : index
    %swap3A_287 = tpu.vector_load %arg14[%swap3A_285, %swap3A_286] {strides = array<i32>} : memref<1x80xi32, #tpu.memory_space<vmem>>, vector<16xi32>,
    tpu.vector_store %arg14[%swap3A_285, %swap3A_286], %get3A_283 {strides = array<i32>} : memref<1x80xi32, #tpu.memory_space<vmem>>, vector<16xi32>,
    %get3A_288 = arith.constant 0 : i32
    %get3A_289 = arith.index_cast %get3A_288 : i32 to index
    %get3A_290 = arith.constant 32 : index
    %get3A_291 = tpu.vector_load %arg12[%get3A_289, %get3A_290] {strides = array<i32>} : memref<1x80xi32, #tpu.memory_space<vmem>>, vector<16xi32>,
    %swap3A_292 = arith.constant 0 : i32
    %swap3A_293 = arith.index_cast %swap3A_292 : i32 to index
    %swap3A_294 = arith.constant 32 : index
    %swap3A_295 = tpu.vector_load %arg14[%swap3A_293, %swap3A_294] {strides = array<i32>} : memref<1x80xi32, #tpu.memory_space<vmem>>, vector<16xi32>,
    tpu.vector_store %arg14[%swap3A_293, %swap3A_294], %get3A_291 {strides = array<i32>} : memref<1x80xi32, #tpu.memory_space<vmem>>, vector<16xi32>,
    %get3A_296 = arith.constant 0 : i32
    %get3A_297 = arith.index_cast %get3A_296 : i32 to index
    %get3A_298 = arith.constant 48 : index
    %get3A_299 = tpu.vector_load %arg12[%get3A_297, %get3A_298] {strides = array<i32>} : memref<1x80xi32, #tpu.memory_space<vmem>>, vector<16xi32>,
    %swap3A_300 = arith.constant 0 : i32
    %swap3A_301 = arith.index_cast %swap3A_300 : i32 to index
    %swap3A_302 = arith.constant 48 : index
    %swap3A_303 = tpu.vector_load %arg14[%swap3A_301, %swap3A_302] {strides = array<i32>} : memref<1x80xi32, #tpu.memory_space<vmem>>, vector<16xi32>,
    tpu.vector_store %arg14[%swap3A_301, %swap3A_302], %get3A_299 {strides = array<i32>} : memref<1x80xi32, #tpu.memory_space<vmem>>, vector<16xi32>,
    %get3A_304 = arith.constant 0 : i32
    %get3A_305 = arith.index_cast %get3A_304 : i32 to index
    %get3A_306 = arith.constant 64 : index
    %get3A_307 = tpu.vector_load %arg12[%get3A_305, %get3A_306] {strides = array<i32>} : memref<1x80xi32, #tpu.memory_space<vmem>>, vector<16xi32>,
    %swap3A_308 = arith.constant 0 : i32
    %swap3A_309 = arith.index_cast %swap3A_308 : i32 to index
    %swap3A_310 = arith.constant 64 : index
    %swap3A_311 = tpu.vector_load %arg14[%swap3A_309, %swap3A_310] {strides = array<i32>} : memref<1x80xi32, #tpu.memory_space<vmem>>, vector<16xi32>,
    tpu.vector_store %arg14[%swap3A_309, %swap3A_310], %get3A_307 {strides = array<i32>} : memref<1x80xi32, #tpu.memory_space<vmem>>, vector<16xi32>,
    %dma_start3A_312 = arith.constant 0 : i32
    %dma_start3A_313 = arith.constant 0 : i32
    %dma_start3A_314 = tpu.memref_slice %arg14[%dma_start3A_312, %dma_start3A_313] : memref<1x80xi32, #tpu.memory_space<vmem>> -> memref<1x80xi32, #tpu.memory_space<vmem>>
    %dma_start3A_315 = tpu.memref_squeeze %dma_start3A_314 : memref<1x80xi32, #tpu.memory_space<vmem>> -> memref<80xi32, #tpu.memory_space<vmem>>
    %dma_start3A_316 = arith.constant 0 : i32
    %dma_start3A_317 = arith.constant 0 : i32
    %dma_start3A_318 = tpu.memref_slice %arg28[%dma_start3A_316, %dma_start3A_317] : memref<10000x80xf32, #tpu.memory_space<vmem_shared>> -> memref<10000x80xf32, #tpu.memory_space<vmem_shared>>
    tpu.enqueue_indirect_dma source(%arg22 : memref<80x80xf32, #tpu.memory_space<vmem>>) target(%dma_start3A_318 : memref<10000x80xf32, #tpu.memory_space<vmem_shared>>) offsets(%dma_start3A_315 : memref<80xi32, #tpu.memory_space<vmem>>) semaphore(%arg31 : memref<!tpu.dma_semaphore, #tpu.memory_space<semaphore_mem>>) {add = true}
    %dma_wait3A_319 = arith.constant 0 : i32
    %dma_wait3A_320 = tpu.memref_slice %arg4[%dma_wait3A_319] : memref<320000xi32, #tpu.memory_space<hbm>> -> memref<80xi32, #tpu.memory_space<hbm>>
    %dma_wait3A_321 = arith.constant 0 : i32
    %dma_wait3A_322 = tpu.memref_slice %arg4[%dma_wait3A_321] : memref<320000xi32, #tpu.memory_space<hbm>> -> memref<80xi32, #tpu.memory_space<hbm>>
    tpu.wait_dma2 semaphore(%arg35 : memref<!tpu.dma_semaphore, #tpu.memory_space<semaphore_mem>>) src(%dma_wait3A_322 : memref<80xi32, #tpu.memory_space<hbm>>) dst(%arg8 : memref<80xi32, #tpu.memory_space<vmem>>)
    %dma_wait3A_323 = arith.constant 0 : i32
    %dma_wait3A_324 = tpu.memref_slice %arg5[%dma_wait3A_323] : memref<320000xi32, #tpu.memory_space<hbm>> -> memref<80xi32, #tpu.memory_space<hbm>>
    %dma_wait3A_325 = arith.constant 0 : i32
    %dma_wait3A_326 = tpu.memref_slice %arg5[%dma_wait3A_325] : memref<320000xi32, #tpu.memory_space<hbm>> -> memref<80xi32, #tpu.memory_space<hbm>>
    tpu.wait_dma2 semaphore(%arg35 : memref<!tpu.dma_semaphore, #tpu.memory_space<semaphore_mem>>) src(%dma_wait3A_326 : memref<80xi32, #tpu.memory_space<hbm>>) dst(%arg10 : memref<80xi32, #tpu.memory_space<vmem>>)
    %get3A_327 = arith.constant 0 : index
    %get3A_328 = tpu.vector_load %arg8[%get3A_327] {strides = array<i32>} : memref<80xi32, #tpu.memory_space<vmem>>, vector<16xi32>,
    %swap3A_329 = arith.constant 0 : i32
    %swap3A_330 = arith.index_cast %swap3A_329 : i32 to index
    %swap3A_331 = arith.constant 0 : index
    %swap3A_332 = tpu.vector_load %arg12[%swap3A_330, %swap3A_331] {strides = array<i32>} : memref<1x80xi32, #tpu.memory_space<vmem>>, vector<16xi32>,
    tpu.vector_store %arg12[%swap3A_330, %swap3A_331], %get3A_328 {strides = array<i32>} : memref<1x80xi32, #tpu.memory_space<vmem>>, vector<16xi32>,
    %get3A_333 = arith.constant 0 : index
    %get3A_334 = tpu.vector_load %arg10[%get3A_333] {strides = array<i32>} : memref<80xi32, #tpu.memory_space<vmem>>, vector<16xi32>,
    %add3A_335 = vector.broadcast %mul3A_0 : i32 to vector<16xi32>
    %add3A_336 = arith.addi %get3A_334, %add3A_335 : vector<16xi32>
    %swap3A_337 = arith.constant 0 : i32
    %swap3A_338 = arith.index_cast %swap3A_337 : i32 to index
    %swap3A_339 = arith.constant 0 : index
    %swap3A_340 = tpu.vector_load %arg18[%swap3A_338, %swap3A_339] {strides = array<i32>} : memref<1x80xi32, #tpu.memory_space<vmem>>, vector<16xi32>,
    tpu.vector_store %arg18[%swap3A_338, %swap3A_339], %add3A_336 {strides = array<i32>} : memref<1x80xi32, #tpu.memory_space<vmem>>, vector<16xi32>,
    %get3A_341 = arith.constant 16 : index
    %get3A_342 = tpu.vector_load %arg8[%get3A_341] {strides = array<i32>} : memref<80xi32, #tpu.memory_space<vmem>>, vector<16xi32>,
    %swap3A_343 = arith.constant 0 : i32
    %swap3A_344 = arith.index_cast %swap3A_343 : i32 to index
    %swap3A_345 = arith.constant 16 : index
    %swap3A_346 = tpu.vector_load %arg12[%swap3A_344, %swap3A_345] {strides = array<i32>} : memref<1x80xi32, #tpu.memory_space<vmem>>, vector<16xi32>,
    tpu.vector_store %arg12[%swap3A_344, %swap3A_345], %get3A_342 {strides = array<i32>} : memref<1x80xi32, #tpu.memory_space<vmem>>, vector<16xi32>,
    %get3A_347 = arith.constant 16 : index
    %get3A_348 = tpu.vector_load %arg10[%get3A_347] {strides = array<i32>} : memref<80xi32, #tpu.memory_space<vmem>>, vector<16xi32>,
    %add3A_349 = vector.broadcast %mul3A_0 : i32 to vector<16xi32>
    %add3A_350 = arith.addi %get3A_348, %add3A_349 : vector<16xi32>
    %swap3A_351 = arith.constant 0 : i32
    %swap3A_352 = arith.index_cast %swap3A_351 : i32 to index
    %swap3A_353 = arith.constant 16 : index
    %swap3A_354 = tpu.vector_load %arg18[%swap3A_352, %swap3A_353] {strides = array<i32>} : memref<1x80xi32, #tpu.memory_space<vmem>>, vector<16xi32>,
    tpu.vector_store %arg18[%swap3A_352, %swap3A_353], %add3A_350 {strides = array<i32>} : memref<1x80xi32, #tpu.memory_space<vmem>>, vector<16xi32>,
    %get3A_355 = arith.constant 32 : index
    %get3A_356 = tpu.vector_load %arg8[%get3A_355] {strides = array<i32>} : memref<80xi32, #tpu.memory_space<vmem>>, vector<16xi32>,
    %swap3A_357 = arith.constant 0 : i32
    %swap3A_358 = arith.index_cast %swap3A_357 : i32 to index
    %swap3A_359 = arith.constant 32 : index
    %swap3A_360 = tpu.vector_load %arg12[%swap3A_358, %swap3A_359] {strides = array<i32>} : memref<1x80xi32, #tpu.memory_space<vmem>>, vector<16xi32>,
    tpu.vector_store %arg12[%swap3A_358, %swap3A_359], %get3A_356 {strides = array<i32>} : memref<1x80xi32, #tpu.memory_space<vmem>>, vector<16xi32>,
    %get3A_361 = arith.constant 32 : index
    %get3A_362 = tpu.vector_load %arg10[%get3A_361] {strides = array<i32>} : memref<80xi32, #tpu.memory_space<vmem>>, vector<16xi32>,
    %add3A_363 = vector.broadcast %mul3A_0 : i32 to vector<16xi32>
    %add3A_364 = arith.addi %get3A_362, %add3A_363 : vector<16xi32>
    %swap3A_365 = arith.constant 0 : i32
    %swap3A_366 = arith.index_cast %swap3A_365 : i32 to index
    %swap3A_367 = arith.constant 32 : index
    %swap3A_368 = tpu.vector_load %arg18[%swap3A_366, %swap3A_367] {strides = array<i32>} : memref<1x80xi32, #tpu.memory_space<vmem>>, vector<16xi32>,
    tpu.vector_store %arg18[%swap3A_366, %swap3A_367], %add3A_364 {strides = array<i32>} : memref<1x80xi32, #tpu.memory_space<vmem>>, vector<16xi32>,
    %get3A_369 = arith.constant 48 : index
    %get3A_370 = tpu.vector_load %arg8[%get3A_369] {strides = array<i32>} : memref<80xi32, #tpu.memory_space<vmem>>, vector<16xi32>,
    %swap3A_371 = arith.constant 0 : i32
    %swap3A_372 = arith.index_cast %swap3A_371 : i32 to index
    %swap3A_373 = arith.constant 48 : index
    %swap3A_374 = tpu.vector_load %arg12[%swap3A_372, %swap3A_373] {strides = array<i32>} : memref<1x80xi32, #tpu.memory_space<vmem>>, vector<16xi32>,
    tpu.vector_store %arg12[%swap3A_372, %swap3A_373], %get3A_370 {strides = array<i32>} : memref<1x80xi32, #tpu.memory_space<vmem>>, vector<16xi32>,
    %get3A_375 = arith.constant 48 : index
    %get3A_376 = tpu.vector_load %arg10[%get3A_375] {strides = array<i32>} : memref<80xi32, #tpu.memory_space<vmem>>, vector<16xi32>,
    %add3A_377 = vector.broadcast %mul3A_0 : i32 to vector<16xi32>
    %add3A_378 = arith.addi %get3A_376, %add3A_377 : vector<16xi32>
    %swap3A_379 = arith.constant 0 : i32
    %swap3A_380 = arith.index_cast %swap3A_379 : i32 to index
    %swap3A_381 = arith.constant 48 : index
    %swap3A_382 = tpu.vector_load %arg18[%swap3A_380, %swap3A_381] {strides = array<i32>} : memref<1x80xi32, #tpu.memory_space<vmem>>, vector<16xi32>,
    tpu.vector_store %arg18[%swap3A_380, %swap3A_381], %add3A_378 {strides = array<i32>} : memref<1x80xi32, #tpu.memory_space<vmem>>, vector<16xi32>,
    %get3A_383 = arith.constant 64 : index
    %get3A_384 = tpu.vector_load %arg8[%get3A_383] {strides = array<i32>} : memref<80xi32, #tpu.memory_space<vmem>>, vector<16xi32>,
    %swap3A_385 = arith.constant 0 : i32
    %swap3A_386 = arith.index_cast %swap3A_385 : i32 to index
    %swap3A_387 = arith.constant 64 : index
    %swap3A_388 = tpu.vector_load %arg12[%swap3A_386, %swap3A_387] {strides = array<i32>} : memref<1x80xi32, #tpu.memory_space<vmem>>, vector<16xi32>,
    tpu.vector_store %arg12[%swap3A_386, %swap3A_387], %get3A_384 {strides = array<i32>} : memref<1x80xi32, #tpu.memory_space<vmem>>, vector<16xi32>,
    %get3A_389 = arith.constant 64 : index
    %get3A_390 = tpu.vector_load %arg10[%get3A_389] {strides = array<i32>} : memref<80xi32, #tpu.memory_space<vmem>>, vector<16xi32>,
    %add3A_391 = vector.broadcast %mul3A_0 : i32 to vector<16xi32>
    %add3A_392 = arith.addi %get3A_390, %add3A_391 : vector<16xi32>
    %swap3A_393 = arith.constant 0 : i32
    %swap3A_394 = arith.index_cast %swap3A_393 : i32 to index
    %swap3A_395 = arith.constant 64 : index
    %swap3A_396 = tpu.vector_load %arg18[%swap3A_394, %swap3A_395] {strides = array<i32>} : memref<1x80xi32, #tpu.memory_space<vmem>>, vector<16xi32>,
    tpu.vector_store %arg18[%swap3A_394, %swap3A_395], %add3A_392 {strides = array<i32>} : memref<1x80xi32, #tpu.memory_space<vmem>>, vector<16xi32>,
    %dma_start3A_397 = arith.constant 0 : i32
    %dma_start3A_398 = arith.constant 0 : i32
    %dma_start3A_399 = tpu.memref_slice %arg18[%dma_start3A_397, %dma_start3A_398] : memref<1x80xi32, #tpu.memory_space<vmem>> -> memref<1x80xi32, #tpu.memory_space<vmem>>
    %dma_start3A_400 = tpu.memref_squeeze %dma_start3A_399 : memref<1x80xi32, #tpu.memory_space<vmem>> -> memref<80xi32, #tpu.memory_space<vmem>>
    %dma_start3A_401 = arith.constant 0 : i32
    %dma_start3A_402 = arith.constant 0 : i32
    %dma_start3A_403 = tpu.memref_slice %arg2[%dma_start3A_401, %dma_start3A_402] : memref<20000x80xf32, #tpu.memory_space<hbm>> -> memref<20000x80xf32, #tpu.memory_space<hbm>>
    tpu.enqueue_indirect_dma source(%dma_start3A_403 : memref<20000x80xf32, #tpu.memory_space<hbm>>) target(%arg20 : memref<80x80xf32, #tpu.memory_space<vmem>>) offsets(%dma_start3A_400 : memref<80xi32, #tpu.memory_space<vmem>>) semaphore(%arg29 : memref<!tpu.dma_semaphore, #tpu.memory_space<semaphore_mem>>)
    %min3A_404 = arith.constant 3999 : i32
    %min3A_405 = arith.minsi %add3A_260, %min3A_404 : i32
    %mul3A_406 = arith.constant 80 : i32
    %mul3A_407 = arith.muli %min3A_405, %mul3A_406 : i32
    %dma_start3A_408 = tpu.memref_slice %arg4[%mul3A_407] : memref<320000xi32, #tpu.memory_space<hbm>> -> memref<80xi32, #tpu.memory_space<hbm>>
    %dma_start3A_409 = tpu.memref_slice %arg4[%mul3A_407] : memref<320000xi32, #tpu.memory_space<hbm>> -> memref<80xi32, #tpu.memory_space<hbm>>
    tpu.enqueue_dma source(%dma_start3A_409 : memref<80xi32, #tpu.memory_space<hbm>>) target(%arg8 : memref<80xi32, #tpu.memory_space<vmem>>) target_semaphore(%arg35 : memref<!tpu.dma_semaphore, #tpu.memory_space<semaphore_mem>>)
    %dma_start3A_410 = tpu.memref_slice %arg5[%mul3A_407] : memref<320000xi32, #tpu.memory_space<hbm>> -> memref<80xi32, #tpu.memory_space<hbm>>
    %dma_start3A_411 = tpu.memref_slice %arg5[%mul3A_407] : memref<320000xi32, #tpu.memory_space<hbm>> -> memref<80xi32, #tpu.memory_space<hbm>>
    tpu.enqueue_dma source(%dma_start3A_411 : memref<80xi32, #tpu.memory_space<hbm>>) target(%arg10 : memref<80xi32, #tpu.memory_space<vmem>>) target_semaphore(%arg35 : memref<!tpu.dma_semaphore, #tpu.memory_space<semaphore_mem>>)
    %add3A_412 = arith.constant 1 : i32
    %add3A_413 = arith.addi %select_n3A, %add3A_412 : i32
    %add3A_414 = arith.constant 4 : i32
    %add3A_415 = arith.addi %add3A_413, %add3A_414 : i32
    %dma_wait3A_416 = arith.constant 0 : i32
    %dma_wait3A_417 = arith.constant 0 : i32
    %dma_wait3A_418 = tpu.memref_slice %arg2[%dma_wait3A_416, %dma_wait3A_417] : memref<20000x80xf32, #tpu.memory_space<hbm>> -> memref<80x80xf32, #tpu.memory_space<hbm>>
    %dma_wait3A_419 = arith.constant 0 : i32
    %dma_wait3A_420 = arith.constant 0 : i32
    %dma_wait3A_421 = tpu.memref_slice %arg2[%dma_wait3A_419, %dma_wait3A_420] : memref<20000x80xf32, #tpu.memory_space<hbm>> -> memref<80x80xf32, #tpu.memory_space<hbm>>
    tpu.wait_dma2 semaphore(%arg30 : memref<!tpu.dma_semaphore, #tpu.memory_space<semaphore_mem>>) src(%dma_wait3A_421 : memref<80x80xf32, #tpu.memory_space<hbm>>) dst(%arg21 : memref<80x80xf32, #tpu.memory_space<vmem>>)
    %parallel_loop3A_422 = arith.constant 0 : i32
    %parallel_loop3A_423 = arith.constant 5 : i32
    %parallel_loop3A_424 = arith.constant 1 : i32
    scf.for %parallel_loop3A_1269 = %parallel_loop3A_422 to %parallel_loop3A_423 step %parallel_loop3A_424  : i32 {
      %parallel_loop3A_1270 = arith.constant 16 : i32
      %parallel_loop3A_1271 = arith.muli %parallel_loop3A_1269, %parallel_loop3A_1270 : i32
      %parallel_loop3A_1272 = arith.constant 0 : i32
      %parallel_loop3A_1273 = arith.index_cast %parallel_loop3A_1272 : i32 to index
      %parallel_loop3A_1274 = arith.index_cast %parallel_loop3A_1271 : i32 to index
      %parallel_loop3A_1275 = tpu.vector_load %arg13[%parallel_loop3A_1273, %parallel_loop3A_1274] {strides = array<i32>} : memref<1x80xi32, #tpu.memory_space<vmem>>, vector<16xi32>,
      %parallel_loop3A_1276 = arith.constant 16 : i32
      %parallel_loop3A_1277 = arith.muli %parallel_loop3A_1269, %parallel_loop3A_1276 : i32
      %parallel_loop3A_1278 = vector.broadcast %parallel_loop3A_1277 : i32 to vector<16xi32>
      %parallel_loop3A_1279 = arith.addi %parallel_loop3A_1278, %iota3A : vector<16xi32>
      %parallel_loop3A_1280 = tpu.vector_load_idx %arg21[%parallel_loop3A_1279, %broadcast_in_dim3A_3] : memref<80x80xf32, #tpu.memory_space<vmem>>[vector<16xi32>, vector<16xi32>], vector<16xf32>,
      %parallel_loop3A_1281 = tpu.vector_load_idx %arg21[%parallel_loop3A_1279, %broadcast_in_dim3A_5] : memref<80x80xf32, #tpu.memory_space<vmem>>[vector<16xi32>, vector<16xi32>], vector<16xf32>,
      %parallel_loop3A_1282 = arith.constant 2 : i32
      %parallel_loop3A_1283 = vector.broadcast %parallel_loop3A_1282 : i32 to vector<16xi32>
      %parallel_loop3A_1284 = arith.muli %parallel_loop3A_1275, %parallel_loop3A_1283 : vector<16xi32>
      %parallel_loop3A_1285 = tpu.vector_load_idx %arg7[%parallel_loop3A_1284] : memref<20000xf32, #tpu.memory_space<vmem>>[vector<16xi32>], vector<16xf32>,
      %parallel_loop3A_1286 = arith.constant 1 : i32
      %parallel_loop3A_1287 = vector.broadcast %parallel_loop3A_1286 : i32 to vector<16xi32>
      %parallel_loop3A_1288 = arith.addi %parallel_loop3A_1284, %parallel_loop3A_1287 : vector<16xi32>
      %parallel_loop3A_1289 = tpu.vector_load_idx %arg7[%parallel_loop3A_1288] : memref<20000xf32, #tpu.memory_space<vmem>>[vector<16xi32>], vector<16xf32>,
      %parallel_loop3A_1290 = arith.addf %parallel_loop3A_1285, %parallel_loop3A_1280 : vector<16xf32>
      %parallel_loop3A_1291 = arith.addf %parallel_loop3A_1289, %parallel_loop3A_1281 : vector<16xf32>
      %parallel_loop3A_1292 = arith.constant 2.000000e-01 : f32
      %parallel_loop3A_1293 = vector.broadcast %parallel_loop3A_1292 : f32 to vector<16xf32>
      %parallel_loop3A_1294 = arith.mulf %parallel_loop3A_1290, %parallel_loop3A_1293 : vector<16xf32>
      %parallel_loop3A_1295 = arith.maximumf %parallel_loop3A_1290, %parallel_loop3A_1294 : vector<16xf32>
      %parallel_loop3A_1296 = math.exp %parallel_loop3A_1295 : vector<16xf32>
      %parallel_loop3A_1297 = arith.constant 2.000000e-01 : f32
      %parallel_loop3A_1298 = vector.broadcast %parallel_loop3A_1297 : f32 to vector<16xf32>
      %parallel_loop3A_1299 = arith.mulf %parallel_loop3A_1291, %parallel_loop3A_1298 : vector<16xf32>
      %parallel_loop3A_1300 = arith.maximumf %parallel_loop3A_1291, %parallel_loop3A_1299 : vector<16xf32>
      %parallel_loop3A_1301 = math.exp %parallel_loop3A_1300 : vector<16xf32>
      tpu.vector_store_idx %arg23[%parallel_loop3A_1279, %broadcast_in_dim3A_3], %parallel_loop3A_1296 : memref<80x80xf32, #tpu.memory_space<vmem>>[vector<16xi32>, vector<16xi32>], vector<16xf32>,
      tpu.vector_store_idx %arg23[%parallel_loop3A_1279, %broadcast_in_dim3A_5], %parallel_loop3A_1301 : memref<80x80xf32, #tpu.memory_space<vmem>>[vector<16xi32>, vector<16xi32>], vector<16xf32>,
    } {sc.loop_unroll_factor = 1 : i64, sc.parallel_access}
    %parallel_loop3A_425 = arith.constant 0 : i32
    %parallel_loop3A_426 = arith.constant 80 : i32
    %parallel_loop3A_427 = arith.constant 1 : i32
    scf.for %parallel_loop3A_1269 = %parallel_loop3A_425 to %parallel_loop3A_426 step %parallel_loop3A_427  : i32 {
      %parallel_loop3A_1270 = arith.index_cast %parallel_loop3A_1269 : i32 to index
      %parallel_loop3A_1271 = arith.constant 64 : index
      %parallel_loop3A_1272 = tpu.vector_load %arg23[%parallel_loop3A_1270, %parallel_loop3A_1271] {strides = array<i32>} : memref<80x80xf32, #tpu.memory_space<vmem>>, vector<16xf32>,
      %parallel_loop3A_1273 = vector.extract_strided_slice %parallel_loop3A_1272 {offsets = [0], sizes = [1], strides = [1]} : vector<16xf32> to vector<1xf32>
      %parallel_loop3A_1274 = vector.extract %parallel_loop3A_1273[0] : f32 from vector<1xf32>
      %parallel_loop3A_1275 = vector.extract_strided_slice %parallel_loop3A_1272 {offsets = [1], sizes = [1], strides = [1]} : vector<16xf32> to vector<1xf32>
      %parallel_loop3A_1276 = vector.extract %parallel_loop3A_1275[0] : f32 from vector<1xf32>
      %parallel_loop3A_1277 = arith.index_cast %parallel_loop3A_1269 : i32 to index
      %parallel_loop3A_1278 = arith.constant 0 : index
      %parallel_loop3A_1279 = tpu.vector_load %arg21[%parallel_loop3A_1277, %parallel_loop3A_1278] {strides = array<i32>} : memref<80x80xf32, #tpu.memory_space<vmem>>, vector<16xf32>,
      %parallel_loop3A_1280 = vector.broadcast %parallel_loop3A_1274 : f32 to vector<16xf32>
      %parallel_loop3A_1281 = arith.mulf %parallel_loop3A_1279, %parallel_loop3A_1280 : vector<16xf32>
      %parallel_loop3A_1282 = arith.index_cast %parallel_loop3A_1269 : i32 to index
      %parallel_loop3A_1283 = arith.constant 0 : index
      %parallel_loop3A_1284 = tpu.vector_load %arg23[%parallel_loop3A_1282, %parallel_loop3A_1283] {strides = array<i32>} : memref<80x80xf32, #tpu.memory_space<vmem>>, vector<16xf32>,
      tpu.vector_store %arg23[%parallel_loop3A_1282, %parallel_loop3A_1283], %parallel_loop3A_1281 {strides = array<i32>} : memref<80x80xf32, #tpu.memory_space<vmem>>, vector<16xf32>,
      %parallel_loop3A_1285 = arith.index_cast %parallel_loop3A_1269 : i32 to index
      %parallel_loop3A_1286 = arith.constant 16 : index
      %parallel_loop3A_1287 = tpu.vector_load %arg21[%parallel_loop3A_1285, %parallel_loop3A_1286] {strides = array<i32>} : memref<80x80xf32, #tpu.memory_space<vmem>>, vector<16xf32>,
      %parallel_loop3A_1288 = vector.broadcast %parallel_loop3A_1274 : f32 to vector<16xf32>
      %parallel_loop3A_1289 = arith.mulf %parallel_loop3A_1287, %parallel_loop3A_1288 : vector<16xf32>
      %parallel_loop3A_1290 = arith.index_cast %parallel_loop3A_1269 : i32 to index
      %parallel_loop3A_1291 = arith.constant 16 : index
      %parallel_loop3A_1292 = tpu.vector_load %arg23[%parallel_loop3A_1290, %parallel_loop3A_1291] {strides = array<i32>} : memref<80x80xf32, #tpu.memory_space<vmem>>, vector<16xf32>,
      tpu.vector_store %arg23[%parallel_loop3A_1290, %parallel_loop3A_1291], %parallel_loop3A_1289 {strides = array<i32>} : memref<80x80xf32, #tpu.memory_space<vmem>>, vector<16xf32>,
      %parallel_loop3A_1293 = arith.index_cast %parallel_loop3A_1269 : i32 to index
      %parallel_loop3A_1294 = arith.constant 32 : index
      %parallel_loop3A_1295 = tpu.vector_load %arg21[%parallel_loop3A_1293, %parallel_loop3A_1294] {strides = array<i32>} : memref<80x80xf32, #tpu.memory_space<vmem>>, vector<16xf32>,
      %parallel_loop3A_1296 = vector.broadcast %parallel_loop3A_1276 : f32 to vector<16xf32>
      %parallel_loop3A_1297 = arith.mulf %parallel_loop3A_1295, %parallel_loop3A_1296 : vector<16xf32>
      %parallel_loop3A_1298 = arith.index_cast %parallel_loop3A_1269 : i32 to index
      %parallel_loop3A_1299 = arith.constant 32 : index
      %parallel_loop3A_1300 = tpu.vector_load %arg23[%parallel_loop3A_1298, %parallel_loop3A_1299] {strides = array<i32>} : memref<80x80xf32, #tpu.memory_space<vmem>>, vector<16xf32>,
      tpu.vector_store %arg23[%parallel_loop3A_1298, %parallel_loop3A_1299], %parallel_loop3A_1297 {strides = array<i32>} : memref<80x80xf32, #tpu.memory_space<vmem>>, vector<16xf32>,
      %parallel_loop3A_1301 = arith.index_cast %parallel_loop3A_1269 : i32 to index
      %parallel_loop3A_1302 = arith.constant 48 : index
      %parallel_loop3A_1303 = tpu.vector_load %arg21[%parallel_loop3A_1301, %parallel_loop3A_1302] {strides = array<i32>} : memref<80x80xf32, #tpu.memory_space<vmem>>, vector<16xf32>,
      %parallel_loop3A_1304 = vector.broadcast %parallel_loop3A_1276 : f32 to vector<16xf32>
      %parallel_loop3A_1305 = arith.mulf %parallel_loop3A_1303, %parallel_loop3A_1304 : vector<16xf32>
      %parallel_loop3A_1306 = arith.index_cast %parallel_loop3A_1269 : i32 to index
      %parallel_loop3A_1307 = arith.constant 48 : index
      %parallel_loop3A_1308 = tpu.vector_load %arg23[%parallel_loop3A_1306, %parallel_loop3A_1307] {strides = array<i32>} : memref<80x80xf32, #tpu.memory_space<vmem>>, vector<16xf32>,
      tpu.vector_store %arg23[%parallel_loop3A_1306, %parallel_loop3A_1307], %parallel_loop3A_1305 {strides = array<i32>} : memref<80x80xf32, #tpu.memory_space<vmem>>, vector<16xf32>,
    } {sc.loop_unroll_factor = 1 : i64, sc.parallel_access}
    %get3A_428 = arith.constant 0 : i32
    %get3A_429 = arith.index_cast %get3A_428 : i32 to index
    %get3A_430 = arith.constant 0 : index
    %get3A_431 = tpu.vector_load %arg13[%get3A_429, %get3A_430] {strides = array<i32>} : memref<1x80xi32, #tpu.memory_space<vmem>>, vector<16xi32>,
    %swap3A_432 = arith.constant 0 : i32
    %swap3A_433 = arith.index_cast %swap3A_432 : i32 to index
    %swap3A_434 = arith.constant 0 : index
    %swap3A_435 = tpu.vector_load %arg15[%swap3A_433, %swap3A_434] {strides = array<i32>} : memref<1x80xi32, #tpu.memory_space<vmem>>, vector<16xi32>,
    tpu.vector_store %arg15[%swap3A_433, %swap3A_434], %get3A_431 {strides = array<i32>} : memref<1x80xi32, #tpu.memory_space<vmem>>, vector<16xi32>,
    %get3A_436 = arith.constant 0 : i32
    %get3A_437 = arith.index_cast %get3A_436 : i32 to index
    %get3A_438 = arith.constant 16 : index
    %get3A_439 = tpu.vector_load %arg13[%get3A_437, %get3A_438] {strides = array<i32>} : memref<1x80xi32, #tpu.memory_space<vmem>>, vector<16xi32>,
    %swap3A_440 = arith.constant 0 : i32
    %swap3A_441 = arith.index_cast %swap3A_440 : i32 to index
    %swap3A_442 = arith.constant 16 : index
    %swap3A_443 = tpu.vector_load %arg15[%swap3A_441, %swap3A_442] {strides = array<i32>} : memref<1x80xi32, #tpu.memory_space<vmem>>, vector<16xi32>,
    tpu.vector_store %arg15[%swap3A_441, %swap3A_442], %get3A_439 {strides = array<i32>} : memref<1x80xi32, #tpu.memory_space<vmem>>, vector<16xi32>,
    %get3A_444 = arith.constant 0 : i32
    %get3A_445 = arith.index_cast %get3A_444 : i32 to index
    %get3A_446 = arith.constant 32 : index
    %get3A_447 = tpu.vector_load %arg13[%get3A_445, %get3A_446] {strides = array<i32>} : memref<1x80xi32, #tpu.memory_space<vmem>>, vector<16xi32>,
    %swap3A_448 = arith.constant 0 : i32
    %swap3A_449 = arith.index_cast %swap3A_448 : i32 to index
    %swap3A_450 = arith.constant 32 : index
    %swap3A_451 = tpu.vector_load %arg15[%swap3A_449, %swap3A_450] {strides = array<i32>} : memref<1x80xi32, #tpu.memory_space<vmem>>, vector<16xi32>,
    tpu.vector_store %arg15[%swap3A_449, %swap3A_450], %get3A_447 {strides = array<i32>} : memref<1x80xi32, #tpu.memory_space<vmem>>, vector<16xi32>,
    %get3A_452 = arith.constant 0 : i32
    %get3A_453 = arith.index_cast %get3A_452 : i32 to index
    %get3A_454 = arith.constant 48 : index
    %get3A_455 = tpu.vector_load %arg13[%get3A_453, %get3A_454] {strides = array<i32>} : memref<1x80xi32, #tpu.memory_space<vmem>>, vector<16xi32>,
    %swap3A_456 = arith.constant 0 : i32
    %swap3A_457 = arith.index_cast %swap3A_456 : i32 to index
    %swap3A_458 = arith.constant 48 : index
    %swap3A_459 = tpu.vector_load %arg15[%swap3A_457, %swap3A_458] {strides = array<i32>} : memref<1x80xi32, #tpu.memory_space<vmem>>, vector<16xi32>,
    tpu.vector_store %arg15[%swap3A_457, %swap3A_458], %get3A_455 {strides = array<i32>} : memref<1x80xi32, #tpu.memory_space<vmem>>, vector<16xi32>,
    %get3A_460 = arith.constant 0 : i32
    %get3A_461 = arith.index_cast %get3A_460 : i32 to index
    %get3A_462 = arith.constant 64 : index
    %get3A_463 = tpu.vector_load %arg13[%get3A_461, %get3A_462] {strides = array<i32>} : memref<1x80xi32, #tpu.memory_space<vmem>>, vector<16xi32>,
    %swap3A_464 = arith.constant 0 : i32
    %swap3A_465 = arith.index_cast %swap3A_464 : i32 to index
    %swap3A_466 = arith.constant 64 : index
    %swap3A_467 = tpu.vector_load %arg15[%swap3A_465, %swap3A_466] {strides = array<i32>} : memref<1x80xi32, #tpu.memory_space<vmem>>, vector<16xi32>,
    tpu.vector_store %arg15[%swap3A_465, %swap3A_466], %get3A_463 {strides = array<i32>} : memref<1x80xi32, #tpu.memory_space<vmem>>, vector<16xi32>,
    %dma_start3A_468 = arith.constant 0 : i32
    %dma_start3A_469 = arith.constant 0 : i32
    %dma_start3A_470 = tpu.memref_slice %arg15[%dma_start3A_468, %dma_start3A_469] : memref<1x80xi32, #tpu.memory_space<vmem>> -> memref<1x80xi32, #tpu.memory_space<vmem>>
    %dma_start3A_471 = tpu.memref_squeeze %dma_start3A_470 : memref<1x80xi32, #tpu.memory_space<vmem>> -> memref<80xi32, #tpu.memory_space<vmem>>
    %dma_start3A_472 = arith.constant 0 : i32
    %dma_start3A_473 = arith.constant 0 : i32
    %dma_start3A_474 = tpu.memref_slice %arg28[%dma_start3A_472, %dma_start3A_473] : memref<10000x80xf32, #tpu.memory_space<vmem_shared>> -> memref<10000x80xf32, #tpu.memory_space<vmem_shared>>
    tpu.enqueue_indirect_dma source(%arg23 : memref<80x80xf32, #tpu.memory_space<vmem>>) target(%dma_start3A_474 : memref<10000x80xf32, #tpu.memory_space<vmem_shared>>) offsets(%dma_start3A_471 : memref<80xi32, #tpu.memory_space<vmem>>) semaphore(%arg32 : memref<!tpu.dma_semaphore, #tpu.memory_space<semaphore_mem>>) {add = true}
    %dma_wait3A_475 = arith.constant 0 : i32
    %dma_wait3A_476 = tpu.memref_slice %arg4[%dma_wait3A_475] : memref<320000xi32, #tpu.memory_space<hbm>> -> memref<80xi32, #tpu.memory_space<hbm>>
    %dma_wait3A_477 = arith.constant 0 : i32
    %dma_wait3A_478 = tpu.memref_slice %arg4[%dma_wait3A_477] : memref<320000xi32, #tpu.memory_space<hbm>> -> memref<80xi32, #tpu.memory_space<hbm>>
    tpu.wait_dma2 semaphore(%arg36 : memref<!tpu.dma_semaphore, #tpu.memory_space<semaphore_mem>>) src(%dma_wait3A_478 : memref<80xi32, #tpu.memory_space<hbm>>) dst(%arg9 : memref<80xi32, #tpu.memory_space<vmem>>)
    %dma_wait3A_479 = arith.constant 0 : i32
    %dma_wait3A_480 = tpu.memref_slice %arg5[%dma_wait3A_479] : memref<320000xi32, #tpu.memory_space<hbm>> -> memref<80xi32, #tpu.memory_space<hbm>>
    %dma_wait3A_481 = arith.constant 0 : i32
    %dma_wait3A_482 = tpu.memref_slice %arg5[%dma_wait3A_481] : memref<320000xi32, #tpu.memory_space<hbm>> -> memref<80xi32, #tpu.memory_space<hbm>>
    tpu.wait_dma2 semaphore(%arg36 : memref<!tpu.dma_semaphore, #tpu.memory_space<semaphore_mem>>) src(%dma_wait3A_482 : memref<80xi32, #tpu.memory_space<hbm>>) dst(%arg11 : memref<80xi32, #tpu.memory_space<vmem>>)
    %get3A_483 = arith.constant 0 : index
    %get3A_484 = tpu.vector_load %arg9[%get3A_483] {strides = array<i32>} : memref<80xi32, #tpu.memory_space<vmem>>, vector<16xi32>,
    %swap3A_485 = arith.constant 0 : i32
    %swap3A_486 = arith.index_cast %swap3A_485 : i32 to index
    %swap3A_487 = arith.constant 0 : index
    %swap3A_488 = tpu.vector_load %arg13[%swap3A_486, %swap3A_487] {strides = array<i32>} : memref<1x80xi32, #tpu.memory_space<vmem>>, vector<16xi32>,
    tpu.vector_store %arg13[%swap3A_486, %swap3A_487], %get3A_484 {strides = array<i32>} : memref<1x80xi32, #tpu.memory_space<vmem>>, vector<16xi32>,
    %get3A_489 = arith.constant 0 : index
    %get3A_490 = tpu.vector_load %arg11[%get3A_489] {strides = array<i32>} : memref<80xi32, #tpu.memory_space<vmem>>, vector<16xi32>,
    %add3A_491 = vector.broadcast %mul3A_0 : i32 to vector<16xi32>
    %add3A_492 = arith.addi %get3A_490, %add3A_491 : vector<16xi32>
    %swap3A_493 = arith.constant 0 : i32
    %swap3A_494 = arith.index_cast %swap3A_493 : i32 to index
    %swap3A_495 = arith.constant 0 : index
    %swap3A_496 = tpu.vector_load %arg19[%swap3A_494, %swap3A_495] {strides = array<i32>} : memref<1x80xi32, #tpu.memory_space<vmem>>, vector<16xi32>,
    tpu.vector_store %arg19[%swap3A_494, %swap3A_495], %add3A_492 {strides = array<i32>} : memref<1x80xi32, #tpu.memory_space<vmem>>, vector<16xi32>,
    %get3A_497 = arith.constant 16 : index
    %get3A_498 = tpu.vector_load %arg9[%get3A_497] {strides = array<i32>} : memref<80xi32, #tpu.memory_space<vmem>>, vector<16xi32>,
    %swap3A_499 = arith.constant 0 : i32
    %swap3A_500 = arith.index_cast %swap3A_499 : i32 to index
    %swap3A_501 = arith.constant 16 : index
    %swap3A_502 = tpu.vector_load %arg13[%swap3A_500, %swap3A_501] {strides = array<i32>} : memref<1x80xi32, #tpu.memory_space<vmem>>, vector<16xi32>,
    tpu.vector_store %arg13[%swap3A_500, %swap3A_501], %get3A_498 {strides = array<i32>} : memref<1x80xi32, #tpu.memory_space<vmem>>, vector<16xi32>,
    %get3A_503 = arith.constant 16 : index
    %get3A_504 = tpu.vector_load %arg11[%get3A_503] {strides = array<i32>} : memref<80xi32, #tpu.memory_space<vmem>>, vector<16xi32>,
    %add3A_505 = vector.broadcast %mul3A_0 : i32 to vector<16xi32>
    %add3A_506 = arith.addi %get3A_504, %add3A_505 : vector<16xi32>
    %swap3A_507 = arith.constant 0 : i32
    %swap3A_508 = arith.index_cast %swap3A_507 : i32 to index
    %swap3A_509 = arith.constant 16 : index
    %swap3A_510 = tpu.vector_load %arg19[%swap3A_508, %swap3A_509] {strides = array<i32>} : memref<1x80xi32, #tpu.memory_space<vmem>>, vector<16xi32>,
    tpu.vector_store %arg19[%swap3A_508, %swap3A_509], %add3A_506 {strides = array<i32>} : memref<1x80xi32, #tpu.memory_space<vmem>>, vector<16xi32>,
    %get3A_511 = arith.constant 32 : index
    %get3A_512 = tpu.vector_load %arg9[%get3A_511] {strides = array<i32>} : memref<80xi32, #tpu.memory_space<vmem>>, vector<16xi32>,
    %swap3A_513 = arith.constant 0 : i32
    %swap3A_514 = arith.index_cast %swap3A_513 : i32 to index
    %swap3A_515 = arith.constant 32 : index
    %swap3A_516 = tpu.vector_load %arg13[%swap3A_514, %swap3A_515] {strides = array<i32>} : memref<1x80xi32, #tpu.memory_space<vmem>>, vector<16xi32>,
    tpu.vector_store %arg13[%swap3A_514, %swap3A_515], %get3A_512 {strides = array<i32>} : memref<1x80xi32, #tpu.memory_space<vmem>>, vector<16xi32>,
    %get3A_517 = arith.constant 32 : index
    %get3A_518 = tpu.vector_load %arg11[%get3A_517] {strides = array<i32>} : memref<80xi32, #tpu.memory_space<vmem>>, vector<16xi32>,
    %add3A_519 = vector.broadcast %mul3A_0 : i32 to vector<16xi32>
    %add3A_520 = arith.addi %get3A_518, %add3A_519 : vector<16xi32>
    %swap3A_521 = arith.constant 0 : i32
    %swap3A_522 = arith.index_cast %swap3A_521 : i32 to index
    %swap3A_523 = arith.constant 32 : index
    %swap3A_524 = tpu.vector_load %arg19[%swap3A_522, %swap3A_523] {strides = array<i32>} : memref<1x80xi32, #tpu.memory_space<vmem>>, vector<16xi32>,
    tpu.vector_store %arg19[%swap3A_522, %swap3A_523], %add3A_520 {strides = array<i32>} : memref<1x80xi32, #tpu.memory_space<vmem>>, vector<16xi32>,
    %get3A_525 = arith.constant 48 : index
    %get3A_526 = tpu.vector_load %arg9[%get3A_525] {strides = array<i32>} : memref<80xi32, #tpu.memory_space<vmem>>, vector<16xi32>,
    %swap3A_527 = arith.constant 0 : i32
    %swap3A_528 = arith.index_cast %swap3A_527 : i32 to index
    %swap3A_529 = arith.constant 48 : index
    %swap3A_530 = tpu.vector_load %arg13[%swap3A_528, %swap3A_529] {strides = array<i32>} : memref<1x80xi32, #tpu.memory_space<vmem>>, vector<16xi32>,
    tpu.vector_store %arg13[%swap3A_528, %swap3A_529], %get3A_526 {strides = array<i32>} : memref<1x80xi32, #tpu.memory_space<vmem>>, vector<16xi32>,
    %get3A_531 = arith.constant 48 : index
    %get3A_532 = tpu.vector_load %arg11[%get3A_531] {strides = array<i32>} : memref<80xi32, #tpu.memory_space<vmem>>, vector<16xi32>,
    %add3A_533 = vector.broadcast %mul3A_0 : i32 to vector<16xi32>
    %add3A_534 = arith.addi %get3A_532, %add3A_533 : vector<16xi32>
    %swap3A_535 = arith.constant 0 : i32
    %swap3A_536 = arith.index_cast %swap3A_535 : i32 to index
    %swap3A_537 = arith.constant 48 : index
    %swap3A_538 = tpu.vector_load %arg19[%swap3A_536, %swap3A_537] {strides = array<i32>} : memref<1x80xi32, #tpu.memory_space<vmem>>, vector<16xi32>,
    tpu.vector_store %arg19[%swap3A_536, %swap3A_537], %add3A_534 {strides = array<i32>} : memref<1x80xi32, #tpu.memory_space<vmem>>, vector<16xi32>,
    %get3A_539 = arith.constant 64 : index
    %get3A_540 = tpu.vector_load %arg9[%get3A_539] {strides = array<i32>} : memref<80xi32, #tpu.memory_space<vmem>>, vector<16xi32>,
    %swap3A_541 = arith.constant 0 : i32
    %swap3A_542 = arith.index_cast %swap3A_541 : i32 to index
    %swap3A_543 = arith.constant 64 : index
    %swap3A_544 = tpu.vector_load %arg13[%swap3A_542, %swap3A_543] {strides = array<i32>} : memref<1x80xi32, #tpu.memory_space<vmem>>, vector<16xi32>,
    tpu.vector_store %arg13[%swap3A_542, %swap3A_543], %get3A_540 {strides = array<i32>} : memref<1x80xi32, #tpu.memory_space<vmem>>, vector<16xi32>,
    %get3A_545 = arith.constant 64 : index
    %get3A_546 = tpu.vector_load %arg11[%get3A_545] {strides = array<i32>} : memref<80xi32, #tpu.memory_space<vmem>>, vector<16xi32>,
    %add3A_547 = vector.broadcast %mul3A_0 : i32 to vector<16xi32>
    %add3A_548 = arith.addi %get3A_546, %add3A_547 : vector<16xi32>
    %swap3A_549 = arith.constant 0 : i32
    %swap3A_550 = arith.index_cast %swap3A_549 : i32 to index
    %swap3A_551 = arith.constant 64 : index
    %swap3A_552 = tpu.vector_load %arg19[%swap3A_550, %swap3A_551] {strides = array<i32>} : memref<1x80xi32, #tpu.memory_space<vmem>>, vector<16xi32>,
    tpu.vector_store %arg19[%swap3A_550, %swap3A_551], %add3A_548 {strides = array<i32>} : memref<1x80xi32, #tpu.memory_space<vmem>>, vector<16xi32>,
    %dma_start3A_553 = arith.constant 0 : i32
    %dma_start3A_554 = arith.constant 0 : i32
    %dma_start3A_555 = tpu.memref_slice %arg19[%dma_start3A_553, %dma_start3A_554] : memref<1x80xi32, #tpu.memory_space<vmem>> -> memref<1x80xi32, #tpu.memory_space<vmem>>
    %dma_start3A_556 = tpu.memref_squeeze %dma_start3A_555 : memref<1x80xi32, #tpu.memory_space<vmem>> -> memref<80xi32, #tpu.memory_space<vmem>>
    %dma_start3A_557 = arith.constant 0 : i32
    %dma_start3A_558 = arith.constant 0 : i32
    %dma_start3A_559 = tpu.memref_slice %arg2[%dma_start3A_557, %dma_start3A_558] : memref<20000x80xf32, #tpu.memory_space<hbm>> -> memref<20000x80xf32, #tpu.memory_space<hbm>>
    tpu.enqueue_indirect_dma source(%dma_start3A_559 : memref<20000x80xf32, #tpu.memory_space<hbm>>) target(%arg21 : memref<80x80xf32, #tpu.memory_space<vmem>>) offsets(%dma_start3A_556 : memref<80xi32, #tpu.memory_space<vmem>>) semaphore(%arg30 : memref<!tpu.dma_semaphore, #tpu.memory_space<semaphore_mem>>)
    %min3A_560 = arith.constant 3999 : i32
    %min3A_561 = arith.minsi %add3A_415, %min3A_560 : i32
    %mul3A_562 = arith.constant 80 : i32
    %mul3A_563 = arith.muli %min3A_561, %mul3A_562 : i32
    %dma_start3A_564 = tpu.memref_slice %arg4[%mul3A_563] : memref<320000xi32, #tpu.memory_space<hbm>> -> memref<80xi32, #tpu.memory_space<hbm>>
    %dma_start3A_565 = tpu.memref_slice %arg4[%mul3A_563] : memref<320000xi32, #tpu.memory_space<hbm>> -> memref<80xi32, #tpu.memory_space<hbm>>
    tpu.enqueue_dma source(%dma_start3A_565 : memref<80xi32, #tpu.memory_space<hbm>>) target(%arg9 : memref<80xi32, #tpu.memory_space<vmem>>) target_semaphore(%arg36 : memref<!tpu.dma_semaphore, #tpu.memory_space<semaphore_mem>>)
    %dma_start3A_566 = tpu.memref_slice %arg5[%mul3A_563] : memref<320000xi32, #tpu.memory_space<hbm>> -> memref<80xi32, #tpu.memory_space<hbm>>
    %dma_start3A_567 = tpu.memref_slice %arg5[%mul3A_563] : memref<320000xi32, #tpu.memory_space<hbm>> -> memref<80xi32, #tpu.memory_space<hbm>>
    tpu.enqueue_dma source(%dma_start3A_567 : memref<80xi32, #tpu.memory_space<hbm>>) target(%arg11 : memref<80xi32, #tpu.memory_space<vmem>>) target_semaphore(%arg36 : memref<!tpu.dma_semaphore, #tpu.memory_space<semaphore_mem>>)
    %add3A_568 = arith.constant 2 : i32
    %add3A_569 = arith.addi %select_n3A, %add3A_568 : i32
    %add3A_570 = arith.constant 4 : i32
    %add3A_571 = arith.addi %add3A_569, %add3A_570 : i32
    %dma_wait3A_572 = arith.constant 0 : i32
    %dma_wait3A_573 = arith.constant 0 : i32
    %dma_wait3A_574 = tpu.memref_slice %arg2[%dma_wait3A_572, %dma_wait3A_573] : memref<20000x80xf32, #tpu.memory_space<hbm>> -> memref<80x80xf32, #tpu.memory_space<hbm>>
    %dma_wait3A_575 = arith.constant 0 : i32
    %dma_wait3A_576 = arith.constant 0 : i32
    %dma_wait3A_577 = tpu.memref_slice %arg2[%dma_wait3A_575, %dma_wait3A_576] : memref<20000x80xf32, #tpu.memory_space<hbm>> -> memref<80x80xf32, #tpu.memory_space<hbm>>
    tpu.wait_dma2 semaphore(%arg29 : memref<!tpu.dma_semaphore, #tpu.memory_space<semaphore_mem>>) src(%dma_wait3A_577 : memref<80x80xf32, #tpu.memory_space<hbm>>) dst(%arg20 : memref<80x80xf32, #tpu.memory_space<vmem>>)
    %parallel_loop3A_578 = arith.constant 0 : i32
    %parallel_loop3A_579 = arith.constant 5 : i32
    %parallel_loop3A_580 = arith.constant 1 : i32
    scf.for %parallel_loop3A_1269 = %parallel_loop3A_578 to %parallel_loop3A_579 step %parallel_loop3A_580  : i32 {
      %parallel_loop3A_1270 = arith.constant 16 : i32
      %parallel_loop3A_1271 = arith.muli %parallel_loop3A_1269, %parallel_loop3A_1270 : i32
      %parallel_loop3A_1272 = arith.constant 0 : i32
      %parallel_loop3A_1273 = arith.index_cast %parallel_loop3A_1272 : i32 to index
      %parallel_loop3A_1274 = arith.index_cast %parallel_loop3A_1271 : i32 to index
      %parallel_loop3A_1275 = tpu.vector_load %arg12[%parallel_loop3A_1273, %parallel_loop3A_1274] {strides = array<i32>} : memref<1x80xi32, #tpu.memory_space<vmem>>, vector<16xi32>,
      %parallel_loop3A_1276 = arith.constant 16 : i32
      %parallel_loop3A_1277 = arith.muli %parallel_loop3A_1269, %parallel_loop3A_1276 : i32
      %parallel_loop3A_1278 = vector.broadcast %parallel_loop3A_1277 : i32 to vector<16xi32>
      %parallel_loop3A_1279 = arith.addi %parallel_loop3A_1278, %iota3A : vector<16xi32>
      %parallel_loop3A_1280 = tpu.vector_load_idx %arg20[%parallel_loop3A_1279, %broadcast_in_dim3A_3] : memref<80x80xf32, #tpu.memory_space<vmem>>[vector<16xi32>, vector<16xi32>], vector<16xf32>,
      %parallel_loop3A_1281 = tpu.vector_load_idx %arg20[%parallel_loop3A_1279, %broadcast_in_dim3A_5] : memref<80x80xf32, #tpu.memory_space<vmem>>[vector<16xi32>, vector<16xi32>], vector<16xf32>,
      %parallel_loop3A_1282 = arith.constant 2 : i32
      %parallel_loop3A_1283 = vector.broadcast %parallel_loop3A_1282 : i32 to vector<16xi32>
      %parallel_loop3A_1284 = arith.muli %parallel_loop3A_1275, %parallel_loop3A_1283 : vector<16xi32>
      %parallel_loop3A_1285 = tpu.vector_load_idx %arg7[%parallel_loop3A_1284] : memref<20000xf32, #tpu.memory_space<vmem>>[vector<16xi32>], vector<16xf32>,
      %parallel_loop3A_1286 = arith.constant 1 : i32
      %parallel_loop3A_1287 = vector.broadcast %parallel_loop3A_1286 : i32 to vector<16xi32>
      %parallel_loop3A_1288 = arith.addi %parallel_loop3A_1284, %parallel_loop3A_1287 : vector<16xi32>
      %parallel_loop3A_1289 = tpu.vector_load_idx %arg7[%parallel_loop3A_1288] : memref<20000xf32, #tpu.memory_space<vmem>>[vector<16xi32>], vector<16xf32>,
      %parallel_loop3A_1290 = arith.addf %parallel_loop3A_1285, %parallel_loop3A_1280 : vector<16xf32>
      %parallel_loop3A_1291 = arith.addf %parallel_loop3A_1289, %parallel_loop3A_1281 : vector<16xf32>
      %parallel_loop3A_1292 = arith.constant 2.000000e-01 : f32
      %parallel_loop3A_1293 = vector.broadcast %parallel_loop3A_1292 : f32 to vector<16xf32>
      %parallel_loop3A_1294 = arith.mulf %parallel_loop3A_1290, %parallel_loop3A_1293 : vector<16xf32>
      %parallel_loop3A_1295 = arith.maximumf %parallel_loop3A_1290, %parallel_loop3A_1294 : vector<16xf32>
      %parallel_loop3A_1296 = math.exp %parallel_loop3A_1295 : vector<16xf32>
      %parallel_loop3A_1297 = arith.constant 2.000000e-01 : f32
      %parallel_loop3A_1298 = vector.broadcast %parallel_loop3A_1297 : f32 to vector<16xf32>
      %parallel_loop3A_1299 = arith.mulf %parallel_loop3A_1291, %parallel_loop3A_1298 : vector<16xf32>
      %parallel_loop3A_1300 = arith.maximumf %parallel_loop3A_1291, %parallel_loop3A_1299 : vector<16xf32>
      %parallel_loop3A_1301 = math.exp %parallel_loop3A_1300 : vector<16xf32>
      tpu.vector_store_idx %arg24[%parallel_loop3A_1279, %broadcast_in_dim3A_3], %parallel_loop3A_1296 : memref<80x80xf32, #tpu.memory_space<vmem>>[vector<16xi32>, vector<16xi32>], vector<16xf32>,
      tpu.vector_store_idx %arg24[%parallel_loop3A_1279, %broadcast_in_dim3A_5], %parallel_loop3A_1301 : memref<80x80xf32, #tpu.memory_space<vmem>>[vector<16xi32>, vector<16xi32>], vector<16xf32>,
    } {sc.loop_unroll_factor = 1 : i64, sc.parallel_access}
    %parallel_loop3A_581 = arith.constant 0 : i32
    %parallel_loop3A_582 = arith.constant 80 : i32
    %parallel_loop3A_583 = arith.constant 1 : i32
    scf.for %parallel_loop3A_1269 = %parallel_loop3A_581 to %parallel_loop3A_582 step %parallel_loop3A_583  : i32 {
      %parallel_loop3A_1270 = arith.index_cast %parallel_loop3A_1269 : i32 to index
      %parallel_loop3A_1271 = arith.constant 64 : index
      %parallel_loop3A_1272 = tpu.vector_load %arg24[%parallel_loop3A_1270, %parallel_loop3A_1271] {strides = array<i32>} : memref<80x80xf32, #tpu.memory_space<vmem>>, vector<16xf32>,
      %parallel_loop3A_1273 = vector.extract_strided_slice %parallel_loop3A_1272 {offsets = [0], sizes = [1], strides = [1]} : vector<16xf32> to vector<1xf32>
      %parallel_loop3A_1274 = vector.extract %parallel_loop3A_1273[0] : f32 from vector<1xf32>
      %parallel_loop3A_1275 = vector.extract_strided_slice %parallel_loop3A_1272 {offsets = [1], sizes = [1], strides = [1]} : vector<16xf32> to vector<1xf32>
      %parallel_loop3A_1276 = vector.extract %parallel_loop3A_1275[0] : f32 from vector<1xf32>
      %parallel_loop3A_1277 = arith.index_cast %parallel_loop3A_1269 : i32 to index
      %parallel_loop3A_1278 = arith.constant 0 : index
      %parallel_loop3A_1279 = tpu.vector_load %arg20[%parallel_loop3A_1277, %parallel_loop3A_1278] {strides = array<i32>} : memref<80x80xf32, #tpu.memory_space<vmem>>, vector<16xf32>,
      %parallel_loop3A_1280 = vector.broadcast %parallel_loop3A_1274 : f32 to vector<16xf32>
      %parallel_loop3A_1281 = arith.mulf %parallel_loop3A_1279, %parallel_loop3A_1280 : vector<16xf32>
      %parallel_loop3A_1282 = arith.index_cast %parallel_loop3A_1269 : i32 to index
      %parallel_loop3A_1283 = arith.constant 0 : index
      %parallel_loop3A_1284 = tpu.vector_load %arg24[%parallel_loop3A_1282, %parallel_loop3A_1283] {strides = array<i32>} : memref<80x80xf32, #tpu.memory_space<vmem>>, vector<16xf32>,
      tpu.vector_store %arg24[%parallel_loop3A_1282, %parallel_loop3A_1283], %parallel_loop3A_1281 {strides = array<i32>} : memref<80x80xf32, #tpu.memory_space<vmem>>, vector<16xf32>,
      %parallel_loop3A_1285 = arith.index_cast %parallel_loop3A_1269 : i32 to index
      %parallel_loop3A_1286 = arith.constant 16 : index
      %parallel_loop3A_1287 = tpu.vector_load %arg20[%parallel_loop3A_1285, %parallel_loop3A_1286] {strides = array<i32>} : memref<80x80xf32, #tpu.memory_space<vmem>>, vector<16xf32>,
      %parallel_loop3A_1288 = vector.broadcast %parallel_loop3A_1274 : f32 to vector<16xf32>
      %parallel_loop3A_1289 = arith.mulf %parallel_loop3A_1287, %parallel_loop3A_1288 : vector<16xf32>
      %parallel_loop3A_1290 = arith.index_cast %parallel_loop3A_1269 : i32 to index
      %parallel_loop3A_1291 = arith.constant 16 : index
      %parallel_loop3A_1292 = tpu.vector_load %arg24[%parallel_loop3A_1290, %parallel_loop3A_1291] {strides = array<i32>} : memref<80x80xf32, #tpu.memory_space<vmem>>, vector<16xf32>,
      tpu.vector_store %arg24[%parallel_loop3A_1290, %parallel_loop3A_1291], %parallel_loop3A_1289 {strides = array<i32>} : memref<80x80xf32, #tpu.memory_space<vmem>>, vector<16xf32>,
      %parallel_loop3A_1293 = arith.index_cast %parallel_loop3A_1269 : i32 to index
      %parallel_loop3A_1294 = arith.constant 32 : index
      %parallel_loop3A_1295 = tpu.vector_load %arg20[%parallel_loop3A_1293, %parallel_loop3A_1294] {strides = array<i32>} : memref<80x80xf32, #tpu.memory_space<vmem>>, vector<16xf32>,
      %parallel_loop3A_1296 = vector.broadcast %parallel_loop3A_1276 : f32 to vector<16xf32>
      %parallel_loop3A_1297 = arith.mulf %parallel_loop3A_1295, %parallel_loop3A_1296 : vector<16xf32>
      %parallel_loop3A_1298 = arith.index_cast %parallel_loop3A_1269 : i32 to index
      %parallel_loop3A_1299 = arith.constant 32 : index
      %parallel_loop3A_1300 = tpu.vector_load %arg24[%parallel_loop3A_1298, %parallel_loop3A_1299] {strides = array<i32>} : memref<80x80xf32, #tpu.memory_space<vmem>>, vector<16xf32>,
      tpu.vector_store %arg24[%parallel_loop3A_1298, %parallel_loop3A_1299], %parallel_loop3A_1297 {strides = array<i32>} : memref<80x80xf32, #tpu.memory_space<vmem>>, vector<16xf32>,
      %parallel_loop3A_1301 = arith.index_cast %parallel_loop3A_1269 : i32 to index
      %parallel_loop3A_1302 = arith.constant 48 : index
      %parallel_loop3A_1303 = tpu.vector_load %arg20[%parallel_loop3A_1301, %parallel_loop3A_1302] {strides = array<i32>} : memref<80x80xf32, #tpu.memory_space<vmem>>, vector<16xf32>,
      %parallel_loop3A_1304 = vector.broadcast %parallel_loop3A_1276 : f32 to vector<16xf32>
      %parallel_loop3A_1305 = arith.mulf %parallel_loop3A_1303, %parallel_loop3A_1304 : vector<16xf32>
      %parallel_loop3A_1306 = arith.index_cast %parallel_loop3A_1269 : i32 to index
      %parallel_loop3A_1307 = arith.constant 48 : index
      %parallel_loop3A_1308 = tpu.vector_load %arg24[%parallel_loop3A_1306, %parallel_loop3A_1307] {strides = array<i32>} : memref<80x80xf32, #tpu.memory_space<vmem>>, vector<16xf32>,
      tpu.vector_store %arg24[%parallel_loop3A_1306, %parallel_loop3A_1307], %parallel_loop3A_1305 {strides = array<i32>} : memref<80x80xf32, #tpu.memory_space<vmem>>, vector<16xf32>,
    } {sc.loop_unroll_factor = 1 : i64, sc.parallel_access}
    %get3A_584 = arith.constant 0 : i32
    %get3A_585 = arith.index_cast %get3A_584 : i32 to index
    %get3A_586 = arith.constant 0 : index
    %get3A_587 = tpu.vector_load %arg12[%get3A_585, %get3A_586] {strides = array<i32>} : memref<1x80xi32, #tpu.memory_space<vmem>>, vector<16xi32>,
    %swap3A_588 = arith.constant 0 : i32
    %swap3A_589 = arith.index_cast %swap3A_588 : i32 to index
    %swap3A_590 = arith.constant 0 : index
    %swap3A_591 = tpu.vector_load %arg16[%swap3A_589, %swap3A_590] {strides = array<i32>} : memref<1x80xi32, #tpu.memory_space<vmem>>, vector<16xi32>,
    tpu.vector_store %arg16[%swap3A_589, %swap3A_590], %get3A_587 {strides = array<i32>} : memref<1x80xi32, #tpu.memory_space<vmem>>, vector<16xi32>,
    %get3A_592 = arith.constant 0 : i32
    %get3A_593 = arith.index_cast %get3A_592 : i32 to index
    %get3A_594 = arith.constant 16 : index
    %get3A_595 = tpu.vector_load %arg12[%get3A_593, %get3A_594] {strides = array<i32>} : memref<1x80xi32, #tpu.memory_space<vmem>>, vector<16xi32>,
    %swap3A_596 = arith.constant 0 : i32
    %swap3A_597 = arith.index_cast %swap3A_596 : i32 to index
    %swap3A_598 = arith.constant 16 : index
    %swap3A_599 = tpu.vector_load %arg16[%swap3A_597, %swap3A_598] {strides = array<i32>} : memref<1x80xi32, #tpu.memory_space<vmem>>, vector<16xi32>,
    tpu.vector_store %arg16[%swap3A_597, %swap3A_598], %get3A_595 {strides = array<i32>} : memref<1x80xi32, #tpu.memory_space<vmem>>, vector<16xi32>,
    %get3A_600 = arith.constant 0 : i32
    %get3A_601 = arith.index_cast %get3A_600 : i32 to index
    %get3A_602 = arith.constant 32 : index
    %get3A_603 = tpu.vector_load %arg12[%get3A_601, %get3A_602] {strides = array<i32>} : memref<1x80xi32, #tpu.memory_space<vmem>>, vector<16xi32>,
    %swap3A_604 = arith.constant 0 : i32
    %swap3A_605 = arith.index_cast %swap3A_604 : i32 to index
    %swap3A_606 = arith.constant 32 : index
    %swap3A_607 = tpu.vector_load %arg16[%swap3A_605, %swap3A_606] {strides = array<i32>} : memref<1x80xi32, #tpu.memory_space<vmem>>, vector<16xi32>,
    tpu.vector_store %arg16[%swap3A_605, %swap3A_606], %get3A_603 {strides = array<i32>} : memref<1x80xi32, #tpu.memory_space<vmem>>, vector<16xi32>,
    %get3A_608 = arith.constant 0 : i32
    %get3A_609 = arith.index_cast %get3A_608 : i32 to index
    %get3A_610 = arith.constant 48 : index
    %get3A_611 = tpu.vector_load %arg12[%get3A_609, %get3A_610] {strides = array<i32>} : memref<1x80xi32, #tpu.memory_space<vmem>>, vector<16xi32>,
    %swap3A_612 = arith.constant 0 : i32
    %swap3A_613 = arith.index_cast %swap3A_612 : i32 to index
    %swap3A_614 = arith.constant 48 : index
    %swap3A_615 = tpu.vector_load %arg16[%swap3A_613, %swap3A_614] {strides = array<i32>} : memref<1x80xi32, #tpu.memory_space<vmem>>, vector<16xi32>,
    tpu.vector_store %arg16[%swap3A_613, %swap3A_614], %get3A_611 {strides = array<i32>} : memref<1x80xi32, #tpu.memory_space<vmem>>, vector<16xi32>,
    %get3A_616 = arith.constant 0 : i32
    %get3A_617 = arith.index_cast %get3A_616 : i32 to index
    %get3A_618 = arith.constant 64 : index
    %get3A_619 = tpu.vector_load %arg12[%get3A_617, %get3A_618] {strides = array<i32>} : memref<1x80xi32, #tpu.memory_space<vmem>>, vector<16xi32>,
    %swap3A_620 = arith.constant 0 : i32
    %swap3A_621 = arith.index_cast %swap3A_620 : i32 to index
    %swap3A_622 = arith.constant 64 : index
    %swap3A_623 = tpu.vector_load %arg16[%swap3A_621, %swap3A_622] {strides = array<i32>} : memref<1x80xi32, #tpu.memory_space<vmem>>, vector<16xi32>,
    tpu.vector_store %arg16[%swap3A_621, %swap3A_622], %get3A_619 {strides = array<i32>} : memref<1x80xi32, #tpu.memory_space<vmem>>, vector<16xi32>,
    %dma_start3A_624 = arith.constant 0 : i32
    %dma_start3A_625 = arith.constant 0 : i32
    %dma_start3A_626 = tpu.memref_slice %arg16[%dma_start3A_624, %dma_start3A_625] : memref<1x80xi32, #tpu.memory_space<vmem>> -> memref<1x80xi32, #tpu.memory_space<vmem>>
    %dma_start3A_627 = tpu.memref_squeeze %dma_start3A_626 : memref<1x80xi32, #tpu.memory_space<vmem>> -> memref<80xi32, #tpu.memory_space<vmem>>
    %dma_start3A_628 = arith.constant 0 : i32
    %dma_start3A_629 = arith.constant 0 : i32
    %dma_start3A_630 = tpu.memref_slice %arg28[%dma_start3A_628, %dma_start3A_629] : memref<10000x80xf32, #tpu.memory_space<vmem_shared>> -> memref<10000x80xf32, #tpu.memory_space<vmem_shared>>
    tpu.enqueue_indirect_dma source(%arg24 : memref<80x80xf32, #tpu.memory_space<vmem>>) target(%dma_start3A_630 : memref<10000x80xf32, #tpu.memory_space<vmem_shared>>) offsets(%dma_start3A_627 : memref<80xi32, #tpu.memory_space<vmem>>) semaphore(%arg33 : memref<!tpu.dma_semaphore, #tpu.memory_space<semaphore_mem>>) {add = true}
    %dma_wait3A_631 = arith.constant 0 : i32
    %dma_wait3A_632 = tpu.memref_slice %arg4[%dma_wait3A_631] : memref<320000xi32, #tpu.memory_space<hbm>> -> memref<80xi32, #tpu.memory_space<hbm>>
    %dma_wait3A_633 = arith.constant 0 : i32
    %dma_wait3A_634 = tpu.memref_slice %arg4[%dma_wait3A_633] : memref<320000xi32, #tpu.memory_space<hbm>> -> memref<80xi32, #tpu.memory_space<hbm>>
    tpu.wait_dma2 semaphore(%arg35 : memref<!tpu.dma_semaphore, #tpu.memory_space<semaphore_mem>>) src(%dma_wait3A_634 : memref<80xi32, #tpu.memory_space<hbm>>) dst(%arg8 : memref<80xi32, #tpu.memory_space<vmem>>)
    %dma_wait3A_635 = arith.constant 0 : i32
    %dma_wait3A_636 = tpu.memref_slice %arg5[%dma_wait3A_635] : memref<320000xi32, #tpu.memory_space<hbm>> -> memref<80xi32, #tpu.memory_space<hbm>>
    %dma_wait3A_637 = arith.constant 0 : i32
    %dma_wait3A_638 = tpu.memref_slice %arg5[%dma_wait3A_637] : memref<320000xi32, #tpu.memory_space<hbm>> -> memref<80xi32, #tpu.memory_space<hbm>>
    tpu.wait_dma2 semaphore(%arg35 : memref<!tpu.dma_semaphore, #tpu.memory_space<semaphore_mem>>) src(%dma_wait3A_638 : memref<80xi32, #tpu.memory_space<hbm>>) dst(%arg10 : memref<80xi32, #tpu.memory_space<vmem>>)
    %get3A_639 = arith.constant 0 : index
    %get3A_640 = tpu.vector_load %arg8[%get3A_639] {strides = array<i32>} : memref<80xi32, #tpu.memory_space<vmem>>, vector<16xi32>,
    %swap3A_641 = arith.constant 0 : i32
    %swap3A_642 = arith.index_cast %swap3A_641 : i32 to index
    %swap3A_643 = arith.constant 0 : index
    %swap3A_644 = tpu.vector_load %arg12[%swap3A_642, %swap3A_643] {strides = array<i32>} : memref<1x80xi32, #tpu.memory_space<vmem>>, vector<16xi32>,
    tpu.vector_store %arg12[%swap3A_642, %swap3A_643], %get3A_640 {strides = array<i32>} : memref<1x80xi32, #tpu.memory_space<vmem>>, vector<16xi32>,
    %get3A_645 = arith.constant 0 : index
    %get3A_646 = tpu.vector_load %arg10[%get3A_645] {strides = array<i32>} : memref<80xi32, #tpu.memory_space<vmem>>, vector<16xi32>,
    %add3A_647 = vector.broadcast %mul3A_0 : i32 to vector<16xi32>
    %add3A_648 = arith.addi %get3A_646, %add3A_647 : vector<16xi32>
    %swap3A_649 = arith.constant 0 : i32
    %swap3A_650 = arith.index_cast %swap3A_649 : i32 to index
    %swap3A_651 = arith.constant 0 : index
    %swap3A_652 = tpu.vector_load %arg18[%swap3A_650, %swap3A_651] {strides = array<i32>} : memref<1x80xi32, #tpu.memory_space<vmem>>, vector<16xi32>,
    tpu.vector_store %arg18[%swap3A_650, %swap3A_651], %add3A_648 {strides = array<i32>} : memref<1x80xi32, #tpu.memory_space<vmem>>, vector<16xi32>,
    %get3A_653 = arith.constant 16 : index
    %get3A_654 = tpu.vector_load %arg8[%get3A_653] {strides = array<i32>} : memref<80xi32, #tpu.memory_space<vmem>>, vector<16xi32>,
    %swap3A_655 = arith.constant 0 : i32
    %swap3A_656 = arith.index_cast %swap3A_655 : i32 to index
    %swap3A_657 = arith.constant 16 : index
    %swap3A_658 = tpu.vector_load %arg12[%swap3A_656, %swap3A_657] {strides = array<i32>} : memref<1x80xi32, #tpu.memory_space<vmem>>, vector<16xi32>,
    tpu.vector_store %arg12[%swap3A_656, %swap3A_657], %get3A_654 {strides = array<i32>} : memref<1x80xi32, #tpu.memory_space<vmem>>, vector<16xi32>,
    %get3A_659 = arith.constant 16 : index
    %get3A_660 = tpu.vector_load %arg10[%get3A_659] {strides = array<i32>} : memref<80xi32, #tpu.memory_space<vmem>>, vector<16xi32>,
    %add3A_661 = vector.broadcast %mul3A_0 : i32 to vector<16xi32>
    %add3A_662 = arith.addi %get3A_660, %add3A_661 : vector<16xi32>
    %swap3A_663 = arith.constant 0 : i32
    %swap3A_664 = arith.index_cast %swap3A_663 : i32 to index
    %swap3A_665 = arith.constant 16 : index
    %swap3A_666 = tpu.vector_load %arg18[%swap3A_664, %swap3A_665] {strides = array<i32>} : memref<1x80xi32, #tpu.memory_space<vmem>>, vector<16xi32>,
    tpu.vector_store %arg18[%swap3A_664, %swap3A_665], %add3A_662 {strides = array<i32>} : memref<1x80xi32, #tpu.memory_space<vmem>>, vector<16xi32>,
    %get3A_667 = arith.constant 32 : index
    %get3A_668 = tpu.vector_load %arg8[%get3A_667] {strides = array<i32>} : memref<80xi32, #tpu.memory_space<vmem>>, vector<16xi32>,
    %swap3A_669 = arith.constant 0 : i32
    %swap3A_670 = arith.index_cast %swap3A_669 : i32 to index
    %swap3A_671 = arith.constant 32 : index
    %swap3A_672 = tpu.vector_load %arg12[%swap3A_670, %swap3A_671] {strides = array<i32>} : memref<1x80xi32, #tpu.memory_space<vmem>>, vector<16xi32>,
    tpu.vector_store %arg12[%swap3A_670, %swap3A_671], %get3A_668 {strides = array<i32>} : memref<1x80xi32, #tpu.memory_space<vmem>>, vector<16xi32>,
    %get3A_673 = arith.constant 32 : index
    %get3A_674 = tpu.vector_load %arg10[%get3A_673] {strides = array<i32>} : memref<80xi32, #tpu.memory_space<vmem>>, vector<16xi32>,
    %add3A_675 = vector.broadcast %mul3A_0 : i32 to vector<16xi32>
    %add3A_676 = arith.addi %get3A_674, %add3A_675 : vector<16xi32>
    %swap3A_677 = arith.constant 0 : i32
    %swap3A_678 = arith.index_cast %swap3A_677 : i32 to index
    %swap3A_679 = arith.constant 32 : index
    %swap3A_680 = tpu.vector_load %arg18[%swap3A_678, %swap3A_679] {strides = array<i32>} : memref<1x80xi32, #tpu.memory_space<vmem>>, vector<16xi32>,
    tpu.vector_store %arg18[%swap3A_678, %swap3A_679], %add3A_676 {strides = array<i32>} : memref<1x80xi32, #tpu.memory_space<vmem>>, vector<16xi32>,
    %get3A_681 = arith.constant 48 : index
    %get3A_682 = tpu.vector_load %arg8[%get3A_681] {strides = array<i32>} : memref<80xi32, #tpu.memory_space<vmem>>, vector<16xi32>,
    %swap3A_683 = arith.constant 0 : i32
    %swap3A_684 = arith.index_cast %swap3A_683 : i32 to index
    %swap3A_685 = arith.constant 48 : index
    %swap3A_686 = tpu.vector_load %arg12[%swap3A_684, %swap3A_685] {strides = array<i32>} : memref<1x80xi32, #tpu.memory_space<vmem>>, vector<16xi32>,
    tpu.vector_store %arg12[%swap3A_684, %swap3A_685], %get3A_682 {strides = array<i32>} : memref<1x80xi32, #tpu.memory_space<vmem>>, vector<16xi32>,
    %get3A_687 = arith.constant 48 : index
    %get3A_688 = tpu.vector_load %arg10[%get3A_687] {strides = array<i32>} : memref<80xi32, #tpu.memory_space<vmem>>, vector<16xi32>,
    %add3A_689 = vector.broadcast %mul3A_0 : i32 to vector<16xi32>
    %add3A_690 = arith.addi %get3A_688, %add3A_689 : vector<16xi32>
    %swap3A_691 = arith.constant 0 : i32
    %swap3A_692 = arith.index_cast %swap3A_691 : i32 to index
    %swap3A_693 = arith.constant 48 : index
    %swap3A_694 = tpu.vector_load %arg18[%swap3A_692, %swap3A_693] {strides = array<i32>} : memref<1x80xi32, #tpu.memory_space<vmem>>, vector<16xi32>,
    tpu.vector_store %arg18[%swap3A_692, %swap3A_693], %add3A_690 {strides = array<i32>} : memref<1x80xi32, #tpu.memory_space<vmem>>, vector<16xi32>,
    %get3A_695 = arith.constant 64 : index
    %get3A_696 = tpu.vector_load %arg8[%get3A_695] {strides = array<i32>} : memref<80xi32, #tpu.memory_space<vmem>>, vector<16xi32>,
    %swap3A_697 = arith.constant 0 : i32
    %swap3A_698 = arith.index_cast %swap3A_697 : i32 to index
    %swap3A_699 = arith.constant 64 : index
    %swap3A_700 = tpu.vector_load %arg12[%swap3A_698, %swap3A_699] {strides = array<i32>} : memref<1x80xi32, #tpu.memory_space<vmem>>, vector<16xi32>,
    tpu.vector_store %arg12[%swap3A_698, %swap3A_699], %get3A_696 {strides = array<i32>} : memref<1x80xi32, #tpu.memory_space<vmem>>, vector<16xi32>,
    %get3A_701 = arith.constant 64 : index
    %get3A_702 = tpu.vector_load %arg10[%get3A_701] {strides = array<i32>} : memref<80xi32, #tpu.memory_space<vmem>>, vector<16xi32>,
    %add3A_703 = vector.broadcast %mul3A_0 : i32 to vector<16xi32>
    %add3A_704 = arith.addi %get3A_702, %add3A_703 : vector<16xi32>
    %swap3A_705 = arith.constant 0 : i32
    %swap3A_706 = arith.index_cast %swap3A_705 : i32 to index
    %swap3A_707 = arith.constant 64 : index
    %swap3A_708 = tpu.vector_load %arg18[%swap3A_706, %swap3A_707] {strides = array<i32>} : memref<1x80xi32, #tpu.memory_space<vmem>>, vector<16xi32>,
    tpu.vector_store %arg18[%swap3A_706, %swap3A_707], %add3A_704 {strides = array<i32>} : memref<1x80xi32, #tpu.memory_space<vmem>>, vector<16xi32>,
    %dma_start3A_709 = arith.constant 0 : i32
    %dma_start3A_710 = arith.constant 0 : i32
    %dma_start3A_711 = tpu.memref_slice %arg18[%dma_start3A_709, %dma_start3A_710] : memref<1x80xi32, #tpu.memory_space<vmem>> -> memref<1x80xi32, #tpu.memory_space<vmem>>
    %dma_start3A_712 = tpu.memref_squeeze %dma_start3A_711 : memref<1x80xi32, #tpu.memory_space<vmem>> -> memref<80xi32, #tpu.memory_space<vmem>>
    %dma_start3A_713 = arith.constant 0 : i32
    %dma_start3A_714 = arith.constant 0 : i32
    %dma_start3A_715 = tpu.memref_slice %arg2[%dma_start3A_713, %dma_start3A_714] : memref<20000x80xf32, #tpu.memory_space<hbm>> -> memref<20000x80xf32, #tpu.memory_space<hbm>>
    tpu.enqueue_indirect_dma source(%dma_start3A_715 : memref<20000x80xf32, #tpu.memory_space<hbm>>) target(%arg20 : memref<80x80xf32, #tpu.memory_space<vmem>>) offsets(%dma_start3A_712 : memref<80xi32, #tpu.memory_space<vmem>>) semaphore(%arg29 : memref<!tpu.dma_semaphore, #tpu.memory_space<semaphore_mem>>)
    %min3A_716 = arith.constant 3999 : i32
    %min3A_717 = arith.minsi %add3A_571, %min3A_716 : i32
    %mul3A_718 = arith.constant 80 : i32
    %mul3A_719 = arith.muli %min3A_717, %mul3A_718 : i32
    %dma_start3A_720 = tpu.memref_slice %arg4[%mul3A_719] : memref<320000xi32, #tpu.memory_space<hbm>> -> memref<80xi32, #tpu.memory_space<hbm>>
    %dma_start3A_721 = tpu.memref_slice %arg4[%mul3A_719] : memref<320000xi32, #tpu.memory_space<hbm>> -> memref<80xi32, #tpu.memory_space<hbm>>
    tpu.enqueue_dma source(%dma_start3A_721 : memref<80xi32, #tpu.memory_space<hbm>>) target(%arg8 : memref<80xi32, #tpu.memory_space<vmem>>) target_semaphore(%arg35 : memref<!tpu.dma_semaphore, #tpu.memory_space<semaphore_mem>>)
    %dma_start3A_722 = tpu.memref_slice %arg5[%mul3A_719] : memref<320000xi32, #tpu.memory_space<hbm>> -> memref<80xi32, #tpu.memory_space<hbm>>
    %dma_start3A_723 = tpu.memref_slice %arg5[%mul3A_719] : memref<320000xi32, #tpu.memory_space<hbm>> -> memref<80xi32, #tpu.memory_space<hbm>>
    tpu.enqueue_dma source(%dma_start3A_723 : memref<80xi32, #tpu.memory_space<hbm>>) target(%arg10 : memref<80xi32, #tpu.memory_space<vmem>>) target_semaphore(%arg35 : memref<!tpu.dma_semaphore, #tpu.memory_space<semaphore_mem>>)
    %add3A_724 = arith.constant 3 : i32
    %add3A_725 = arith.addi %select_n3A, %add3A_724 : i32
    %add3A_726 = arith.constant 4 : i32
    %add3A_727 = arith.addi %add3A_725, %add3A_726 : i32
    %dma_wait3A_728 = arith.constant 0 : i32
    %dma_wait3A_729 = arith.constant 0 : i32
    %dma_wait3A_730 = tpu.memref_slice %arg2[%dma_wait3A_728, %dma_wait3A_729] : memref<20000x80xf32, #tpu.memory_space<hbm>> -> memref<80x80xf32, #tpu.memory_space<hbm>>
    %dma_wait3A_731 = arith.constant 0 : i32
    %dma_wait3A_732 = arith.constant 0 : i32
    %dma_wait3A_733 = tpu.memref_slice %arg2[%dma_wait3A_731, %dma_wait3A_732] : memref<20000x80xf32, #tpu.memory_space<hbm>> -> memref<80x80xf32, #tpu.memory_space<hbm>>
    tpu.wait_dma2 semaphore(%arg30 : memref<!tpu.dma_semaphore, #tpu.memory_space<semaphore_mem>>) src(%dma_wait3A_733 : memref<80x80xf32, #tpu.memory_space<hbm>>) dst(%arg21 : memref<80x80xf32, #tpu.memory_space<vmem>>)
    %parallel_loop3A_734 = arith.constant 0 : i32
    %parallel_loop3A_735 = arith.constant 5 : i32
    %parallel_loop3A_736 = arith.constant 1 : i32
    scf.for %parallel_loop3A_1269 = %parallel_loop3A_734 to %parallel_loop3A_735 step %parallel_loop3A_736  : i32 {
      %parallel_loop3A_1270 = arith.constant 16 : i32
      %parallel_loop3A_1271 = arith.muli %parallel_loop3A_1269, %parallel_loop3A_1270 : i32
      %parallel_loop3A_1272 = arith.constant 0 : i32
      %parallel_loop3A_1273 = arith.index_cast %parallel_loop3A_1272 : i32 to index
      %parallel_loop3A_1274 = arith.index_cast %parallel_loop3A_1271 : i32 to index
      %parallel_loop3A_1275 = tpu.vector_load %arg13[%parallel_loop3A_1273, %parallel_loop3A_1274] {strides = array<i32>} : memref<1x80xi32, #tpu.memory_space<vmem>>, vector<16xi32>,
      %parallel_loop3A_1276 = arith.constant 16 : i32
      %parallel_loop3A_1277 = arith.muli %parallel_loop3A_1269, %parallel_loop3A_1276 : i32
      %parallel_loop3A_1278 = vector.broadcast %parallel_loop3A_1277 : i32 to vector<16xi32>
      %parallel_loop3A_1279 = arith.addi %parallel_loop3A_1278, %iota3A : vector<16xi32>
      %parallel_loop3A_1280 = tpu.vector_load_idx %arg21[%parallel_loop3A_1279, %broadcast_in_dim3A_3] : memref<80x80xf32, #tpu.memory_space<vmem>>[vector<16xi32>, vector<16xi32>], vector<16xf32>,
      %parallel_loop3A_1281 = tpu.vector_load_idx %arg21[%parallel_loop3A_1279, %broadcast_in_dim3A_5] : memref<80x80xf32, #tpu.memory_space<vmem>>[vector<16xi32>, vector<16xi32>], vector<16xf32>,
      %parallel_loop3A_1282 = arith.constant 2 : i32
      %parallel_loop3A_1283 = vector.broadcast %parallel_loop3A_1282 : i32 to vector<16xi32>
      %parallel_loop3A_1284 = arith.muli %parallel_loop3A_1275, %parallel_loop3A_1283 : vector<16xi32>
      %parallel_loop3A_1285 = tpu.vector_load_idx %arg7[%parallel_loop3A_1284] : memref<20000xf32, #tpu.memory_space<vmem>>[vector<16xi32>], vector<16xf32>,
      %parallel_loop3A_1286 = arith.constant 1 : i32
      %parallel_loop3A_1287 = vector.broadcast %parallel_loop3A_1286 : i32 to vector<16xi32>
      %parallel_loop3A_1288 = arith.addi %parallel_loop3A_1284, %parallel_loop3A_1287 : vector<16xi32>
      %parallel_loop3A_1289 = tpu.vector_load_idx %arg7[%parallel_loop3A_1288] : memref<20000xf32, #tpu.memory_space<vmem>>[vector<16xi32>], vector<16xf32>,
      %parallel_loop3A_1290 = arith.addf %parallel_loop3A_1285, %parallel_loop3A_1280 : vector<16xf32>
      %parallel_loop3A_1291 = arith.addf %parallel_loop3A_1289, %parallel_loop3A_1281 : vector<16xf32>
      %parallel_loop3A_1292 = arith.constant 2.000000e-01 : f32
      %parallel_loop3A_1293 = vector.broadcast %parallel_loop3A_1292 : f32 to vector<16xf32>
      %parallel_loop3A_1294 = arith.mulf %parallel_loop3A_1290, %parallel_loop3A_1293 : vector<16xf32>
      %parallel_loop3A_1295 = arith.maximumf %parallel_loop3A_1290, %parallel_loop3A_1294 : vector<16xf32>
      %parallel_loop3A_1296 = math.exp %parallel_loop3A_1295 : vector<16xf32>
      %parallel_loop3A_1297 = arith.constant 2.000000e-01 : f32
      %parallel_loop3A_1298 = vector.broadcast %parallel_loop3A_1297 : f32 to vector<16xf32>
      %parallel_loop3A_1299 = arith.mulf %parallel_loop3A_1291, %parallel_loop3A_1298 : vector<16xf32>
      %parallel_loop3A_1300 = arith.maximumf %parallel_loop3A_1291, %parallel_loop3A_1299 : vector<16xf32>
      %parallel_loop3A_1301 = math.exp %parallel_loop3A_1300 : vector<16xf32>
      tpu.vector_store_idx %arg25[%parallel_loop3A_1279, %broadcast_in_dim3A_3], %parallel_loop3A_1296 : memref<80x80xf32, #tpu.memory_space<vmem>>[vector<16xi32>, vector<16xi32>], vector<16xf32>,
      tpu.vector_store_idx %arg25[%parallel_loop3A_1279, %broadcast_in_dim3A_5], %parallel_loop3A_1301 : memref<80x80xf32, #tpu.memory_space<vmem>>[vector<16xi32>, vector<16xi32>], vector<16xf32>,
    } {sc.loop_unroll_factor = 1 : i64, sc.parallel_access}
    %parallel_loop3A_737 = arith.constant 0 : i32
    %parallel_loop3A_738 = arith.constant 80 : i32
    %parallel_loop3A_739 = arith.constant 1 : i32
    scf.for %parallel_loop3A_1269 = %parallel_loop3A_737 to %parallel_loop3A_738 step %parallel_loop3A_739  : i32 {
      %parallel_loop3A_1270 = arith.index_cast %parallel_loop3A_1269 : i32 to index
      %parallel_loop3A_1271 = arith.constant 64 : index
      %parallel_loop3A_1272 = tpu.vector_load %arg25[%parallel_loop3A_1270, %parallel_loop3A_1271] {strides = array<i32>} : memref<80x80xf32, #tpu.memory_space<vmem>>, vector<16xf32>,
      %parallel_loop3A_1273 = vector.extract_strided_slice %parallel_loop3A_1272 {offsets = [0], sizes = [1], strides = [1]} : vector<16xf32> to vector<1xf32>
      %parallel_loop3A_1274 = vector.extract %parallel_loop3A_1273[0] : f32 from vector<1xf32>
      %parallel_loop3A_1275 = vector.extract_strided_slice %parallel_loop3A_1272 {offsets = [1], sizes = [1], strides = [1]} : vector<16xf32> to vector<1xf32>
      %parallel_loop3A_1276 = vector.extract %parallel_loop3A_1275[0] : f32 from vector<1xf32>
      %parallel_loop3A_1277 = arith.index_cast %parallel_loop3A_1269 : i32 to index
      %parallel_loop3A_1278 = arith.constant 0 : index
      %parallel_loop3A_1279 = tpu.vector_load %arg21[%parallel_loop3A_1277, %parallel_loop3A_1278] {strides = array<i32>} : memref<80x80xf32, #tpu.memory_space<vmem>>, vector<16xf32>,
      %parallel_loop3A_1280 = vector.broadcast %parallel_loop3A_1274 : f32 to vector<16xf32>
      %parallel_loop3A_1281 = arith.mulf %parallel_loop3A_1279, %parallel_loop3A_1280 : vector<16xf32>
      %parallel_loop3A_1282 = arith.index_cast %parallel_loop3A_1269 : i32 to index
      %parallel_loop3A_1283 = arith.constant 0 : index
      %parallel_loop3A_1284 = tpu.vector_load %arg25[%parallel_loop3A_1282, %parallel_loop3A_1283] {strides = array<i32>} : memref<80x80xf32, #tpu.memory_space<vmem>>, vector<16xf32>,
      tpu.vector_store %arg25[%parallel_loop3A_1282, %parallel_loop3A_1283], %parallel_loop3A_1281 {strides = array<i32>} : memref<80x80xf32, #tpu.memory_space<vmem>>, vector<16xf32>,
      %parallel_loop3A_1285 = arith.index_cast %parallel_loop3A_1269 : i32 to index
      %parallel_loop3A_1286 = arith.constant 16 : index
      %parallel_loop3A_1287 = tpu.vector_load %arg21[%parallel_loop3A_1285, %parallel_loop3A_1286] {strides = array<i32>} : memref<80x80xf32, #tpu.memory_space<vmem>>, vector<16xf32>,
      %parallel_loop3A_1288 = vector.broadcast %parallel_loop3A_1274 : f32 to vector<16xf32>
      %parallel_loop3A_1289 = arith.mulf %parallel_loop3A_1287, %parallel_loop3A_1288 : vector<16xf32>
      %parallel_loop3A_1290 = arith.index_cast %parallel_loop3A_1269 : i32 to index
      %parallel_loop3A_1291 = arith.constant 16 : index
      %parallel_loop3A_1292 = tpu.vector_load %arg25[%parallel_loop3A_1290, %parallel_loop3A_1291] {strides = array<i32>} : memref<80x80xf32, #tpu.memory_space<vmem>>, vector<16xf32>,
      tpu.vector_store %arg25[%parallel_loop3A_1290, %parallel_loop3A_1291], %parallel_loop3A_1289 {strides = array<i32>} : memref<80x80xf32, #tpu.memory_space<vmem>>, vector<16xf32>,
      %parallel_loop3A_1293 = arith.index_cast %parallel_loop3A_1269 : i32 to index
      %parallel_loop3A_1294 = arith.constant 32 : index
      %parallel_loop3A_1295 = tpu.vector_load %arg21[%parallel_loop3A_1293, %parallel_loop3A_1294] {strides = array<i32>} : memref<80x80xf32, #tpu.memory_space<vmem>>, vector<16xf32>,
      %parallel_loop3A_1296 = vector.broadcast %parallel_loop3A_1276 : f32 to vector<16xf32>
      %parallel_loop3A_1297 = arith.mulf %parallel_loop3A_1295, %parallel_loop3A_1296 : vector<16xf32>
      %parallel_loop3A_1298 = arith.index_cast %parallel_loop3A_1269 : i32 to index
      %parallel_loop3A_1299 = arith.constant 32 : index
      %parallel_loop3A_1300 = tpu.vector_load %arg25[%parallel_loop3A_1298, %parallel_loop3A_1299] {strides = array<i32>} : memref<80x80xf32, #tpu.memory_space<vmem>>, vector<16xf32>,
      tpu.vector_store %arg25[%parallel_loop3A_1298, %parallel_loop3A_1299], %parallel_loop3A_1297 {strides = array<i32>} : memref<80x80xf32, #tpu.memory_space<vmem>>, vector<16xf32>,
      %parallel_loop3A_1301 = arith.index_cast %parallel_loop3A_1269 : i32 to index
      %parallel_loop3A_1302 = arith.constant 48 : index
      %parallel_loop3A_1303 = tpu.vector_load %arg21[%parallel_loop3A_1301, %parallel_loop3A_1302] {strides = array<i32>} : memref<80x80xf32, #tpu.memory_space<vmem>>, vector<16xf32>,
      %parallel_loop3A_1304 = vector.broadcast %parallel_loop3A_1276 : f32 to vector<16xf32>
      %parallel_loop3A_1305 = arith.mulf %parallel_loop3A_1303, %parallel_loop3A_1304 : vector<16xf32>
      %parallel_loop3A_1306 = arith.index_cast %parallel_loop3A_1269 : i32 to index
      %parallel_loop3A_1307 = arith.constant 48 : index
      %parallel_loop3A_1308 = tpu.vector_load %arg25[%parallel_loop3A_1306, %parallel_loop3A_1307] {strides = array<i32>} : memref<80x80xf32, #tpu.memory_space<vmem>>, vector<16xf32>,
      tpu.vector_store %arg25[%parallel_loop3A_1306, %parallel_loop3A_1307], %parallel_loop3A_1305 {strides = array<i32>} : memref<80x80xf32, #tpu.memory_space<vmem>>, vector<16xf32>,
    } {sc.loop_unroll_factor = 1 : i64, sc.parallel_access}
    %get3A_740 = arith.constant 0 : i32
    %get3A_741 = arith.index_cast %get3A_740 : i32 to index
    %get3A_742 = arith.constant 0 : index
    %get3A_743 = tpu.vector_load %arg13[%get3A_741, %get3A_742] {strides = array<i32>} : memref<1x80xi32, #tpu.memory_space<vmem>>, vector<16xi32>,
    %swap3A_744 = arith.constant 0 : i32
    %swap3A_745 = arith.index_cast %swap3A_744 : i32 to index
    %swap3A_746 = arith.constant 0 : index
    %swap3A_747 = tpu.vector_load %arg17[%swap3A_745, %swap3A_746] {strides = array<i32>} : memref<1x80xi32, #tpu.memory_space<vmem>>, vector<16xi32>,
    tpu.vector_store %arg17[%swap3A_745, %swap3A_746], %get3A_743 {strides = array<i32>} : memref<1x80xi32, #tpu.memory_space<vmem>>, vector<16xi32>,
    %get3A_748 = arith.constant 0 : i32
    %get3A_749 = arith.index_cast %get3A_748 : i32 to index
    %get3A_750 = arith.constant 16 : index
    %get3A_751 = tpu.vector_load %arg13[%get3A_749, %get3A_750] {strides = array<i32>} : memref<1x80xi32, #tpu.memory_space<vmem>>, vector<16xi32>,
    %swap3A_752 = arith.constant 0 : i32
    %swap3A_753 = arith.index_cast %swap3A_752 : i32 to index
    %swap3A_754 = arith.constant 16 : index
    %swap3A_755 = tpu.vector_load %arg17[%swap3A_753, %swap3A_754] {strides = array<i32>} : memref<1x80xi32, #tpu.memory_space<vmem>>, vector<16xi32>,
    tpu.vector_store %arg17[%swap3A_753, %swap3A_754], %get3A_751 {strides = array<i32>} : memref<1x80xi32, #tpu.memory_space<vmem>>, vector<16xi32>,
    %get3A_756 = arith.constant 0 : i32
    %get3A_757 = arith.index_cast %get3A_756 : i32 to index
    %get3A_758 = arith.constant 32 : index
    %get3A_759 = tpu.vector_load %arg13[%get3A_757, %get3A_758] {strides = array<i32>} : memref<1x80xi32, #tpu.memory_space<vmem>>, vector<16xi32>,
    %swap3A_760 = arith.constant 0 : i32
    %swap3A_761 = arith.index_cast %swap3A_760 : i32 to index
    %swap3A_762 = arith.constant 32 : index
    %swap3A_763 = tpu.vector_load %arg17[%swap3A_761, %swap3A_762] {strides = array<i32>} : memref<1x80xi32, #tpu.memory_space<vmem>>, vector<16xi32>,
    tpu.vector_store %arg17[%swap3A_761, %swap3A_762], %get3A_759 {strides = array<i32>} : memref<1x80xi32, #tpu.memory_space<vmem>>, vector<16xi32>,
    %get3A_764 = arith.constant 0 : i32
    %get3A_765 = arith.index_cast %get3A_764 : i32 to index
    %get3A_766 = arith.constant 48 : index
    %get3A_767 = tpu.vector_load %arg13[%get3A_765, %get3A_766] {strides = array<i32>} : memref<1x80xi32, #tpu.memory_space<vmem>>, vector<16xi32>,
    %swap3A_768 = arith.constant 0 : i32
    %swap3A_769 = arith.index_cast %swap3A_768 : i32 to index
    %swap3A_770 = arith.constant 48 : index
    %swap3A_771 = tpu.vector_load %arg17[%swap3A_769, %swap3A_770] {strides = array<i32>} : memref<1x80xi32, #tpu.memory_space<vmem>>, vector<16xi32>,
    tpu.vector_store %arg17[%swap3A_769, %swap3A_770], %get3A_767 {strides = array<i32>} : memref<1x80xi32, #tpu.memory_space<vmem>>, vector<16xi32>,
    %get3A_772 = arith.constant 0 : i32
    %get3A_773 = arith.index_cast %get3A_772 : i32 to index
    %get3A_774 = arith.constant 64 : index
    %get3A_775 = tpu.vector_load %arg13[%get3A_773, %get3A_774] {strides = array<i32>} : memref<1x80xi32, #tpu.memory_space<vmem>>, vector<16xi32>,
    %swap3A_776 = arith.constant 0 : i32
    %swap3A_777 = arith.index_cast %swap3A_776 : i32 to index
    %swap3A_778 = arith.constant 64 : index
    %swap3A_779 = tpu.vector_load %arg17[%swap3A_777, %swap3A_778] {strides = array<i32>} : memref<1x80xi32, #tpu.memory_space<vmem>>, vector<16xi32>,
    tpu.vector_store %arg17[%swap3A_777, %swap3A_778], %get3A_775 {strides = array<i32>} : memref<1x80xi32, #tpu.memory_space<vmem>>, vector<16xi32>,
    %dma_start3A_780 = arith.constant 0 : i32
    %dma_start3A_781 = arith.constant 0 : i32
    %dma_start3A_782 = tpu.memref_slice %arg17[%dma_start3A_780, %dma_start3A_781] : memref<1x80xi32, #tpu.memory_space<vmem>> -> memref<1x80xi32, #tpu.memory_space<vmem>>
    %dma_start3A_783 = tpu.memref_squeeze %dma_start3A_782 : memref<1x80xi32, #tpu.memory_space<vmem>> -> memref<80xi32, #tpu.memory_space<vmem>>
    %dma_start3A_784 = arith.constant 0 : i32
    %dma_start3A_785 = arith.constant 0 : i32
    %dma_start3A_786 = tpu.memref_slice %arg28[%dma_start3A_784, %dma_start3A_785] : memref<10000x80xf32, #tpu.memory_space<vmem_shared>> -> memref<10000x80xf32, #tpu.memory_space<vmem_shared>>
    tpu.enqueue_indirect_dma source(%arg25 : memref<80x80xf32, #tpu.memory_space<vmem>>) target(%dma_start3A_786 : memref<10000x80xf32, #tpu.memory_space<vmem_shared>>) offsets(%dma_start3A_783 : memref<80xi32, #tpu.memory_space<vmem>>) semaphore(%arg34 : memref<!tpu.dma_semaphore, #tpu.memory_space<semaphore_mem>>) {add = true}
    %dma_wait3A_787 = arith.constant 0 : i32
    %dma_wait3A_788 = tpu.memref_slice %arg4[%dma_wait3A_787] : memref<320000xi32, #tpu.memory_space<hbm>> -> memref<80xi32, #tpu.memory_space<hbm>>
    %dma_wait3A_789 = arith.constant 0 : i32
    %dma_wait3A_790 = tpu.memref_slice %arg4[%dma_wait3A_789] : memref<320000xi32, #tpu.memory_space<hbm>> -> memref<80xi32, #tpu.memory_space<hbm>>
    tpu.wait_dma2 semaphore(%arg36 : memref<!tpu.dma_semaphore, #tpu.memory_space<semaphore_mem>>) src(%dma_wait3A_790 : memref<80xi32, #tpu.memory_space<hbm>>) dst(%arg9 : memref<80xi32, #tpu.memory_space<vmem>>)
    %dma_wait3A_791 = arith.constant 0 : i32
    %dma_wait3A_792 = tpu.memref_slice %arg5[%dma_wait3A_791] : memref<320000xi32, #tpu.memory_space<hbm>> -> memref<80xi32, #tpu.memory_space<hbm>>
    %dma_wait3A_793 = arith.constant 0 : i32
    %dma_wait3A_794 = tpu.memref_slice %arg5[%dma_wait3A_793] : memref<320000xi32, #tpu.memory_space<hbm>> -> memref<80xi32, #tpu.memory_space<hbm>>
    tpu.wait_dma2 semaphore(%arg36 : memref<!tpu.dma_semaphore, #tpu.memory_space<semaphore_mem>>) src(%dma_wait3A_794 : memref<80xi32, #tpu.memory_space<hbm>>) dst(%arg11 : memref<80xi32, #tpu.memory_space<vmem>>)
    %get3A_795 = arith.constant 0 : index
    %get3A_796 = tpu.vector_load %arg9[%get3A_795] {strides = array<i32>} : memref<80xi32, #tpu.memory_space<vmem>>, vector<16xi32>,
    %swap3A_797 = arith.constant 0 : i32
    %swap3A_798 = arith.index_cast %swap3A_797 : i32 to index
    %swap3A_799 = arith.constant 0 : index
    %swap3A_800 = tpu.vector_load %arg13[%swap3A_798, %swap3A_799] {strides = array<i32>} : memref<1x80xi32, #tpu.memory_space<vmem>>, vector<16xi32>,
    tpu.vector_store %arg13[%swap3A_798, %swap3A_799], %get3A_796 {strides = array<i32>} : memref<1x80xi32, #tpu.memory_space<vmem>>, vector<16xi32>,
    %get3A_801 = arith.constant 0 : index
    %get3A_802 = tpu.vector_load %arg11[%get3A_801] {strides = array<i32>} : memref<80xi32, #tpu.memory_space<vmem>>, vector<16xi32>,
    %add3A_803 = vector.broadcast %mul3A_0 : i32 to vector<16xi32>
    %add3A_804 = arith.addi %get3A_802, %add3A_803 : vector<16xi32>
    %swap3A_805 = arith.constant 0 : i32
    %swap3A_806 = arith.index_cast %swap3A_805 : i32 to index
    %swap3A_807 = arith.constant 0 : index
    %swap3A_808 = tpu.vector_load %arg19[%swap3A_806, %swap3A_807] {strides = array<i32>} : memref<1x80xi32, #tpu.memory_space<vmem>>, vector<16xi32>,
    tpu.vector_store %arg19[%swap3A_806, %swap3A_807], %add3A_804 {strides = array<i32>} : memref<1x80xi32, #tpu.memory_space<vmem>>, vector<16xi32>,
    %get3A_809 = arith.constant 16 : index
    %get3A_810 = tpu.vector_load %arg9[%get3A_809] {strides = array<i32>} : memref<80xi32, #tpu.memory_space<vmem>>, vector<16xi32>,
    %swap3A_811 = arith.constant 0 : i32
    %swap3A_812 = arith.index_cast %swap3A_811 : i32 to index
    %swap3A_813 = arith.constant 16 : index
    %swap3A_814 = tpu.vector_load %arg13[%swap3A_812, %swap3A_813] {strides = array<i32>} : memref<1x80xi32, #tpu.memory_space<vmem>>, vector<16xi32>,
    tpu.vector_store %arg13[%swap3A_812, %swap3A_813], %get3A_810 {strides = array<i32>} : memref<1x80xi32, #tpu.memory_space<vmem>>, vector<16xi32>,
    %get3A_815 = arith.constant 16 : index
    %get3A_816 = tpu.vector_load %arg11[%get3A_815] {strides = array<i32>} : memref<80xi32, #tpu.memory_space<vmem>>, vector<16xi32>,
    %add3A_817 = vector.broadcast %mul3A_0 : i32 to vector<16xi32>
    %add3A_818 = arith.addi %get3A_816, %add3A_817 : vector<16xi32>
    %swap3A_819 = arith.constant 0 : i32
    %swap3A_820 = arith.index_cast %swap3A_819 : i32 to index
    %swap3A_821 = arith.constant 16 : index
    %swap3A_822 = tpu.vector_load %arg19[%swap3A_820, %swap3A_821] {strides = array<i32>} : memref<1x80xi32, #tpu.memory_space<vmem>>, vector<16xi32>,
    tpu.vector_store %arg19[%swap3A_820, %swap3A_821], %add3A_818 {strides = array<i32>} : memref<1x80xi32, #tpu.memory_space<vmem>>, vector<16xi32>,
    %get3A_823 = arith.constant 32 : index
    %get3A_824 = tpu.vector_load %arg9[%get3A_823] {strides = array<i32>} : memref<80xi32, #tpu.memory_space<vmem>>, vector<16xi32>,
    %swap3A_825 = arith.constant 0 : i32
    %swap3A_826 = arith.index_cast %swap3A_825 : i32 to index
    %swap3A_827 = arith.constant 32 : index
    %swap3A_828 = tpu.vector_load %arg13[%swap3A_826, %swap3A_827] {strides = array<i32>} : memref<1x80xi32, #tpu.memory_space<vmem>>, vector<16xi32>,
    tpu.vector_store %arg13[%swap3A_826, %swap3A_827], %get3A_824 {strides = array<i32>} : memref<1x80xi32, #tpu.memory_space<vmem>>, vector<16xi32>,
    %get3A_829 = arith.constant 32 : index
    %get3A_830 = tpu.vector_load %arg11[%get3A_829] {strides = array<i32>} : memref<80xi32, #tpu.memory_space<vmem>>, vector<16xi32>,
    %add3A_831 = vector.broadcast %mul3A_0 : i32 to vector<16xi32>
    %add3A_832 = arith.addi %get3A_830, %add3A_831 : vector<16xi32>
    %swap3A_833 = arith.constant 0 : i32
    %swap3A_834 = arith.index_cast %swap3A_833 : i32 to index
    %swap3A_835 = arith.constant 32 : index
    %swap3A_836 = tpu.vector_load %arg19[%swap3A_834, %swap3A_835] {strides = array<i32>} : memref<1x80xi32, #tpu.memory_space<vmem>>, vector<16xi32>,
    tpu.vector_store %arg19[%swap3A_834, %swap3A_835], %add3A_832 {strides = array<i32>} : memref<1x80xi32, #tpu.memory_space<vmem>>, vector<16xi32>,
    %get3A_837 = arith.constant 48 : index
    %get3A_838 = tpu.vector_load %arg9[%get3A_837] {strides = array<i32>} : memref<80xi32, #tpu.memory_space<vmem>>, vector<16xi32>,
    %swap3A_839 = arith.constant 0 : i32
    %swap3A_840 = arith.index_cast %swap3A_839 : i32 to index
    %swap3A_841 = arith.constant 48 : index
    %swap3A_842 = tpu.vector_load %arg13[%swap3A_840, %swap3A_841] {strides = array<i32>} : memref<1x80xi32, #tpu.memory_space<vmem>>, vector<16xi32>,
    tpu.vector_store %arg13[%swap3A_840, %swap3A_841], %get3A_838 {strides = array<i32>} : memref<1x80xi32, #tpu.memory_space<vmem>>, vector<16xi32>,
    %get3A_843 = arith.constant 48 : index
    %get3A_844 = tpu.vector_load %arg11[%get3A_843] {strides = array<i32>} : memref<80xi32, #tpu.memory_space<vmem>>, vector<16xi32>,
    %add3A_845 = vector.broadcast %mul3A_0 : i32 to vector<16xi32>
    %add3A_846 = arith.addi %get3A_844, %add3A_845 : vector<16xi32>
    %swap3A_847 = arith.constant 0 : i32
    %swap3A_848 = arith.index_cast %swap3A_847 : i32 to index
    %swap3A_849 = arith.constant 48 : index
    %swap3A_850 = tpu.vector_load %arg19[%swap3A_848, %swap3A_849] {strides = array<i32>} : memref<1x80xi32, #tpu.memory_space<vmem>>, vector<16xi32>,
    tpu.vector_store %arg19[%swap3A_848, %swap3A_849], %add3A_846 {strides = array<i32>} : memref<1x80xi32, #tpu.memory_space<vmem>>, vector<16xi32>,
    %get3A_851 = arith.constant 64 : index
    %get3A_852 = tpu.vector_load %arg9[%get3A_851] {strides = array<i32>} : memref<80xi32, #tpu.memory_space<vmem>>, vector<16xi32>,
    %swap3A_853 = arith.constant 0 : i32
    %swap3A_854 = arith.index_cast %swap3A_853 : i32 to index
    %swap3A_855 = arith.constant 64 : index
    %swap3A_856 = tpu.vector_load %arg13[%swap3A_854, %swap3A_855] {strides = array<i32>} : memref<1x80xi32, #tpu.memory_space<vmem>>, vector<16xi32>,
    tpu.vector_store %arg13[%swap3A_854, %swap3A_855], %get3A_852 {strides = array<i32>} : memref<1x80xi32, #tpu.memory_space<vmem>>, vector<16xi32>,
    %get3A_857 = arith.constant 64 : index
    %get3A_858 = tpu.vector_load %arg11[%get3A_857] {strides = array<i32>} : memref<80xi32, #tpu.memory_space<vmem>>, vector<16xi32>,
    %add3A_859 = vector.broadcast %mul3A_0 : i32 to vector<16xi32>
    %add3A_860 = arith.addi %get3A_858, %add3A_859 : vector<16xi32>
    %swap3A_861 = arith.constant 0 : i32
    %swap3A_862 = arith.index_cast %swap3A_861 : i32 to index
    %swap3A_863 = arith.constant 64 : index
    %swap3A_864 = tpu.vector_load %arg19[%swap3A_862, %swap3A_863] {strides = array<i32>} : memref<1x80xi32, #tpu.memory_space<vmem>>, vector<16xi32>,
    tpu.vector_store %arg19[%swap3A_862, %swap3A_863], %add3A_860 {strides = array<i32>} : memref<1x80xi32, #tpu.memory_space<vmem>>, vector<16xi32>,
    %dma_start3A_865 = arith.constant 0 : i32
    %dma_start3A_866 = arith.constant 0 : i32
    %dma_start3A_867 = tpu.memref_slice %arg19[%dma_start3A_865, %dma_start3A_866] : memref<1x80xi32, #tpu.memory_space<vmem>> -> memref<1x80xi32, #tpu.memory_space<vmem>>
    %dma_start3A_868 = tpu.memref_squeeze %dma_start3A_867 : memref<1x80xi32, #tpu.memory_space<vmem>> -> memref<80xi32, #tpu.memory_space<vmem>>
    %dma_start3A_869 = arith.constant 0 : i32
    %dma_start3A_870 = arith.constant 0 : i32
    %dma_start3A_871 = tpu.memref_slice %arg2[%dma_start3A_869, %dma_start3A_870] : memref<20000x80xf32, #tpu.memory_space<hbm>> -> memref<20000x80xf32, #tpu.memory_space<hbm>>
    tpu.enqueue_indirect_dma source(%dma_start3A_871 : memref<20000x80xf32, #tpu.memory_space<hbm>>) target(%arg21 : memref<80x80xf32, #tpu.memory_space<vmem>>) offsets(%dma_start3A_868 : memref<80xi32, #tpu.memory_space<vmem>>) semaphore(%arg30 : memref<!tpu.dma_semaphore, #tpu.memory_space<semaphore_mem>>)
    %min3A_872 = arith.constant 3999 : i32
    %min3A_873 = arith.minsi %add3A_727, %min3A_872 : i32
    %mul3A_874 = arith.constant 80 : i32
    %mul3A_875 = arith.muli %min3A_873, %mul3A_874 : i32
    %dma_start3A_876 = tpu.memref_slice %arg4[%mul3A_875] : memref<320000xi32, #tpu.memory_space<hbm>> -> memref<80xi32, #tpu.memory_space<hbm>>
    %dma_start3A_877 = tpu.memref_slice %arg4[%mul3A_875] : memref<320000xi32, #tpu.memory_space<hbm>> -> memref<80xi32, #tpu.memory_space<hbm>>
    tpu.enqueue_dma source(%dma_start3A_877 : memref<80xi32, #tpu.memory_space<hbm>>) target(%arg9 : memref<80xi32, #tpu.memory_space<vmem>>) target_semaphore(%arg36 : memref<!tpu.dma_semaphore, #tpu.memory_space<semaphore_mem>>)
    %dma_start3A_878 = tpu.memref_slice %arg5[%mul3A_875] : memref<320000xi32, #tpu.memory_space<hbm>> -> memref<80xi32, #tpu.memory_space<hbm>>
    %dma_start3A_879 = tpu.memref_slice %arg5[%mul3A_875] : memref<320000xi32, #tpu.memory_space<hbm>> -> memref<80xi32, #tpu.memory_space<hbm>>
    tpu.enqueue_dma source(%dma_start3A_879 : memref<80xi32, #tpu.memory_space<hbm>>) target(%arg11 : memref<80xi32, #tpu.memory_space<vmem>>) target_semaphore(%arg36 : memref<!tpu.dma_semaphore, #tpu.memory_space<semaphore_mem>>)
    %scan3A_880 = arith.constant 0 : i32
    %scan3A_881 = arith.constant 0 : i32
    %scan3A_882 = arith.constant 61 : i32
    %scan3A_883 = arith.addi %scan3A_881, %scan3A_882 : i32
    %scan3A_884 = arith.constant 1 : i32
    scf.for %scan3A_1269 = %scan3A_881 to %scan3A_883 step %scan3A_884  : i32 {
      %mul3A_1270 = arith.constant 4 : i32
      %mul3A_1271 = arith.muli %mul3A_1270, %scan3A_1269 : i32
      %add3A_1272 = arith.constant 4 : i32
      %add3A_1273 = arith.addi %mul3A_1271, %add3A_1272 : i32
      %add3A_1274 = arith.addi %select_n3A, %add3A_1273 : i32
      %add3A_1275 = arith.constant 0 : i32
      %add3A_1276 = arith.addi %add3A_1274, %add3A_1275 : i32
      %add3A_1277 = arith.constant 4 : i32
      %add3A_1278 = arith.addi %add3A_1276, %add3A_1277 : i32
      %dma_wait3A_1279 = arith.constant 0 : i32
      %dma_wait3A_1280 = arith.constant 0 : i32
      %dma_wait3A_1281 = tpu.memref_slice %arg2[%dma_wait3A_1279, %dma_wait3A_1280] : memref<20000x80xf32, #tpu.memory_space<hbm>> -> memref<80x80xf32, #tpu.memory_space<hbm>>
      %dma_wait3A_1282 = arith.constant 0 : i32
      %dma_wait3A_1283 = arith.constant 0 : i32
      %dma_wait3A_1284 = tpu.memref_slice %arg2[%dma_wait3A_1282, %dma_wait3A_1283] : memref<20000x80xf32, #tpu.memory_space<hbm>> -> memref<80x80xf32, #tpu.memory_space<hbm>>
      tpu.wait_dma2 semaphore(%arg31 : memref<!tpu.dma_semaphore, #tpu.memory_space<semaphore_mem>>) src(%dma_wait3A_1284 : memref<80x80xf32, #tpu.memory_space<hbm>>) dst(%arg22 : memref<80x80xf32, #tpu.memory_space<vmem>>)
      %dma_wait3A_1285 = arith.constant 0 : i32
      %dma_wait3A_1286 = arith.constant 0 : i32
      %dma_wait3A_1287 = tpu.memref_slice %arg2[%dma_wait3A_1285, %dma_wait3A_1286] : memref<20000x80xf32, #tpu.memory_space<hbm>> -> memref<80x80xf32, #tpu.memory_space<hbm>>
      %dma_wait3A_1288 = arith.constant 0 : i32
      %dma_wait3A_1289 = arith.constant 0 : i32
      %dma_wait3A_1290 = tpu.memref_slice %arg2[%dma_wait3A_1288, %dma_wait3A_1289] : memref<20000x80xf32, #tpu.memory_space<hbm>> -> memref<80x80xf32, #tpu.memory_space<hbm>>
      tpu.wait_dma2 semaphore(%arg29 : memref<!tpu.dma_semaphore, #tpu.memory_space<semaphore_mem>>) src(%dma_wait3A_1290 : memref<80x80xf32, #tpu.memory_space<hbm>>) dst(%arg20 : memref<80x80xf32, #tpu.memory_space<vmem>>)
      %parallel_loop3A_1291 = arith.constant 0 : i32
      %parallel_loop3A_1292 = arith.constant 5 : i32
      %parallel_loop3A_1293 = arith.constant 1 : i32
      scf.for %parallel_loop3A_1926 = %parallel_loop3A_1291 to %parallel_loop3A_1292 step %parallel_loop3A_1293  : i32 {
        %parallel_loop3A_1927 = arith.constant 16 : i32
        %parallel_loop3A_1928 = arith.muli %parallel_loop3A_1926, %parallel_loop3A_1927 : i32
        %parallel_loop3A_1929 = arith.constant 0 : i32
        %parallel_loop3A_1930 = arith.index_cast %parallel_loop3A_1929 : i32 to index
        %parallel_loop3A_1931 = arith.index_cast %parallel_loop3A_1928 : i32 to index
        %parallel_loop3A_1932 = tpu.vector_load %arg12[%parallel_loop3A_1930, %parallel_loop3A_1931] {strides = array<i32>} : memref<1x80xi32, #tpu.memory_space<vmem>>, vector<16xi32>,
        %parallel_loop3A_1933 = arith.constant 16 : i32
        %parallel_loop3A_1934 = arith.muli %parallel_loop3A_1926, %parallel_loop3A_1933 : i32
        %parallel_loop3A_1935 = vector.broadcast %parallel_loop3A_1934 : i32 to vector<16xi32>
        %parallel_loop3A_1936 = arith.addi %parallel_loop3A_1935, %iota3A : vector<16xi32>
        %parallel_loop3A_1937 = tpu.vector_load_idx %arg20[%parallel_loop3A_1936, %broadcast_in_dim3A_3] : memref<80x80xf32, #tpu.memory_space<vmem>>[vector<16xi32>, vector<16xi32>], vector<16xf32>,
        %parallel_loop3A_1938 = tpu.vector_load_idx %arg20[%parallel_loop3A_1936, %broadcast_in_dim3A_5] : memref<80x80xf32, #tpu.memory_space<vmem>>[vector<16xi32>, vector<16xi32>], vector<16xf32>,
        %parallel_loop3A_1939 = arith.constant 2 : i32
        %parallel_loop3A_1940 = vector.broadcast %parallel_loop3A_1939 : i32 to vector<16xi32>
        %parallel_loop3A_1941 = arith.muli %parallel_loop3A_1932, %parallel_loop3A_1940 : vector<16xi32>
        %parallel_loop3A_1942 = tpu.vector_load_idx %arg7[%parallel_loop3A_1941] : memref<20000xf32, #tpu.memory_space<vmem>>[vector<16xi32>], vector<16xf32>,
        %parallel_loop3A_1943 = arith.constant 1 : i32
        %parallel_loop3A_1944 = vector.broadcast %parallel_loop3A_1943 : i32 to vector<16xi32>
        %parallel_loop3A_1945 = arith.addi %parallel_loop3A_1941, %parallel_loop3A_1944 : vector<16xi32>
        %parallel_loop3A_1946 = tpu.vector_load_idx %arg7[%parallel_loop3A_1945] : memref<20000xf32, #tpu.memory_space<vmem>>[vector<16xi32>], vector<16xf32>,
        %parallel_loop3A_1947 = arith.addf %parallel_loop3A_1942, %parallel_loop3A_1937 : vector<16xf32>
        %parallel_loop3A_1948 = arith.addf %parallel_loop3A_1946, %parallel_loop3A_1938 : vector<16xf32>
        %parallel_loop3A_1949 = arith.constant 2.000000e-01 : f32
        %parallel_loop3A_1950 = vector.broadcast %parallel_loop3A_1949 : f32 to vector<16xf32>
        %parallel_loop3A_1951 = arith.mulf %parallel_loop3A_1947, %parallel_loop3A_1950 : vector<16xf32>
        %parallel_loop3A_1952 = arith.maximumf %parallel_loop3A_1947, %parallel_loop3A_1951 : vector<16xf32>
        %parallel_loop3A_1953 = math.exp %parallel_loop3A_1952 : vector<16xf32>
        %parallel_loop3A_1954 = arith.constant 2.000000e-01 : f32
        %parallel_loop3A_1955 = vector.broadcast %parallel_loop3A_1954 : f32 to vector<16xf32>
        %parallel_loop3A_1956 = arith.mulf %parallel_loop3A_1948, %parallel_loop3A_1955 : vector<16xf32>
        %parallel_loop3A_1957 = arith.maximumf %parallel_loop3A_1948, %parallel_loop3A_1956 : vector<16xf32>
        %parallel_loop3A_1958 = math.exp %parallel_loop3A_1957 : vector<16xf32>
        tpu.vector_store_idx %arg22[%parallel_loop3A_1936, %broadcast_in_dim3A_3], %parallel_loop3A_1953 : memref<80x80xf32, #tpu.memory_space<vmem>>[vector<16xi32>, vector<16xi32>], vector<16xf32>,
        tpu.vector_store_idx %arg22[%parallel_loop3A_1936, %broadcast_in_dim3A_5], %parallel_loop3A_1958 : memref<80x80xf32, #tpu.memory_space<vmem>>[vector<16xi32>, vector<16xi32>], vector<16xf32>,
      } {sc.loop_unroll_factor = 1 : i64, sc.parallel_access}
      %parallel_loop3A_1294 = arith.constant 0 : i32
      %parallel_loop3A_1295 = arith.constant 80 : i32
      %parallel_loop3A_1296 = arith.constant 1 : i32
      scf.for %parallel_loop3A_1926 = %parallel_loop3A_1294 to %parallel_loop3A_1295 step %parallel_loop3A_1296  : i32 {
        %parallel_loop3A_1927 = arith.index_cast %parallel_loop3A_1926 : i32 to index
        %parallel_loop3A_1928 = arith.constant 64 : index
        %parallel_loop3A_1929 = tpu.vector_load %arg22[%parallel_loop3A_1927, %parallel_loop3A_1928] {strides = array<i32>} : memref<80x80xf32, #tpu.memory_space<vmem>>, vector<16xf32>,
        %parallel_loop3A_1930 = vector.extract_strided_slice %parallel_loop3A_1929 {offsets = [0], sizes = [1], strides = [1]} : vector<16xf32> to vector<1xf32>
        %parallel_loop3A_1931 = vector.extract %parallel_loop3A_1930[0] : f32 from vector<1xf32>
        %parallel_loop3A_1932 = vector.extract_strided_slice %parallel_loop3A_1929 {offsets = [1], sizes = [1], strides = [1]} : vector<16xf32> to vector<1xf32>
        %parallel_loop3A_1933 = vector.extract %parallel_loop3A_1932[0] : f32 from vector<1xf32>
        %parallel_loop3A_1934 = arith.index_cast %parallel_loop3A_1926 : i32 to index
        %parallel_loop3A_1935 = arith.constant 0 : index
        %parallel_loop3A_1936 = tpu.vector_load %arg20[%parallel_loop3A_1934, %parallel_loop3A_1935] {strides = array<i32>} : memref<80x80xf32, #tpu.memory_space<vmem>>, vector<16xf32>,
        %parallel_loop3A_1937 = vector.broadcast %parallel_loop3A_1931 : f32 to vector<16xf32>
        %parallel_loop3A_1938 = arith.mulf %parallel_loop3A_1936, %parallel_loop3A_1937 : vector<16xf32>
        %parallel_loop3A_1939 = arith.index_cast %parallel_loop3A_1926 : i32 to index
        %parallel_loop3A_1940 = arith.constant 0 : index
        %parallel_loop3A_1941 = tpu.vector_load %arg22[%parallel_loop3A_1939, %parallel_loop3A_1940] {strides = array<i32>} : memref<80x80xf32, #tpu.memory_space<vmem>>, vector<16xf32>,
        tpu.vector_store %arg22[%parallel_loop3A_1939, %parallel_loop3A_1940], %parallel_loop3A_1938 {strides = array<i32>} : memref<80x80xf32, #tpu.memory_space<vmem>>, vector<16xf32>,
        %parallel_loop3A_1942 = arith.index_cast %parallel_loop3A_1926 : i32 to index
        %parallel_loop3A_1943 = arith.constant 16 : index
        %parallel_loop3A_1944 = tpu.vector_load %arg20[%parallel_loop3A_1942, %parallel_loop3A_1943] {strides = array<i32>} : memref<80x80xf32, #tpu.memory_space<vmem>>, vector<16xf32>,
        %parallel_loop3A_1945 = vector.broadcast %parallel_loop3A_1931 : f32 to vector<16xf32>
        %parallel_loop3A_1946 = arith.mulf %parallel_loop3A_1944, %parallel_loop3A_1945 : vector<16xf32>
        %parallel_loop3A_1947 = arith.index_cast %parallel_loop3A_1926 : i32 to index
        %parallel_loop3A_1948 = arith.constant 16 : index
        %parallel_loop3A_1949 = tpu.vector_load %arg22[%parallel_loop3A_1947, %parallel_loop3A_1948] {strides = array<i32>} : memref<80x80xf32, #tpu.memory_space<vmem>>, vector<16xf32>,
        tpu.vector_store %arg22[%parallel_loop3A_1947, %parallel_loop3A_1948], %parallel_loop3A_1946 {strides = array<i32>} : memref<80x80xf32, #tpu.memory_space<vmem>>, vector<16xf32>,
        %parallel_loop3A_1950 = arith.index_cast %parallel_loop3A_1926 : i32 to index
        %parallel_loop3A_1951 = arith.constant 32 : index
        %parallel_loop3A_1952 = tpu.vector_load %arg20[%parallel_loop3A_1950, %parallel_loop3A_1951] {strides = array<i32>} : memref<80x80xf32, #tpu.memory_space<vmem>>, vector<16xf32>,
        %parallel_loop3A_1953 = vector.broadcast %parallel_loop3A_1933 : f32 to vector<16xf32>
        %parallel_loop3A_1954 = arith.mulf %parallel_loop3A_1952, %parallel_loop3A_1953 : vector<16xf32>
        %parallel_loop3A_1955 = arith.index_cast %parallel_loop3A_1926 : i32 to index
        %parallel_loop3A_1956 = arith.constant 32 : index
        %parallel_loop3A_1957 = tpu.vector_load %arg22[%parallel_loop3A_1955, %parallel_loop3A_1956] {strides = array<i32>} : memref<80x80xf32, #tpu.memory_space<vmem>>, vector<16xf32>,
        tpu.vector_store %arg22[%parallel_loop3A_1955, %parallel_loop3A_1956], %parallel_loop3A_1954 {strides = array<i32>} : memref<80x80xf32, #tpu.memory_space<vmem>>, vector<16xf32>,
        %parallel_loop3A_1958 = arith.index_cast %parallel_loop3A_1926 : i32 to index
        %parallel_loop3A_1959 = arith.constant 48 : index
        %parallel_loop3A_1960 = tpu.vector_load %arg20[%parallel_loop3A_1958, %parallel_loop3A_1959] {strides = array<i32>} : memref<80x80xf32, #tpu.memory_space<vmem>>, vector<16xf32>,
        %parallel_loop3A_1961 = vector.broadcast %parallel_loop3A_1933 : f32 to vector<16xf32>
        %parallel_loop3A_1962 = arith.mulf %parallel_loop3A_1960, %parallel_loop3A_1961 : vector<16xf32>
        %parallel_loop3A_1963 = arith.index_cast %parallel_loop3A_1926 : i32 to index
        %parallel_loop3A_1964 = arith.constant 48 : index
        %parallel_loop3A_1965 = tpu.vector_load %arg22[%parallel_loop3A_1963, %parallel_loop3A_1964] {strides = array<i32>} : memref<80x80xf32, #tpu.memory_space<vmem>>, vector<16xf32>,
        tpu.vector_store %arg22[%parallel_loop3A_1963, %parallel_loop3A_1964], %parallel_loop3A_1962 {strides = array<i32>} : memref<80x80xf32, #tpu.memory_space<vmem>>, vector<16xf32>,
      } {sc.loop_unroll_factor = 1 : i64, sc.parallel_access}
      %get3A_1297 = arith.constant 0 : i32
      %get3A_1298 = arith.index_cast %get3A_1297 : i32 to index
      %get3A_1299 = arith.constant 0 : index
      %get3A_1300 = tpu.vector_load %arg12[%get3A_1298, %get3A_1299] {strides = array<i32>} : memref<1x80xi32, #tpu.memory_space<vmem>>, vector<16xi32>,
      %swap3A_1301 = arith.constant 0 : i32
      %swap3A_1302 = arith.index_cast %swap3A_1301 : i32 to index
      %swap3A_1303 = arith.constant 0 : index
      %swap3A_1304 = tpu.vector_load %arg14[%swap3A_1302, %swap3A_1303] {strides = array<i32>} : memref<1x80xi32, #tpu.memory_space<vmem>>, vector<16xi32>,
      tpu.vector_store %arg14[%swap3A_1302, %swap3A_1303], %get3A_1300 {strides = array<i32>} : memref<1x80xi32, #tpu.memory_space<vmem>>, vector<16xi32>,
      %get3A_1305 = arith.constant 0 : i32
      %get3A_1306 = arith.index_cast %get3A_1305 : i32 to index
      %get3A_1307 = arith.constant 16 : index
      %get3A_1308 = tpu.vector_load %arg12[%get3A_1306, %get3A_1307] {strides = array<i32>} : memref<1x80xi32, #tpu.memory_space<vmem>>, vector<16xi32>,
      %swap3A_1309 = arith.constant 0 : i32
      %swap3A_1310 = arith.index_cast %swap3A_1309 : i32 to index
      %swap3A_1311 = arith.constant 16 : index
      %swap3A_1312 = tpu.vector_load %arg14[%swap3A_1310, %swap3A_1311] {strides = array<i32>} : memref<1x80xi32, #tpu.memory_space<vmem>>, vector<16xi32>,
      tpu.vector_store %arg14[%swap3A_1310, %swap3A_1311], %get3A_1308 {strides = array<i32>} : memref<1x80xi32, #tpu.memory_space<vmem>>, vector<16xi32>,
      %get3A_1313 = arith.constant 0 : i32
      %get3A_1314 = arith.index_cast %get3A_1313 : i32 to index
      %get3A_1315 = arith.constant 32 : index
      %get3A_1316 = tpu.vector_load %arg12[%get3A_1314, %get3A_1315] {strides = array<i32>} : memref<1x80xi32, #tpu.memory_space<vmem>>, vector<16xi32>,
      %swap3A_1317 = arith.constant 0 : i32
      %swap3A_1318 = arith.index_cast %swap3A_1317 : i32 to index
      %swap3A_1319 = arith.constant 32 : index
      %swap3A_1320 = tpu.vector_load %arg14[%swap3A_1318, %swap3A_1319] {strides = array<i32>} : memref<1x80xi32, #tpu.memory_space<vmem>>, vector<16xi32>,
      tpu.vector_store %arg14[%swap3A_1318, %swap3A_1319], %get3A_1316 {strides = array<i32>} : memref<1x80xi32, #tpu.memory_space<vmem>>, vector<16xi32>,
      %get3A_1321 = arith.constant 0 : i32
      %get3A_1322 = arith.index_cast %get3A_1321 : i32 to index
      %get3A_1323 = arith.constant 48 : index
      %get3A_1324 = tpu.vector_load %arg12[%get3A_1322, %get3A_1323] {strides = array<i32>} : memref<1x80xi32, #tpu.memory_space<vmem>>, vector<16xi32>,
      %swap3A_1325 = arith.constant 0 : i32
      %swap3A_1326 = arith.index_cast %swap3A_1325 : i32 to index
      %swap3A_1327 = arith.constant 48 : index
      %swap3A_1328 = tpu.vector_load %arg14[%swap3A_1326, %swap3A_1327] {strides = array<i32>} : memref<1x80xi32, #tpu.memory_space<vmem>>, vector<16xi32>,
      tpu.vector_store %arg14[%swap3A_1326, %swap3A_1327], %get3A_1324 {strides = array<i32>} : memref<1x80xi32, #tpu.memory_space<vmem>>, vector<16xi32>,
      %get3A_1329 = arith.constant 0 : i32
      %get3A_1330 = arith.index_cast %get3A_1329 : i32 to index
      %get3A_1331 = arith.constant 64 : index
      %get3A_1332 = tpu.vector_load %arg12[%get3A_1330, %get3A_1331] {strides = array<i32>} : memref<1x80xi32, #tpu.memory_space<vmem>>, vector<16xi32>,
      %swap3A_1333 = arith.constant 0 : i32
      %swap3A_1334 = arith.index_cast %swap3A_1333 : i32 to index
      %swap3A_1335 = arith.constant 64 : index
      %swap3A_1336 = tpu.vector_load %arg14[%swap3A_1334, %swap3A_1335] {strides = array<i32>} : memref<1x80xi32, #tpu.memory_space<vmem>>, vector<16xi32>,
      tpu.vector_store %arg14[%swap3A_1334, %swap3A_1335], %get3A_1332 {strides = array<i32>} : memref<1x80xi32, #tpu.memory_space<vmem>>, vector<16xi32>,
      %dma_start3A_1337 = arith.constant 0 : i32
      %dma_start3A_1338 = arith.constant 0 : i32
      %dma_start3A_1339 = tpu.memref_slice %arg14[%dma_start3A_1337, %dma_start3A_1338] : memref<1x80xi32, #tpu.memory_space<vmem>> -> memref<1x80xi32, #tpu.memory_space<vmem>>
      %dma_start3A_1340 = tpu.memref_squeeze %dma_start3A_1339 : memref<1x80xi32, #tpu.memory_space<vmem>> -> memref<80xi32, #tpu.memory_space<vmem>>
      %dma_start3A_1341 = arith.constant 0 : i32
      %dma_start3A_1342 = arith.constant 0 : i32
      %dma_start3A_1343 = tpu.memref_slice %arg28[%dma_start3A_1341, %dma_start3A_1342] : memref<10000x80xf32, #tpu.memory_space<vmem_shared>> -> memref<10000x80xf32, #tpu.memory_space<vmem_shared>>
      tpu.enqueue_indirect_dma source(%arg22 : memref<80x80xf32, #tpu.memory_space<vmem>>) target(%dma_start3A_1343 : memref<10000x80xf32, #tpu.memory_space<vmem_shared>>) offsets(%dma_start3A_1340 : memref<80xi32, #tpu.memory_space<vmem>>) semaphore(%arg31 : memref<!tpu.dma_semaphore, #tpu.memory_space<semaphore_mem>>) {add = true}
      %dma_wait3A_1344 = arith.constant 0 : i32
      %dma_wait3A_1345 = tpu.memref_slice %arg4[%dma_wait3A_1344] : memref<320000xi32, #tpu.memory_space<hbm>> -> memref<80xi32, #tpu.memory_space<hbm>>
      %dma_wait3A_1346 = arith.constant 0 : i32
      %dma_wait3A_1347 = tpu.memref_slice %arg4[%dma_wait3A_1346] : memref<320000xi32, #tpu.memory_space<hbm>> -> memref<80xi32, #tpu.memory_space<hbm>>
      tpu.wait_dma2 semaphore(%arg35 : memref<!tpu.dma_semaphore, #tpu.memory_space<semaphore_mem>>) src(%dma_wait3A_1347 : memref<80xi32, #tpu.memory_space<hbm>>) dst(%arg8 : memref<80xi32, #tpu.memory_space<vmem>>)
      %dma_wait3A_1348 = arith.constant 0 : i32
      %dma_wait3A_1349 = tpu.memref_slice %arg5[%dma_wait3A_1348] : memref<320000xi32, #tpu.memory_space<hbm>> -> memref<80xi32, #tpu.memory_space<hbm>>
      %dma_wait3A_1350 = arith.constant 0 : i32
      %dma_wait3A_1351 = tpu.memref_slice %arg5[%dma_wait3A_1350] : memref<320000xi32, #tpu.memory_space<hbm>> -> memref<80xi32, #tpu.memory_space<hbm>>
      tpu.wait_dma2 semaphore(%arg35 : memref<!tpu.dma_semaphore, #tpu.memory_space<semaphore_mem>>) src(%dma_wait3A_1351 : memref<80xi32, #tpu.memory_space<hbm>>) dst(%arg10 : memref<80xi32, #tpu.memory_space<vmem>>)
      %get3A_1352 = arith.constant 0 : index
      %get3A_1353 = tpu.vector_load %arg8[%get3A_1352] {strides = array<i32>} : memref<80xi32, #tpu.memory_space<vmem>>, vector<16xi32>,
      %swap3A_1354 = arith.constant 0 : i32
      %swap3A_1355 = arith.index_cast %swap3A_1354 : i32 to index
      %swap3A_1356 = arith.constant 0 : index
      %swap3A_1357 = tpu.vector_load %arg12[%swap3A_1355, %swap3A_1356] {strides = array<i32>} : memref<1x80xi32, #tpu.memory_space<vmem>>, vector<16xi32>,
      tpu.vector_store %arg12[%swap3A_1355, %swap3A_1356], %get3A_1353 {strides = array<i32>} : memref<1x80xi32, #tpu.memory_space<vmem>>, vector<16xi32>,
      %get3A_1358 = arith.constant 0 : index
      %get3A_1359 = tpu.vector_load %arg10[%get3A_1358] {strides = array<i32>} : memref<80xi32, #tpu.memory_space<vmem>>, vector<16xi32>,
      %add3A_1360 = vector.broadcast %mul3A_0 : i32 to vector<16xi32>
      %add3A_1361 = arith.addi %get3A_1359, %add3A_1360 : vector<16xi32>
      %swap3A_1362 = arith.constant 0 : i32
      %swap3A_1363 = arith.index_cast %swap3A_1362 : i32 to index
      %swap3A_1364 = arith.constant 0 : index
      %swap3A_1365 = tpu.vector_load %arg18[%swap3A_1363, %swap3A_1364] {strides = array<i32>} : memref<1x80xi32, #tpu.memory_space<vmem>>, vector<16xi32>,
      tpu.vector_store %arg18[%swap3A_1363, %swap3A_1364], %add3A_1361 {strides = array<i32>} : memref<1x80xi32, #tpu.memory_space<vmem>>, vector<16xi32>,
      %get3A_1366 = arith.constant 16 : index
      %get3A_1367 = tpu.vector_load %arg8[%get3A_1366] {strides = array<i32>} : memref<80xi32, #tpu.memory_space<vmem>>, vector<16xi32>,
      %swap3A_1368 = arith.constant 0 : i32
      %swap3A_1369 = arith.index_cast %swap3A_1368 : i32 to index
      %swap3A_1370 = arith.constant 16 : index
      %swap3A_1371 = tpu.vector_load %arg12[%swap3A_1369, %swap3A_1370] {strides = array<i32>} : memref<1x80xi32, #tpu.memory_space<vmem>>, vector<16xi32>,
      tpu.vector_store %arg12[%swap3A_1369, %swap3A_1370], %get3A_1367 {strides = array<i32>} : memref<1x80xi32, #tpu.memory_space<vmem>>, vector<16xi32>,
      %get3A_1372 = arith.constant 16 : index
      %get3A_1373 = tpu.vector_load %arg10[%get3A_1372] {strides = array<i32>} : memref<80xi32, #tpu.memory_space<vmem>>, vector<16xi32>,
      %add3A_1374 = vector.broadcast %mul3A_0 : i32 to vector<16xi32>
      %add3A_1375 = arith.addi %get3A_1373, %add3A_1374 : vector<16xi32>
      %swap3A_1376 = arith.constant 0 : i32
      %swap3A_1377 = arith.index_cast %swap3A_1376 : i32 to index
      %swap3A_1378 = arith.constant 16 : index
      %swap3A_1379 = tpu.vector_load %arg18[%swap3A_1377, %swap3A_1378] {strides = array<i32>} : memref<1x80xi32, #tpu.memory_space<vmem>>, vector<16xi32>,
      tpu.vector_store %arg18[%swap3A_1377, %swap3A_1378], %add3A_1375 {strides = array<i32>} : memref<1x80xi32, #tpu.memory_space<vmem>>, vector<16xi32>,
      %get3A_1380 = arith.constant 32 : index
      %get3A_1381 = tpu.vector_load %arg8[%get3A_1380] {strides = array<i32>} : memref<80xi32, #tpu.memory_space<vmem>>, vector<16xi32>,
      %swap3A_1382 = arith.constant 0 : i32
      %swap3A_1383 = arith.index_cast %swap3A_1382 : i32 to index
      %swap3A_1384 = arith.constant 32 : index
      %swap3A_1385 = tpu.vector_load %arg12[%swap3A_1383, %swap3A_1384] {strides = array<i32>} : memref<1x80xi32, #tpu.memory_space<vmem>>, vector<16xi32>,
      tpu.vector_store %arg12[%swap3A_1383, %swap3A_1384], %get3A_1381 {strides = array<i32>} : memref<1x80xi32, #tpu.memory_space<vmem>>, vector<16xi32>,
      %get3A_1386 = arith.constant 32 : index
      %get3A_1387 = tpu.vector_load %arg10[%get3A_1386] {strides = array<i32>} : memref<80xi32, #tpu.memory_space<vmem>>, vector<16xi32>,
      %add3A_1388 = vector.broadcast %mul3A_0 : i32 to vector<16xi32>
      %add3A_1389 = arith.addi %get3A_1387, %add3A_1388 : vector<16xi32>
      %swap3A_1390 = arith.constant 0 : i32
      %swap3A_1391 = arith.index_cast %swap3A_1390 : i32 to index
      %swap3A_1392 = arith.constant 32 : index
      %swap3A_1393 = tpu.vector_load %arg18[%swap3A_1391, %swap3A_1392] {strides = array<i32>} : memref<1x80xi32, #tpu.memory_space<vmem>>, vector<16xi32>,
      tpu.vector_store %arg18[%swap3A_1391, %swap3A_1392], %add3A_1389 {strides = array<i32>} : memref<1x80xi32, #tpu.memory_space<vmem>>, vector<16xi32>,
      %get3A_1394 = arith.constant 48 : index
      %get3A_1395 = tpu.vector_load %arg8[%get3A_1394] {strides = array<i32>} : memref<80xi32, #tpu.memory_space<vmem>>, vector<16xi32>,
      %swap3A_1396 = arith.constant 0 : i32
      %swap3A_1397 = arith.index_cast %swap3A_1396 : i32 to index
      %swap3A_1398 = arith.constant 48 : index
      %swap3A_1399 = tpu.vector_load %arg12[%swap3A_1397, %swap3A_1398] {strides = array<i32>} : memref<1x80xi32, #tpu.memory_space<vmem>>, vector<16xi32>,
      tpu.vector_store %arg12[%swap3A_1397, %swap3A_1398], %get3A_1395 {strides = array<i32>} : memref<1x80xi32, #tpu.memory_space<vmem>>, vector<16xi32>,
      %get3A_1400 = arith.constant 48 : index
      %get3A_1401 = tpu.vector_load %arg10[%get3A_1400] {strides = array<i32>} : memref<80xi32, #tpu.memory_space<vmem>>, vector<16xi32>,
      %add3A_1402 = vector.broadcast %mul3A_0 : i32 to vector<16xi32>
      %add3A_1403 = arith.addi %get3A_1401, %add3A_1402 : vector<16xi32>
      %swap3A_1404 = arith.constant 0 : i32
      %swap3A_1405 = arith.index_cast %swap3A_1404 : i32 to index
      %swap3A_1406 = arith.constant 48 : index
      %swap3A_1407 = tpu.vector_load %arg18[%swap3A_1405, %swap3A_1406] {strides = array<i32>} : memref<1x80xi32, #tpu.memory_space<vmem>>, vector<16xi32>,
      tpu.vector_store %arg18[%swap3A_1405, %swap3A_1406], %add3A_1403 {strides = array<i32>} : memref<1x80xi32, #tpu.memory_space<vmem>>, vector<16xi32>,
      %get3A_1408 = arith.constant 64 : index
      %get3A_1409 = tpu.vector_load %arg8[%get3A_1408] {strides = array<i32>} : memref<80xi32, #tpu.memory_space<vmem>>, vector<16xi32>,
      %swap3A_1410 = arith.constant 0 : i32
      %swap3A_1411 = arith.index_cast %swap3A_1410 : i32 to index
      %swap3A_1412 = arith.constant 64 : index
      %swap3A_1413 = tpu.vector_load %arg12[%swap3A_1411, %swap3A_1412] {strides = array<i32>} : memref<1x80xi32, #tpu.memory_space<vmem>>, vector<16xi32>,
      tpu.vector_store %arg12[%swap3A_1411, %swap3A_1412], %get3A_1409 {strides = array<i32>} : memref<1x80xi32, #tpu.memory_space<vmem>>, vector<16xi32>,
      %get3A_1414 = arith.constant 64 : index
      %get3A_1415 = tpu.vector_load %arg10[%get3A_1414] {strides = array<i32>} : memref<80xi32, #tpu.memory_space<vmem>>, vector<16xi32>,
      %add3A_1416 = vector.broadcast %mul3A_0 : i32 to vector<16xi32>
      %add3A_1417 = arith.addi %get3A_1415, %add3A_1416 : vector<16xi32>
      %swap3A_1418 = arith.constant 0 : i32
      %swap3A_1419 = arith.index_cast %swap3A_1418 : i32 to index
      %swap3A_1420 = arith.constant 64 : index
      %swap3A_1421 = tpu.vector_load %arg18[%swap3A_1419, %swap3A_1420] {strides = array<i32>} : memref<1x80xi32, #tpu.memory_space<vmem>>, vector<16xi32>,
      tpu.vector_store %arg18[%swap3A_1419, %swap3A_1420], %add3A_1417 {strides = array<i32>} : memref<1x80xi32, #tpu.memory_space<vmem>>, vector<16xi32>,
      %dma_start3A_1422 = arith.constant 0 : i32
      %dma_start3A_1423 = arith.constant 0 : i32
      %dma_start3A_1424 = tpu.memref_slice %arg18[%dma_start3A_1422, %dma_start3A_1423] : memref<1x80xi32, #tpu.memory_space<vmem>> -> memref<1x80xi32, #tpu.memory_space<vmem>>
      %dma_start3A_1425 = tpu.memref_squeeze %dma_start3A_1424 : memref<1x80xi32, #tpu.memory_space<vmem>> -> memref<80xi32, #tpu.memory_space<vmem>>
      %dma_start3A_1426 = arith.constant 0 : i32
      %dma_start3A_1427 = arith.constant 0 : i32
      %dma_start3A_1428 = tpu.memref_slice %arg2[%dma_start3A_1426, %dma_start3A_1427] : memref<20000x80xf32, #tpu.memory_space<hbm>> -> memref<20000x80xf32, #tpu.memory_space<hbm>>
      tpu.enqueue_indirect_dma source(%dma_start3A_1428 : memref<20000x80xf32, #tpu.memory_space<hbm>>) target(%arg20 : memref<80x80xf32, #tpu.memory_space<vmem>>) offsets(%dma_start3A_1425 : memref<80xi32, #tpu.memory_space<vmem>>) semaphore(%arg29 : memref<!tpu.dma_semaphore, #tpu.memory_space<semaphore_mem>>)
      %min3A_1429 = arith.constant 3999 : i32
      %min3A_1430 = arith.minsi %add3A_1278, %min3A_1429 : i32
      %mul3A_1431 = arith.constant 80 : i32
      %mul3A_1432 = arith.muli %min3A_1430, %mul3A_1431 : i32
      %dma_start3A_1433 = tpu.memref_slice %arg4[%mul3A_1432] : memref<320000xi32, #tpu.memory_space<hbm>> -> memref<80xi32, #tpu.memory_space<hbm>>
      %dma_start3A_1434 = tpu.memref_slice %arg4[%mul3A_1432] : memref<320000xi32, #tpu.memory_space<hbm>> -> memref<80xi32, #tpu.memory_space<hbm>>
      tpu.enqueue_dma source(%dma_start3A_1434 : memref<80xi32, #tpu.memory_space<hbm>>) target(%arg8 : memref<80xi32, #tpu.memory_space<vmem>>) target_semaphore(%arg35 : memref<!tpu.dma_semaphore, #tpu.memory_space<semaphore_mem>>)
      %dma_start3A_1435 = tpu.memref_slice %arg5[%mul3A_1432] : memref<320000xi32, #tpu.memory_space<hbm>> -> memref<80xi32, #tpu.memory_space<hbm>>
      %dma_start3A_1436 = tpu.memref_slice %arg5[%mul3A_1432] : memref<320000xi32, #tpu.memory_space<hbm>> -> memref<80xi32, #tpu.memory_space<hbm>>
      tpu.enqueue_dma source(%dma_start3A_1436 : memref<80xi32, #tpu.memory_space<hbm>>) target(%arg10 : memref<80xi32, #tpu.memory_space<vmem>>) target_semaphore(%arg35 : memref<!tpu.dma_semaphore, #tpu.memory_space<semaphore_mem>>)
      %add3A_1437 = arith.addi %select_n3A, %add3A_1273 : i32
      %add3A_1438 = arith.constant 1 : i32
      %add3A_1439 = arith.addi %add3A_1437, %add3A_1438 : i32
      %add3A_1440 = arith.constant 4 : i32
      %add3A_1441 = arith.addi %add3A_1439, %add3A_1440 : i32
      %dma_wait3A_1442 = arith.constant 0 : i32
      %dma_wait3A_1443 = arith.constant 0 : i32
      %dma_wait3A_1444 = tpu.memref_slice %arg2[%dma_wait3A_1442, %dma_wait3A_1443] : memref<20000x80xf32, #tpu.memory_space<hbm>> -> memref<80x80xf32, #tpu.memory_space<hbm>>
      %dma_wait3A_1445 = arith.constant 0 : i32
      %dma_wait3A_1446 = arith.constant 0 : i32
      %dma_wait3A_1447 = tpu.memref_slice %arg2[%dma_wait3A_1445, %dma_wait3A_1446] : memref<20000x80xf32, #tpu.memory_space<hbm>> -> memref<80x80xf32, #tpu.memory_space<hbm>>
      tpu.wait_dma2 semaphore(%arg32 : memref<!tpu.dma_semaphore, #tpu.memory_space<semaphore_mem>>) src(%dma_wait3A_1447 : memref<80x80xf32, #tpu.memory_space<hbm>>) dst(%arg23 : memref<80x80xf32, #tpu.memory_space<vmem>>)
      %dma_wait3A_1448 = arith.constant 0 : i32
      %dma_wait3A_1449 = arith.constant 0 : i32
      %dma_wait3A_1450 = tpu.memref_slice %arg2[%dma_wait3A_1448, %dma_wait3A_1449] : memref<20000x80xf32, #tpu.memory_space<hbm>> -> memref<80x80xf32, #tpu.memory_space<hbm>>
      %dma_wait3A_1451 = arith.constant 0 : i32
      %dma_wait3A_1452 = arith.constant 0 : i32
      %dma_wait3A_1453 = tpu.memref_slice %arg2[%dma_wait3A_1451, %dma_wait3A_1452] : memref<20000x80xf32, #tpu.memory_space<hbm>> -> memref<80x80xf32, #tpu.memory_space<hbm>>
      tpu.wait_dma2 semaphore(%arg30 : memref<!tpu.dma_semaphore, #tpu.memory_space<semaphore_mem>>) src(%dma_wait3A_1453 : memref<80x80xf32, #tpu.memory_space<hbm>>) dst(%arg21 : memref<80x80xf32, #tpu.memory_space<vmem>>)
      %parallel_loop3A_1454 = arith.constant 0 : i32
      %parallel_loop3A_1455 = arith.constant 5 : i32
      %parallel_loop3A_1456 = arith.constant 1 : i32
      scf.for %parallel_loop3A_1926 = %parallel_loop3A_1454 to %parallel_loop3A_1455 step %parallel_loop3A_1456  : i32 {
        %parallel_loop3A_1927 = arith.constant 16 : i32
        %parallel_loop3A_1928 = arith.muli %parallel_loop3A_1926, %parallel_loop3A_1927 : i32
        %parallel_loop3A_1929 = arith.constant 0 : i32
        %parallel_loop3A_1930 = arith.index_cast %parallel_loop3A_1929 : i32 to index
        %parallel_loop3A_1931 = arith.index_cast %parallel_loop3A_1928 : i32 to index
        %parallel_loop3A_1932 = tpu.vector_load %arg13[%parallel_loop3A_1930, %parallel_loop3A_1931] {strides = array<i32>} : memref<1x80xi32, #tpu.memory_space<vmem>>, vector<16xi32>,
        %parallel_loop3A_1933 = arith.constant 16 : i32
        %parallel_loop3A_1934 = arith.muli %parallel_loop3A_1926, %parallel_loop3A_1933 : i32
        %parallel_loop3A_1935 = vector.broadcast %parallel_loop3A_1934 : i32 to vector<16xi32>
        %parallel_loop3A_1936 = arith.addi %parallel_loop3A_1935, %iota3A : vector<16xi32>
        %parallel_loop3A_1937 = tpu.vector_load_idx %arg21[%parallel_loop3A_1936, %broadcast_in_dim3A_3] : memref<80x80xf32, #tpu.memory_space<vmem>>[vector<16xi32>, vector<16xi32>], vector<16xf32>,
        %parallel_loop3A_1938 = tpu.vector_load_idx %arg21[%parallel_loop3A_1936, %broadcast_in_dim3A_5] : memref<80x80xf32, #tpu.memory_space<vmem>>[vector<16xi32>, vector<16xi32>], vector<16xf32>,
        %parallel_loop3A_1939 = arith.constant 2 : i32
        %parallel_loop3A_1940 = vector.broadcast %parallel_loop3A_1939 : i32 to vector<16xi32>
        %parallel_loop3A_1941 = arith.muli %parallel_loop3A_1932, %parallel_loop3A_1940 : vector<16xi32>
        %parallel_loop3A_1942 = tpu.vector_load_idx %arg7[%parallel_loop3A_1941] : memref<20000xf32, #tpu.memory_space<vmem>>[vector<16xi32>], vector<16xf32>,
        %parallel_loop3A_1943 = arith.constant 1 : i32
        %parallel_loop3A_1944 = vector.broadcast %parallel_loop3A_1943 : i32 to vector<16xi32>
        %parallel_loop3A_1945 = arith.addi %parallel_loop3A_1941, %parallel_loop3A_1944 : vector<16xi32>
        %parallel_loop3A_1946 = tpu.vector_load_idx %arg7[%parallel_loop3A_1945] : memref<20000xf32, #tpu.memory_space<vmem>>[vector<16xi32>], vector<16xf32>,
        %parallel_loop3A_1947 = arith.addf %parallel_loop3A_1942, %parallel_loop3A_1937 : vector<16xf32>
        %parallel_loop3A_1948 = arith.addf %parallel_loop3A_1946, %parallel_loop3A_1938 : vector<16xf32>
        %parallel_loop3A_1949 = arith.constant 2.000000e-01 : f32
        %parallel_loop3A_1950 = vector.broadcast %parallel_loop3A_1949 : f32 to vector<16xf32>
        %parallel_loop3A_1951 = arith.mulf %parallel_loop3A_1947, %parallel_loop3A_1950 : vector<16xf32>
        %parallel_loop3A_1952 = arith.maximumf %parallel_loop3A_1947, %parallel_loop3A_1951 : vector<16xf32>
        %parallel_loop3A_1953 = math.exp %parallel_loop3A_1952 : vector<16xf32>
        %parallel_loop3A_1954 = arith.constant 2.000000e-01 : f32
        %parallel_loop3A_1955 = vector.broadcast %parallel_loop3A_1954 : f32 to vector<16xf32>
        %parallel_loop3A_1956 = arith.mulf %parallel_loop3A_1948, %parallel_loop3A_1955 : vector<16xf32>
        %parallel_loop3A_1957 = arith.maximumf %parallel_loop3A_1948, %parallel_loop3A_1956 : vector<16xf32>
        %parallel_loop3A_1958 = math.exp %parallel_loop3A_1957 : vector<16xf32>
        tpu.vector_store_idx %arg23[%parallel_loop3A_1936, %broadcast_in_dim3A_3], %parallel_loop3A_1953 : memref<80x80xf32, #tpu.memory_space<vmem>>[vector<16xi32>, vector<16xi32>], vector<16xf32>,
        tpu.vector_store_idx %arg23[%parallel_loop3A_1936, %broadcast_in_dim3A_5], %parallel_loop3A_1958 : memref<80x80xf32, #tpu.memory_space<vmem>>[vector<16xi32>, vector<16xi32>], vector<16xf32>,
      } {sc.loop_unroll_factor = 1 : i64, sc.parallel_access}
      %parallel_loop3A_1457 = arith.constant 0 : i32
      %parallel_loop3A_1458 = arith.constant 80 : i32
      %parallel_loop3A_1459 = arith.constant 1 : i32
      scf.for %parallel_loop3A_1926 = %parallel_loop3A_1457 to %parallel_loop3A_1458 step %parallel_loop3A_1459  : i32 {
        %parallel_loop3A_1927 = arith.index_cast %parallel_loop3A_1926 : i32 to index
        %parallel_loop3A_1928 = arith.constant 64 : index
        %parallel_loop3A_1929 = tpu.vector_load %arg23[%parallel_loop3A_1927, %parallel_loop3A_1928] {strides = array<i32>} : memref<80x80xf32, #tpu.memory_space<vmem>>, vector<16xf32>,
        %parallel_loop3A_1930 = vector.extract_strided_slice %parallel_loop3A_1929 {offsets = [0], sizes = [1], strides = [1]} : vector<16xf32> to vector<1xf32>
        %parallel_loop3A_1931 = vector.extract %parallel_loop3A_1930[0] : f32 from vector<1xf32>
        %parallel_loop3A_1932 = vector.extract_strided_slice %parallel_loop3A_1929 {offsets = [1], sizes = [1], strides = [1]} : vector<16xf32> to vector<1xf32>
        %parallel_loop3A_1933 = vector.extract %parallel_loop3A_1932[0] : f32 from vector<1xf32>
        %parallel_loop3A_1934 = arith.index_cast %parallel_loop3A_1926 : i32 to index
        %parallel_loop3A_1935 = arith.constant 0 : index
        %parallel_loop3A_1936 = tpu.vector_load %arg21[%parallel_loop3A_1934, %parallel_loop3A_1935] {strides = array<i32>} : memref<80x80xf32, #tpu.memory_space<vmem>>, vector<16xf32>,
        %parallel_loop3A_1937 = vector.broadcast %parallel_loop3A_1931 : f32 to vector<16xf32>
        %parallel_loop3A_1938 = arith.mulf %parallel_loop3A_1936, %parallel_loop3A_1937 : vector<16xf32>
        %parallel_loop3A_1939 = arith.index_cast %parallel_loop3A_1926 : i32 to index
        %parallel_loop3A_1940 = arith.constant 0 : index
        %parallel_loop3A_1941 = tpu.vector_load %arg23[%parallel_loop3A_1939, %parallel_loop3A_1940] {strides = array<i32>} : memref<80x80xf32, #tpu.memory_space<vmem>>, vector<16xf32>,
        tpu.vector_store %arg23[%parallel_loop3A_1939, %parallel_loop3A_1940], %parallel_loop3A_1938 {strides = array<i32>} : memref<80x80xf32, #tpu.memory_space<vmem>>, vector<16xf32>,
        %parallel_loop3A_1942 = arith.index_cast %parallel_loop3A_1926 : i32 to index
        %parallel_loop3A_1943 = arith.constant 16 : index
        %parallel_loop3A_1944 = tpu.vector_load %arg21[%parallel_loop3A_1942, %parallel_loop3A_1943] {strides = array<i32>} : memref<80x80xf32, #tpu.memory_space<vmem>>, vector<16xf32>,
        %parallel_loop3A_1945 = vector.broadcast %parallel_loop3A_1931 : f32 to vector<16xf32>
        %parallel_loop3A_1946 = arith.mulf %parallel_loop3A_1944, %parallel_loop3A_1945 : vector<16xf32>
        %parallel_loop3A_1947 = arith.index_cast %parallel_loop3A_1926 : i32 to index
        %parallel_loop3A_1948 = arith.constant 16 : index
        %parallel_loop3A_1949 = tpu.vector_load %arg23[%parallel_loop3A_1947, %parallel_loop3A_1948] {strides = array<i32>} : memref<80x80xf32, #tpu.memory_space<vmem>>, vector<16xf32>,
        tpu.vector_store %arg23[%parallel_loop3A_1947, %parallel_loop3A_1948], %parallel_loop3A_1946 {strides = array<i32>} : memref<80x80xf32, #tpu.memory_space<vmem>>, vector<16xf32>,
        %parallel_loop3A_1950 = arith.index_cast %parallel_loop3A_1926 : i32 to index
        %parallel_loop3A_1951 = arith.constant 32 : index
        %parallel_loop3A_1952 = tpu.vector_load %arg21[%parallel_loop3A_1950, %parallel_loop3A_1951] {strides = array<i32>} : memref<80x80xf32, #tpu.memory_space<vmem>>, vector<16xf32>,
        %parallel_loop3A_1953 = vector.broadcast %parallel_loop3A_1933 : f32 to vector<16xf32>
        %parallel_loop3A_1954 = arith.mulf %parallel_loop3A_1952, %parallel_loop3A_1953 : vector<16xf32>
        %parallel_loop3A_1955 = arith.index_cast %parallel_loop3A_1926 : i32 to index
        %parallel_loop3A_1956 = arith.constant 32 : index
        %parallel_loop3A_1957 = tpu.vector_load %arg23[%parallel_loop3A_1955, %parallel_loop3A_1956] {strides = array<i32>} : memref<80x80xf32, #tpu.memory_space<vmem>>, vector<16xf32>,
        tpu.vector_store %arg23[%parallel_loop3A_1955, %parallel_loop3A_1956], %parallel_loop3A_1954 {strides = array<i32>} : memref<80x80xf32, #tpu.memory_space<vmem>>, vector<16xf32>,
        %parallel_loop3A_1958 = arith.index_cast %parallel_loop3A_1926 : i32 to index
        %parallel_loop3A_1959 = arith.constant 48 : index
        %parallel_loop3A_1960 = tpu.vector_load %arg21[%parallel_loop3A_1958, %parallel_loop3A_1959] {strides = array<i32>} : memref<80x80xf32, #tpu.memory_space<vmem>>, vector<16xf32>,
        %parallel_loop3A_1961 = vector.broadcast %parallel_loop3A_1933 : f32 to vector<16xf32>
        %parallel_loop3A_1962 = arith.mulf %parallel_loop3A_1960, %parallel_loop3A_1961 : vector<16xf32>
        %parallel_loop3A_1963 = arith.index_cast %parallel_loop3A_1926 : i32 to index
        %parallel_loop3A_1964 = arith.constant 48 : index
        %parallel_loop3A_1965 = tpu.vector_load %arg23[%parallel_loop3A_1963, %parallel_loop3A_1964] {strides = array<i32>} : memref<80x80xf32, #tpu.memory_space<vmem>>, vector<16xf32>,
        tpu.vector_store %arg23[%parallel_loop3A_1963, %parallel_loop3A_1964], %parallel_loop3A_1962 {strides = array<i32>} : memref<80x80xf32, #tpu.memory_space<vmem>>, vector<16xf32>,
      } {sc.loop_unroll_factor = 1 : i64, sc.parallel_access}
      %get3A_1460 = arith.constant 0 : i32
      %get3A_1461 = arith.index_cast %get3A_1460 : i32 to index
      %get3A_1462 = arith.constant 0 : index
      %get3A_1463 = tpu.vector_load %arg13[%get3A_1461, %get3A_1462] {strides = array<i32>} : memref<1x80xi32, #tpu.memory_space<vmem>>, vector<16xi32>,
      %swap3A_1464 = arith.constant 0 : i32
      %swap3A_1465 = arith.index_cast %swap3A_1464 : i32 to index
      %swap3A_1466 = arith.constant 0 : index
      %swap3A_1467 = tpu.vector_load %arg15[%swap3A_1465, %swap3A_1466] {strides = array<i32>} : memref<1x80xi32, #tpu.memory_space<vmem>>, vector<16xi32>,
      tpu.vector_store %arg15[%swap3A_1465, %swap3A_1466], %get3A_1463 {strides = array<i32>} : memref<1x80xi32, #tpu.memory_space<vmem>>, vector<16xi32>,
      %get3A_1468 = arith.constant 0 : i32
      %get3A_1469 = arith.index_cast %get3A_1468 : i32 to index
      %get3A_1470 = arith.constant 16 : index
      %get3A_1471 = tpu.vector_load %arg13[%get3A_1469, %get3A_1470] {strides = array<i32>} : memref<1x80xi32, #tpu.memory_space<vmem>>, vector<16xi32>,
      %swap3A_1472 = arith.constant 0 : i32
      %swap3A_1473 = arith.index_cast %swap3A_1472 : i32 to index
      %swap3A_1474 = arith.constant 16 : index
      %swap3A_1475 = tpu.vector_load %arg15[%swap3A_1473, %swap3A_1474] {strides = array<i32>} : memref<1x80xi32, #tpu.memory_space<vmem>>, vector<16xi32>,
      tpu.vector_store %arg15[%swap3A_1473, %swap3A_1474], %get3A_1471 {strides = array<i32>} : memref<1x80xi32, #tpu.memory_space<vmem>>, vector<16xi32>,
      %get3A_1476 = arith.constant 0 : i32
      %get3A_1477 = arith.index_cast %get3A_1476 : i32 to index
      %get3A_1478 = arith.constant 32 : index
      %get3A_1479 = tpu.vector_load %arg13[%get3A_1477, %get3A_1478] {strides = array<i32>} : memref<1x80xi32, #tpu.memory_space<vmem>>, vector<16xi32>,
      %swap3A_1480 = arith.constant 0 : i32
      %swap3A_1481 = arith.index_cast %swap3A_1480 : i32 to index
      %swap3A_1482 = arith.constant 32 : index
      %swap3A_1483 = tpu.vector_load %arg15[%swap3A_1481, %swap3A_1482] {strides = array<i32>} : memref<1x80xi32, #tpu.memory_space<vmem>>, vector<16xi32>,
      tpu.vector_store %arg15[%swap3A_1481, %swap3A_1482], %get3A_1479 {strides = array<i32>} : memref<1x80xi32, #tpu.memory_space<vmem>>, vector<16xi32>,
      %get3A_1484 = arith.constant 0 : i32
      %get3A_1485 = arith.index_cast %get3A_1484 : i32 to index
      %get3A_1486 = arith.constant 48 : index
      %get3A_1487 = tpu.vector_load %arg13[%get3A_1485, %get3A_1486] {strides = array<i32>} : memref<1x80xi32, #tpu.memory_space<vmem>>, vector<16xi32>,
      %swap3A_1488 = arith.constant 0 : i32
      %swap3A_1489 = arith.index_cast %swap3A_1488 : i32 to index
      %swap3A_1490 = arith.constant 48 : index
      %swap3A_1491 = tpu.vector_load %arg15[%swap3A_1489, %swap3A_1490] {strides = array<i32>} : memref<1x80xi32, #tpu.memory_space<vmem>>, vector<16xi32>,
      tpu.vector_store %arg15[%swap3A_1489, %swap3A_1490], %get3A_1487 {strides = array<i32>} : memref<1x80xi32, #tpu.memory_space<vmem>>, vector<16xi32>,
      %get3A_1492 = arith.constant 0 : i32
      %get3A_1493 = arith.index_cast %get3A_1492 : i32 to index
      %get3A_1494 = arith.constant 64 : index
      %get3A_1495 = tpu.vector_load %arg13[%get3A_1493, %get3A_1494] {strides = array<i32>} : memref<1x80xi32, #tpu.memory_space<vmem>>, vector<16xi32>,
      %swap3A_1496 = arith.constant 0 : i32
      %swap3A_1497 = arith.index_cast %swap3A_1496 : i32 to index
      %swap3A_1498 = arith.constant 64 : index
      %swap3A_1499 = tpu.vector_load %arg15[%swap3A_1497, %swap3A_1498] {strides = array<i32>} : memref<1x80xi32, #tpu.memory_space<vmem>>, vector<16xi32>,
      tpu.vector_store %arg15[%swap3A_1497, %swap3A_1498], %get3A_1495 {strides = array<i32>} : memref<1x80xi32, #tpu.memory_space<vmem>>, vector<16xi32>,
      %dma_start3A_1500 = arith.constant 0 : i32
      %dma_start3A_1501 = arith.constant 0 : i32
      %dma_start3A_1502 = tpu.memref_slice %arg15[%dma_start3A_1500, %dma_start3A_1501] : memref<1x80xi32, #tpu.memory_space<vmem>> -> memref<1x80xi32, #tpu.memory_space<vmem>>
      %dma_start3A_1503 = tpu.memref_squeeze %dma_start3A_1502 : memref<1x80xi32, #tpu.memory_space<vmem>> -> memref<80xi32, #tpu.memory_space<vmem>>
      %dma_start3A_1504 = arith.constant 0 : i32
      %dma_start3A_1505 = arith.constant 0 : i32
      %dma_start3A_1506 = tpu.memref_slice %arg28[%dma_start3A_1504, %dma_start3A_1505] : memref<10000x80xf32, #tpu.memory_space<vmem_shared>> -> memref<10000x80xf32, #tpu.memory_space<vmem_shared>>
      tpu.enqueue_indirect_dma source(%arg23 : memref<80x80xf32, #tpu.memory_space<vmem>>) target(%dma_start3A_1506 : memref<10000x80xf32, #tpu.memory_space<vmem_shared>>) offsets(%dma_start3A_1503 : memref<80xi32, #tpu.memory_space<vmem>>) semaphore(%arg32 : memref<!tpu.dma_semaphore, #tpu.memory_space<semaphore_mem>>) {add = true}
      %dma_wait3A_1507 = arith.constant 0 : i32
      %dma_wait3A_1508 = tpu.memref_slice %arg4[%dma_wait3A_1507] : memref<320000xi32, #tpu.memory_space<hbm>> -> memref<80xi32, #tpu.memory_space<hbm>>
      %dma_wait3A_1509 = arith.constant 0 : i32
      %dma_wait3A_1510 = tpu.memref_slice %arg4[%dma_wait3A_1509] : memref<320000xi32, #tpu.memory_space<hbm>> -> memref<80xi32, #tpu.memory_space<hbm>>
      tpu.wait_dma2 semaphore(%arg36 : memref<!tpu.dma_semaphore, #tpu.memory_space<semaphore_mem>>) src(%dma_wait3A_1510 : memref<80xi32, #tpu.memory_space<hbm>>) dst(%arg9 : memref<80xi32, #tpu.memory_space<vmem>>)
      %dma_wait3A_1511 = arith.constant 0 : i32
      %dma_wait3A_1512 = tpu.memref_slice %arg5[%dma_wait3A_1511] : memref<320000xi32, #tpu.memory_space<hbm>> -> memref<80xi32, #tpu.memory_space<hbm>>
      %dma_wait3A_1513 = arith.constant 0 : i32
      %dma_wait3A_1514 = tpu.memref_slice %arg5[%dma_wait3A_1513] : memref<320000xi32, #tpu.memory_space<hbm>> -> memref<80xi32, #tpu.memory_space<hbm>>
      tpu.wait_dma2 semaphore(%arg36 : memref<!tpu.dma_semaphore, #tpu.memory_space<semaphore_mem>>) src(%dma_wait3A_1514 : memref<80xi32, #tpu.memory_space<hbm>>) dst(%arg11 : memref<80xi32, #tpu.memory_space<vmem>>)
      %get3A_1515 = arith.constant 0 : index
      %get3A_1516 = tpu.vector_load %arg9[%get3A_1515] {strides = array<i32>} : memref<80xi32, #tpu.memory_space<vmem>>, vector<16xi32>,
      %swap3A_1517 = arith.constant 0 : i32
      %swap3A_1518 = arith.index_cast %swap3A_1517 : i32 to index
      %swap3A_1519 = arith.constant 0 : index
      %swap3A_1520 = tpu.vector_load %arg13[%swap3A_1518, %swap3A_1519] {strides = array<i32>} : memref<1x80xi32, #tpu.memory_space<vmem>>, vector<16xi32>,
      tpu.vector_store %arg13[%swap3A_1518, %swap3A_1519], %get3A_1516 {strides = array<i32>} : memref<1x80xi32, #tpu.memory_space<vmem>>, vector<16xi32>,
      %get3A_1521 = arith.constant 0 : index
      %get3A_1522 = tpu.vector_load %arg11[%get3A_1521] {strides = array<i32>} : memref<80xi32, #tpu.memory_space<vmem>>, vector<16xi32>,
      %add3A_1523 = vector.broadcast %mul3A_0 : i32 to vector<16xi32>
      %add3A_1524 = arith.addi %get3A_1522, %add3A_1523 : vector<16xi32>
      %swap3A_1525 = arith.constant 0 : i32
      %swap3A_1526 = arith.index_cast %swap3A_1525 : i32 to index
      %swap3A_1527 = arith.constant 0 : index
      %swap3A_1528 = tpu.vector_load %arg19[%swap3A_1526, %swap3A_1527] {strides = array<i32>} : memref<1x80xi32, #tpu.memory_space<vmem>>, vector<16xi32>,
      tpu.vector_store %arg19[%swap3A_1526, %swap3A_1527], %add3A_1524 {strides = array<i32>} : memref<1x80xi32, #tpu.memory_space<vmem>>, vector<16xi32>,
      %get3A_1529 = arith.constant 16 : index
      %get3A_1530 = tpu.vector_load %arg9[%get3A_1529] {strides = array<i32>} : memref<80xi32, #tpu.memory_space<vmem>>, vector<16xi32>,
      %swap3A_1531 = arith.constant 0 : i32
      %swap3A_1532 = arith.index_cast %swap3A_1531 : i32 to index
      %swap3A_1533 = arith.constant 16 : index
      %swap3A_1534 = tpu.vector_load %arg13[%swap3A_1532, %swap3A_1533] {strides = array<i32>} : memref<1x80xi32, #tpu.memory_space<vmem>>, vector<16xi32>,
      tpu.vector_store %arg13[%swap3A_1532, %swap3A_1533], %get3A_1530 {strides = array<i32>} : memref<1x80xi32, #tpu.memory_space<vmem>>, vector<16xi32>,
      %get3A_1535 = arith.constant 16 : index
      %get3A_1536 = tpu.vector_load %arg11[%get3A_1535] {strides = array<i32>} : memref<80xi32, #tpu.memory_space<vmem>>, vector<16xi32>,
      %add3A_1537 = vector.broadcast %mul3A_0 : i32 to vector<16xi32>
      %add3A_1538 = arith.addi %get3A_1536, %add3A_1537 : vector<16xi32>
      %swap3A_1539 = arith.constant 0 : i32
      %swap3A_1540 = arith.index_cast %swap3A_1539 : i32 to index
      %swap3A_1541 = arith.constant 16 : index
      %swap3A_1542 = tpu.vector_load %arg19[%swap3A_1540, %swap3A_1541] {strides = array<i32>} : memref<1x80xi32, #tpu.memory_space<vmem>>, vector<16xi32>,
      tpu.vector_store %arg19[%swap3A_1540, %swap3A_1541], %add3A_1538 {strides = array<i32>} : memref<1x80xi32, #tpu.memory_space<vmem>>, vector<16xi32>,
      %get3A_1543 = arith.constant 32 : index
      %get3A_1544 = tpu.vector_load %arg9[%get3A_1543] {strides = array<i32>} : memref<80xi32, #tpu.memory_space<vmem>>, vector<16xi32>,
      %swap3A_1545 = arith.constant 0 : i32
      %swap3A_1546 = arith.index_cast %swap3A_1545 : i32 to index
      %swap3A_1547 = arith.constant 32 : index
      %swap3A_1548 = tpu.vector_load %arg13[%swap3A_1546, %swap3A_1547] {strides = array<i32>} : memref<1x80xi32, #tpu.memory_space<vmem>>, vector<16xi32>,
      tpu.vector_store %arg13[%swap3A_1546, %swap3A_1547], %get3A_1544 {strides = array<i32>} : memref<1x80xi32, #tpu.memory_space<vmem>>, vector<16xi32>,
      %get3A_1549 = arith.constant 32 : index
      %get3A_1550 = tpu.vector_load %arg11[%get3A_1549] {strides = array<i32>} : memref<80xi32, #tpu.memory_space<vmem>>, vector<16xi32>,
      %add3A_1551 = vector.broadcast %mul3A_0 : i32 to vector<16xi32>
      %add3A_1552 = arith.addi %get3A_1550, %add3A_1551 : vector<16xi32>
      %swap3A_1553 = arith.constant 0 : i32
      %swap3A_1554 = arith.index_cast %swap3A_1553 : i32 to index
      %swap3A_1555 = arith.constant 32 : index
      %swap3A_1556 = tpu.vector_load %arg19[%swap3A_1554, %swap3A_1555] {strides = array<i32>} : memref<1x80xi32, #tpu.memory_space<vmem>>, vector<16xi32>,
      tpu.vector_store %arg19[%swap3A_1554, %swap3A_1555], %add3A_1552 {strides = array<i32>} : memref<1x80xi32, #tpu.memory_space<vmem>>, vector<16xi32>,
      %get3A_1557 = arith.constant 48 : index
      %get3A_1558 = tpu.vector_load %arg9[%get3A_1557] {strides = array<i32>} : memref<80xi32, #tpu.memory_space<vmem>>, vector<16xi32>,
      %swap3A_1559 = arith.constant 0 : i32
      %swap3A_1560 = arith.index_cast %swap3A_1559 : i32 to index
      %swap3A_1561 = arith.constant 48 : index
      %swap3A_1562 = tpu.vector_load %arg13[%swap3A_1560, %swap3A_1561] {strides = array<i32>} : memref<1x80xi32, #tpu.memory_space<vmem>>, vector<16xi32>,
      tpu.vector_store %arg13[%swap3A_1560, %swap3A_1561], %get3A_1558 {strides = array<i32>} : memref<1x80xi32, #tpu.memory_space<vmem>>, vector<16xi32>,
      %get3A_1563 = arith.constant 48 : index
      %get3A_1564 = tpu.vector_load %arg11[%get3A_1563] {strides = array<i32>} : memref<80xi32, #tpu.memory_space<vmem>>, vector<16xi32>,
      %add3A_1565 = vector.broadcast %mul3A_0 : i32 to vector<16xi32>
      %add3A_1566 = arith.addi %get3A_1564, %add3A_1565 : vector<16xi32>
      %swap3A_1567 = arith.constant 0 : i32
      %swap3A_1568 = arith.index_cast %swap3A_1567 : i32 to index
      %swap3A_1569 = arith.constant 48 : index
      %swap3A_1570 = tpu.vector_load %arg19[%swap3A_1568, %swap3A_1569] {strides = array<i32>} : memref<1x80xi32, #tpu.memory_space<vmem>>, vector<16xi32>,
      tpu.vector_store %arg19[%swap3A_1568, %swap3A_1569], %add3A_1566 {strides = array<i32>} : memref<1x80xi32, #tpu.memory_space<vmem>>, vector<16xi32>,
      %get3A_1571 = arith.constant 64 : index
      %get3A_1572 = tpu.vector_load %arg9[%get3A_1571] {strides = array<i32>} : memref<80xi32, #tpu.memory_space<vmem>>, vector<16xi32>,
      %swap3A_1573 = arith.constant 0 : i32
      %swap3A_1574 = arith.index_cast %swap3A_1573 : i32 to index
      %swap3A_1575 = arith.constant 64 : index
      %swap3A_1576 = tpu.vector_load %arg13[%swap3A_1574, %swap3A_1575] {strides = array<i32>} : memref<1x80xi32, #tpu.memory_space<vmem>>, vector<16xi32>,
      tpu.vector_store %arg13[%swap3A_1574, %swap3A_1575], %get3A_1572 {strides = array<i32>} : memref<1x80xi32, #tpu.memory_space<vmem>>, vector<16xi32>,
      %get3A_1577 = arith.constant 64 : index
      %get3A_1578 = tpu.vector_load %arg11[%get3A_1577] {strides = array<i32>} : memref<80xi32, #tpu.memory_space<vmem>>, vector<16xi32>,
      %add3A_1579 = vector.broadcast %mul3A_0 : i32 to vector<16xi32>
      %add3A_1580 = arith.addi %get3A_1578, %add3A_1579 : vector<16xi32>
      %swap3A_1581 = arith.constant 0 : i32
      %swap3A_1582 = arith.index_cast %swap3A_1581 : i32 to index
      %swap3A_1583 = arith.constant 64 : index
      %swap3A_1584 = tpu.vector_load %arg19[%swap3A_1582, %swap3A_1583] {strides = array<i32>} : memref<1x80xi32, #tpu.memory_space<vmem>>, vector<16xi32>,
      tpu.vector_store %arg19[%swap3A_1582, %swap3A_1583], %add3A_1580 {strides = array<i32>} : memref<1x80xi32, #tpu.memory_space<vmem>>, vector<16xi32>,
      %dma_start3A_1585 = arith.constant 0 : i32
      %dma_start3A_1586 = arith.constant 0 : i32
      %dma_start3A_1587 = tpu.memref_slice %arg19[%dma_start3A_1585, %dma_start3A_1586] : memref<1x80xi32, #tpu.memory_space<vmem>> -> memref<1x80xi32, #tpu.memory_space<vmem>>
      %dma_start3A_1588 = tpu.memref_squeeze %dma_start3A_1587 : memref<1x80xi32, #tpu.memory_space<vmem>> -> memref<80xi32, #tpu.memory_space<vmem>>
      %dma_start3A_1589 = arith.constant 0 : i32
      %dma_start3A_1590 = arith.constant 0 : i32
      %dma_start3A_1591 = tpu.memref_slice %arg2[%dma_start3A_1589, %dma_start3A_1590] : memref<20000x80xf32, #tpu.memory_space<hbm>> -> memref<20000x80xf32, #tpu.memory_space<hbm>>
      tpu.enqueue_indirect_dma source(%dma_start3A_1591 : memref<20000x80xf32, #tpu.memory_space<hbm>>) target(%arg21 : memref<80x80xf32, #tpu.memory_space<vmem>>) offsets(%dma_start3A_1588 : memref<80xi32, #tpu.memory_space<vmem>>) semaphore(%arg30 : memref<!tpu.dma_semaphore, #tpu.memory_space<semaphore_mem>>)
      %min3A_1592 = arith.constant 3999 : i32
      %min3A_1593 = arith.minsi %add3A_1441, %min3A_1592 : i32
      %mul3A_1594 = arith.constant 80 : i32
      %mul3A_1595 = arith.muli %min3A_1593, %mul3A_1594 : i32
      %dma_start3A_1596 = tpu.memref_slice %arg4[%mul3A_1595] : memref<320000xi32, #tpu.memory_space<hbm>> -> memref<80xi32, #tpu.memory_space<hbm>>
      %dma_start3A_1597 = tpu.memref_slice %arg4[%mul3A_1595] : memref<320000xi32, #tpu.memory_space<hbm>> -> memref<80xi32, #tpu.memory_space<hbm>>
      tpu.enqueue_dma source(%dma_start3A_1597 : memref<80xi32, #tpu.memory_space<hbm>>) target(%arg9 : memref<80xi32, #tpu.memory_space<vmem>>) target_semaphore(%arg36 : memref<!tpu.dma_semaphore, #tpu.memory_space<semaphore_mem>>)
      %dma_start3A_1598 = tpu.memref_slice %arg5[%mul3A_1595] : memref<320000xi32, #tpu.memory_space<hbm>> -> memref<80xi32, #tpu.memory_space<hbm>>
      %dma_start3A_1599 = tpu.memref_slice %arg5[%mul3A_1595] : memref<320000xi32, #tpu.memory_space<hbm>> -> memref<80xi32, #tpu.memory_space<hbm>>
      tpu.enqueue_dma source(%dma_start3A_1599 : memref<80xi32, #tpu.memory_space<hbm>>) target(%arg11 : memref<80xi32, #tpu.memory_space<vmem>>) target_semaphore(%arg36 : memref<!tpu.dma_semaphore, #tpu.memory_space<semaphore_mem>>)
      %add3A_1600 = arith.addi %select_n3A, %add3A_1273 : i32
      %add3A_1601 = arith.constant 2 : i32
      %add3A_1602 = arith.addi %add3A_1600, %add3A_1601 : i32
      %add3A_1603 = arith.constant 4 : i32
      %add3A_1604 = arith.addi %add3A_1602, %add3A_1603 : i32
      %dma_wait3A_1605 = arith.constant 0 : i32
      %dma_wait3A_1606 = arith.constant 0 : i32
      %dma_wait3A_1607 = tpu.memref_slice %arg2[%dma_wait3A_1605, %dma_wait3A_1606] : memref<20000x80xf32, #tpu.memory_space<hbm>> -> memref<80x80xf32, #tpu.memory_space<hbm>>
      %dma_wait3A_1608 = arith.constant 0 : i32
      %dma_wait3A_1609 = arith.constant 0 : i32
      %dma_wait3A_1610 = tpu.memref_slice %arg2[%dma_wait3A_1608, %dma_wait3A_1609] : memref<20000x80xf32, #tpu.memory_space<hbm>> -> memref<80x80xf32, #tpu.memory_space<hbm>>
      tpu.wait_dma2 semaphore(%arg33 : memref<!tpu.dma_semaphore, #tpu.memory_space<semaphore_mem>>) src(%dma_wait3A_1610 : memref<80x80xf32, #tpu.memory_space<hbm>>) dst(%arg24 : memref<80x80xf32, #tpu.memory_space<vmem>>)
      %dma_wait3A_1611 = arith.constant 0 : i32
      %dma_wait3A_1612 = arith.constant 0 : i32
      %dma_wait3A_1613 = tpu.memref_slice %arg2[%dma_wait3A_1611, %dma_wait3A_1612] : memref<20000x80xf32, #tpu.memory_space<hbm>> -> memref<80x80xf32, #tpu.memory_space<hbm>>
      %dma_wait3A_1614 = arith.constant 0 : i32
      %dma_wait3A_1615 = arith.constant 0 : i32
      %dma_wait3A_1616 = tpu.memref_slice %arg2[%dma_wait3A_1614, %dma_wait3A_1615] : memref<20000x80xf32, #tpu.memory_space<hbm>> -> memref<80x80xf32, #tpu.memory_space<hbm>>
      tpu.wait_dma2 semaphore(%arg29 : memref<!tpu.dma_semaphore, #tpu.memory_space<semaphore_mem>>) src(%dma_wait3A_1616 : memref<80x80xf32, #tpu.memory_space<hbm>>) dst(%arg20 : memref<80x80xf32, #tpu.memory_space<vmem>>)
      %parallel_loop3A_1617 = arith.constant 0 : i32
      %parallel_loop3A_1618 = arith.constant 5 : i32
      %parallel_loop3A_1619 = arith.constant 1 : i32
      scf.for %parallel_loop3A_1926 = %parallel_loop3A_1617 to %parallel_loop3A_1618 step %parallel_loop3A_1619  : i32 {
        %parallel_loop3A_1927 = arith.constant 16 : i32
        %parallel_loop3A_1928 = arith.muli %parallel_loop3A_1926, %parallel_loop3A_1927 : i32
        %parallel_loop3A_1929 = arith.constant 0 : i32
        %parallel_loop3A_1930 = arith.index_cast %parallel_loop3A_1929 : i32 to index
        %parallel_loop3A_1931 = arith.index_cast %parallel_loop3A_1928 : i32 to index
        %parallel_loop3A_1932 = tpu.vector_load %arg12[%parallel_loop3A_1930, %parallel_loop3A_1931] {strides = array<i32>} : memref<1x80xi32, #tpu.memory_space<vmem>>, vector<16xi32>,
        %parallel_loop3A_1933 = arith.constant 16 : i32
        %parallel_loop3A_1934 = arith.muli %parallel_loop3A_1926, %parallel_loop3A_1933 : i32
        %parallel_loop3A_1935 = vector.broadcast %parallel_loop3A_1934 : i32 to vector<16xi32>
        %parallel_loop3A_1936 = arith.addi %parallel_loop3A_1935, %iota3A : vector<16xi32>
        %parallel_loop3A_1937 = tpu.vector_load_idx %arg20[%parallel_loop3A_1936, %broadcast_in_dim3A_3] : memref<80x80xf32, #tpu.memory_space<vmem>>[vector<16xi32>, vector<16xi32>], vector<16xf32>,
        %parallel_loop3A_1938 = tpu.vector_load_idx %arg20[%parallel_loop3A_1936, %broadcast_in_dim3A_5] : memref<80x80xf32, #tpu.memory_space<vmem>>[vector<16xi32>, vector<16xi32>], vector<16xf32>,
        %parallel_loop3A_1939 = arith.constant 2 : i32
        %parallel_loop3A_1940 = vector.broadcast %parallel_loop3A_1939 : i32 to vector<16xi32>
        %parallel_loop3A_1941 = arith.muli %parallel_loop3A_1932, %parallel_loop3A_1940 : vector<16xi32>
        %parallel_loop3A_1942 = tpu.vector_load_idx %arg7[%parallel_loop3A_1941] : memref<20000xf32, #tpu.memory_space<vmem>>[vector<16xi32>], vector<16xf32>,
        %parallel_loop3A_1943 = arith.constant 1 : i32
        %parallel_loop3A_1944 = vector.broadcast %parallel_loop3A_1943 : i32 to vector<16xi32>
        %parallel_loop3A_1945 = arith.addi %parallel_loop3A_1941, %parallel_loop3A_1944 : vector<16xi32>
        %parallel_loop3A_1946 = tpu.vector_load_idx %arg7[%parallel_loop3A_1945] : memref<20000xf32, #tpu.memory_space<vmem>>[vector<16xi32>], vector<16xf32>,
        %parallel_loop3A_1947 = arith.addf %parallel_loop3A_1942, %parallel_loop3A_1937 : vector<16xf32>
        %parallel_loop3A_1948 = arith.addf %parallel_loop3A_1946, %parallel_loop3A_1938 : vector<16xf32>
        %parallel_loop3A_1949 = arith.constant 2.000000e-01 : f32
        %parallel_loop3A_1950 = vector.broadcast %parallel_loop3A_1949 : f32 to vector<16xf32>
        %parallel_loop3A_1951 = arith.mulf %parallel_loop3A_1947, %parallel_loop3A_1950 : vector<16xf32>
        %parallel_loop3A_1952 = arith.maximumf %parallel_loop3A_1947, %parallel_loop3A_1951 : vector<16xf32>
        %parallel_loop3A_1953 = math.exp %parallel_loop3A_1952 : vector<16xf32>
        %parallel_loop3A_1954 = arith.constant 2.000000e-01 : f32
        %parallel_loop3A_1955 = vector.broadcast %parallel_loop3A_1954 : f32 to vector<16xf32>
        %parallel_loop3A_1956 = arith.mulf %parallel_loop3A_1948, %parallel_loop3A_1955 : vector<16xf32>
        %parallel_loop3A_1957 = arith.maximumf %parallel_loop3A_1948, %parallel_loop3A_1956 : vector<16xf32>
        %parallel_loop3A_1958 = math.exp %parallel_loop3A_1957 : vector<16xf32>
        tpu.vector_store_idx %arg24[%parallel_loop3A_1936, %broadcast_in_dim3A_3], %parallel_loop3A_1953 : memref<80x80xf32, #tpu.memory_space<vmem>>[vector<16xi32>, vector<16xi32>], vector<16xf32>,
        tpu.vector_store_idx %arg24[%parallel_loop3A_1936, %broadcast_in_dim3A_5], %parallel_loop3A_1958 : memref<80x80xf32, #tpu.memory_space<vmem>>[vector<16xi32>, vector<16xi32>], vector<16xf32>,
      } {sc.loop_unroll_factor = 1 : i64, sc.parallel_access}
      %parallel_loop3A_1620 = arith.constant 0 : i32
      %parallel_loop3A_1621 = arith.constant 80 : i32
      %parallel_loop3A_1622 = arith.constant 1 : i32
      scf.for %parallel_loop3A_1926 = %parallel_loop3A_1620 to %parallel_loop3A_1621 step %parallel_loop3A_1622  : i32 {
        %parallel_loop3A_1927 = arith.index_cast %parallel_loop3A_1926 : i32 to index
        %parallel_loop3A_1928 = arith.constant 64 : index
        %parallel_loop3A_1929 = tpu.vector_load %arg24[%parallel_loop3A_1927, %parallel_loop3A_1928] {strides = array<i32>} : memref<80x80xf32, #tpu.memory_space<vmem>>, vector<16xf32>,
        %parallel_loop3A_1930 = vector.extract_strided_slice %parallel_loop3A_1929 {offsets = [0], sizes = [1], strides = [1]} : vector<16xf32> to vector<1xf32>
        %parallel_loop3A_1931 = vector.extract %parallel_loop3A_1930[0] : f32 from vector<1xf32>
        %parallel_loop3A_1932 = vector.extract_strided_slice %parallel_loop3A_1929 {offsets = [1], sizes = [1], strides = [1]} : vector<16xf32> to vector<1xf32>
        %parallel_loop3A_1933 = vector.extract %parallel_loop3A_1932[0] : f32 from vector<1xf32>
        %parallel_loop3A_1934 = arith.index_cast %parallel_loop3A_1926 : i32 to index
        %parallel_loop3A_1935 = arith.constant 0 : index
        %parallel_loop3A_1936 = tpu.vector_load %arg20[%parallel_loop3A_1934, %parallel_loop3A_1935] {strides = array<i32>} : memref<80x80xf32, #tpu.memory_space<vmem>>, vector<16xf32>,
        %parallel_loop3A_1937 = vector.broadcast %parallel_loop3A_1931 : f32 to vector<16xf32>
        %parallel_loop3A_1938 = arith.mulf %parallel_loop3A_1936, %parallel_loop3A_1937 : vector<16xf32>
        %parallel_loop3A_1939 = arith.index_cast %parallel_loop3A_1926 : i32 to index
        %parallel_loop3A_1940 = arith.constant 0 : index
        %parallel_loop3A_1941 = tpu.vector_load %arg24[%parallel_loop3A_1939, %parallel_loop3A_1940] {strides = array<i32>} : memref<80x80xf32, #tpu.memory_space<vmem>>, vector<16xf32>,
        tpu.vector_store %arg24[%parallel_loop3A_1939, %parallel_loop3A_1940], %parallel_loop3A_1938 {strides = array<i32>} : memref<80x80xf32, #tpu.memory_space<vmem>>, vector<16xf32>,
        %parallel_loop3A_1942 = arith.index_cast %parallel_loop3A_1926 : i32 to index
        %parallel_loop3A_1943 = arith.constant 16 : index
        %parallel_loop3A_1944 = tpu.vector_load %arg20[%parallel_loop3A_1942, %parallel_loop3A_1943] {strides = array<i32>} : memref<80x80xf32, #tpu.memory_space<vmem>>, vector<16xf32>,
        %parallel_loop3A_1945 = vector.broadcast %parallel_loop3A_1931 : f32 to vector<16xf32>
        %parallel_loop3A_1946 = arith.mulf %parallel_loop3A_1944, %parallel_loop3A_1945 : vector<16xf32>
        %parallel_loop3A_1947 = arith.index_cast %parallel_loop3A_1926 : i32 to index
        %parallel_loop3A_1948 = arith.constant 16 : index
        %parallel_loop3A_1949 = tpu.vector_load %arg24[%parallel_loop3A_1947, %parallel_loop3A_1948] {strides = array<i32>} : memref<80x80xf32, #tpu.memory_space<vmem>>, vector<16xf32>,
        tpu.vector_store %arg24[%parallel_loop3A_1947, %parallel_loop3A_1948], %parallel_loop3A_1946 {strides = array<i32>} : memref<80x80xf32, #tpu.memory_space<vmem>>, vector<16xf32>,
        %parallel_loop3A_1950 = arith.index_cast %parallel_loop3A_1926 : i32 to index
        %parallel_loop3A_1951 = arith.constant 32 : index
        %parallel_loop3A_1952 = tpu.vector_load %arg20[%parallel_loop3A_1950, %parallel_loop3A_1951] {strides = array<i32>} : memref<80x80xf32, #tpu.memory_space<vmem>>, vector<16xf32>,
        %parallel_loop3A_1953 = vector.broadcast %parallel_loop3A_1933 : f32 to vector<16xf32>
        %parallel_loop3A_1954 = arith.mulf %parallel_loop3A_1952, %parallel_loop3A_1953 : vector<16xf32>
        %parallel_loop3A_1955 = arith.index_cast %parallel_loop3A_1926 : i32 to index
        %parallel_loop3A_1956 = arith.constant 32 : index
        %parallel_loop3A_1957 = tpu.vector_load %arg24[%parallel_loop3A_1955, %parallel_loop3A_1956] {strides = array<i32>} : memref<80x80xf32, #tpu.memory_space<vmem>>, vector<16xf32>,
        tpu.vector_store %arg24[%parallel_loop3A_1955, %parallel_loop3A_1956], %parallel_loop3A_1954 {strides = array<i32>} : memref<80x80xf32, #tpu.memory_space<vmem>>, vector<16xf32>,
        %parallel_loop3A_1958 = arith.index_cast %parallel_loop3A_1926 : i32 to index
        %parallel_loop3A_1959 = arith.constant 48 : index
        %parallel_loop3A_1960 = tpu.vector_load %arg20[%parallel_loop3A_1958, %parallel_loop3A_1959] {strides = array<i32>} : memref<80x80xf32, #tpu.memory_space<vmem>>, vector<16xf32>,
        %parallel_loop3A_1961 = vector.broadcast %parallel_loop3A_1933 : f32 to vector<16xf32>
        %parallel_loop3A_1962 = arith.mulf %parallel_loop3A_1960, %parallel_loop3A_1961 : vector<16xf32>
        %parallel_loop3A_1963 = arith.index_cast %parallel_loop3A_1926 : i32 to index
        %parallel_loop3A_1964 = arith.constant 48 : index
        %parallel_loop3A_1965 = tpu.vector_load %arg24[%parallel_loop3A_1963, %parallel_loop3A_1964] {strides = array<i32>} : memref<80x80xf32, #tpu.memory_space<vmem>>, vector<16xf32>,
        tpu.vector_store %arg24[%parallel_loop3A_1963, %parallel_loop3A_1964], %parallel_loop3A_1962 {strides = array<i32>} : memref<80x80xf32, #tpu.memory_space<vmem>>, vector<16xf32>,
      } {sc.loop_unroll_factor = 1 : i64, sc.parallel_access}
      %get3A_1623 = arith.constant 0 : i32
      %get3A_1624 = arith.index_cast %get3A_1623 : i32 to index
      %get3A_1625 = arith.constant 0 : index
      %get3A_1626 = tpu.vector_load %arg12[%get3A_1624, %get3A_1625] {strides = array<i32>} : memref<1x80xi32, #tpu.memory_space<vmem>>, vector<16xi32>,
      %swap3A_1627 = arith.constant 0 : i32
      %swap3A_1628 = arith.index_cast %swap3A_1627 : i32 to index
      %swap3A_1629 = arith.constant 0 : index
      %swap3A_1630 = tpu.vector_load %arg16[%swap3A_1628, %swap3A_1629] {strides = array<i32>} : memref<1x80xi32, #tpu.memory_space<vmem>>, vector<16xi32>,
      tpu.vector_store %arg16[%swap3A_1628, %swap3A_1629], %get3A_1626 {strides = array<i32>} : memref<1x80xi32, #tpu.memory_space<vmem>>, vector<16xi32>,
      %get3A_1631 = arith.constant 0 : i32
      %get3A_1632 = arith.index_cast %get3A_1631 : i32 to index
      %get3A_1633 = arith.constant 16 : index
      %get3A_1634 = tpu.vector_load %arg12[%get3A_1632, %get3A_1633] {strides = array<i32>} : memref<1x80xi32, #tpu.memory_space<vmem>>, vector<16xi32>,
      %swap3A_1635 = arith.constant 0 : i32
      %swap3A_1636 = arith.index_cast %swap3A_1635 : i32 to index
      %swap3A_1637 = arith.constant 16 : index
      %swap3A_1638 = tpu.vector_load %arg16[%swap3A_1636, %swap3A_1637] {strides = array<i32>} : memref<1x80xi32, #tpu.memory_space<vmem>>, vector<16xi32>,
      tpu.vector_store %arg16[%swap3A_1636, %swap3A_1637], %get3A_1634 {strides = array<i32>} : memref<1x80xi32, #tpu.memory_space<vmem>>, vector<16xi32>,
      %get3A_1639 = arith.constant 0 : i32
      %get3A_1640 = arith.index_cast %get3A_1639 : i32 to index
      %get3A_1641 = arith.constant 32 : index
      %get3A_1642 = tpu.vector_load %arg12[%get3A_1640, %get3A_1641] {strides = array<i32>} : memref<1x80xi32, #tpu.memory_space<vmem>>, vector<16xi32>,
      %swap3A_1643 = arith.constant 0 : i32
      %swap3A_1644 = arith.index_cast %swap3A_1643 : i32 to index
      %swap3A_1645 = arith.constant 32 : index
      %swap3A_1646 = tpu.vector_load %arg16[%swap3A_1644, %swap3A_1645] {strides = array<i32>} : memref<1x80xi32, #tpu.memory_space<vmem>>, vector<16xi32>,
      tpu.vector_store %arg16[%swap3A_1644, %swap3A_1645], %get3A_1642 {strides = array<i32>} : memref<1x80xi32, #tpu.memory_space<vmem>>, vector<16xi32>,
      %get3A_1647 = arith.constant 0 : i32
      %get3A_1648 = arith.index_cast %get3A_1647 : i32 to index
      %get3A_1649 = arith.constant 48 : index
      %get3A_1650 = tpu.vector_load %arg12[%get3A_1648, %get3A_1649] {strides = array<i32>} : memref<1x80xi32, #tpu.memory_space<vmem>>, vector<16xi32>,
      %swap3A_1651 = arith.constant 0 : i32
      %swap3A_1652 = arith.index_cast %swap3A_1651 : i32 to index
      %swap3A_1653 = arith.constant 48 : index
      %swap3A_1654 = tpu.vector_load %arg16[%swap3A_1652, %swap3A_1653] {strides = array<i32>} : memref<1x80xi32, #tpu.memory_space<vmem>>, vector<16xi32>,
      tpu.vector_store %arg16[%swap3A_1652, %swap3A_1653], %get3A_1650 {strides = array<i32>} : memref<1x80xi32, #tpu.memory_space<vmem>>, vector<16xi32>,
      %get3A_1655 = arith.constant 0 : i32
      %get3A_1656 = arith.index_cast %get3A_1655 : i32 to index
      %get3A_1657 = arith.constant 64 : index
      %get3A_1658 = tpu.vector_load %arg12[%get3A_1656, %get3A_1657] {strides = array<i32>} : memref<1x80xi32, #tpu.memory_space<vmem>>, vector<16xi32>,
      %swap3A_1659 = arith.constant 0 : i32
      %swap3A_1660 = arith.index_cast %swap3A_1659 : i32 to index
      %swap3A_1661 = arith.constant 64 : index
      %swap3A_1662 = tpu.vector_load %arg16[%swap3A_1660, %swap3A_1661] {strides = array<i32>} : memref<1x80xi32, #tpu.memory_space<vmem>>, vector<16xi32>,
      tpu.vector_store %arg16[%swap3A_1660, %swap3A_1661], %get3A_1658 {strides = array<i32>} : memref<1x80xi32, #tpu.memory_space<vmem>>, vector<16xi32>,
      %dma_start3A_1663 = arith.constant 0 : i32
      %dma_start3A_1664 = arith.constant 0 : i32
      %dma_start3A_1665 = tpu.memref_slice %arg16[%dma_start3A_1663, %dma_start3A_1664] : memref<1x80xi32, #tpu.memory_space<vmem>> -> memref<1x80xi32, #tpu.memory_space<vmem>>
      %dma_start3A_1666 = tpu.memref_squeeze %dma_start3A_1665 : memref<1x80xi32, #tpu.memory_space<vmem>> -> memref<80xi32, #tpu.memory_space<vmem>>
      %dma_start3A_1667 = arith.constant 0 : i32
      %dma_start3A_1668 = arith.constant 0 : i32
      %dma_start3A_1669 = tpu.memref_slice %arg28[%dma_start3A_1667, %dma_start3A_1668] : memref<10000x80xf32, #tpu.memory_space<vmem_shared>> -> memref<10000x80xf32, #tpu.memory_space<vmem_shared>>
      tpu.enqueue_indirect_dma source(%arg24 : memref<80x80xf32, #tpu.memory_space<vmem>>) target(%dma_start3A_1669 : memref<10000x80xf32, #tpu.memory_space<vmem_shared>>) offsets(%dma_start3A_1666 : memref<80xi32, #tpu.memory_space<vmem>>) semaphore(%arg33 : memref<!tpu.dma_semaphore, #tpu.memory_space<semaphore_mem>>) {add = true}
      %dma_wait3A_1670 = arith.constant 0 : i32
      %dma_wait3A_1671 = tpu.memref_slice %arg4[%dma_wait3A_1670] : memref<320000xi32, #tpu.memory_space<hbm>> -> memref<80xi32, #tpu.memory_space<hbm>>
      %dma_wait3A_1672 = arith.constant 0 : i32
      %dma_wait3A_1673 = tpu.memref_slice %arg4[%dma_wait3A_1672] : memref<320000xi32, #tpu.memory_space<hbm>> -> memref<80xi32, #tpu.memory_space<hbm>>
      tpu.wait_dma2 semaphore(%arg35 : memref<!tpu.dma_semaphore, #tpu.memory_space<semaphore_mem>>) src(%dma_wait3A_1673 : memref<80xi32, #tpu.memory_space<hbm>>) dst(%arg8 : memref<80xi32, #tpu.memory_space<vmem>>)
      %dma_wait3A_1674 = arith.constant 0 : i32
      %dma_wait3A_1675 = tpu.memref_slice %arg5[%dma_wait3A_1674] : memref<320000xi32, #tpu.memory_space<hbm>> -> memref<80xi32, #tpu.memory_space<hbm>>
      %dma_wait3A_1676 = arith.constant 0 : i32
      %dma_wait3A_1677 = tpu.memref_slice %arg5[%dma_wait3A_1676] : memref<320000xi32, #tpu.memory_space<hbm>> -> memref<80xi32, #tpu.memory_space<hbm>>
      tpu.wait_dma2 semaphore(%arg35 : memref<!tpu.dma_semaphore, #tpu.memory_space<semaphore_mem>>) src(%dma_wait3A_1677 : memref<80xi32, #tpu.memory_space<hbm>>) dst(%arg10 : memref<80xi32, #tpu.memory_space<vmem>>)
      %get3A_1678 = arith.constant 0 : index
      %get3A_1679 = tpu.vector_load %arg8[%get3A_1678] {strides = array<i32>} : memref<80xi32, #tpu.memory_space<vmem>>, vector<16xi32>,
      %swap3A_1680 = arith.constant 0 : i32
      %swap3A_1681 = arith.index_cast %swap3A_1680 : i32 to index
      %swap3A_1682 = arith.constant 0 : index
      %swap3A_1683 = tpu.vector_load %arg12[%swap3A_1681, %swap3A_1682] {strides = array<i32>} : memref<1x80xi32, #tpu.memory_space<vmem>>, vector<16xi32>,
      tpu.vector_store %arg12[%swap3A_1681, %swap3A_1682], %get3A_1679 {strides = array<i32>} : memref<1x80xi32, #tpu.memory_space<vmem>>, vector<16xi32>,
      %get3A_1684 = arith.constant 0 : index
      %get3A_1685 = tpu.vector_load %arg10[%get3A_1684] {strides = array<i32>} : memref<80xi32, #tpu.memory_space<vmem>>, vector<16xi32>,
      %add3A_1686 = vector.broadcast %mul3A_0 : i32 to vector<16xi32>
      %add3A_1687 = arith.addi %get3A_1685, %add3A_1686 : vector<16xi32>
      %swap3A_1688 = arith.constant 0 : i32
      %swap3A_1689 = arith.index_cast %swap3A_1688 : i32 to index
      %swap3A_1690 = arith.constant 0 : index
      %swap3A_1691 = tpu.vector_load %arg18[%swap3A_1689, %swap3A_1690] {strides = array<i32>} : memref<1x80xi32, #tpu.memory_space<vmem>>, vector<16xi32>,
      tpu.vector_store %arg18[%swap3A_1689, %swap3A_1690], %add3A_1687 {strides = array<i32>} : memref<1x80xi32, #tpu.memory_space<vmem>>, vector<16xi32>,
      %get3A_1692 = arith.constant 16 : index
      %get3A_1693 = tpu.vector_load %arg8[%get3A_1692] {strides = array<i32>} : memref<80xi32, #tpu.memory_space<vmem>>, vector<16xi32>,
      %swap3A_1694 = arith.constant 0 : i32
      %swap3A_1695 = arith.index_cast %swap3A_1694 : i32 to index
      %swap3A_1696 = arith.constant 16 : index
      %swap3A_1697 = tpu.vector_load %arg12[%swap3A_1695, %swap3A_1696] {strides = array<i32>} : memref<1x80xi32, #tpu.memory_space<vmem>>, vector<16xi32>,
      tpu.vector_store %arg12[%swap3A_1695, %swap3A_1696], %get3A_1693 {strides = array<i32>} : memref<1x80xi32, #tpu.memory_space<vmem>>, vector<16xi32>,
      %get3A_1698 = arith.constant 16 : index
      %get3A_1699 = tpu.vector_load %arg10[%get3A_1698] {strides = array<i32>} : memref<80xi32, #tpu.memory_space<vmem>>, vector<16xi32>,
      %add3A_1700 = vector.broadcast %mul3A_0 : i32 to vector<16xi32>
      %add3A_1701 = arith.addi %get3A_1699, %add3A_1700 : vector<16xi32>
      %swap3A_1702 = arith.constant 0 : i32
      %swap3A_1703 = arith.index_cast %swap3A_1702 : i32 to index
      %swap3A_1704 = arith.constant 16 : index
      %swap3A_1705 = tpu.vector_load %arg18[%swap3A_1703, %swap3A_1704] {strides = array<i32>} : memref<1x80xi32, #tpu.memory_space<vmem>>, vector<16xi32>,
      tpu.vector_store %arg18[%swap3A_1703, %swap3A_1704], %add3A_1701 {strides = array<i32>} : memref<1x80xi32, #tpu.memory_space<vmem>>, vector<16xi32>,
      %get3A_1706 = arith.constant 32 : index
      %get3A_1707 = tpu.vector_load %arg8[%get3A_1706] {strides = array<i32>} : memref<80xi32, #tpu.memory_space<vmem>>, vector<16xi32>,
      %swap3A_1708 = arith.constant 0 : i32
      %swap3A_1709 = arith.index_cast %swap3A_1708 : i32 to index
      %swap3A_1710 = arith.constant 32 : index
      %swap3A_1711 = tpu.vector_load %arg12[%swap3A_1709, %swap3A_1710] {strides = array<i32>} : memref<1x80xi32, #tpu.memory_space<vmem>>, vector<16xi32>,
      tpu.vector_store %arg12[%swap3A_1709, %swap3A_1710], %get3A_1707 {strides = array<i32>} : memref<1x80xi32, #tpu.memory_space<vmem>>, vector<16xi32>,
      %get3A_1712 = arith.constant 32 : index
      %get3A_1713 = tpu.vector_load %arg10[%get3A_1712] {strides = array<i32>} : memref<80xi32, #tpu.memory_space<vmem>>, vector<16xi32>,
      %add3A_1714 = vector.broadcast %mul3A_0 : i32 to vector<16xi32>
      %add3A_1715 = arith.addi %get3A_1713, %add3A_1714 : vector<16xi32>
      %swap3A_1716 = arith.constant 0 : i32
      %swap3A_1717 = arith.index_cast %swap3A_1716 : i32 to index
      %swap3A_1718 = arith.constant 32 : index
      %swap3A_1719 = tpu.vector_load %arg18[%swap3A_1717, %swap3A_1718] {strides = array<i32>} : memref<1x80xi32, #tpu.memory_space<vmem>>, vector<16xi32>,
      tpu.vector_store %arg18[%swap3A_1717, %swap3A_1718], %add3A_1715 {strides = array<i32>} : memref<1x80xi32, #tpu.memory_space<vmem>>, vector<16xi32>,
      %get3A_1720 = arith.constant 48 : index
      %get3A_1721 = tpu.vector_load %arg8[%get3A_1720] {strides = array<i32>} : memref<80xi32, #tpu.memory_space<vmem>>, vector<16xi32>,
      %swap3A_1722 = arith.constant 0 : i32
      %swap3A_1723 = arith.index_cast %swap3A_1722 : i32 to index
      %swap3A_1724 = arith.constant 48 : index
      %swap3A_1725 = tpu.vector_load %arg12[%swap3A_1723, %swap3A_1724] {strides = array<i32>} : memref<1x80xi32, #tpu.memory_space<vmem>>, vector<16xi32>,
      tpu.vector_store %arg12[%swap3A_1723, %swap3A_1724], %get3A_1721 {strides = array<i32>} : memref<1x80xi32, #tpu.memory_space<vmem>>, vector<16xi32>,
      %get3A_1726 = arith.constant 48 : index
      %get3A_1727 = tpu.vector_load %arg10[%get3A_1726] {strides = array<i32>} : memref<80xi32, #tpu.memory_space<vmem>>, vector<16xi32>,
      %add3A_1728 = vector.broadcast %mul3A_0 : i32 to vector<16xi32>
      %add3A_1729 = arith.addi %get3A_1727, %add3A_1728 : vector<16xi32>
      %swap3A_1730 = arith.constant 0 : i32
      %swap3A_1731 = arith.index_cast %swap3A_1730 : i32 to index
      %swap3A_1732 = arith.constant 48 : index
      %swap3A_1733 = tpu.vector_load %arg18[%swap3A_1731, %swap3A_1732] {strides = array<i32>} : memref<1x80xi32, #tpu.memory_space<vmem>>, vector<16xi32>,
      tpu.vector_store %arg18[%swap3A_1731, %swap3A_1732], %add3A_1729 {strides = array<i32>} : memref<1x80xi32, #tpu.memory_space<vmem>>, vector<16xi32>,
      %get3A_1734 = arith.constant 64 : index
      %get3A_1735 = tpu.vector_load %arg8[%get3A_1734] {strides = array<i32>} : memref<80xi32, #tpu.memory_space<vmem>>, vector<16xi32>,
      %swap3A_1736 = arith.constant 0 : i32
      %swap3A_1737 = arith.index_cast %swap3A_1736 : i32 to index
      %swap3A_1738 = arith.constant 64 : index
      %swap3A_1739 = tpu.vector_load %arg12[%swap3A_1737, %swap3A_1738] {strides = array<i32>} : memref<1x80xi32, #tpu.memory_space<vmem>>, vector<16xi32>,
      tpu.vector_store %arg12[%swap3A_1737, %swap3A_1738], %get3A_1735 {strides = array<i32>} : memref<1x80xi32, #tpu.memory_space<vmem>>, vector<16xi32>,
      %get3A_1740 = arith.constant 64 : index
      %get3A_1741 = tpu.vector_load %arg10[%get3A_1740] {strides = array<i32>} : memref<80xi32, #tpu.memory_space<vmem>>, vector<16xi32>,
      %add3A_1742 = vector.broadcast %mul3A_0 : i32 to vector<16xi32>
      %add3A_1743 = arith.addi %get3A_1741, %add3A_1742 : vector<16xi32>
      %swap3A_1744 = arith.constant 0 : i32
      %swap3A_1745 = arith.index_cast %swap3A_1744 : i32 to index
      %swap3A_1746 = arith.constant 64 : index
      %swap3A_1747 = tpu.vector_load %arg18[%swap3A_1745, %swap3A_1746] {strides = array<i32>} : memref<1x80xi32, #tpu.memory_space<vmem>>, vector<16xi32>,
      tpu.vector_store %arg18[%swap3A_1745, %swap3A_1746], %add3A_1743 {strides = array<i32>} : memref<1x80xi32, #tpu.memory_space<vmem>>, vector<16xi32>,
      %dma_start3A_1748 = arith.constant 0 : i32
      %dma_start3A_1749 = arith.constant 0 : i32
      %dma_start3A_1750 = tpu.memref_slice %arg18[%dma_start3A_1748, %dma_start3A_1749] : memref<1x80xi32, #tpu.memory_space<vmem>> -> memref<1x80xi32, #tpu.memory_space<vmem>>
      %dma_start3A_1751 = tpu.memref_squeeze %dma_start3A_1750 : memref<1x80xi32, #tpu.memory_space<vmem>> -> memref<80xi32, #tpu.memory_space<vmem>>
      %dma_start3A_1752 = arith.constant 0 : i32
      %dma_start3A_1753 = arith.constant 0 : i32
      %dma_start3A_1754 = tpu.memref_slice %arg2[%dma_start3A_1752, %dma_start3A_1753] : memref<20000x80xf32, #tpu.memory_space<hbm>> -> memref<20000x80xf32, #tpu.memory_space<hbm>>
      tpu.enqueue_indirect_dma source(%dma_start3A_1754 : memref<20000x80xf32, #tpu.memory_space<hbm>>) target(%arg20 : memref<80x80xf32, #tpu.memory_space<vmem>>) offsets(%dma_start3A_1751 : memref<80xi32, #tpu.memory_space<vmem>>) semaphore(%arg29 : memref<!tpu.dma_semaphore, #tpu.memory_space<semaphore_mem>>)
      %min3A_1755 = arith.constant 3999 : i32
      %min3A_1756 = arith.minsi %add3A_1604, %min3A_1755 : i32
      %mul3A_1757 = arith.constant 80 : i32
      %mul3A_1758 = arith.muli %min3A_1756, %mul3A_1757 : i32
      %dma_start3A_1759 = tpu.memref_slice %arg4[%mul3A_1758] : memref<320000xi32, #tpu.memory_space<hbm>> -> memref<80xi32, #tpu.memory_space<hbm>>
      %dma_start3A_1760 = tpu.memref_slice %arg4[%mul3A_1758] : memref<320000xi32, #tpu.memory_space<hbm>> -> memref<80xi32, #tpu.memory_space<hbm>>
      tpu.enqueue_dma source(%dma_start3A_1760 : memref<80xi32, #tpu.memory_space<hbm>>) target(%arg8 : memref<80xi32, #tpu.memory_space<vmem>>) target_semaphore(%arg35 : memref<!tpu.dma_semaphore, #tpu.memory_space<semaphore_mem>>)
      %dma_start3A_1761 = tpu.memref_slice %arg5[%mul3A_1758] : memref<320000xi32, #tpu.memory_space<hbm>> -> memref<80xi32, #tpu.memory_space<hbm>>
      %dma_start3A_1762 = tpu.memref_slice %arg5[%mul3A_1758] : memref<320000xi32, #tpu.memory_space<hbm>> -> memref<80xi32, #tpu.memory_space<hbm>>
      tpu.enqueue_dma source(%dma_start3A_1762 : memref<80xi32, #tpu.memory_space<hbm>>) target(%arg10 : memref<80xi32, #tpu.memory_space<vmem>>) target_semaphore(%arg35 : memref<!tpu.dma_semaphore, #tpu.memory_space<semaphore_mem>>)
      %add3A_1763 = arith.addi %select_n3A, %add3A_1273 : i32
      %add3A_1764 = arith.constant 3 : i32
      %add3A_1765 = arith.addi %add3A_1763, %add3A_1764 : i32
      %add3A_1766 = arith.constant 4 : i32
      %add3A_1767 = arith.addi %add3A_1765, %add3A_1766 : i32
      %dma_wait3A_1768 = arith.constant 0 : i32
      %dma_wait3A_1769 = arith.constant 0 : i32
      %dma_wait3A_1770 = tpu.memref_slice %arg2[%dma_wait3A_1768, %dma_wait3A_1769] : memref<20000x80xf32, #tpu.memory_space<hbm>> -> memref<80x80xf32, #tpu.memory_space<hbm>>
      %dma_wait3A_1771 = arith.constant 0 : i32
      %dma_wait3A_1772 = arith.constant 0 : i32
      %dma_wait3A_1773 = tpu.memref_slice %arg2[%dma_wait3A_1771, %dma_wait3A_1772] : memref<20000x80xf32, #tpu.memory_space<hbm>> -> memref<80x80xf32, #tpu.memory_space<hbm>>
      tpu.wait_dma2 semaphore(%arg34 : memref<!tpu.dma_semaphore, #tpu.memory_space<semaphore_mem>>) src(%dma_wait3A_1773 : memref<80x80xf32, #tpu.memory_space<hbm>>) dst(%arg25 : memref<80x80xf32, #tpu.memory_space<vmem>>)
      %dma_wait3A_1774 = arith.constant 0 : i32
      %dma_wait3A_1775 = arith.constant 0 : i32
      %dma_wait3A_1776 = tpu.memref_slice %arg2[%dma_wait3A_1774, %dma_wait3A_1775] : memref<20000x80xf32, #tpu.memory_space<hbm>> -> memref<80x80xf32, #tpu.memory_space<hbm>>
      %dma_wait3A_1777 = arith.constant 0 : i32
      %dma_wait3A_1778 = arith.constant 0 : i32
      %dma_wait3A_1779 = tpu.memref_slice %arg2[%dma_wait3A_1777, %dma_wait3A_1778] : memref<20000x80xf32, #tpu.memory_space<hbm>> -> memref<80x80xf32, #tpu.memory_space<hbm>>
      tpu.wait_dma2 semaphore(%arg30 : memref<!tpu.dma_semaphore, #tpu.memory_space<semaphore_mem>>) src(%dma_wait3A_1779 : memref<80x80xf32, #tpu.memory_space<hbm>>) dst(%arg21 : memref<80x80xf32, #tpu.memory_space<vmem>>)
      %parallel_loop3A_1780 = arith.constant 0 : i32
      %parallel_loop3A_1781 = arith.constant 5 : i32
      %parallel_loop3A_1782 = arith.constant 1 : i32
      scf.for %parallel_loop3A_1926 = %parallel_loop3A_1780 to %parallel_loop3A_1781 step %parallel_loop3A_1782  : i32 {
        %parallel_loop3A_1927 = arith.constant 16 : i32
        %parallel_loop3A_1928 = arith.muli %parallel_loop3A_1926, %parallel_loop3A_1927 : i32
        %parallel_loop3A_1929 = arith.constant 0 : i32
        %parallel_loop3A_1930 = arith.index_cast %parallel_loop3A_1929 : i32 to index
        %parallel_loop3A_1931 = arith.index_cast %parallel_loop3A_1928 : i32 to index
        %parallel_loop3A_1932 = tpu.vector_load %arg13[%parallel_loop3A_1930, %parallel_loop3A_1931] {strides = array<i32>} : memref<1x80xi32, #tpu.memory_space<vmem>>, vector<16xi32>,
        %parallel_loop3A_1933 = arith.constant 16 : i32
        %parallel_loop3A_1934 = arith.muli %parallel_loop3A_1926, %parallel_loop3A_1933 : i32
        %parallel_loop3A_1935 = vector.broadcast %parallel_loop3A_1934 : i32 to vector<16xi32>
        %parallel_loop3A_1936 = arith.addi %parallel_loop3A_1935, %iota3A : vector<16xi32>
        %parallel_loop3A_1937 = tpu.vector_load_idx %arg21[%parallel_loop3A_1936, %broadcast_in_dim3A_3] : memref<80x80xf32, #tpu.memory_space<vmem>>[vector<16xi32>, vector<16xi32>], vector<16xf32>,
        %parallel_loop3A_1938 = tpu.vector_load_idx %arg21[%parallel_loop3A_1936, %broadcast_in_dim3A_5] : memref<80x80xf32, #tpu.memory_space<vmem>>[vector<16xi32>, vector<16xi32>], vector<16xf32>,
        %parallel_loop3A_1939 = arith.constant 2 : i32
        %parallel_loop3A_1940 = vector.broadcast %parallel_loop3A_1939 : i32 to vector<16xi32>
        %parallel_loop3A_1941 = arith.muli %parallel_loop3A_1932, %parallel_loop3A_1940 : vector<16xi32>
        %parallel_loop3A_1942 = tpu.vector_load_idx %arg7[%parallel_loop3A_1941] : memref<20000xf32, #tpu.memory_space<vmem>>[vector<16xi32>], vector<16xf32>,
        %parallel_loop3A_1943 = arith.constant 1 : i32
        %parallel_loop3A_1944 = vector.broadcast %parallel_loop3A_1943 : i32 to vector<16xi32>
        %parallel_loop3A_1945 = arith.addi %parallel_loop3A_1941, %parallel_loop3A_1944 : vector<16xi32>
        %parallel_loop3A_1946 = tpu.vector_load_idx %arg7[%parallel_loop3A_1945] : memref<20000xf32, #tpu.memory_space<vmem>>[vector<16xi32>], vector<16xf32>,
        %parallel_loop3A_1947 = arith.addf %parallel_loop3A_1942, %parallel_loop3A_1937 : vector<16xf32>
        %parallel_loop3A_1948 = arith.addf %parallel_loop3A_1946, %parallel_loop3A_1938 : vector<16xf32>
        %parallel_loop3A_1949 = arith.constant 2.000000e-01 : f32
        %parallel_loop3A_1950 = vector.broadcast %parallel_loop3A_1949 : f32 to vector<16xf32>
        %parallel_loop3A_1951 = arith.mulf %parallel_loop3A_1947, %parallel_loop3A_1950 : vector<16xf32>
        %parallel_loop3A_1952 = arith.maximumf %parallel_loop3A_1947, %parallel_loop3A_1951 : vector<16xf32>
        %parallel_loop3A_1953 = math.exp %parallel_loop3A_1952 : vector<16xf32>
        %parallel_loop3A_1954 = arith.constant 2.000000e-01 : f32
        %parallel_loop3A_1955 = vector.broadcast %parallel_loop3A_1954 : f32 to vector<16xf32>
        %parallel_loop3A_1956 = arith.mulf %parallel_loop3A_1948, %parallel_loop3A_1955 : vector<16xf32>
        %parallel_loop3A_1957 = arith.maximumf %parallel_loop3A_1948, %parallel_loop3A_1956 : vector<16xf32>
        %parallel_loop3A_1958 = math.exp %parallel_loop3A_1957 : vector<16xf32>
        tpu.vector_store_idx %arg25[%parallel_loop3A_1936, %broadcast_in_dim3A_3], %parallel_loop3A_1953 : memref<80x80xf32, #tpu.memory_space<vmem>>[vector<16xi32>, vector<16xi32>], vector<16xf32>,
        tpu.vector_store_idx %arg25[%parallel_loop3A_1936, %broadcast_in_dim3A_5], %parallel_loop3A_1958 : memref<80x80xf32, #tpu.memory_space<vmem>>[vector<16xi32>, vector<16xi32>], vector<16xf32>,
      } {sc.loop_unroll_factor = 1 : i64, sc.parallel_access}
      %parallel_loop3A_1783 = arith.constant 0 : i32
      %parallel_loop3A_1784 = arith.constant 80 : i32
      %parallel_loop3A_1785 = arith.constant 1 : i32
      scf.for %parallel_loop3A_1926 = %parallel_loop3A_1783 to %parallel_loop3A_1784 step %parallel_loop3A_1785  : i32 {
        %parallel_loop3A_1927 = arith.index_cast %parallel_loop3A_1926 : i32 to index
        %parallel_loop3A_1928 = arith.constant 64 : index
        %parallel_loop3A_1929 = tpu.vector_load %arg25[%parallel_loop3A_1927, %parallel_loop3A_1928] {strides = array<i32>} : memref<80x80xf32, #tpu.memory_space<vmem>>, vector<16xf32>,
        %parallel_loop3A_1930 = vector.extract_strided_slice %parallel_loop3A_1929 {offsets = [0], sizes = [1], strides = [1]} : vector<16xf32> to vector<1xf32>
        %parallel_loop3A_1931 = vector.extract %parallel_loop3A_1930[0] : f32 from vector<1xf32>
        %parallel_loop3A_1932 = vector.extract_strided_slice %parallel_loop3A_1929 {offsets = [1], sizes = [1], strides = [1]} : vector<16xf32> to vector<1xf32>
        %parallel_loop3A_1933 = vector.extract %parallel_loop3A_1932[0] : f32 from vector<1xf32>
        %parallel_loop3A_1934 = arith.index_cast %parallel_loop3A_1926 : i32 to index
        %parallel_loop3A_1935 = arith.constant 0 : index
        %parallel_loop3A_1936 = tpu.vector_load %arg21[%parallel_loop3A_1934, %parallel_loop3A_1935] {strides = array<i32>} : memref<80x80xf32, #tpu.memory_space<vmem>>, vector<16xf32>,
        %parallel_loop3A_1937 = vector.broadcast %parallel_loop3A_1931 : f32 to vector<16xf32>
        %parallel_loop3A_1938 = arith.mulf %parallel_loop3A_1936, %parallel_loop3A_1937 : vector<16xf32>
        %parallel_loop3A_1939 = arith.index_cast %parallel_loop3A_1926 : i32 to index
        %parallel_loop3A_1940 = arith.constant 0 : index
        %parallel_loop3A_1941 = tpu.vector_load %arg25[%parallel_loop3A_1939, %parallel_loop3A_1940] {strides = array<i32>} : memref<80x80xf32, #tpu.memory_space<vmem>>, vector<16xf32>,
        tpu.vector_store %arg25[%parallel_loop3A_1939, %parallel_loop3A_1940], %parallel_loop3A_1938 {strides = array<i32>} : memref<80x80xf32, #tpu.memory_space<vmem>>, vector<16xf32>,
        %parallel_loop3A_1942 = arith.index_cast %parallel_loop3A_1926 : i32 to index
        %parallel_loop3A_1943 = arith.constant 16 : index
        %parallel_loop3A_1944 = tpu.vector_load %arg21[%parallel_loop3A_1942, %parallel_loop3A_1943] {strides = array<i32>} : memref<80x80xf32, #tpu.memory_space<vmem>>, vector<16xf32>,
        %parallel_loop3A_1945 = vector.broadcast %parallel_loop3A_1931 : f32 to vector<16xf32>
        %parallel_loop3A_1946 = arith.mulf %parallel_loop3A_1944, %parallel_loop3A_1945 : vector<16xf32>
        %parallel_loop3A_1947 = arith.index_cast %parallel_loop3A_1926 : i32 to index
        %parallel_loop3A_1948 = arith.constant 16 : index
        %parallel_loop3A_1949 = tpu.vector_load %arg25[%parallel_loop3A_1947, %parallel_loop3A_1948] {strides = array<i32>} : memref<80x80xf32, #tpu.memory_space<vmem>>, vector<16xf32>,
        tpu.vector_store %arg25[%parallel_loop3A_1947, %parallel_loop3A_1948], %parallel_loop3A_1946 {strides = array<i32>} : memref<80x80xf32, #tpu.memory_space<vmem>>, vector<16xf32>,
        %parallel_loop3A_1950 = arith.index_cast %parallel_loop3A_1926 : i32 to index
        %parallel_loop3A_1951 = arith.constant 32 : index
        %parallel_loop3A_1952 = tpu.vector_load %arg21[%parallel_loop3A_1950, %parallel_loop3A_1951] {strides = array<i32>} : memref<80x80xf32, #tpu.memory_space<vmem>>, vector<16xf32>,
        %parallel_loop3A_1953 = vector.broadcast %parallel_loop3A_1933 : f32 to vector<16xf32>
        %parallel_loop3A_1954 = arith.mulf %parallel_loop3A_1952, %parallel_loop3A_1953 : vector<16xf32>
        %parallel_loop3A_1955 = arith.index_cast %parallel_loop3A_1926 : i32 to index
        %parallel_loop3A_1956 = arith.constant 32 : index
        %parallel_loop3A_1957 = tpu.vector_load %arg25[%parallel_loop3A_1955, %parallel_loop3A_1956] {strides = array<i32>} : memref<80x80xf32, #tpu.memory_space<vmem>>, vector<16xf32>,
        tpu.vector_store %arg25[%parallel_loop3A_1955, %parallel_loop3A_1956], %parallel_loop3A_1954 {strides = array<i32>} : memref<80x80xf32, #tpu.memory_space<vmem>>, vector<16xf32>,
        %parallel_loop3A_1958 = arith.index_cast %parallel_loop3A_1926 : i32 to index
        %parallel_loop3A_1959 = arith.constant 48 : index
        %parallel_loop3A_1960 = tpu.vector_load %arg21[%parallel_loop3A_1958, %parallel_loop3A_1959] {strides = array<i32>} : memref<80x80xf32, #tpu.memory_space<vmem>>, vector<16xf32>,
        %parallel_loop3A_1961 = vector.broadcast %parallel_loop3A_1933 : f32 to vector<16xf32>
        %parallel_loop3A_1962 = arith.mulf %parallel_loop3A_1960, %parallel_loop3A_1961 : vector<16xf32>
        %parallel_loop3A_1963 = arith.index_cast %parallel_loop3A_1926 : i32 to index
        %parallel_loop3A_1964 = arith.constant 48 : index
        %parallel_loop3A_1965 = tpu.vector_load %arg25[%parallel_loop3A_1963, %parallel_loop3A_1964] {strides = array<i32>} : memref<80x80xf32, #tpu.memory_space<vmem>>, vector<16xf32>,
        tpu.vector_store %arg25[%parallel_loop3A_1963, %parallel_loop3A_1964], %parallel_loop3A_1962 {strides = array<i32>} : memref<80x80xf32, #tpu.memory_space<vmem>>, vector<16xf32>,
      } {sc.loop_unroll_factor = 1 : i64, sc.parallel_access}
      %get3A_1786 = arith.constant 0 : i32
      %get3A_1787 = arith.index_cast %get3A_1786 : i32 to index
      %get3A_1788 = arith.constant 0 : index
      %get3A_1789 = tpu.vector_load %arg13[%get3A_1787, %get3A_1788] {strides = array<i32>} : memref<1x80xi32, #tpu.memory_space<vmem>>, vector<16xi32>,
      %swap3A_1790 = arith.constant 0 : i32
      %swap3A_1791 = arith.index_cast %swap3A_1790 : i32 to index
      %swap3A_1792 = arith.constant 0 : index
      %swap3A_1793 = tpu.vector_load %arg17[%swap3A_1791, %swap3A_1792] {strides = array<i32>} : memref<1x80xi32, #tpu.memory_space<vmem>>, vector<16xi32>,
      tpu.vector_store %arg17[%swap3A_1791, %swap3A_1792], %get3A_1789 {strides = array<i32>} : memref<1x80xi32, #tpu.memory_space<vmem>>, vector<16xi32>,
      %get3A_1794 = arith.constant 0 : i32
      %get3A_1795 = arith.index_cast %get3A_1794 : i32 to index
      %get3A_1796 = arith.constant 16 : index
      %get3A_1797 = tpu.vector_load %arg13[%get3A_1795, %get3A_1796] {strides = array<i32>} : memref<1x80xi32, #tpu.memory_space<vmem>>, vector<16xi32>,
      %swap3A_1798 = arith.constant 0 : i32
      %swap3A_1799 = arith.index_cast %swap3A_1798 : i32 to index
      %swap3A_1800 = arith.constant 16 : index
      %swap3A_1801 = tpu.vector_load %arg17[%swap3A_1799, %swap3A_1800] {strides = array<i32>} : memref<1x80xi32, #tpu.memory_space<vmem>>, vector<16xi32>,
      tpu.vector_store %arg17[%swap3A_1799, %swap3A_1800], %get3A_1797 {strides = array<i32>} : memref<1x80xi32, #tpu.memory_space<vmem>>, vector<16xi32>,
      %get3A_1802 = arith.constant 0 : i32
      %get3A_1803 = arith.index_cast %get3A_1802 : i32 to index
      %get3A_1804 = arith.constant 32 : index
      %get3A_1805 = tpu.vector_load %arg13[%get3A_1803, %get3A_1804] {strides = array<i32>} : memref<1x80xi32, #tpu.memory_space<vmem>>, vector<16xi32>,
      %swap3A_1806 = arith.constant 0 : i32
      %swap3A_1807 = arith.index_cast %swap3A_1806 : i32 to index
      %swap3A_1808 = arith.constant 32 : index
      %swap3A_1809 = tpu.vector_load %arg17[%swap3A_1807, %swap3A_1808] {strides = array<i32>} : memref<1x80xi32, #tpu.memory_space<vmem>>, vector<16xi32>,
      tpu.vector_store %arg17[%swap3A_1807, %swap3A_1808], %get3A_1805 {strides = array<i32>} : memref<1x80xi32, #tpu.memory_space<vmem>>, vector<16xi32>,
      %get3A_1810 = arith.constant 0 : i32
      %get3A_1811 = arith.index_cast %get3A_1810 : i32 to index
      %get3A_1812 = arith.constant 48 : index
      %get3A_1813 = tpu.vector_load %arg13[%get3A_1811, %get3A_1812] {strides = array<i32>} : memref<1x80xi32, #tpu.memory_space<vmem>>, vector<16xi32>,
      %swap3A_1814 = arith.constant 0 : i32
      %swap3A_1815 = arith.index_cast %swap3A_1814 : i32 to index
      %swap3A_1816 = arith.constant 48 : index
      %swap3A_1817 = tpu.vector_load %arg17[%swap3A_1815, %swap3A_1816] {strides = array<i32>} : memref<1x80xi32, #tpu.memory_space<vmem>>, vector<16xi32>,
      tpu.vector_store %arg17[%swap3A_1815, %swap3A_1816], %get3A_1813 {strides = array<i32>} : memref<1x80xi32, #tpu.memory_space<vmem>>, vector<16xi32>,
      %get3A_1818 = arith.constant 0 : i32
      %get3A_1819 = arith.index_cast %get3A_1818 : i32 to index
      %get3A_1820 = arith.constant 64 : index
      %get3A_1821 = tpu.vector_load %arg13[%get3A_1819, %get3A_1820] {strides = array<i32>} : memref<1x80xi32, #tpu.memory_space<vmem>>, vector<16xi32>,
      %swap3A_1822 = arith.constant 0 : i32
      %swap3A_1823 = arith.index_cast %swap3A_1822 : i32 to index
      %swap3A_1824 = arith.constant 64 : index
      %swap3A_1825 = tpu.vector_load %arg17[%swap3A_1823, %swap3A_1824] {strides = array<i32>} : memref<1x80xi32, #tpu.memory_space<vmem>>, vector<16xi32>,
      tpu.vector_store %arg17[%swap3A_1823, %swap3A_1824], %get3A_1821 {strides = array<i32>} : memref<1x80xi32, #tpu.memory_space<vmem>>, vector<16xi32>,
      %dma_start3A_1826 = arith.constant 0 : i32
      %dma_start3A_1827 = arith.constant 0 : i32
      %dma_start3A_1828 = tpu.memref_slice %arg17[%dma_start3A_1826, %dma_start3A_1827] : memref<1x80xi32, #tpu.memory_space<vmem>> -> memref<1x80xi32, #tpu.memory_space<vmem>>
      %dma_start3A_1829 = tpu.memref_squeeze %dma_start3A_1828 : memref<1x80xi32, #tpu.memory_space<vmem>> -> memref<80xi32, #tpu.memory_space<vmem>>
      %dma_start3A_1830 = arith.constant 0 : i32
      %dma_start3A_1831 = arith.constant 0 : i32
      %dma_start3A_1832 = tpu.memref_slice %arg28[%dma_start3A_1830, %dma_start3A_1831] : memref<10000x80xf32, #tpu.memory_space<vmem_shared>> -> memref<10000x80xf32, #tpu.memory_space<vmem_shared>>
      tpu.enqueue_indirect_dma source(%arg25 : memref<80x80xf32, #tpu.memory_space<vmem>>) target(%dma_start3A_1832 : memref<10000x80xf32, #tpu.memory_space<vmem_shared>>) offsets(%dma_start3A_1829 : memref<80xi32, #tpu.memory_space<vmem>>) semaphore(%arg34 : memref<!tpu.dma_semaphore, #tpu.memory_space<semaphore_mem>>) {add = true}
      %dma_wait3A_1833 = arith.constant 0 : i32
      %dma_wait3A_1834 = tpu.memref_slice %arg4[%dma_wait3A_1833] : memref<320000xi32, #tpu.memory_space<hbm>> -> memref<80xi32, #tpu.memory_space<hbm>>
      %dma_wait3A_1835 = arith.constant 0 : i32
      %dma_wait3A_1836 = tpu.memref_slice %arg4[%dma_wait3A_1835] : memref<320000xi32, #tpu.memory_space<hbm>> -> memref<80xi32, #tpu.memory_space<hbm>>
      tpu.wait_dma2 semaphore(%arg36 : memref<!tpu.dma_semaphore, #tpu.memory_space<semaphore_mem>>) src(%dma_wait3A_1836 : memref<80xi32, #tpu.memory_space<hbm>>) dst(%arg9 : memref<80xi32, #tpu.memory_space<vmem>>)
      %dma_wait3A_1837 = arith.constant 0 : i32
      %dma_wait3A_1838 = tpu.memref_slice %arg5[%dma_wait3A_1837] : memref<320000xi32, #tpu.memory_space<hbm>> -> memref<80xi32, #tpu.memory_space<hbm>>
      %dma_wait3A_1839 = arith.constant 0 : i32
      %dma_wait3A_1840 = tpu.memref_slice %arg5[%dma_wait3A_1839] : memref<320000xi32, #tpu.memory_space<hbm>> -> memref<80xi32, #tpu.memory_space<hbm>>
      tpu.wait_dma2 semaphore(%arg36 : memref<!tpu.dma_semaphore, #tpu.memory_space<semaphore_mem>>) src(%dma_wait3A_1840 : memref<80xi32, #tpu.memory_space<hbm>>) dst(%arg11 : memref<80xi32, #tpu.memory_space<vmem>>)
      %get3A_1841 = arith.constant 0 : index
      %get3A_1842 = tpu.vector_load %arg9[%get3A_1841] {strides = array<i32>} : memref<80xi32, #tpu.memory_space<vmem>>, vector<16xi32>,
      %swap3A_1843 = arith.constant 0 : i32
      %swap3A_1844 = arith.index_cast %swap3A_1843 : i32 to index
      %swap3A_1845 = arith.constant 0 : index
      %swap3A_1846 = tpu.vector_load %arg13[%swap3A_1844, %swap3A_1845] {strides = array<i32>} : memref<1x80xi32, #tpu.memory_space<vmem>>, vector<16xi32>,
      tpu.vector_store %arg13[%swap3A_1844, %swap3A_1845], %get3A_1842 {strides = array<i32>} : memref<1x80xi32, #tpu.memory_space<vmem>>, vector<16xi32>,
      %get3A_1847 = arith.constant 0 : index
      %get3A_1848 = tpu.vector_load %arg11[%get3A_1847] {strides = array<i32>} : memref<80xi32, #tpu.memory_space<vmem>>, vector<16xi32>,
      %add3A_1849 = vector.broadcast %mul3A_0 : i32 to vector<16xi32>
      %add3A_1850 = arith.addi %get3A_1848, %add3A_1849 : vector<16xi32>
      %swap3A_1851 = arith.constant 0 : i32
      %swap3A_1852 = arith.index_cast %swap3A_1851 : i32 to index
      %swap3A_1853 = arith.constant 0 : index
      %swap3A_1854 = tpu.vector_load %arg19[%swap3A_1852, %swap3A_1853] {strides = array<i32>} : memref<1x80xi32, #tpu.memory_space<vmem>>, vector<16xi32>,
      tpu.vector_store %arg19[%swap3A_1852, %swap3A_1853], %add3A_1850 {strides = array<i32>} : memref<1x80xi32, #tpu.memory_space<vmem>>, vector<16xi32>,
      %get3A_1855 = arith.constant 16 : index
      %get3A_1856 = tpu.vector_load %arg9[%get3A_1855] {strides = array<i32>} : memref<80xi32, #tpu.memory_space<vmem>>, vector<16xi32>,
      %swap3A_1857 = arith.constant 0 : i32
      %swap3A_1858 = arith.index_cast %swap3A_1857 : i32 to index
      %swap3A_1859 = arith.constant 16 : index
      %swap3A_1860 = tpu.vector_load %arg13[%swap3A_1858, %swap3A_1859] {strides = array<i32>} : memref<1x80xi32, #tpu.memory_space<vmem>>, vector<16xi32>,
      tpu.vector_store %arg13[%swap3A_1858, %swap3A_1859], %get3A_1856 {strides = array<i32>} : memref<1x80xi32, #tpu.memory_space<vmem>>, vector<16xi32>,
      %get3A_1861 = arith.constant 16 : index
      %get3A_1862 = tpu.vector_load %arg11[%get3A_1861] {strides = array<i32>} : memref<80xi32, #tpu.memory_space<vmem>>, vector<16xi32>,
      %add3A_1863 = vector.broadcast %mul3A_0 : i32 to vector<16xi32>
      %add3A_1864 = arith.addi %get3A_1862, %add3A_1863 : vector<16xi32>
      %swap3A_1865 = arith.constant 0 : i32
      %swap3A_1866 = arith.index_cast %swap3A_1865 : i32 to index
      %swap3A_1867 = arith.constant 16 : index
      %swap3A_1868 = tpu.vector_load %arg19[%swap3A_1866, %swap3A_1867] {strides = array<i32>} : memref<1x80xi32, #tpu.memory_space<vmem>>, vector<16xi32>,
      tpu.vector_store %arg19[%swap3A_1866, %swap3A_1867], %add3A_1864 {strides = array<i32>} : memref<1x80xi32, #tpu.memory_space<vmem>>, vector<16xi32>,
      %get3A_1869 = arith.constant 32 : index
      %get3A_1870 = tpu.vector_load %arg9[%get3A_1869] {strides = array<i32>} : memref<80xi32, #tpu.memory_space<vmem>>, vector<16xi32>,
      %swap3A_1871 = arith.constant 0 : i32
      %swap3A_1872 = arith.index_cast %swap3A_1871 : i32 to index
      %swap3A_1873 = arith.constant 32 : index
      %swap3A_1874 = tpu.vector_load %arg13[%swap3A_1872, %swap3A_1873] {strides = array<i32>} : memref<1x80xi32, #tpu.memory_space<vmem>>, vector<16xi32>,
      tpu.vector_store %arg13[%swap3A_1872, %swap3A_1873], %get3A_1870 {strides = array<i32>} : memref<1x80xi32, #tpu.memory_space<vmem>>, vector<16xi32>,
      %get3A_1875 = arith.constant 32 : index
      %get3A_1876 = tpu.vector_load %arg11[%get3A_1875] {strides = array<i32>} : memref<80xi32, #tpu.memory_space<vmem>>, vector<16xi32>,
      %add3A_1877 = vector.broadcast %mul3A_0 : i32 to vector<16xi32>
      %add3A_1878 = arith.addi %get3A_1876, %add3A_1877 : vector<16xi32>
      %swap3A_1879 = arith.constant 0 : i32
      %swap3A_1880 = arith.index_cast %swap3A_1879 : i32 to index
      %swap3A_1881 = arith.constant 32 : index
      %swap3A_1882 = tpu.vector_load %arg19[%swap3A_1880, %swap3A_1881] {strides = array<i32>} : memref<1x80xi32, #tpu.memory_space<vmem>>, vector<16xi32>,
      tpu.vector_store %arg19[%swap3A_1880, %swap3A_1881], %add3A_1878 {strides = array<i32>} : memref<1x80xi32, #tpu.memory_space<vmem>>, vector<16xi32>,
      %get3A_1883 = arith.constant 48 : index
      %get3A_1884 = tpu.vector_load %arg9[%get3A_1883] {strides = array<i32>} : memref<80xi32, #tpu.memory_space<vmem>>, vector<16xi32>,
      %swap3A_1885 = arith.constant 0 : i32
      %swap3A_1886 = arith.index_cast %swap3A_1885 : i32 to index
      %swap3A_1887 = arith.constant 48 : index
      %swap3A_1888 = tpu.vector_load %arg13[%swap3A_1886, %swap3A_1887] {strides = array<i32>} : memref<1x80xi32, #tpu.memory_space<vmem>>, vector<16xi32>,
      tpu.vector_store %arg13[%swap3A_1886, %swap3A_1887], %get3A_1884 {strides = array<i32>} : memref<1x80xi32, #tpu.memory_space<vmem>>, vector<16xi32>,
      %get3A_1889 = arith.constant 48 : index
      %get3A_1890 = tpu.vector_load %arg11[%get3A_1889] {strides = array<i32>} : memref<80xi32, #tpu.memory_space<vmem>>, vector<16xi32>,
      %add3A_1891 = vector.broadcast %mul3A_0 : i32 to vector<16xi32>
      %add3A_1892 = arith.addi %get3A_1890, %add3A_1891 : vector<16xi32>
      %swap3A_1893 = arith.constant 0 : i32
      %swap3A_1894 = arith.index_cast %swap3A_1893 : i32 to index
      %swap3A_1895 = arith.constant 48 : index
      %swap3A_1896 = tpu.vector_load %arg19[%swap3A_1894, %swap3A_1895] {strides = array<i32>} : memref<1x80xi32, #tpu.memory_space<vmem>>, vector<16xi32>,
      tpu.vector_store %arg19[%swap3A_1894, %swap3A_1895], %add3A_1892 {strides = array<i32>} : memref<1x80xi32, #tpu.memory_space<vmem>>, vector<16xi32>,
      %get3A_1897 = arith.constant 64 : index
      %get3A_1898 = tpu.vector_load %arg9[%get3A_1897] {strides = array<i32>} : memref<80xi32, #tpu.memory_space<vmem>>, vector<16xi32>,
      %swap3A_1899 = arith.constant 0 : i32
      %swap3A_1900 = arith.index_cast %swap3A_1899 : i32 to index
      %swap3A_1901 = arith.constant 64 : index
      %swap3A_1902 = tpu.vector_load %arg13[%swap3A_1900, %swap3A_1901] {strides = array<i32>} : memref<1x80xi32, #tpu.memory_space<vmem>>, vector<16xi32>,
      tpu.vector_store %arg13[%swap3A_1900, %swap3A_1901], %get3A_1898 {strides = array<i32>} : memref<1x80xi32, #tpu.memory_space<vmem>>, vector<16xi32>,
      %get3A_1903 = arith.constant 64 : index
      %get3A_1904 = tpu.vector_load %arg11[%get3A_1903] {strides = array<i32>} : memref<80xi32, #tpu.memory_space<vmem>>, vector<16xi32>,
      %add3A_1905 = vector.broadcast %mul3A_0 : i32 to vector<16xi32>
      %add3A_1906 = arith.addi %get3A_1904, %add3A_1905 : vector<16xi32>
      %swap3A_1907 = arith.constant 0 : i32
      %swap3A_1908 = arith.index_cast %swap3A_1907 : i32 to index
      %swap3A_1909 = arith.constant 64 : index
      %swap3A_1910 = tpu.vector_load %arg19[%swap3A_1908, %swap3A_1909] {strides = array<i32>} : memref<1x80xi32, #tpu.memory_space<vmem>>, vector<16xi32>,
      tpu.vector_store %arg19[%swap3A_1908, %swap3A_1909], %add3A_1906 {strides = array<i32>} : memref<1x80xi32, #tpu.memory_space<vmem>>, vector<16xi32>,
      %dma_start3A_1911 = arith.constant 0 : i32
      %dma_start3A_1912 = arith.constant 0 : i32
      %dma_start3A_1913 = tpu.memref_slice %arg19[%dma_start3A_1911, %dma_start3A_1912] : memref<1x80xi32, #tpu.memory_space<vmem>> -> memref<1x80xi32, #tpu.memory_space<vmem>>
      %dma_start3A_1914 = tpu.memref_squeeze %dma_start3A_1913 : memref<1x80xi32, #tpu.memory_space<vmem>> -> memref<80xi32, #tpu.memory_space<vmem>>
      %dma_start3A_1915 = arith.constant 0 : i32
      %dma_start3A_1916 = arith.constant 0 : i32
      %dma_start3A_1917 = tpu.memref_slice %arg2[%dma_start3A_1915, %dma_start3A_1916] : memref<20000x80xf32, #tpu.memory_space<hbm>> -> memref<20000x80xf32, #tpu.memory_space<hbm>>
      tpu.enqueue_indirect_dma source(%dma_start3A_1917 : memref<20000x80xf32, #tpu.memory_space<hbm>>) target(%arg21 : memref<80x80xf32, #tpu.memory_space<vmem>>) offsets(%dma_start3A_1914 : memref<80xi32, #tpu.memory_space<vmem>>) semaphore(%arg30 : memref<!tpu.dma_semaphore, #tpu.memory_space<semaphore_mem>>)
      %min3A_1918 = arith.constant 3999 : i32
      %min3A_1919 = arith.minsi %add3A_1767, %min3A_1918 : i32
      %mul3A_1920 = arith.constant 80 : i32
      %mul3A_1921 = arith.muli %min3A_1919, %mul3A_1920 : i32
      %dma_start3A_1922 = tpu.memref_slice %arg4[%mul3A_1921] : memref<320000xi32, #tpu.memory_space<hbm>> -> memref<80xi32, #tpu.memory_space<hbm>>
      %dma_start3A_1923 = tpu.memref_slice %arg4[%mul3A_1921] : memref<320000xi32, #tpu.memory_space<hbm>> -> memref<80xi32, #tpu.memory_space<hbm>>
      tpu.enqueue_dma source(%dma_start3A_1923 : memref<80xi32, #tpu.memory_space<hbm>>) target(%arg9 : memref<80xi32, #tpu.memory_space<vmem>>) target_semaphore(%arg36 : memref<!tpu.dma_semaphore, #tpu.memory_space<semaphore_mem>>)
      %dma_start3A_1924 = tpu.memref_slice %arg5[%mul3A_1921] : memref<320000xi32, #tpu.memory_space<hbm>> -> memref<80xi32, #tpu.memory_space<hbm>>
      %dma_start3A_1925 = tpu.memref_slice %arg5[%mul3A_1921] : memref<320000xi32, #tpu.memory_space<hbm>> -> memref<80xi32, #tpu.memory_space<hbm>>
      tpu.enqueue_dma source(%dma_start3A_1925 : memref<80xi32, #tpu.memory_space<hbm>>) target(%arg11 : memref<80xi32, #tpu.memory_space<vmem>>) target_semaphore(%arg36 : memref<!tpu.dma_semaphore, #tpu.memory_space<semaphore_mem>>)
    }
    %scan3A_885 = arith.constant 61 : i32
    %add3A_886 = arith.constant 248 : i32
    %add3A_887 = arith.addi %select_n3A, %add3A_886 : i32
    %add3A_888 = arith.constant 4 : i32
    %add3A_889 = arith.addi %add3A_887, %add3A_888 : i32
    %dma_wait3A_890 = arith.constant 0 : i32
    %dma_wait3A_891 = arith.constant 0 : i32
    %dma_wait3A_892 = tpu.memref_slice %arg2[%dma_wait3A_890, %dma_wait3A_891] : memref<20000x80xf32, #tpu.memory_space<hbm>> -> memref<80x80xf32, #tpu.memory_space<hbm>>
    %dma_wait3A_893 = arith.constant 0 : i32
    %dma_wait3A_894 = arith.constant 0 : i32
    %dma_wait3A_895 = tpu.memref_slice %arg2[%dma_wait3A_893, %dma_wait3A_894] : memref<20000x80xf32, #tpu.memory_space<hbm>> -> memref<80x80xf32, #tpu.memory_space<hbm>>
    tpu.wait_dma2 semaphore(%arg31 : memref<!tpu.dma_semaphore, #tpu.memory_space<semaphore_mem>>) src(%dma_wait3A_895 : memref<80x80xf32, #tpu.memory_space<hbm>>) dst(%arg22 : memref<80x80xf32, #tpu.memory_space<vmem>>)
    %dma_wait3A_896 = arith.constant 0 : i32
    %dma_wait3A_897 = arith.constant 0 : i32
    %dma_wait3A_898 = tpu.memref_slice %arg2[%dma_wait3A_896, %dma_wait3A_897] : memref<20000x80xf32, #tpu.memory_space<hbm>> -> memref<80x80xf32, #tpu.memory_space<hbm>>
    %dma_wait3A_899 = arith.constant 0 : i32
    %dma_wait3A_900 = arith.constant 0 : i32
    %dma_wait3A_901 = tpu.memref_slice %arg2[%dma_wait3A_899, %dma_wait3A_900] : memref<20000x80xf32, #tpu.memory_space<hbm>> -> memref<80x80xf32, #tpu.memory_space<hbm>>
    tpu.wait_dma2 semaphore(%arg29 : memref<!tpu.dma_semaphore, #tpu.memory_space<semaphore_mem>>) src(%dma_wait3A_901 : memref<80x80xf32, #tpu.memory_space<hbm>>) dst(%arg20 : memref<80x80xf32, #tpu.memory_space<vmem>>)
    %parallel_loop3A_902 = arith.constant 0 : i32
    %parallel_loop3A_903 = arith.constant 5 : i32
    %parallel_loop3A_904 = arith.constant 1 : i32
    scf.for %parallel_loop3A_1269 = %parallel_loop3A_902 to %parallel_loop3A_903 step %parallel_loop3A_904  : i32 {
      %parallel_loop3A_1270 = arith.constant 16 : i32
      %parallel_loop3A_1271 = arith.muli %parallel_loop3A_1269, %parallel_loop3A_1270 : i32
      %parallel_loop3A_1272 = arith.constant 0 : i32
      %parallel_loop3A_1273 = arith.index_cast %parallel_loop3A_1272 : i32 to index
      %parallel_loop3A_1274 = arith.index_cast %parallel_loop3A_1271 : i32 to index
      %parallel_loop3A_1275 = tpu.vector_load %arg12[%parallel_loop3A_1273, %parallel_loop3A_1274] {strides = array<i32>} : memref<1x80xi32, #tpu.memory_space<vmem>>, vector<16xi32>,
      %parallel_loop3A_1276 = arith.constant 16 : i32
      %parallel_loop3A_1277 = arith.muli %parallel_loop3A_1269, %parallel_loop3A_1276 : i32
      %parallel_loop3A_1278 = vector.broadcast %parallel_loop3A_1277 : i32 to vector<16xi32>
      %parallel_loop3A_1279 = arith.addi %parallel_loop3A_1278, %iota3A : vector<16xi32>
      %parallel_loop3A_1280 = tpu.vector_load_idx %arg20[%parallel_loop3A_1279, %broadcast_in_dim3A_3] : memref<80x80xf32, #tpu.memory_space<vmem>>[vector<16xi32>, vector<16xi32>], vector<16xf32>,
      %parallel_loop3A_1281 = tpu.vector_load_idx %arg20[%parallel_loop3A_1279, %broadcast_in_dim3A_5] : memref<80x80xf32, #tpu.memory_space<vmem>>[vector<16xi32>, vector<16xi32>], vector<16xf32>,
      %parallel_loop3A_1282 = arith.constant 2 : i32
      %parallel_loop3A_1283 = vector.broadcast %parallel_loop3A_1282 : i32 to vector<16xi32>
      %parallel_loop3A_1284 = arith.muli %parallel_loop3A_1275, %parallel_loop3A_1283 : vector<16xi32>
      %parallel_loop3A_1285 = tpu.vector_load_idx %arg7[%parallel_loop3A_1284] : memref<20000xf32, #tpu.memory_space<vmem>>[vector<16xi32>], vector<16xf32>,
      %parallel_loop3A_1286 = arith.constant 1 : i32
      %parallel_loop3A_1287 = vector.broadcast %parallel_loop3A_1286 : i32 to vector<16xi32>
      %parallel_loop3A_1288 = arith.addi %parallel_loop3A_1284, %parallel_loop3A_1287 : vector<16xi32>
      %parallel_loop3A_1289 = tpu.vector_load_idx %arg7[%parallel_loop3A_1288] : memref<20000xf32, #tpu.memory_space<vmem>>[vector<16xi32>], vector<16xf32>,
      %parallel_loop3A_1290 = arith.addf %parallel_loop3A_1285, %parallel_loop3A_1280 : vector<16xf32>
      %parallel_loop3A_1291 = arith.addf %parallel_loop3A_1289, %parallel_loop3A_1281 : vector<16xf32>
      %parallel_loop3A_1292 = arith.constant 2.000000e-01 : f32
      %parallel_loop3A_1293 = vector.broadcast %parallel_loop3A_1292 : f32 to vector<16xf32>
      %parallel_loop3A_1294 = arith.mulf %parallel_loop3A_1290, %parallel_loop3A_1293 : vector<16xf32>
      %parallel_loop3A_1295 = arith.maximumf %parallel_loop3A_1290, %parallel_loop3A_1294 : vector<16xf32>
      %parallel_loop3A_1296 = math.exp %parallel_loop3A_1295 : vector<16xf32>
      %parallel_loop3A_1297 = arith.constant 2.000000e-01 : f32
      %parallel_loop3A_1298 = vector.broadcast %parallel_loop3A_1297 : f32 to vector<16xf32>
      %parallel_loop3A_1299 = arith.mulf %parallel_loop3A_1291, %parallel_loop3A_1298 : vector<16xf32>
      %parallel_loop3A_1300 = arith.maximumf %parallel_loop3A_1291, %parallel_loop3A_1299 : vector<16xf32>
      %parallel_loop3A_1301 = math.exp %parallel_loop3A_1300 : vector<16xf32>
      tpu.vector_store_idx %arg22[%parallel_loop3A_1279, %broadcast_in_dim3A_3], %parallel_loop3A_1296 : memref<80x80xf32, #tpu.memory_space<vmem>>[vector<16xi32>, vector<16xi32>], vector<16xf32>,
      tpu.vector_store_idx %arg22[%parallel_loop3A_1279, %broadcast_in_dim3A_5], %parallel_loop3A_1301 : memref<80x80xf32, #tpu.memory_space<vmem>>[vector<16xi32>, vector<16xi32>], vector<16xf32>,
    } {sc.loop_unroll_factor = 1 : i64, sc.parallel_access}
    %parallel_loop3A_905 = arith.constant 0 : i32
    %parallel_loop3A_906 = arith.constant 80 : i32
    %parallel_loop3A_907 = arith.constant 1 : i32
    scf.for %parallel_loop3A_1269 = %parallel_loop3A_905 to %parallel_loop3A_906 step %parallel_loop3A_907  : i32 {
      %parallel_loop3A_1270 = arith.index_cast %parallel_loop3A_1269 : i32 to index
      %parallel_loop3A_1271 = arith.constant 64 : index
      %parallel_loop3A_1272 = tpu.vector_load %arg22[%parallel_loop3A_1270, %parallel_loop3A_1271] {strides = array<i32>} : memref<80x80xf32, #tpu.memory_space<vmem>>, vector<16xf32>,
      %parallel_loop3A_1273 = vector.extract_strided_slice %parallel_loop3A_1272 {offsets = [0], sizes = [1], strides = [1]} : vector<16xf32> to vector<1xf32>
      %parallel_loop3A_1274 = vector.extract %parallel_loop3A_1273[0] : f32 from vector<1xf32>
      %parallel_loop3A_1275 = vector.extract_strided_slice %parallel_loop3A_1272 {offsets = [1], sizes = [1], strides = [1]} : vector<16xf32> to vector<1xf32>
      %parallel_loop3A_1276 = vector.extract %parallel_loop3A_1275[0] : f32 from vector<1xf32>
      %parallel_loop3A_1277 = arith.index_cast %parallel_loop3A_1269 : i32 to index
      %parallel_loop3A_1278 = arith.constant 0 : index
      %parallel_loop3A_1279 = tpu.vector_load %arg20[%parallel_loop3A_1277, %parallel_loop3A_1278] {strides = array<i32>} : memref<80x80xf32, #tpu.memory_space<vmem>>, vector<16xf32>,
      %parallel_loop3A_1280 = vector.broadcast %parallel_loop3A_1274 : f32 to vector<16xf32>
      %parallel_loop3A_1281 = arith.mulf %parallel_loop3A_1279, %parallel_loop3A_1280 : vector<16xf32>
      %parallel_loop3A_1282 = arith.index_cast %parallel_loop3A_1269 : i32 to index
      %parallel_loop3A_1283 = arith.constant 0 : index
      %parallel_loop3A_1284 = tpu.vector_load %arg22[%parallel_loop3A_1282, %parallel_loop3A_1283] {strides = array<i32>} : memref<80x80xf32, #tpu.memory_space<vmem>>, vector<16xf32>,
      tpu.vector_store %arg22[%parallel_loop3A_1282, %parallel_loop3A_1283], %parallel_loop3A_1281 {strides = array<i32>} : memref<80x80xf32, #tpu.memory_space<vmem>>, vector<16xf32>,
      %parallel_loop3A_1285 = arith.index_cast %parallel_loop3A_1269 : i32 to index
      %parallel_loop3A_1286 = arith.constant 16 : index
      %parallel_loop3A_1287 = tpu.vector_load %arg20[%parallel_loop3A_1285, %parallel_loop3A_1286] {strides = array<i32>} : memref<80x80xf32, #tpu.memory_space<vmem>>, vector<16xf32>,
      %parallel_loop3A_1288 = vector.broadcast %parallel_loop3A_1274 : f32 to vector<16xf32>
      %parallel_loop3A_1289 = arith.mulf %parallel_loop3A_1287, %parallel_loop3A_1288 : vector<16xf32>
      %parallel_loop3A_1290 = arith.index_cast %parallel_loop3A_1269 : i32 to index
      %parallel_loop3A_1291 = arith.constant 16 : index
      %parallel_loop3A_1292 = tpu.vector_load %arg22[%parallel_loop3A_1290, %parallel_loop3A_1291] {strides = array<i32>} : memref<80x80xf32, #tpu.memory_space<vmem>>, vector<16xf32>,
      tpu.vector_store %arg22[%parallel_loop3A_1290, %parallel_loop3A_1291], %parallel_loop3A_1289 {strides = array<i32>} : memref<80x80xf32, #tpu.memory_space<vmem>>, vector<16xf32>,
      %parallel_loop3A_1293 = arith.index_cast %parallel_loop3A_1269 : i32 to index
      %parallel_loop3A_1294 = arith.constant 32 : index
      %parallel_loop3A_1295 = tpu.vector_load %arg20[%parallel_loop3A_1293, %parallel_loop3A_1294] {strides = array<i32>} : memref<80x80xf32, #tpu.memory_space<vmem>>, vector<16xf32>,
      %parallel_loop3A_1296 = vector.broadcast %parallel_loop3A_1276 : f32 to vector<16xf32>
      %parallel_loop3A_1297 = arith.mulf %parallel_loop3A_1295, %parallel_loop3A_1296 : vector<16xf32>
      %parallel_loop3A_1298 = arith.index_cast %parallel_loop3A_1269 : i32 to index
      %parallel_loop3A_1299 = arith.constant 32 : index
      %parallel_loop3A_1300 = tpu.vector_load %arg22[%parallel_loop3A_1298, %parallel_loop3A_1299] {strides = array<i32>} : memref<80x80xf32, #tpu.memory_space<vmem>>, vector<16xf32>,
      tpu.vector_store %arg22[%parallel_loop3A_1298, %parallel_loop3A_1299], %parallel_loop3A_1297 {strides = array<i32>} : memref<80x80xf32, #tpu.memory_space<vmem>>, vector<16xf32>,
      %parallel_loop3A_1301 = arith.index_cast %parallel_loop3A_1269 : i32 to index
      %parallel_loop3A_1302 = arith.constant 48 : index
      %parallel_loop3A_1303 = tpu.vector_load %arg20[%parallel_loop3A_1301, %parallel_loop3A_1302] {strides = array<i32>} : memref<80x80xf32, #tpu.memory_space<vmem>>, vector<16xf32>,
      %parallel_loop3A_1304 = vector.broadcast %parallel_loop3A_1276 : f32 to vector<16xf32>
      %parallel_loop3A_1305 = arith.mulf %parallel_loop3A_1303, %parallel_loop3A_1304 : vector<16xf32>
      %parallel_loop3A_1306 = arith.index_cast %parallel_loop3A_1269 : i32 to index
      %parallel_loop3A_1307 = arith.constant 48 : index
      %parallel_loop3A_1308 = tpu.vector_load %arg22[%parallel_loop3A_1306, %parallel_loop3A_1307] {strides = array<i32>} : memref<80x80xf32, #tpu.memory_space<vmem>>, vector<16xf32>,
      tpu.vector_store %arg22[%parallel_loop3A_1306, %parallel_loop3A_1307], %parallel_loop3A_1305 {strides = array<i32>} : memref<80x80xf32, #tpu.memory_space<vmem>>, vector<16xf32>,
    } {sc.loop_unroll_factor = 1 : i64, sc.parallel_access}
    %get3A_908 = arith.constant 0 : i32
    %get3A_909 = arith.index_cast %get3A_908 : i32 to index
    %get3A_910 = arith.constant 0 : index
    %get3A_911 = tpu.vector_load %arg12[%get3A_909, %get3A_910] {strides = array<i32>} : memref<1x80xi32, #tpu.memory_space<vmem>>, vector<16xi32>,
    %swap3A_912 = arith.constant 0 : i32
    %swap3A_913 = arith.index_cast %swap3A_912 : i32 to index
    %swap3A_914 = arith.constant 0 : index
    %swap3A_915 = tpu.vector_load %arg14[%swap3A_913, %swap3A_914] {strides = array<i32>} : memref<1x80xi32, #tpu.memory_space<vmem>>, vector<16xi32>,
    tpu.vector_store %arg14[%swap3A_913, %swap3A_914], %get3A_911 {strides = array<i32>} : memref<1x80xi32, #tpu.memory_space<vmem>>, vector<16xi32>,
    %get3A_916 = arith.constant 0 : i32
    %get3A_917 = arith.index_cast %get3A_916 : i32 to index
    %get3A_918 = arith.constant 16 : index
    %get3A_919 = tpu.vector_load %arg12[%get3A_917, %get3A_918] {strides = array<i32>} : memref<1x80xi32, #tpu.memory_space<vmem>>, vector<16xi32>,
    %swap3A_920 = arith.constant 0 : i32
    %swap3A_921 = arith.index_cast %swap3A_920 : i32 to index
    %swap3A_922 = arith.constant 16 : index
    %swap3A_923 = tpu.vector_load %arg14[%swap3A_921, %swap3A_922] {strides = array<i32>} : memref<1x80xi32, #tpu.memory_space<vmem>>, vector<16xi32>,
    tpu.vector_store %arg14[%swap3A_921, %swap3A_922], %get3A_919 {strides = array<i32>} : memref<1x80xi32, #tpu.memory_space<vmem>>, vector<16xi32>,
    %get3A_924 = arith.constant 0 : i32
    %get3A_925 = arith.index_cast %get3A_924 : i32 to index
    %get3A_926 = arith.constant 32 : index
    %get3A_927 = tpu.vector_load %arg12[%get3A_925, %get3A_926] {strides = array<i32>} : memref<1x80xi32, #tpu.memory_space<vmem>>, vector<16xi32>,
    %swap3A_928 = arith.constant 0 : i32
    %swap3A_929 = arith.index_cast %swap3A_928 : i32 to index
    %swap3A_930 = arith.constant 32 : index
    %swap3A_931 = tpu.vector_load %arg14[%swap3A_929, %swap3A_930] {strides = array<i32>} : memref<1x80xi32, #tpu.memory_space<vmem>>, vector<16xi32>,
    tpu.vector_store %arg14[%swap3A_929, %swap3A_930], %get3A_927 {strides = array<i32>} : memref<1x80xi32, #tpu.memory_space<vmem>>, vector<16xi32>,
    %get3A_932 = arith.constant 0 : i32
    %get3A_933 = arith.index_cast %get3A_932 : i32 to index
    %get3A_934 = arith.constant 48 : index
    %get3A_935 = tpu.vector_load %arg12[%get3A_933, %get3A_934] {strides = array<i32>} : memref<1x80xi32, #tpu.memory_space<vmem>>, vector<16xi32>,
    %swap3A_936 = arith.constant 0 : i32
    %swap3A_937 = arith.index_cast %swap3A_936 : i32 to index
    %swap3A_938 = arith.constant 48 : index
    %swap3A_939 = tpu.vector_load %arg14[%swap3A_937, %swap3A_938] {strides = array<i32>} : memref<1x80xi32, #tpu.memory_space<vmem>>, vector<16xi32>,
    tpu.vector_store %arg14[%swap3A_937, %swap3A_938], %get3A_935 {strides = array<i32>} : memref<1x80xi32, #tpu.memory_space<vmem>>, vector<16xi32>,
    %get3A_940 = arith.constant 0 : i32
    %get3A_941 = arith.index_cast %get3A_940 : i32 to index
    %get3A_942 = arith.constant 64 : index
    %get3A_943 = tpu.vector_load %arg12[%get3A_941, %get3A_942] {strides = array<i32>} : memref<1x80xi32, #tpu.memory_space<vmem>>, vector<16xi32>,
    %swap3A_944 = arith.constant 0 : i32
    %swap3A_945 = arith.index_cast %swap3A_944 : i32 to index
    %swap3A_946 = arith.constant 64 : index
    %swap3A_947 = tpu.vector_load %arg14[%swap3A_945, %swap3A_946] {strides = array<i32>} : memref<1x80xi32, #tpu.memory_space<vmem>>, vector<16xi32>,
    tpu.vector_store %arg14[%swap3A_945, %swap3A_946], %get3A_943 {strides = array<i32>} : memref<1x80xi32, #tpu.memory_space<vmem>>, vector<16xi32>,
    %dma_start3A_948 = arith.constant 0 : i32
    %dma_start3A_949 = arith.constant 0 : i32
    %dma_start3A_950 = tpu.memref_slice %arg14[%dma_start3A_948, %dma_start3A_949] : memref<1x80xi32, #tpu.memory_space<vmem>> -> memref<1x80xi32, #tpu.memory_space<vmem>>
    %dma_start3A_951 = tpu.memref_squeeze %dma_start3A_950 : memref<1x80xi32, #tpu.memory_space<vmem>> -> memref<80xi32, #tpu.memory_space<vmem>>
    %dma_start3A_952 = arith.constant 0 : i32
    %dma_start3A_953 = arith.constant 0 : i32
    %dma_start3A_954 = tpu.memref_slice %arg28[%dma_start3A_952, %dma_start3A_953] : memref<10000x80xf32, #tpu.memory_space<vmem_shared>> -> memref<10000x80xf32, #tpu.memory_space<vmem_shared>>
    tpu.enqueue_indirect_dma source(%arg22 : memref<80x80xf32, #tpu.memory_space<vmem>>) target(%dma_start3A_954 : memref<10000x80xf32, #tpu.memory_space<vmem_shared>>) offsets(%dma_start3A_951 : memref<80xi32, #tpu.memory_space<vmem>>) semaphore(%arg31 : memref<!tpu.dma_semaphore, #tpu.memory_space<semaphore_mem>>) {add = true}
    %dma_wait3A_955 = arith.constant 0 : i32
    %dma_wait3A_956 = tpu.memref_slice %arg4[%dma_wait3A_955] : memref<320000xi32, #tpu.memory_space<hbm>> -> memref<80xi32, #tpu.memory_space<hbm>>
    %dma_wait3A_957 = arith.constant 0 : i32
    %dma_wait3A_958 = tpu.memref_slice %arg4[%dma_wait3A_957] : memref<320000xi32, #tpu.memory_space<hbm>> -> memref<80xi32, #tpu.memory_space<hbm>>
    tpu.wait_dma2 semaphore(%arg35 : memref<!tpu.dma_semaphore, #tpu.memory_space<semaphore_mem>>) src(%dma_wait3A_958 : memref<80xi32, #tpu.memory_space<hbm>>) dst(%arg8 : memref<80xi32, #tpu.memory_space<vmem>>)
    %dma_wait3A_959 = arith.constant 0 : i32
    %dma_wait3A_960 = tpu.memref_slice %arg5[%dma_wait3A_959] : memref<320000xi32, #tpu.memory_space<hbm>> -> memref<80xi32, #tpu.memory_space<hbm>>
    %dma_wait3A_961 = arith.constant 0 : i32
    %dma_wait3A_962 = tpu.memref_slice %arg5[%dma_wait3A_961] : memref<320000xi32, #tpu.memory_space<hbm>> -> memref<80xi32, #tpu.memory_space<hbm>>
    tpu.wait_dma2 semaphore(%arg35 : memref<!tpu.dma_semaphore, #tpu.memory_space<semaphore_mem>>) src(%dma_wait3A_962 : memref<80xi32, #tpu.memory_space<hbm>>) dst(%arg10 : memref<80xi32, #tpu.memory_space<vmem>>)
    %get3A_963 = arith.constant 0 : index
    %get3A_964 = tpu.vector_load %arg8[%get3A_963] {strides = array<i32>} : memref<80xi32, #tpu.memory_space<vmem>>, vector<16xi32>,
    %swap3A_965 = arith.constant 0 : i32
    %swap3A_966 = arith.index_cast %swap3A_965 : i32 to index
    %swap3A_967 = arith.constant 0 : index
    %swap3A_968 = tpu.vector_load %arg12[%swap3A_966, %swap3A_967] {strides = array<i32>} : memref<1x80xi32, #tpu.memory_space<vmem>>, vector<16xi32>,
    tpu.vector_store %arg12[%swap3A_966, %swap3A_967], %get3A_964 {strides = array<i32>} : memref<1x80xi32, #tpu.memory_space<vmem>>, vector<16xi32>,
    %get3A_969 = arith.constant 0 : index
    %get3A_970 = tpu.vector_load %arg10[%get3A_969] {strides = array<i32>} : memref<80xi32, #tpu.memory_space<vmem>>, vector<16xi32>,
    %add3A_971 = vector.broadcast %mul3A_0 : i32 to vector<16xi32>
    %add3A_972 = arith.addi %get3A_970, %add3A_971 : vector<16xi32>
    %swap3A_973 = arith.constant 0 : i32
    %swap3A_974 = arith.index_cast %swap3A_973 : i32 to index
    %swap3A_975 = arith.constant 0 : index
    %swap3A_976 = tpu.vector_load %arg18[%swap3A_974, %swap3A_975] {strides = array<i32>} : memref<1x80xi32, #tpu.memory_space<vmem>>, vector<16xi32>,
    tpu.vector_store %arg18[%swap3A_974, %swap3A_975], %add3A_972 {strides = array<i32>} : memref<1x80xi32, #tpu.memory_space<vmem>>, vector<16xi32>,
    %get3A_977 = arith.constant 16 : index
    %get3A_978 = tpu.vector_load %arg8[%get3A_977] {strides = array<i32>} : memref<80xi32, #tpu.memory_space<vmem>>, vector<16xi32>,
    %swap3A_979 = arith.constant 0 : i32
    %swap3A_980 = arith.index_cast %swap3A_979 : i32 to index
    %swap3A_981 = arith.constant 16 : index
    %swap3A_982 = tpu.vector_load %arg12[%swap3A_980, %swap3A_981] {strides = array<i32>} : memref<1x80xi32, #tpu.memory_space<vmem>>, vector<16xi32>,
    tpu.vector_store %arg12[%swap3A_980, %swap3A_981], %get3A_978 {strides = array<i32>} : memref<1x80xi32, #tpu.memory_space<vmem>>, vector<16xi32>,
    %get3A_983 = arith.constant 16 : index
    %get3A_984 = tpu.vector_load %arg10[%get3A_983] {strides = array<i32>} : memref<80xi32, #tpu.memory_space<vmem>>, vector<16xi32>,
    %add3A_985 = vector.broadcast %mul3A_0 : i32 to vector<16xi32>
    %add3A_986 = arith.addi %get3A_984, %add3A_985 : vector<16xi32>
    %swap3A_987 = arith.constant 0 : i32
    %swap3A_988 = arith.index_cast %swap3A_987 : i32 to index
    %swap3A_989 = arith.constant 16 : index
    %swap3A_990 = tpu.vector_load %arg18[%swap3A_988, %swap3A_989] {strides = array<i32>} : memref<1x80xi32, #tpu.memory_space<vmem>>, vector<16xi32>,
    tpu.vector_store %arg18[%swap3A_988, %swap3A_989], %add3A_986 {strides = array<i32>} : memref<1x80xi32, #tpu.memory_space<vmem>>, vector<16xi32>,
    %get3A_991 = arith.constant 32 : index
    %get3A_992 = tpu.vector_load %arg8[%get3A_991] {strides = array<i32>} : memref<80xi32, #tpu.memory_space<vmem>>, vector<16xi32>,
    %swap3A_993 = arith.constant 0 : i32
    %swap3A_994 = arith.index_cast %swap3A_993 : i32 to index
    %swap3A_995 = arith.constant 32 : index
    %swap3A_996 = tpu.vector_load %arg12[%swap3A_994, %swap3A_995] {strides = array<i32>} : memref<1x80xi32, #tpu.memory_space<vmem>>, vector<16xi32>,
    tpu.vector_store %arg12[%swap3A_994, %swap3A_995], %get3A_992 {strides = array<i32>} : memref<1x80xi32, #tpu.memory_space<vmem>>, vector<16xi32>,
    %get3A_997 = arith.constant 32 : index
    %get3A_998 = tpu.vector_load %arg10[%get3A_997] {strides = array<i32>} : memref<80xi32, #tpu.memory_space<vmem>>, vector<16xi32>,
    %add3A_999 = vector.broadcast %mul3A_0 : i32 to vector<16xi32>
    %add3A_1000 = arith.addi %get3A_998, %add3A_999 : vector<16xi32>
    %swap3A_1001 = arith.constant 0 : i32
    %swap3A_1002 = arith.index_cast %swap3A_1001 : i32 to index
    %swap3A_1003 = arith.constant 32 : index
    %swap3A_1004 = tpu.vector_load %arg18[%swap3A_1002, %swap3A_1003] {strides = array<i32>} : memref<1x80xi32, #tpu.memory_space<vmem>>, vector<16xi32>,
    tpu.vector_store %arg18[%swap3A_1002, %swap3A_1003], %add3A_1000 {strides = array<i32>} : memref<1x80xi32, #tpu.memory_space<vmem>>, vector<16xi32>,
    %get3A_1005 = arith.constant 48 : index
    %get3A_1006 = tpu.vector_load %arg8[%get3A_1005] {strides = array<i32>} : memref<80xi32, #tpu.memory_space<vmem>>, vector<16xi32>,
    %swap3A_1007 = arith.constant 0 : i32
    %swap3A_1008 = arith.index_cast %swap3A_1007 : i32 to index
    %swap3A_1009 = arith.constant 48 : index
    %swap3A_1010 = tpu.vector_load %arg12[%swap3A_1008, %swap3A_1009] {strides = array<i32>} : memref<1x80xi32, #tpu.memory_space<vmem>>, vector<16xi32>,
    tpu.vector_store %arg12[%swap3A_1008, %swap3A_1009], %get3A_1006 {strides = array<i32>} : memref<1x80xi32, #tpu.memory_space<vmem>>, vector<16xi32>,
    %get3A_1011 = arith.constant 48 : index
    %get3A_1012 = tpu.vector_load %arg10[%get3A_1011] {strides = array<i32>} : memref<80xi32, #tpu.memory_space<vmem>>, vector<16xi32>,
    %add3A_1013 = vector.broadcast %mul3A_0 : i32 to vector<16xi32>
    %add3A_1014 = arith.addi %get3A_1012, %add3A_1013 : vector<16xi32>
    %swap3A_1015 = arith.constant 0 : i32
    %swap3A_1016 = arith.index_cast %swap3A_1015 : i32 to index
    %swap3A_1017 = arith.constant 48 : index
    %swap3A_1018 = tpu.vector_load %arg18[%swap3A_1016, %swap3A_1017] {strides = array<i32>} : memref<1x80xi32, #tpu.memory_space<vmem>>, vector<16xi32>,
    tpu.vector_store %arg18[%swap3A_1016, %swap3A_1017], %add3A_1014 {strides = array<i32>} : memref<1x80xi32, #tpu.memory_space<vmem>>, vector<16xi32>,
    %get3A_1019 = arith.constant 64 : index
    %get3A_1020 = tpu.vector_load %arg8[%get3A_1019] {strides = array<i32>} : memref<80xi32, #tpu.memory_space<vmem>>, vector<16xi32>,
    %swap3A_1021 = arith.constant 0 : i32
    %swap3A_1022 = arith.index_cast %swap3A_1021 : i32 to index
    %swap3A_1023 = arith.constant 64 : index
    %swap3A_1024 = tpu.vector_load %arg12[%swap3A_1022, %swap3A_1023] {strides = array<i32>} : memref<1x80xi32, #tpu.memory_space<vmem>>, vector<16xi32>,
    tpu.vector_store %arg12[%swap3A_1022, %swap3A_1023], %get3A_1020 {strides = array<i32>} : memref<1x80xi32, #tpu.memory_space<vmem>>, vector<16xi32>,
    %get3A_1025 = arith.constant 64 : index
    %get3A_1026 = tpu.vector_load %arg10[%get3A_1025] {strides = array<i32>} : memref<80xi32, #tpu.memory_space<vmem>>, vector<16xi32>,
    %add3A_1027 = vector.broadcast %mul3A_0 : i32 to vector<16xi32>
    %add3A_1028 = arith.addi %get3A_1026, %add3A_1027 : vector<16xi32>
    %swap3A_1029 = arith.constant 0 : i32
    %swap3A_1030 = arith.index_cast %swap3A_1029 : i32 to index
    %swap3A_1031 = arith.constant 64 : index
    %swap3A_1032 = tpu.vector_load %arg18[%swap3A_1030, %swap3A_1031] {strides = array<i32>} : memref<1x80xi32, #tpu.memory_space<vmem>>, vector<16xi32>,
    tpu.vector_store %arg18[%swap3A_1030, %swap3A_1031], %add3A_1028 {strides = array<i32>} : memref<1x80xi32, #tpu.memory_space<vmem>>, vector<16xi32>,
    %dma_start3A_1033 = arith.constant 0 : i32
    %dma_start3A_1034 = arith.constant 0 : i32
    %dma_start3A_1035 = tpu.memref_slice %arg18[%dma_start3A_1033, %dma_start3A_1034] : memref<1x80xi32, #tpu.memory_space<vmem>> -> memref<1x80xi32, #tpu.memory_space<vmem>>
    %dma_start3A_1036 = tpu.memref_squeeze %dma_start3A_1035 : memref<1x80xi32, #tpu.memory_space<vmem>> -> memref<80xi32, #tpu.memory_space<vmem>>
    %dma_start3A_1037 = arith.constant 0 : i32
    %dma_start3A_1038 = arith.constant 0 : i32
    %dma_start3A_1039 = tpu.memref_slice %arg2[%dma_start3A_1037, %dma_start3A_1038] : memref<20000x80xf32, #tpu.memory_space<hbm>> -> memref<20000x80xf32, #tpu.memory_space<hbm>>
    tpu.enqueue_indirect_dma source(%dma_start3A_1039 : memref<20000x80xf32, #tpu.memory_space<hbm>>) target(%arg20 : memref<80x80xf32, #tpu.memory_space<vmem>>) offsets(%dma_start3A_1036 : memref<80xi32, #tpu.memory_space<vmem>>) semaphore(%arg29 : memref<!tpu.dma_semaphore, #tpu.memory_space<semaphore_mem>>)
    %min3A_1040 = arith.constant 3999 : i32
    %min3A_1041 = arith.minsi %add3A_889, %min3A_1040 : i32
    %mul3A_1042 = arith.constant 80 : i32
    %mul3A_1043 = arith.muli %min3A_1041, %mul3A_1042 : i32
    %dma_start3A_1044 = tpu.memref_slice %arg4[%mul3A_1043] : memref<320000xi32, #tpu.memory_space<hbm>> -> memref<80xi32, #tpu.memory_space<hbm>>
    %dma_start3A_1045 = tpu.memref_slice %arg4[%mul3A_1043] : memref<320000xi32, #tpu.memory_space<hbm>> -> memref<80xi32, #tpu.memory_space<hbm>>
    tpu.enqueue_dma source(%dma_start3A_1045 : memref<80xi32, #tpu.memory_space<hbm>>) target(%arg8 : memref<80xi32, #tpu.memory_space<vmem>>) target_semaphore(%arg35 : memref<!tpu.dma_semaphore, #tpu.memory_space<semaphore_mem>>)
    %dma_start3A_1046 = tpu.memref_slice %arg5[%mul3A_1043] : memref<320000xi32, #tpu.memory_space<hbm>> -> memref<80xi32, #tpu.memory_space<hbm>>
    %dma_start3A_1047 = tpu.memref_slice %arg5[%mul3A_1043] : memref<320000xi32, #tpu.memory_space<hbm>> -> memref<80xi32, #tpu.memory_space<hbm>>
    tpu.enqueue_dma source(%dma_start3A_1047 : memref<80xi32, #tpu.memory_space<hbm>>) target(%arg10 : memref<80xi32, #tpu.memory_space<vmem>>) target_semaphore(%arg35 : memref<!tpu.dma_semaphore, #tpu.memory_space<semaphore_mem>>)
    %add3A_1048 = arith.constant 249 : i32
    %add3A_1049 = arith.addi %select_n3A, %add3A_1048 : i32
    %add3A_1050 = arith.constant 4 : i32
    %add3A_1051 = arith.addi %add3A_1049, %add3A_1050 : i32
    %dma_wait3A_1052 = arith.constant 0 : i32
    %dma_wait3A_1053 = arith.constant 0 : i32
    %dma_wait3A_1054 = tpu.memref_slice %arg2[%dma_wait3A_1052, %dma_wait3A_1053] : memref<20000x80xf32, #tpu.memory_space<hbm>> -> memref<80x80xf32, #tpu.memory_space<hbm>>
    %dma_wait3A_1055 = arith.constant 0 : i32
    %dma_wait3A_1056 = arith.constant 0 : i32
    %dma_wait3A_1057 = tpu.memref_slice %arg2[%dma_wait3A_1055, %dma_wait3A_1056] : memref<20000x80xf32, #tpu.memory_space<hbm>> -> memref<80x80xf32, #tpu.memory_space<hbm>>
    tpu.wait_dma2 semaphore(%arg32 : memref<!tpu.dma_semaphore, #tpu.memory_space<semaphore_mem>>) src(%dma_wait3A_1057 : memref<80x80xf32, #tpu.memory_space<hbm>>) dst(%arg23 : memref<80x80xf32, #tpu.memory_space<vmem>>)
    %dma_wait3A_1058 = arith.constant 0 : i32
    %dma_wait3A_1059 = arith.constant 0 : i32
    %dma_wait3A_1060 = tpu.memref_slice %arg2[%dma_wait3A_1058, %dma_wait3A_1059] : memref<20000x80xf32, #tpu.memory_space<hbm>> -> memref<80x80xf32, #tpu.memory_space<hbm>>
    %dma_wait3A_1061 = arith.constant 0 : i32
    %dma_wait3A_1062 = arith.constant 0 : i32
    %dma_wait3A_1063 = tpu.memref_slice %arg2[%dma_wait3A_1061, %dma_wait3A_1062] : memref<20000x80xf32, #tpu.memory_space<hbm>> -> memref<80x80xf32, #tpu.memory_space<hbm>>
    tpu.wait_dma2 semaphore(%arg30 : memref<!tpu.dma_semaphore, #tpu.memory_space<semaphore_mem>>) src(%dma_wait3A_1063 : memref<80x80xf32, #tpu.memory_space<hbm>>) dst(%arg21 : memref<80x80xf32, #tpu.memory_space<vmem>>)
    %parallel_loop3A_1064 = arith.constant 0 : i32
    %parallel_loop3A_1065 = arith.constant 5 : i32
    %parallel_loop3A_1066 = arith.constant 1 : i32
    scf.for %parallel_loop3A_1269 = %parallel_loop3A_1064 to %parallel_loop3A_1065 step %parallel_loop3A_1066  : i32 {
      %parallel_loop3A_1270 = arith.constant 16 : i32
      %parallel_loop3A_1271 = arith.muli %parallel_loop3A_1269, %parallel_loop3A_1270 : i32
      %parallel_loop3A_1272 = arith.constant 0 : i32
      %parallel_loop3A_1273 = arith.index_cast %parallel_loop3A_1272 : i32 to index
      %parallel_loop3A_1274 = arith.index_cast %parallel_loop3A_1271 : i32 to index
      %parallel_loop3A_1275 = tpu.vector_load %arg13[%parallel_loop3A_1273, %parallel_loop3A_1274] {strides = array<i32>} : memref<1x80xi32, #tpu.memory_space<vmem>>, vector<16xi32>,
      %parallel_loop3A_1276 = arith.constant 16 : i32
      %parallel_loop3A_1277 = arith.muli %parallel_loop3A_1269, %parallel_loop3A_1276 : i32
      %parallel_loop3A_1278 = vector.broadcast %parallel_loop3A_1277 : i32 to vector<16xi32>
      %parallel_loop3A_1279 = arith.addi %parallel_loop3A_1278, %iota3A : vector<16xi32>
      %parallel_loop3A_1280 = tpu.vector_load_idx %arg21[%parallel_loop3A_1279, %broadcast_in_dim3A_3] : memref<80x80xf32, #tpu.memory_space<vmem>>[vector<16xi32>, vector<16xi32>], vector<16xf32>,
      %parallel_loop3A_1281 = tpu.vector_load_idx %arg21[%parallel_loop3A_1279, %broadcast_in_dim3A_5] : memref<80x80xf32, #tpu.memory_space<vmem>>[vector<16xi32>, vector<16xi32>], vector<16xf32>,
      %parallel_loop3A_1282 = arith.constant 2 : i32
      %parallel_loop3A_1283 = vector.broadcast %parallel_loop3A_1282 : i32 to vector<16xi32>
      %parallel_loop3A_1284 = arith.muli %parallel_loop3A_1275, %parallel_loop3A_1283 : vector<16xi32>
      %parallel_loop3A_1285 = tpu.vector_load_idx %arg7[%parallel_loop3A_1284] : memref<20000xf32, #tpu.memory_space<vmem>>[vector<16xi32>], vector<16xf32>,
      %parallel_loop3A_1286 = arith.constant 1 : i32
      %parallel_loop3A_1287 = vector.broadcast %parallel_loop3A_1286 : i32 to vector<16xi32>
      %parallel_loop3A_1288 = arith.addi %parallel_loop3A_1284, %parallel_loop3A_1287 : vector<16xi32>
      %parallel_loop3A_1289 = tpu.vector_load_idx %arg7[%parallel_loop3A_1288] : memref<20000xf32, #tpu.memory_space<vmem>>[vector<16xi32>], vector<16xf32>,
      %parallel_loop3A_1290 = arith.addf %parallel_loop3A_1285, %parallel_loop3A_1280 : vector<16xf32>
      %parallel_loop3A_1291 = arith.addf %parallel_loop3A_1289, %parallel_loop3A_1281 : vector<16xf32>
      %parallel_loop3A_1292 = arith.constant 2.000000e-01 : f32
      %parallel_loop3A_1293 = vector.broadcast %parallel_loop3A_1292 : f32 to vector<16xf32>
      %parallel_loop3A_1294 = arith.mulf %parallel_loop3A_1290, %parallel_loop3A_1293 : vector<16xf32>
      %parallel_loop3A_1295 = arith.maximumf %parallel_loop3A_1290, %parallel_loop3A_1294 : vector<16xf32>
      %parallel_loop3A_1296 = math.exp %parallel_loop3A_1295 : vector<16xf32>
      %parallel_loop3A_1297 = arith.constant 2.000000e-01 : f32
      %parallel_loop3A_1298 = vector.broadcast %parallel_loop3A_1297 : f32 to vector<16xf32>
      %parallel_loop3A_1299 = arith.mulf %parallel_loop3A_1291, %parallel_loop3A_1298 : vector<16xf32>
      %parallel_loop3A_1300 = arith.maximumf %parallel_loop3A_1291, %parallel_loop3A_1299 : vector<16xf32>
      %parallel_loop3A_1301 = math.exp %parallel_loop3A_1300 : vector<16xf32>
      tpu.vector_store_idx %arg23[%parallel_loop3A_1279, %broadcast_in_dim3A_3], %parallel_loop3A_1296 : memref<80x80xf32, #tpu.memory_space<vmem>>[vector<16xi32>, vector<16xi32>], vector<16xf32>,
      tpu.vector_store_idx %arg23[%parallel_loop3A_1279, %broadcast_in_dim3A_5], %parallel_loop3A_1301 : memref<80x80xf32, #tpu.memory_space<vmem>>[vector<16xi32>, vector<16xi32>], vector<16xf32>,
    } {sc.loop_unroll_factor = 1 : i64, sc.parallel_access}
    %parallel_loop3A_1067 = arith.constant 0 : i32
    %parallel_loop3A_1068 = arith.constant 80 : i32
    %parallel_loop3A_1069 = arith.constant 1 : i32
    scf.for %parallel_loop3A_1269 = %parallel_loop3A_1067 to %parallel_loop3A_1068 step %parallel_loop3A_1069  : i32 {
      %parallel_loop3A_1270 = arith.index_cast %parallel_loop3A_1269 : i32 to index
      %parallel_loop3A_1271 = arith.constant 64 : index
      %parallel_loop3A_1272 = tpu.vector_load %arg23[%parallel_loop3A_1270, %parallel_loop3A_1271] {strides = array<i32>} : memref<80x80xf32, #tpu.memory_space<vmem>>, vector<16xf32>,
      %parallel_loop3A_1273 = vector.extract_strided_slice %parallel_loop3A_1272 {offsets = [0], sizes = [1], strides = [1]} : vector<16xf32> to vector<1xf32>
      %parallel_loop3A_1274 = vector.extract %parallel_loop3A_1273[0] : f32 from vector<1xf32>
      %parallel_loop3A_1275 = vector.extract_strided_slice %parallel_loop3A_1272 {offsets = [1], sizes = [1], strides = [1]} : vector<16xf32> to vector<1xf32>
      %parallel_loop3A_1276 = vector.extract %parallel_loop3A_1275[0] : f32 from vector<1xf32>
      %parallel_loop3A_1277 = arith.index_cast %parallel_loop3A_1269 : i32 to index
      %parallel_loop3A_1278 = arith.constant 0 : index
      %parallel_loop3A_1279 = tpu.vector_load %arg21[%parallel_loop3A_1277, %parallel_loop3A_1278] {strides = array<i32>} : memref<80x80xf32, #tpu.memory_space<vmem>>, vector<16xf32>,
      %parallel_loop3A_1280 = vector.broadcast %parallel_loop3A_1274 : f32 to vector<16xf32>
      %parallel_loop3A_1281 = arith.mulf %parallel_loop3A_1279, %parallel_loop3A_1280 : vector<16xf32>
      %parallel_loop3A_1282 = arith.index_cast %parallel_loop3A_1269 : i32 to index
      %parallel_loop3A_1283 = arith.constant 0 : index
      %parallel_loop3A_1284 = tpu.vector_load %arg23[%parallel_loop3A_1282, %parallel_loop3A_1283] {strides = array<i32>} : memref<80x80xf32, #tpu.memory_space<vmem>>, vector<16xf32>,
      tpu.vector_store %arg23[%parallel_loop3A_1282, %parallel_loop3A_1283], %parallel_loop3A_1281 {strides = array<i32>} : memref<80x80xf32, #tpu.memory_space<vmem>>, vector<16xf32>,
      %parallel_loop3A_1285 = arith.index_cast %parallel_loop3A_1269 : i32 to index
      %parallel_loop3A_1286 = arith.constant 16 : index
      %parallel_loop3A_1287 = tpu.vector_load %arg21[%parallel_loop3A_1285, %parallel_loop3A_1286] {strides = array<i32>} : memref<80x80xf32, #tpu.memory_space<vmem>>, vector<16xf32>,
      %parallel_loop3A_1288 = vector.broadcast %parallel_loop3A_1274 : f32 to vector<16xf32>
      %parallel_loop3A_1289 = arith.mulf %parallel_loop3A_1287, %parallel_loop3A_1288 : vector<16xf32>
      %parallel_loop3A_1290 = arith.index_cast %parallel_loop3A_1269 : i32 to index
      %parallel_loop3A_1291 = arith.constant 16 : index
      %parallel_loop3A_1292 = tpu.vector_load %arg23[%parallel_loop3A_1290, %parallel_loop3A_1291] {strides = array<i32>} : memref<80x80xf32, #tpu.memory_space<vmem>>, vector<16xf32>,
      tpu.vector_store %arg23[%parallel_loop3A_1290, %parallel_loop3A_1291], %parallel_loop3A_1289 {strides = array<i32>} : memref<80x80xf32, #tpu.memory_space<vmem>>, vector<16xf32>,
      %parallel_loop3A_1293 = arith.index_cast %parallel_loop3A_1269 : i32 to index
      %parallel_loop3A_1294 = arith.constant 32 : index
      %parallel_loop3A_1295 = tpu.vector_load %arg21[%parallel_loop3A_1293, %parallel_loop3A_1294] {strides = array<i32>} : memref<80x80xf32, #tpu.memory_space<vmem>>, vector<16xf32>,
      %parallel_loop3A_1296 = vector.broadcast %parallel_loop3A_1276 : f32 to vector<16xf32>
      %parallel_loop3A_1297 = arith.mulf %parallel_loop3A_1295, %parallel_loop3A_1296 : vector<16xf32>
      %parallel_loop3A_1298 = arith.index_cast %parallel_loop3A_1269 : i32 to index
      %parallel_loop3A_1299 = arith.constant 32 : index
      %parallel_loop3A_1300 = tpu.vector_load %arg23[%parallel_loop3A_1298, %parallel_loop3A_1299] {strides = array<i32>} : memref<80x80xf32, #tpu.memory_space<vmem>>, vector<16xf32>,
      tpu.vector_store %arg23[%parallel_loop3A_1298, %parallel_loop3A_1299], %parallel_loop3A_1297 {strides = array<i32>} : memref<80x80xf32, #tpu.memory_space<vmem>>, vector<16xf32>,
      %parallel_loop3A_1301 = arith.index_cast %parallel_loop3A_1269 : i32 to index
      %parallel_loop3A_1302 = arith.constant 48 : index
      %parallel_loop3A_1303 = tpu.vector_load %arg21[%parallel_loop3A_1301, %parallel_loop3A_1302] {strides = array<i32>} : memref<80x80xf32, #tpu.memory_space<vmem>>, vector<16xf32>,
      %parallel_loop3A_1304 = vector.broadcast %parallel_loop3A_1276 : f32 to vector<16xf32>
      %parallel_loop3A_1305 = arith.mulf %parallel_loop3A_1303, %parallel_loop3A_1304 : vector<16xf32>
      %parallel_loop3A_1306 = arith.index_cast %parallel_loop3A_1269 : i32 to index
      %parallel_loop3A_1307 = arith.constant 48 : index
      %parallel_loop3A_1308 = tpu.vector_load %arg23[%parallel_loop3A_1306, %parallel_loop3A_1307] {strides = array<i32>} : memref<80x80xf32, #tpu.memory_space<vmem>>, vector<16xf32>,
      tpu.vector_store %arg23[%parallel_loop3A_1306, %parallel_loop3A_1307], %parallel_loop3A_1305 {strides = array<i32>} : memref<80x80xf32, #tpu.memory_space<vmem>>, vector<16xf32>,
    } {sc.loop_unroll_factor = 1 : i64, sc.parallel_access}
    %get3A_1070 = arith.constant 0 : i32
    %get3A_1071 = arith.index_cast %get3A_1070 : i32 to index
    %get3A_1072 = arith.constant 0 : index
    %get3A_1073 = tpu.vector_load %arg13[%get3A_1071, %get3A_1072] {strides = array<i32>} : memref<1x80xi32, #tpu.memory_space<vmem>>, vector<16xi32>,
    %swap3A_1074 = arith.constant 0 : i32
    %swap3A_1075 = arith.index_cast %swap3A_1074 : i32 to index
    %swap3A_1076 = arith.constant 0 : index
    %swap3A_1077 = tpu.vector_load %arg15[%swap3A_1075, %swap3A_1076] {strides = array<i32>} : memref<1x80xi32, #tpu.memory_space<vmem>>, vector<16xi32>,
    tpu.vector_store %arg15[%swap3A_1075, %swap3A_1076], %get3A_1073 {strides = array<i32>} : memref<1x80xi32, #tpu.memory_space<vmem>>, vector<16xi32>,
    %get3A_1078 = arith.constant 0 : i32
    %get3A_1079 = arith.index_cast %get3A_1078 : i32 to index
    %get3A_1080 = arith.constant 16 : index
    %get3A_1081 = tpu.vector_load %arg13[%get3A_1079, %get3A_1080] {strides = array<i32>} : memref<1x80xi32, #tpu.memory_space<vmem>>, vector<16xi32>,
    %swap3A_1082 = arith.constant 0 : i32
    %swap3A_1083 = arith.index_cast %swap3A_1082 : i32 to index
    %swap3A_1084 = arith.constant 16 : index
    %swap3A_1085 = tpu.vector_load %arg15[%swap3A_1083, %swap3A_1084] {strides = array<i32>} : memref<1x80xi32, #tpu.memory_space<vmem>>, vector<16xi32>,
    tpu.vector_store %arg15[%swap3A_1083, %swap3A_1084], %get3A_1081 {strides = array<i32>} : memref<1x80xi32, #tpu.memory_space<vmem>>, vector<16xi32>,
    %get3A_1086 = arith.constant 0 : i32
    %get3A_1087 = arith.index_cast %get3A_1086 : i32 to index
    %get3A_1088 = arith.constant 32 : index
    %get3A_1089 = tpu.vector_load %arg13[%get3A_1087, %get3A_1088] {strides = array<i32>} : memref<1x80xi32, #tpu.memory_space<vmem>>, vector<16xi32>,
    %swap3A_1090 = arith.constant 0 : i32
    %swap3A_1091 = arith.index_cast %swap3A_1090 : i32 to index
    %swap3A_1092 = arith.constant 32 : index
    %swap3A_1093 = tpu.vector_load %arg15[%swap3A_1091, %swap3A_1092] {strides = array<i32>} : memref<1x80xi32, #tpu.memory_space<vmem>>, vector<16xi32>,
    tpu.vector_store %arg15[%swap3A_1091, %swap3A_1092], %get3A_1089 {strides = array<i32>} : memref<1x80xi32, #tpu.memory_space<vmem>>, vector<16xi32>,
    %get3A_1094 = arith.constant 0 : i32
    %get3A_1095 = arith.index_cast %get3A_1094 : i32 to index
    %get3A_1096 = arith.constant 48 : index
    %get3A_1097 = tpu.vector_load %arg13[%get3A_1095, %get3A_1096] {strides = array<i32>} : memref<1x80xi32, #tpu.memory_space<vmem>>, vector<16xi32>,
    %swap3A_1098 = arith.constant 0 : i32
    %swap3A_1099 = arith.index_cast %swap3A_1098 : i32 to index
    %swap3A_1100 = arith.constant 48 : index
    %swap3A_1101 = tpu.vector_load %arg15[%swap3A_1099, %swap3A_1100] {strides = array<i32>} : memref<1x80xi32, #tpu.memory_space<vmem>>, vector<16xi32>,
    tpu.vector_store %arg15[%swap3A_1099, %swap3A_1100], %get3A_1097 {strides = array<i32>} : memref<1x80xi32, #tpu.memory_space<vmem>>, vector<16xi32>,
    %get3A_1102 = arith.constant 0 : i32
    %get3A_1103 = arith.index_cast %get3A_1102 : i32 to index
    %get3A_1104 = arith.constant 64 : index
    %get3A_1105 = tpu.vector_load %arg13[%get3A_1103, %get3A_1104] {strides = array<i32>} : memref<1x80xi32, #tpu.memory_space<vmem>>, vector<16xi32>,
    %swap3A_1106 = arith.constant 0 : i32
    %swap3A_1107 = arith.index_cast %swap3A_1106 : i32 to index
    %swap3A_1108 = arith.constant 64 : index
    %swap3A_1109 = tpu.vector_load %arg15[%swap3A_1107, %swap3A_1108] {strides = array<i32>} : memref<1x80xi32, #tpu.memory_space<vmem>>, vector<16xi32>,
    tpu.vector_store %arg15[%swap3A_1107, %swap3A_1108], %get3A_1105 {strides = array<i32>} : memref<1x80xi32, #tpu.memory_space<vmem>>, vector<16xi32>,
    %dma_start3A_1110 = arith.constant 0 : i32
    %dma_start3A_1111 = arith.constant 0 : i32
    %dma_start3A_1112 = tpu.memref_slice %arg15[%dma_start3A_1110, %dma_start3A_1111] : memref<1x80xi32, #tpu.memory_space<vmem>> -> memref<1x80xi32, #tpu.memory_space<vmem>>
    %dma_start3A_1113 = tpu.memref_squeeze %dma_start3A_1112 : memref<1x80xi32, #tpu.memory_space<vmem>> -> memref<80xi32, #tpu.memory_space<vmem>>
    %dma_start3A_1114 = arith.constant 0 : i32
    %dma_start3A_1115 = arith.constant 0 : i32
    %dma_start3A_1116 = tpu.memref_slice %arg28[%dma_start3A_1114, %dma_start3A_1115] : memref<10000x80xf32, #tpu.memory_space<vmem_shared>> -> memref<10000x80xf32, #tpu.memory_space<vmem_shared>>
    tpu.enqueue_indirect_dma source(%arg23 : memref<80x80xf32, #tpu.memory_space<vmem>>) target(%dma_start3A_1116 : memref<10000x80xf32, #tpu.memory_space<vmem_shared>>) offsets(%dma_start3A_1113 : memref<80xi32, #tpu.memory_space<vmem>>) semaphore(%arg32 : memref<!tpu.dma_semaphore, #tpu.memory_space<semaphore_mem>>) {add = true}
    %dma_wait3A_1117 = arith.constant 0 : i32
    %dma_wait3A_1118 = tpu.memref_slice %arg4[%dma_wait3A_1117] : memref<320000xi32, #tpu.memory_space<hbm>> -> memref<80xi32, #tpu.memory_space<hbm>>
    %dma_wait3A_1119 = arith.constant 0 : i32
    %dma_wait3A_1120 = tpu.memref_slice %arg4[%dma_wait3A_1119] : memref<320000xi32, #tpu.memory_space<hbm>> -> memref<80xi32, #tpu.memory_space<hbm>>
    tpu.wait_dma2 semaphore(%arg36 : memref<!tpu.dma_semaphore, #tpu.memory_space<semaphore_mem>>) src(%dma_wait3A_1120 : memref<80xi32, #tpu.memory_space<hbm>>) dst(%arg9 : memref<80xi32, #tpu.memory_space<vmem>>)
    %dma_wait3A_1121 = arith.constant 0 : i32
    %dma_wait3A_1122 = tpu.memref_slice %arg5[%dma_wait3A_1121] : memref<320000xi32, #tpu.memory_space<hbm>> -> memref<80xi32, #tpu.memory_space<hbm>>
    %dma_wait3A_1123 = arith.constant 0 : i32
    %dma_wait3A_1124 = tpu.memref_slice %arg5[%dma_wait3A_1123] : memref<320000xi32, #tpu.memory_space<hbm>> -> memref<80xi32, #tpu.memory_space<hbm>>
    tpu.wait_dma2 semaphore(%arg36 : memref<!tpu.dma_semaphore, #tpu.memory_space<semaphore_mem>>) src(%dma_wait3A_1124 : memref<80xi32, #tpu.memory_space<hbm>>) dst(%arg11 : memref<80xi32, #tpu.memory_space<vmem>>)
    %get3A_1125 = arith.constant 0 : index
    %get3A_1126 = tpu.vector_load %arg9[%get3A_1125] {strides = array<i32>} : memref<80xi32, #tpu.memory_space<vmem>>, vector<16xi32>,
    %swap3A_1127 = arith.constant 0 : i32
    %swap3A_1128 = arith.index_cast %swap3A_1127 : i32 to index
    %swap3A_1129 = arith.constant 0 : index
    %swap3A_1130 = tpu.vector_load %arg13[%swap3A_1128, %swap3A_1129] {strides = array<i32>} : memref<1x80xi32, #tpu.memory_space<vmem>>, vector<16xi32>,
    tpu.vector_store %arg13[%swap3A_1128, %swap3A_1129], %get3A_1126 {strides = array<i32>} : memref<1x80xi32, #tpu.memory_space<vmem>>, vector<16xi32>,
    %get3A_1131 = arith.constant 0 : index
    %get3A_1132 = tpu.vector_load %arg11[%get3A_1131] {strides = array<i32>} : memref<80xi32, #tpu.memory_space<vmem>>, vector<16xi32>,
    %add3A_1133 = vector.broadcast %mul3A_0 : i32 to vector<16xi32>
    %add3A_1134 = arith.addi %get3A_1132, %add3A_1133 : vector<16xi32>
    %swap3A_1135 = arith.constant 0 : i32
    %swap3A_1136 = arith.index_cast %swap3A_1135 : i32 to index
    %swap3A_1137 = arith.constant 0 : index
    %swap3A_1138 = tpu.vector_load %arg19[%swap3A_1136, %swap3A_1137] {strides = array<i32>} : memref<1x80xi32, #tpu.memory_space<vmem>>, vector<16xi32>,
    tpu.vector_store %arg19[%swap3A_1136, %swap3A_1137], %add3A_1134 {strides = array<i32>} : memref<1x80xi32, #tpu.memory_space<vmem>>, vector<16xi32>,
    %get3A_1139 = arith.constant 16 : index
    %get3A_1140 = tpu.vector_load %arg9[%get3A_1139] {strides = array<i32>} : memref<80xi32, #tpu.memory_space<vmem>>, vector<16xi32>,
    %swap3A_1141 = arith.constant 0 : i32
    %swap3A_1142 = arith.index_cast %swap3A_1141 : i32 to index
    %swap3A_1143 = arith.constant 16 : index
    %swap3A_1144 = tpu.vector_load %arg13[%swap3A_1142, %swap3A_1143] {strides = array<i32>} : memref<1x80xi32, #tpu.memory_space<vmem>>, vector<16xi32>,
    tpu.vector_store %arg13[%swap3A_1142, %swap3A_1143], %get3A_1140 {strides = array<i32>} : memref<1x80xi32, #tpu.memory_space<vmem>>, vector<16xi32>,
    %get3A_1145 = arith.constant 16 : index
    %get3A_1146 = tpu.vector_load %arg11[%get3A_1145] {strides = array<i32>} : memref<80xi32, #tpu.memory_space<vmem>>, vector<16xi32>,
    %add3A_1147 = vector.broadcast %mul3A_0 : i32 to vector<16xi32>
    %add3A_1148 = arith.addi %get3A_1146, %add3A_1147 : vector<16xi32>
    %swap3A_1149 = arith.constant 0 : i32
    %swap3A_1150 = arith.index_cast %swap3A_1149 : i32 to index
    %swap3A_1151 = arith.constant 16 : index
    %swap3A_1152 = tpu.vector_load %arg19[%swap3A_1150, %swap3A_1151] {strides = array<i32>} : memref<1x80xi32, #tpu.memory_space<vmem>>, vector<16xi32>,
    tpu.vector_store %arg19[%swap3A_1150, %swap3A_1151], %add3A_1148 {strides = array<i32>} : memref<1x80xi32, #tpu.memory_space<vmem>>, vector<16xi32>,
    %get3A_1153 = arith.constant 32 : index
    %get3A_1154 = tpu.vector_load %arg9[%get3A_1153] {strides = array<i32>} : memref<80xi32, #tpu.memory_space<vmem>>, vector<16xi32>,
    %swap3A_1155 = arith.constant 0 : i32
    %swap3A_1156 = arith.index_cast %swap3A_1155 : i32 to index
    %swap3A_1157 = arith.constant 32 : index
    %swap3A_1158 = tpu.vector_load %arg13[%swap3A_1156, %swap3A_1157] {strides = array<i32>} : memref<1x80xi32, #tpu.memory_space<vmem>>, vector<16xi32>,
    tpu.vector_store %arg13[%swap3A_1156, %swap3A_1157], %get3A_1154 {strides = array<i32>} : memref<1x80xi32, #tpu.memory_space<vmem>>, vector<16xi32>,
    %get3A_1159 = arith.constant 32 : index
    %get3A_1160 = tpu.vector_load %arg11[%get3A_1159] {strides = array<i32>} : memref<80xi32, #tpu.memory_space<vmem>>, vector<16xi32>,
    %add3A_1161 = vector.broadcast %mul3A_0 : i32 to vector<16xi32>
    %add3A_1162 = arith.addi %get3A_1160, %add3A_1161 : vector<16xi32>
    %swap3A_1163 = arith.constant 0 : i32
    %swap3A_1164 = arith.index_cast %swap3A_1163 : i32 to index
    %swap3A_1165 = arith.constant 32 : index
    %swap3A_1166 = tpu.vector_load %arg19[%swap3A_1164, %swap3A_1165] {strides = array<i32>} : memref<1x80xi32, #tpu.memory_space<vmem>>, vector<16xi32>,
    tpu.vector_store %arg19[%swap3A_1164, %swap3A_1165], %add3A_1162 {strides = array<i32>} : memref<1x80xi32, #tpu.memory_space<vmem>>, vector<16xi32>,
    %get3A_1167 = arith.constant 48 : index
    %get3A_1168 = tpu.vector_load %arg9[%get3A_1167] {strides = array<i32>} : memref<80xi32, #tpu.memory_space<vmem>>, vector<16xi32>,
    %swap3A_1169 = arith.constant 0 : i32
    %swap3A_1170 = arith.index_cast %swap3A_1169 : i32 to index
    %swap3A_1171 = arith.constant 48 : index
    %swap3A_1172 = tpu.vector_load %arg13[%swap3A_1170, %swap3A_1171] {strides = array<i32>} : memref<1x80xi32, #tpu.memory_space<vmem>>, vector<16xi32>,
    tpu.vector_store %arg13[%swap3A_1170, %swap3A_1171], %get3A_1168 {strides = array<i32>} : memref<1x80xi32, #tpu.memory_space<vmem>>, vector<16xi32>,
    %get3A_1173 = arith.constant 48 : index
    %get3A_1174 = tpu.vector_load %arg11[%get3A_1173] {strides = array<i32>} : memref<80xi32, #tpu.memory_space<vmem>>, vector<16xi32>,
    %add3A_1175 = vector.broadcast %mul3A_0 : i32 to vector<16xi32>
    %add3A_1176 = arith.addi %get3A_1174, %add3A_1175 : vector<16xi32>
    %swap3A_1177 = arith.constant 0 : i32
    %swap3A_1178 = arith.index_cast %swap3A_1177 : i32 to index
    %swap3A_1179 = arith.constant 48 : index
    %swap3A_1180 = tpu.vector_load %arg19[%swap3A_1178, %swap3A_1179] {strides = array<i32>} : memref<1x80xi32, #tpu.memory_space<vmem>>, vector<16xi32>,
    tpu.vector_store %arg19[%swap3A_1178, %swap3A_1179], %add3A_1176 {strides = array<i32>} : memref<1x80xi32, #tpu.memory_space<vmem>>, vector<16xi32>,
    %get3A_1181 = arith.constant 64 : index
    %get3A_1182 = tpu.vector_load %arg9[%get3A_1181] {strides = array<i32>} : memref<80xi32, #tpu.memory_space<vmem>>, vector<16xi32>,
    %swap3A_1183 = arith.constant 0 : i32
    %swap3A_1184 = arith.index_cast %swap3A_1183 : i32 to index
    %swap3A_1185 = arith.constant 64 : index
    %swap3A_1186 = tpu.vector_load %arg13[%swap3A_1184, %swap3A_1185] {strides = array<i32>} : memref<1x80xi32, #tpu.memory_space<vmem>>, vector<16xi32>,
    tpu.vector_store %arg13[%swap3A_1184, %swap3A_1185], %get3A_1182 {strides = array<i32>} : memref<1x80xi32, #tpu.memory_space<vmem>>, vector<16xi32>,
    %get3A_1187 = arith.constant 64 : index
    %get3A_1188 = tpu.vector_load %arg11[%get3A_1187] {strides = array<i32>} : memref<80xi32, #tpu.memory_space<vmem>>, vector<16xi32>,
    %add3A_1189 = vector.broadcast %mul3A_0 : i32 to vector<16xi32>
    %add3A_1190 = arith.addi %get3A_1188, %add3A_1189 : vector<16xi32>
    %swap3A_1191 = arith.constant 0 : i32
    %swap3A_1192 = arith.index_cast %swap3A_1191 : i32 to index
    %swap3A_1193 = arith.constant 64 : index
    %swap3A_1194 = tpu.vector_load %arg19[%swap3A_1192, %swap3A_1193] {strides = array<i32>} : memref<1x80xi32, #tpu.memory_space<vmem>>, vector<16xi32>,
    tpu.vector_store %arg19[%swap3A_1192, %swap3A_1193], %add3A_1190 {strides = array<i32>} : memref<1x80xi32, #tpu.memory_space<vmem>>, vector<16xi32>,
    %dma_start3A_1195 = arith.constant 0 : i32
    %dma_start3A_1196 = arith.constant 0 : i32
    %dma_start3A_1197 = tpu.memref_slice %arg19[%dma_start3A_1195, %dma_start3A_1196] : memref<1x80xi32, #tpu.memory_space<vmem>> -> memref<1x80xi32, #tpu.memory_space<vmem>>
    %dma_start3A_1198 = tpu.memref_squeeze %dma_start3A_1197 : memref<1x80xi32, #tpu.memory_space<vmem>> -> memref<80xi32, #tpu.memory_space<vmem>>
    %dma_start3A_1199 = arith.constant 0 : i32
    %dma_start3A_1200 = arith.constant 0 : i32
    %dma_start3A_1201 = tpu.memref_slice %arg2[%dma_start3A_1199, %dma_start3A_1200] : memref<20000x80xf32, #tpu.memory_space<hbm>> -> memref<20000x80xf32, #tpu.memory_space<hbm>>
    tpu.enqueue_indirect_dma source(%dma_start3A_1201 : memref<20000x80xf32, #tpu.memory_space<hbm>>) target(%arg21 : memref<80x80xf32, #tpu.memory_space<vmem>>) offsets(%dma_start3A_1198 : memref<80xi32, #tpu.memory_space<vmem>>) semaphore(%arg30 : memref<!tpu.dma_semaphore, #tpu.memory_space<semaphore_mem>>)
    %min3A_1202 = arith.constant 3999 : i32
    %min3A_1203 = arith.minsi %add3A_1051, %min3A_1202 : i32
    %mul3A_1204 = arith.constant 80 : i32
    %mul3A_1205 = arith.muli %min3A_1203, %mul3A_1204 : i32
    %dma_start3A_1206 = tpu.memref_slice %arg4[%mul3A_1205] : memref<320000xi32, #tpu.memory_space<hbm>> -> memref<80xi32, #tpu.memory_space<hbm>>
    %dma_start3A_1207 = tpu.memref_slice %arg4[%mul3A_1205] : memref<320000xi32, #tpu.memory_space<hbm>> -> memref<80xi32, #tpu.memory_space<hbm>>
    tpu.enqueue_dma source(%dma_start3A_1207 : memref<80xi32, #tpu.memory_space<hbm>>) target(%arg9 : memref<80xi32, #tpu.memory_space<vmem>>) target_semaphore(%arg36 : memref<!tpu.dma_semaphore, #tpu.memory_space<semaphore_mem>>)
    %dma_start3A_1208 = tpu.memref_slice %arg5[%mul3A_1205] : memref<320000xi32, #tpu.memory_space<hbm>> -> memref<80xi32, #tpu.memory_space<hbm>>
    %dma_start3A_1209 = tpu.memref_slice %arg5[%mul3A_1205] : memref<320000xi32, #tpu.memory_space<hbm>> -> memref<80xi32, #tpu.memory_space<hbm>>
    tpu.enqueue_dma source(%dma_start3A_1209 : memref<80xi32, #tpu.memory_space<hbm>>) target(%arg11 : memref<80xi32, #tpu.memory_space<vmem>>) target_semaphore(%arg36 : memref<!tpu.dma_semaphore, #tpu.memory_space<semaphore_mem>>)
    %dma_wait3A_1210 = arith.constant 0 : i32
    %dma_wait3A_1211 = arith.constant 0 : i32
    %dma_wait3A_1212 = tpu.memref_slice %arg2[%dma_wait3A_1210, %dma_wait3A_1211] : memref<20000x80xf32, #tpu.memory_space<hbm>> -> memref<80x80xf32, #tpu.memory_space<hbm>>
    %dma_wait3A_1213 = arith.constant 0 : i32
    %dma_wait3A_1214 = arith.constant 0 : i32
    %dma_wait3A_1215 = tpu.memref_slice %arg2[%dma_wait3A_1213, %dma_wait3A_1214] : memref<20000x80xf32, #tpu.memory_space<hbm>> -> memref<80x80xf32, #tpu.memory_space<hbm>>
    tpu.wait_dma2 semaphore(%arg31 : memref<!tpu.dma_semaphore, #tpu.memory_space<semaphore_mem>>) src(%dma_wait3A_1215 : memref<80x80xf32, #tpu.memory_space<hbm>>) dst(%arg22 : memref<80x80xf32, #tpu.memory_space<vmem>>)
    %dma_wait3A_1216 = arith.constant 0 : i32
    %dma_wait3A_1217 = arith.constant 0 : i32
    %dma_wait3A_1218 = tpu.memref_slice %arg2[%dma_wait3A_1216, %dma_wait3A_1217] : memref<20000x80xf32, #tpu.memory_space<hbm>> -> memref<80x80xf32, #tpu.memory_space<hbm>>
    %dma_wait3A_1219 = arith.constant 0 : i32
    %dma_wait3A_1220 = arith.constant 0 : i32
    %dma_wait3A_1221 = tpu.memref_slice %arg2[%dma_wait3A_1219, %dma_wait3A_1220] : memref<20000x80xf32, #tpu.memory_space<hbm>> -> memref<80x80xf32, #tpu.memory_space<hbm>>
    tpu.wait_dma2 semaphore(%arg32 : memref<!tpu.dma_semaphore, #tpu.memory_space<semaphore_mem>>) src(%dma_wait3A_1221 : memref<80x80xf32, #tpu.memory_space<hbm>>) dst(%arg23 : memref<80x80xf32, #tpu.memory_space<vmem>>)
    %dma_wait3A_1222 = arith.constant 0 : i32
    %dma_wait3A_1223 = arith.constant 0 : i32
    %dma_wait3A_1224 = tpu.memref_slice %arg2[%dma_wait3A_1222, %dma_wait3A_1223] : memref<20000x80xf32, #tpu.memory_space<hbm>> -> memref<80x80xf32, #tpu.memory_space<hbm>>
    %dma_wait3A_1225 = arith.constant 0 : i32
    %dma_wait3A_1226 = arith.constant 0 : i32
    %dma_wait3A_1227 = tpu.memref_slice %arg2[%dma_wait3A_1225, %dma_wait3A_1226] : memref<20000x80xf32, #tpu.memory_space<hbm>> -> memref<80x80xf32, #tpu.memory_space<hbm>>
    tpu.wait_dma2 semaphore(%arg33 : memref<!tpu.dma_semaphore, #tpu.memory_space<semaphore_mem>>) src(%dma_wait3A_1227 : memref<80x80xf32, #tpu.memory_space<hbm>>) dst(%arg24 : memref<80x80xf32, #tpu.memory_space<vmem>>)
    %dma_wait3A_1228 = arith.constant 0 : i32
    %dma_wait3A_1229 = arith.constant 0 : i32
    %dma_wait3A_1230 = tpu.memref_slice %arg2[%dma_wait3A_1228, %dma_wait3A_1229] : memref<20000x80xf32, #tpu.memory_space<hbm>> -> memref<80x80xf32, #tpu.memory_space<hbm>>
    %dma_wait3A_1231 = arith.constant 0 : i32
    %dma_wait3A_1232 = arith.constant 0 : i32
    %dma_wait3A_1233 = tpu.memref_slice %arg2[%dma_wait3A_1231, %dma_wait3A_1232] : memref<20000x80xf32, #tpu.memory_space<hbm>> -> memref<80x80xf32, #tpu.memory_space<hbm>>
    tpu.wait_dma2 semaphore(%arg34 : memref<!tpu.dma_semaphore, #tpu.memory_space<semaphore_mem>>) src(%dma_wait3A_1233 : memref<80x80xf32, #tpu.memory_space<hbm>>) dst(%arg25 : memref<80x80xf32, #tpu.memory_space<vmem>>)
    %dma_wait3A_1234 = arith.constant 0 : i32
    %dma_wait3A_1235 = arith.constant 0 : i32
    %dma_wait3A_1236 = tpu.memref_slice %arg2[%dma_wait3A_1234, %dma_wait3A_1235] : memref<20000x80xf32, #tpu.memory_space<hbm>> -> memref<80x80xf32, #tpu.memory_space<hbm>>
    %dma_wait3A_1237 = arith.constant 0 : i32
    %dma_wait3A_1238 = arith.constant 0 : i32
    %dma_wait3A_1239 = tpu.memref_slice %arg2[%dma_wait3A_1237, %dma_wait3A_1238] : memref<20000x80xf32, #tpu.memory_space<hbm>> -> memref<80x80xf32, #tpu.memory_space<hbm>>
    tpu.wait_dma2 semaphore(%arg29 : memref<!tpu.dma_semaphore, #tpu.memory_space<semaphore_mem>>) src(%dma_wait3A_1239 : memref<80x80xf32, #tpu.memory_space<hbm>>) dst(%arg20 : memref<80x80xf32, #tpu.memory_space<vmem>>)
    %dma_wait3A_1240 = arith.constant 0 : i32
    %dma_wait3A_1241 = tpu.memref_slice %arg4[%dma_wait3A_1240] : memref<320000xi32, #tpu.memory_space<hbm>> -> memref<80xi32, #tpu.memory_space<hbm>>
    %dma_wait3A_1242 = arith.constant 0 : i32
    %dma_wait3A_1243 = tpu.memref_slice %arg4[%dma_wait3A_1242] : memref<320000xi32, #tpu.memory_space<hbm>> -> memref<80xi32, #tpu.memory_space<hbm>>
    tpu.wait_dma2 semaphore(%arg35 : memref<!tpu.dma_semaphore, #tpu.memory_space<semaphore_mem>>) src(%dma_wait3A_1243 : memref<80xi32, #tpu.memory_space<hbm>>) dst(%arg8 : memref<80xi32, #tpu.memory_space<vmem>>)
    %dma_wait3A_1244 = arith.constant 0 : i32
    %dma_wait3A_1245 = tpu.memref_slice %arg5[%dma_wait3A_1244] : memref<320000xi32, #tpu.memory_space<hbm>> -> memref<80xi32, #tpu.memory_space<hbm>>
    %dma_wait3A_1246 = arith.constant 0 : i32
    %dma_wait3A_1247 = tpu.memref_slice %arg5[%dma_wait3A_1246] : memref<320000xi32, #tpu.memory_space<hbm>> -> memref<80xi32, #tpu.memory_space<hbm>>
    tpu.wait_dma2 semaphore(%arg35 : memref<!tpu.dma_semaphore, #tpu.memory_space<semaphore_mem>>) src(%dma_wait3A_1247 : memref<80xi32, #tpu.memory_space<hbm>>) dst(%arg10 : memref<80xi32, #tpu.memory_space<vmem>>)
    %dma_wait3A_1248 = arith.constant 0 : i32
    %dma_wait3A_1249 = arith.constant 0 : i32
    %dma_wait3A_1250 = tpu.memref_slice %arg2[%dma_wait3A_1248, %dma_wait3A_1249] : memref<20000x80xf32, #tpu.memory_space<hbm>> -> memref<80x80xf32, #tpu.memory_space<hbm>>
    %dma_wait3A_1251 = arith.constant 0 : i32
    %dma_wait3A_1252 = arith.constant 0 : i32
    %dma_wait3A_1253 = tpu.memref_slice %arg2[%dma_wait3A_1251, %dma_wait3A_1252] : memref<20000x80xf32, #tpu.memory_space<hbm>> -> memref<80x80xf32, #tpu.memory_space<hbm>>
    tpu.wait_dma2 semaphore(%arg30 : memref<!tpu.dma_semaphore, #tpu.memory_space<semaphore_mem>>) src(%dma_wait3A_1253 : memref<80x80xf32, #tpu.memory_space<hbm>>) dst(%arg21 : memref<80x80xf32, #tpu.memory_space<vmem>>)
    %dma_wait3A_1254 = arith.constant 0 : i32
    %dma_wait3A_1255 = tpu.memref_slice %arg4[%dma_wait3A_1254] : memref<320000xi32, #tpu.memory_space<hbm>> -> memref<80xi32, #tpu.memory_space<hbm>>
    %dma_wait3A_1256 = arith.constant 0 : i32
    %dma_wait3A_1257 = tpu.memref_slice %arg4[%dma_wait3A_1256] : memref<320000xi32, #tpu.memory_space<hbm>> -> memref<80xi32, #tpu.memory_space<hbm>>
    tpu.wait_dma2 semaphore(%arg36 : memref<!tpu.dma_semaphore, #tpu.memory_space<semaphore_mem>>) src(%dma_wait3A_1257 : memref<80xi32, #tpu.memory_space<hbm>>) dst(%arg9 : memref<80xi32, #tpu.memory_space<vmem>>)
    %dma_wait3A_1258 = arith.constant 0 : i32
    %dma_wait3A_1259 = tpu.memref_slice %arg5[%dma_wait3A_1258] : memref<320000xi32, #tpu.memory_space<hbm>> -> memref<80xi32, #tpu.memory_space<hbm>>
    %dma_wait3A_1260 = arith.constant 0 : i32
    %dma_wait3A_1261 = tpu.memref_slice %arg5[%dma_wait3A_1260] : memref<320000xi32, #tpu.memory_space<hbm>> -> memref<80xi32, #tpu.memory_space<hbm>>
    tpu.wait_dma2 semaphore(%arg36 : memref<!tpu.dma_semaphore, #tpu.memory_space<semaphore_mem>>) src(%dma_wait3A_1261 : memref<80xi32, #tpu.memory_space<hbm>>) dst(%arg11 : memref<80xi32, #tpu.memory_space<vmem>>)
    %barrier3A_1262 = arith.constant 0 : index
    tpu.barrier barrier_id(%barrier3A_1262)
    %scan3A_1263 = arith.constant 0 : i32
    %scan3A_1264 = arith.constant 0 : i32
    %scan3A_1265 = arith.constant 5 : i32
    %scan3A_1266 = arith.addi %scan3A_1264, %scan3A_1265 : i32
    %scan3A_1267 = arith.constant 1 : i32
    scf.for %scan3A_1269 = %scan3A_1264 to %scan3A_1266 step %scan3A_1267  : i32 {
      %mul3A_1270 = arith.constant 125 : i32
      %mul3A_1271 = arith.muli %scan3A_1269, %mul3A_1270 : i32
      %add3A_1272 = arith.addi %mul3A_12, %mul3A_1271 : i32
      "tpu.region"() ({
        %run_scoped3A = tpu.sem_alloc : memref<!tpu.dma_semaphore, #tpu.memory_space<semaphore_mem>>
        %dma_start3A_1281 = arith.constant 0 : i32
        %dma_start3A_1282 = tpu.memref_slice %arg28[%add3A_1272, %dma_start3A_1281] : memref<10000x80xf32, #tpu.memory_space<vmem_shared>> -> memref<125x80xf32, #tpu.memory_space<vmem_shared>>
        %dma_start3A_1283 = arith.constant 0 : i32
        %dma_start3A_1284 = tpu.memref_slice %arg28[%add3A_1272, %dma_start3A_1283] : memref<10000x80xf32, #tpu.memory_space<vmem_shared>> -> memref<125x80xf32, #tpu.memory_space<vmem_shared>>
        tpu.enqueue_dma source(%dma_start3A_1284 : memref<125x80xf32, #tpu.memory_space<vmem_shared>>) target(%arg26 : memref<125x80xf32, #tpu.memory_space<vmem>>) target_semaphore(%run_scoped3A : memref<!tpu.dma_semaphore, #tpu.memory_space<semaphore_mem>>)
        %dma_wait3A_1285 = arith.constant 0 : i32
        %dma_wait3A_1286 = tpu.memref_slice %arg28[%add3A_1272, %dma_wait3A_1285] : memref<10000x80xf32, #tpu.memory_space<vmem_shared>> -> memref<125x80xf32, #tpu.memory_space<vmem_shared>>
        %dma_wait3A_1287 = arith.constant 0 : i32
        %dma_wait3A_1288 = tpu.memref_slice %arg28[%add3A_1272, %dma_wait3A_1287] : memref<10000x80xf32, #tpu.memory_space<vmem_shared>> -> memref<125x80xf32, #tpu.memory_space<vmem_shared>>
        tpu.wait_dma2 semaphore(%run_scoped3A : memref<!tpu.dma_semaphore, #tpu.memory_space<semaphore_mem>>) src(%dma_wait3A_1288 : memref<125x80xf32, #tpu.memory_space<vmem_shared>>) dst(%arg26 : memref<125x80xf32, #tpu.memory_space<vmem>>)
        tpu.yield
      }) : () -> ()
      %scan3A_1273 = arith.constant 0 : i32
      %scan3A_1274 = arith.constant 0 : i32
      %scan3A_1275 = arith.constant 125 : i32
      %scan3A_1276 = arith.addi %scan3A_1274, %scan3A_1275 : i32
      %scan3A_1277 = arith.constant 1 : i32
      scf.for %scan3A_1281 = %scan3A_1274 to %scan3A_1276 step %scan3A_1277  : i32 {
        %broadcast_in_dim3A_1282 = arith.constant 0 : i32
        %broadcast_in_dim3A_1283 = vector.broadcast %broadcast_in_dim3A_1282 : i32 to vector<16xi32>
        %add3A_1284 = vector.broadcast %scan3A_1281 : i32 to vector<16xi32>
        %add3A_1285 = arith.addi %add3A_1284, %broadcast_in_dim3A_1283 : vector<16xi32>
        %gather3A = tpu.vector_load_idx %arg26[%add3A_1285, %broadcast_in_dim3A_3] : memref<125x80xf32, #tpu.memory_space<vmem>>[vector<16xi32>, vector<16xi32>], vector<16xf32>,
        %gather3A_1286 = tpu.vector_load_idx %arg26[%add3A_1285, %broadcast_in_dim3A_5] : memref<125x80xf32, #tpu.memory_space<vmem>>[vector<16xi32>, vector<16xi32>], vector<16xf32>,
        %add3A_1287 = arith.constant 1.000000e-16 : f32
        %add3A_1288 = vector.broadcast %add3A_1287 : f32 to vector<16xf32>
        %add3A_1289 = arith.addf %gather3A, %add3A_1288 : vector<16xf32>
        %div3A_1290 = arith.constant 1.000000e+00 : f32
        %div3A_1291 = vector.broadcast %div3A_1290 : f32 to vector<16xf32>
        %div3A_1292 = arith.divf %div3A_1291, %add3A_1289 : vector<16xf32>
        %add3A_1293 = arith.constant 1.000000e-16 : f32
        %add3A_1294 = vector.broadcast %add3A_1293 : f32 to vector<16xf32>
        %add3A_1295 = arith.addf %gather3A_1286, %add3A_1294 : vector<16xf32>
        %div3A_1296 = arith.constant 1.000000e+00 : f32
        %div3A_1297 = vector.broadcast %div3A_1296 : f32 to vector<16xf32>
        %div3A_1298 = arith.divf %div3A_1297, %add3A_1295 : vector<16xf32>
        %get3A_1299 = arith.index_cast %scan3A_1281 : i32 to index
        %get3A_1300 = arith.constant 0 : index
        %get3A_1301 = tpu.vector_load %arg26[%get3A_1299, %get3A_1300] {strides = array<i32>} : memref<125x80xf32, #tpu.memory_space<vmem>>, vector<16xf32>,
        %mul3A_1302 = arith.mulf %get3A_1301, %div3A_1292 : vector<16xf32>
        %swap3A_1303 = arith.index_cast %scan3A_1281 : i32 to index
        %swap3A_1304 = arith.constant 0 : index
        %swap3A_1305 = tpu.vector_load %arg27[%swap3A_1303, %swap3A_1304] {strides = array<i32>} : memref<125x64xf32, #tpu.memory_space<vmem>>, vector<16xf32>,
        tpu.vector_store %arg27[%swap3A_1303, %swap3A_1304], %mul3A_1302 {strides = array<i32>} : memref<125x64xf32, #tpu.memory_space<vmem>>, vector<16xf32>,
        %get3A_1306 = arith.index_cast %scan3A_1281 : i32 to index
        %get3A_1307 = arith.constant 16 : index
        %get3A_1308 = tpu.vector_load %arg26[%get3A_1306, %get3A_1307] {strides = array<i32>} : memref<125x80xf32, #tpu.memory_space<vmem>>, vector<16xf32>,
        %mul3A_1309 = arith.mulf %get3A_1308, %div3A_1292 : vector<16xf32>
        %swap3A_1310 = arith.index_cast %scan3A_1281 : i32 to index
        %swap3A_1311 = arith.constant 16 : index
        %swap3A_1312 = tpu.vector_load %arg27[%swap3A_1310, %swap3A_1311] {strides = array<i32>} : memref<125x64xf32, #tpu.memory_space<vmem>>, vector<16xf32>,
        tpu.vector_store %arg27[%swap3A_1310, %swap3A_1311], %mul3A_1309 {strides = array<i32>} : memref<125x64xf32, #tpu.memory_space<vmem>>, vector<16xf32>,
        %get3A_1313 = arith.index_cast %scan3A_1281 : i32 to index
        %get3A_1314 = arith.constant 32 : index
        %get3A_1315 = tpu.vector_load %arg26[%get3A_1313, %get3A_1314] {strides = array<i32>} : memref<125x80xf32, #tpu.memory_space<vmem>>, vector<16xf32>,
        %mul3A_1316 = arith.mulf %get3A_1315, %div3A_1298 : vector<16xf32>
        %swap3A_1317 = arith.index_cast %scan3A_1281 : i32 to index
        %swap3A_1318 = arith.constant 32 : index
        %swap3A_1319 = tpu.vector_load %arg27[%swap3A_1317, %swap3A_1318] {strides = array<i32>} : memref<125x64xf32, #tpu.memory_space<vmem>>, vector<16xf32>,
        tpu.vector_store %arg27[%swap3A_1317, %swap3A_1318], %mul3A_1316 {strides = array<i32>} : memref<125x64xf32, #tpu.memory_space<vmem>>, vector<16xf32>,
        %get3A_1320 = arith.index_cast %scan3A_1281 : i32 to index
        %get3A_1321 = arith.constant 48 : index
        %get3A_1322 = tpu.vector_load %arg26[%get3A_1320, %get3A_1321] {strides = array<i32>} : memref<125x80xf32, #tpu.memory_space<vmem>>, vector<16xf32>,
        %mul3A_1323 = arith.mulf %get3A_1322, %div3A_1298 : vector<16xf32>
        %swap3A_1324 = arith.index_cast %scan3A_1281 : i32 to index
        %swap3A_1325 = arith.constant 48 : index
        %swap3A_1326 = tpu.vector_load %arg27[%swap3A_1324, %swap3A_1325] {strides = array<i32>} : memref<125x64xf32, #tpu.memory_space<vmem>>, vector<16xf32>,
        tpu.vector_store %arg27[%swap3A_1324, %swap3A_1325], %mul3A_1323 {strides = array<i32>} : memref<125x64xf32, #tpu.memory_space<vmem>>, vector<16xf32>,
      }
      %scan3A_1278 = arith.constant 125 : i32
      %mul3A_1279 = arith.constant 64 : i32
      %mul3A_1280 = arith.muli %arg0, %mul3A_1279 : i32
      "tpu.region"() ({
        %run_scoped3A = tpu.sem_alloc : memref<!tpu.dma_semaphore, #tpu.memory_space<semaphore_mem>>
        %dma_start3A_1281 = tpu.memref_slice %arg6[%add3A_1272, %mul3A_1280] : memref<10000x128xf32, #tpu.memory_space<hbm>> -> memref<125x64xf32, #tpu.memory_space<hbm>>
        %dma_start3A_1282 = tpu.memref_slice %arg6[%add3A_1272, %mul3A_1280] : memref<10000x128xf32, #tpu.memory_space<hbm>> -> memref<125x64xf32, #tpu.memory_space<hbm>>
        tpu.enqueue_dma source(%arg27 : memref<125x64xf32, #tpu.memory_space<vmem>>) target(%dma_start3A_1282 : memref<125x64xf32, #tpu.memory_space<hbm>>) target_semaphore(%run_scoped3A : memref<!tpu.dma_semaphore, #tpu.memory_space<semaphore_mem>>)
        %dma_wait3A_1283 = tpu.memref_slice %arg6[%add3A_1272, %mul3A_1280] : memref<10000x128xf32, #tpu.memory_space<hbm>> -> memref<125x64xf32, #tpu.memory_space<hbm>>
        %dma_wait3A_1284 = tpu.memref_slice %arg6[%add3A_1272, %mul3A_1280] : memref<10000x128xf32, #tpu.memory_space<hbm>> -> memref<125x64xf32, #tpu.memory_space<hbm>>
        tpu.wait_dma2 semaphore(%run_scoped3A : memref<!tpu.dma_semaphore, #tpu.memory_space<semaphore_mem>>) src(%arg27 : memref<125x64xf32, #tpu.memory_space<vmem>>) dst(%dma_wait3A_1284 : memref<125x64xf32, #tpu.memory_space<hbm>>)
        tpu.yield
      }) : () -> ()
    }
    %scan3A_1268 = arith.constant 5 : i32
    return
  }
}

module attributes {stable_mosaic.version = 14 : i64} {
  func.func @_tc_body(%arg0: i32, %arg1: i32, %arg2: memref<1000x128xf32, #tpu.memory_space<vmem>>, %arg3: memref<2x128x32xf32, #tpu.memory_space<vmem>>, %arg4: memref<2x1x64xf32, #tpu.memory_space<vmem>>, %arg5: memref<1000x80xf32, #tpu.memory_space<vmem>>, %arg6: memref<1000x2xf32, #tpu.memory_space<vmem>>) attributes {dimension_semantics = [#tpu.dimension_semantics<arbitrary>, #tpu.dimension_semantics<arbitrary>], iteration_bounds = array<i64: 2, 10>, scalar_prefetch = 0 : i64, scratch_operands = 0 : i64, tpu.core_type = #tpu.core_type<tc>, window_params = [{transform_indices = @transform_0, window_bounds = array<i64: 1000, 128>}, {transform_indices = @transform_1, window_bounds = array<i64: 2, 128, 32>}, {transform_indices = @transform_2, window_bounds = array<i64: 2, 1, 64>}, {transform_indices = @transform_3, window_bounds = array<i64: 1000, 80>}, {transform_indices = @transform_4, window_bounds = array<i64: 1000, 2>}]} {
    %get3A = arith.constant 0 : index
    %get3A_0 = arith.constant 0 : index
    %get3A_1 = vector.load %arg2[%get3A, %get3A_0] : memref<1000x128xf32, #tpu.memory_space<vmem>>, vector<1000x128xf32>
    %get3A_2 = arith.constant 0 : index
    %get3A_3 = arith.constant 0 : index
    %get3A_4 = arith.constant 0 : index
    %get3A_5 = vector.load %arg3[%get3A_2, %get3A_3, %get3A_4] : memref<2x128x32xf32, #tpu.memory_space<vmem>>, vector<1x128x32xf32>
    %get3A_6 = vector.shape_cast %get3A_5 : vector<1x128x32xf32> to vector<128x32xf32>
    %dot_general3A = arith.constant dense<0.000000e+00> : vector<1000x32xf32>
    %dot_general3A_7 = tpu.matmul %get3A_1, %get3A_6, %dot_general3A {dimension_numbers = #tpu.dot_dimension_numbers<[1], [0], [0], [1], [0, 0, 1, 1], [], []>, transpose_lhs_hint = false} : vector<1000x128xf32>, vector<128x32xf32>, vector<1000x32xf32> -> vector<1000x32xf32>
    %get3A_8 = arith.constant 1 : index
    %get3A_9 = arith.constant 0 : index
    %get3A_10 = arith.constant 0 : index
    %get3A_11 = vector.load %arg3[%get3A_8, %get3A_9, %get3A_10] : memref<2x128x32xf32, #tpu.memory_space<vmem>>, vector<1x128x32xf32>
    %get3A_12 = vector.shape_cast %get3A_11 : vector<1x128x32xf32> to vector<128x32xf32>
    %dot_general3A_13 = arith.constant dense<0.000000e+00> : vector<1000x32xf32>
    %dot_general3A_14 = tpu.matmul %get3A_1, %get3A_12, %dot_general3A_13 {dimension_numbers = #tpu.dot_dimension_numbers<[1], [0], [0], [1], [0, 0, 1, 1], [], []>, transpose_lhs_hint = false} : vector<1000x128xf32>, vector<128x32xf32>, vector<1000x32xf32> -> vector<1000x32xf32>
    %concatenate3A = tpu.concatenate %dot_general3A_7, %dot_general3A_14 in 1 : vector<1000x32xf32>, vector<1000x32xf32> -> vector<1000x64xf32>
    %broadcast_in_dim3A = arith.constant 0.000000e+00 : f32
    %broadcast_in_dim3A_15 = vector.broadcast %broadcast_in_dim3A : f32 to vector<32xf32>
    %get3A_16 = arith.constant 0 : index
    %get3A_17 = arith.constant 0 : index
    %get3A_18 = arith.constant 0 : index
    %get3A_19 = vector.load %arg4[%get3A_16, %get3A_17, %get3A_18] : memref<2x1x64xf32, #tpu.memory_space<vmem>>, vector<1x1x32xf32>
    %get3A_20 = vector.shape_cast %get3A_19 : vector<1x1x32xf32> to vector<32xf32>
    %concatenate3A_21 = tpu.concatenate %get3A_20, %broadcast_in_dim3A_15 in 0 : vector<32xf32>, vector<32xf32> -> vector<64xf32>
    %get3A_22 = arith.constant 1 : index
    %get3A_23 = arith.constant 0 : index
    %get3A_24 = arith.constant 0 : index
    %get3A_25 = vector.load %arg4[%get3A_22, %get3A_23, %get3A_24] : memref<2x1x64xf32, #tpu.memory_space<vmem>>, vector<1x1x32xf32>
    %get3A_26 = vector.shape_cast %get3A_25 : vector<1x1x32xf32> to vector<32xf32>
    %concatenate3A_27 = tpu.concatenate %broadcast_in_dim3A_15, %get3A_26 in 0 : vector<32xf32>, vector<32xf32> -> vector<64xf32>
    %stack3A = vector.shape_cast %concatenate3A_21 : vector<64xf32> to vector<64x1xf32>
    %stack3A_28 = vector.shape_cast %concatenate3A_27 : vector<64xf32> to vector<64x1xf32>
    %stack3A_29 = tpu.concatenate %stack3A, %stack3A_28 in 1 : vector<64x1xf32>, vector<64x1xf32> -> vector<64x2xf32>
    %get3A_30 = arith.constant 0 : index
    %get3A_31 = arith.constant 0 : index
    %get3A_32 = arith.constant 32 : index
    %get3A_33 = vector.load %arg4[%get3A_30, %get3A_31, %get3A_32] : memref<2x1x64xf32, #tpu.memory_space<vmem>>, vector<1x1x32xf32>
    %get3A_34 = vector.shape_cast %get3A_33 : vector<1x1x32xf32> to vector<32xf32>
    %concatenate3A_35 = tpu.concatenate %get3A_34, %broadcast_in_dim3A_15 in 0 : vector<32xf32>, vector<32xf32> -> vector<64xf32>
    %get3A_36 = arith.constant 1 : index
    %get3A_37 = arith.constant 0 : index
    %get3A_38 = arith.constant 32 : index
    %get3A_39 = vector.load %arg4[%get3A_36, %get3A_37, %get3A_38] : memref<2x1x64xf32, #tpu.memory_space<vmem>>, vector<1x1x32xf32>
    %get3A_40 = vector.shape_cast %get3A_39 : vector<1x1x32xf32> to vector<32xf32>
    %concatenate3A_41 = tpu.concatenate %broadcast_in_dim3A_15, %get3A_40 in 0 : vector<32xf32>, vector<32xf32> -> vector<64xf32>
    %stack3A_42 = vector.shape_cast %concatenate3A_35 : vector<64xf32> to vector<64x1xf32>
    %stack3A_43 = vector.shape_cast %concatenate3A_41 : vector<64xf32> to vector<64x1xf32>
    %stack3A_44 = tpu.concatenate %stack3A_42, %stack3A_43 in 1 : vector<64x1xf32>, vector<64x1xf32> -> vector<64x2xf32>
    %dot_general3A_45 = arith.constant dense<0.000000e+00> : vector<1000x2xf32>
    %dot_general3A_46 = tpu.matmul %concatenate3A, %stack3A_29, %dot_general3A_45 {dimension_numbers = #tpu.dot_dimension_numbers<[1], [0], [0], [1], [0, 0, 1, 1], [], []>, transpose_lhs_hint = false} : vector<1000x64xf32>, vector<64x2xf32>, vector<1000x2xf32> -> vector<1000x2xf32>
    %dot_general3A_47 = arith.constant dense<0.000000e+00> : vector<1000x2xf32>
    %dot_general3A_48 = tpu.matmul %concatenate3A, %stack3A_44, %dot_general3A_47 {dimension_numbers = #tpu.dot_dimension_numbers<[1], [0], [0], [1], [0, 0, 1, 1], [], []>, transpose_lhs_hint = false} : vector<1000x64xf32>, vector<64x2xf32>, vector<1000x2xf32> -> vector<1000x2xf32>
    %broadcast_in_dim3A_49 = arith.constant 0.000000e+00 : f32
    %broadcast_in_dim3A_50 = vector.broadcast %broadcast_in_dim3A_49 : f32 to vector<1000x14xf32>
    %concatenate3A_51 = tpu.concatenate %concatenate3A, %dot_general3A_48, %broadcast_in_dim3A_50 in 1 : vector<1000x64xf32>, vector<1000x2xf32>, vector<1000x14xf32> -> vector<1000x80xf32>
    %swap3A = arith.constant 0 : index
    %swap3A_52 = arith.constant 0 : index
    %swap3A_53 = vector.load %arg5[%swap3A, %swap3A_52] : memref<1000x80xf32, #tpu.memory_space<vmem>>, vector<1000x80xf32>
    tpu.vector_store %arg5[%swap3A, %swap3A_52], %concatenate3A_51 {strides = array<i32>} : memref<1000x80xf32, #tpu.memory_space<vmem>>, vector<1000x80xf32>,
    %swap3A_54 = arith.constant 0 : index
    %swap3A_55 = arith.constant 0 : index
    %swap3A_56 = vector.load %arg6[%swap3A_54, %swap3A_55] : memref<1000x2xf32, #tpu.memory_space<vmem>>, vector<1000x2xf32>
    tpu.vector_store %arg6[%swap3A_54, %swap3A_55], %dot_general3A_46 {strides = array<i32>} : memref<1000x2xf32, #tpu.memory_space<vmem>>, vector<1000x2xf32>,
    return
  }
  func.func @transform_0(%arg0: i32, %arg1: i32) -> (i32, i32) {
    %c0_i32 = arith.constant 0 : i32
    %c0_i32_0 = arith.constant 0 : i32
    return %arg1, %c0_i32 : i32, i32
  }
  func.func @transform_1(%arg0: i32, %arg1: i32) -> (i32, i32, i32) {
    %c0_i32 = arith.constant 0 : i32
    %c0_i32_0 = arith.constant 0 : i32
    %c0_i32_1 = arith.constant 0 : i32
    return %arg0, %c0_i32, %c0_i32_0 : i32, i32, i32
  }
  func.func @transform_2(%arg0: i32, %arg1: i32) -> (i32, i32, i32) {
    %c0_i32 = arith.constant 0 : i32
    %c0_i32_0 = arith.constant 0 : i32
    %c0_i32_1 = arith.constant 0 : i32
    return %arg0, %c0_i32, %c0_i32_0 : i32, i32, i32
  }
  func.func @transform_3(%arg0: i32, %arg1: i32) -> (i32, i32) {
    %mul3A = arith.constant 10 : i32
    %mul3A_0 = arith.muli %arg0, %mul3A : i32
    %add3A = arith.addi %mul3A_0, %arg1 : i32
    %c0_i32 = arith.constant 0 : i32
    %c0_i32_1 = arith.constant 0 : i32
    return %add3A, %c0_i32 : i32, i32
  }
  func.func @transform_4(%arg0: i32, %arg1: i32) -> (i32, i32) {
    %mul3A = arith.constant 10 : i32
    %mul3A_0 = arith.muli %arg0, %mul3A : i32
    %add3A = arith.addi %mul3A_0, %arg1 : i32
    %c0_i32 = arith.constant 0 : i32
    %c0_i32_1 = arith.constant 0 : i32
    return %add3A, %c0_i32 : i32, i32
  }
}

</mosaic_0001>

<sc_bundles>
// kernel: kernel.4.cloned.1.call-start
scs
__scs_entry_jumppad:
0x0: {  	(pc) =	sbr.rel $0x88, $3  }
0x1: {  	(tag) =	ssettag $0x0;
	lr =	simm.s32 $0x1  }
0x2: {  	[smem:$0x3F9D] =	sst lr;
	_ =	strace $0xD0000000  }
0x3: {  	_ = 	snop  }
0x4: {  	_ = 	snop  }
0x5: {  	_ = 	snop  }
0x6: {  	_ = 	snop  }
0x7: {  	_ = 	snop  }
__scs_overlays_trampoline_lowered:
0x8: {  	[smem:$0x3FAC] =	sst s0  }
0x9: {  	[smem:$0x3FAD] =	sst s1  }
0xa: {  	[smem:$0x3FAE] =	sst s2  }
0xb: {  	[smem:$0x3FAF] =	sst s3  }
0xc: {  	[smem:$0x3FB0] =	sst s4  }
0xd: {  	[smem:$0x3FB1] =	sst s5  }
0xe: {  	[smem:$0x3FB2] =	sst s6  }
0xf: {  	[smem:$0x3FB3] =	sst s7  }
0x10: {  	[smem:$0x3FB4] =	sst s8  }
0x11: {  	[smem:$0x3FB5] =	sst s9;
	s0 =	simm.s32 @!p0 $0x0  }
0x12: {  	s1 =	sld [smem:$0x3F9B];
	s0 =	simm.s32 @p0 $0x1  }
0x13: {  	[smem:$0x3FB6] =	sst s0;
	s0 =	simm.s32 @!p1 $0x0  }
0x14: {  	s2 =	sld [smem:$0x3F9A];
	s0 =	simm.s32 @p1 $0x1  }
0x15: {  	[smem:$0x3FB7] =	sst s0;
	s0 =	simm.s32 @!p2 $0x0  }
0x16: {  	s3 =	sld [smem:$0x3FDB];
	s0 =	simm.s32 @p2 $0x1  }
0x17: {  	s4 =	simm.s32 $0x1BF5;
	[smem:$0x3FB9] =	sst s0  }
0x18: {  	s0 =	sld [smem:$0x3F9C];
	_ =	swait.ge [sflag:s4], $0x0  }
0x19: {  	s7 =	sld [smem:$0x3F9D]  }
0x1a: {  	s8 =	sadd.s32 $0xFFFFE003, lr  }
0x1b: {  	s9 =	sadd.s32 $0xFFFFFEF7, lr;
	s5 =	simm.s32 $0xFFFFFFFF;
	p2 =	slt.u32 s8, $0xFFFFF086  }
0x1c: {  	p1 =	slt.u32 s9, $0xF7A;
	s5 =	simm.s32 @!p2 $0x0  }
0x1d: {  	s5 =	simm.s32 @p1 $0x1;
	p0 =	seq.s32 s7, s2  }
0x1e: {  	s7 =	smul.u32 @!p0 $0xF7A, s2;
	p2 =	seq.s32 @!p0 s5, $0x0  }
0x1f: {  	s9 =	smul.u32 $0xF7A, s1;
	s8 =	simm.s32 @!p0 $0x1BF5;
	p2 =	por !p2, p0  }
0x20: {  	[sflag:s8] =	ssyncset.s32 @!p0 $0xFFFFF086;
	s6 =	sadd.s32 @!p0 s3, s7;
	s7 =	simm.s32 @!p0 $0x108  }
0x21: {  	s3 =	sadd.s32 s3, s9;
	s6 =	sadd.s32 @!p0 $0x88, s6;
	s7 =	simm.s32 @p2 $0x1082  }
0x22: {  	[simem:s7], [sflag:s8] =	dma.local @!p0 [hbm:s6], $0xF7A  }
0x23: {  	s9 =	sor.u32 $0xD0000000, s2;
	s6 =	simm.s32 $0x108;
	_ =	swait.ge @!p0 [sflag:s8], $0x0  }
0x24: {  	s3 =	sadd.s32 $0x88, s3;
	s6 =	simm.s32 @!p1 $0x1082;
	[sflag:s4] =	ssyncset.s32 $0xFFFFF086  }
0x25: {  	[simem:s6], [sflag:s4] =	dma.local [hbm:s3], $0xF7A  }
0x26: {  	[smem:$0x3F9D] =	sst s1;
	(tag) =	ssettag s2;
	_ =	strace s9  }
0x27: {  	s1 =	sld [smem:$0x3FAD]  }
0x28: {  	s2 =	sld [smem:$0x3FAE]  }
0x29: {  	s4 =	sld [smem:$0x3FB0]  }
0x2a: {  	p0 =	seq.s32 s5, $0x0;
	s5 =	sld [smem:$0x3FB1]  }
0x2b: {  	s6 =	sld [smem:$0x3FB2]  }
0x2c: {  	s7 =	sld [smem:$0x3FB3]  }
0x2d: {  	s3 =	simm.s32 $0x108;
	s8 =	sld [smem:$0x3FB4]  }
0x2e: {  	s3 =	simm.s32 @!p0 $0x1082;
	s9 =	sld [smem:$0x3FB5]  }
0x2f: {  	lr =	sadd.s32 s0, s3;
	s0 =	sld [smem:$0x3FAC]  }
0x30: {  	s3 =	sld [smem:$0x3FAF]  }
0x31: {  	[smem:$0x3FB8] =	sst s10  }
0x32: {  	s10 =	sld [smem:$0x3FB6];
	_ =	sdelay $0x3  }
0x33: {  	p0 =	seq.s32 s10, $0x1;
	s10 =	sld [smem:$0x3FB8];
	_ =	sdelay $0x3  }
0x34: {  	[smem:$0x3FB8] =	sst s10  }
0x35: {  	s10 =	sld [smem:$0x3FB7];
	_ =	sdelay $0x3  }
0x36: {  	p1 =	seq.s32 s10, $0x1;
	s10 =	sld [smem:$0x3FB8];
	_ =	sdelay $0x3  }
0x37: {  	[smem:$0x3FB8] =	sst s10  }
0x38: {  	s10 =	sld [smem:$0x3FB9]  }
0x39: {  	_ = 	snop;
	(pc) =	sbr.ind lr, $3  }
0x3a: {  	_ = 	snop  }
0x3b: {  	_ = 	snop  }
0x3c: {  	p2 =	seq.s32 s10, $0x1;
	s10 =	sld [smem:$0x3FB8]  }
0x3d: {  	_ =	shalt  }
0x3e: {  	_ =	shalt  }
0x3f: {  	_ =	shalt  }
0x40: {  	_ =	shalt  }
0x41: {  	_ =	shalt  }
0x42: {  	_ =	shalt  }
0x43: {  	_ =	shalt  }
0x44: {  	_ =	shalt  }
0x45: {  	_ =	shalt  }
0x46: {  	_ =	shalt  }
0x47: {  	_ =	shalt  }
0x48: {  	_ =	shalt  }
0x49: {  	_ =	shalt  }
0x4a: {  	_ =	shalt  }
0x4b: {  	_ =	shalt  }
0x4c: {  	_ =	shalt  }
0x4d: {  	_ =	shalt  }
0x4e: {  	_ =	shalt  }
0x4f: {  	_ =	shalt  }
0x50: {  	_ =	shalt  }
0x51: {  	_ =	shalt  }
0x52: {  	_ =	shalt  }
0x53: {  	_ =	shalt  }
0x54: {  	_ =	shalt  }
0x55: {  	_ =	shalt  }
0x56: {  	_ =	shalt  }
0x57: {  	_ =	shalt  }
0x58: {  	_ =	shalt  }
0x59: {  	_ =	shalt  }
0x5a: {  	_ =	shalt  }
0x5b: {  	_ =	shalt  }
0x5c: {  	_ =	shalt  }
0x5d: {  	_ =	shalt  }
0x5e: {  	_ =	shalt  }
0x5f: {  	_ =	shalt  }
0x60: {  	_ =	shalt  }
0x61: {  	_ =	shalt  }
0x62: {  	_ =	shalt  }
0x63: {  	_ =	shalt  }
0x64: {  	_ =	shalt  }
0x65: {  	_ =	shalt  }
0x66: {  	_ =	shalt  }
0x67: {  	_ =	shalt  }
0x68: {  	_ =	shalt  }
0x69: {  	_ =	shalt  }
0x6a: {  	_ =	shalt  }
0x6b: {  	_ =	shalt  }
0x6c: {  	_ =	shalt  }
0x6d: {  	_ =	shalt  }
0x6e: {  	_ =	shalt  }
0x6f: {  	_ =	shalt  }
0x70: {  	_ =	shalt  }
0x71: {  	_ =	shalt  }
0x72: {  	_ =	shalt  }
0x73: {  	_ =	shalt  }
0x74: {  	_ =	shalt  }
0x75: {  	_ =	shalt  }
0x76: {  	_ =	shalt  }
0x77: {  	_ =	shalt  }
0x78: {  	_ =	shalt  }
0x79: {  	_ =	shalt  }
0x7a: {  	_ =	shalt  }
0x7b: {  	_ =	shalt  }
0x7c: {  	_ =	shalt  }
0x7d: {  	_ =	shalt  }
0x7e: {  	_ =	shalt  }
0x7f: {  	_ =	shalt  }
0x80: {  	_ =	shalt  }
0x81: {  	_ =	shalt  }
0x82: {  	_ =	shalt  }
0x83: {  	_ =	shalt  }
0x84: {  	_ =	shalt  }
0x85: {  	_ =	shalt  }
0x86: {  	_ =	shalt  }
0x87: {  	_ =	shalt  }
.Lfunc_end0:
.L_simem_size_0:
called_computation_lowered:
.L_overlay_start_0:
0x88: {  	s2 =	sld [smem:$0x3FD9]  }
0x89: {  	s3 =	sld [smem:$0x3FFE];
	_ =	sdelay $0x1  }
0x8a: {  	s1 =	srdreg.scid  }
0x8b: {  	s0 =	sand.u32 $0x1, s1  }
0x8c: {  	s17 =	sshll.u32 s0, $0xA;
	s2 =	sadd.s32 s3, s2  }
0x8d: {  	s2 =	sadd.s32 s2, s17  }
0x8e: {  	[smem:$0x3FC4] =	sst s2  }
0x8f: {  	_ = 	snop  }
0x90: {  	s2 =	sld [smem:$0x3FD0];
	(tm) =	ssettm $0x1  }
0x91: {  	s18 =	sld [smem:$0x3FFB];
	_ =	sdelay $0x3  }
0x92: {  	_ =	strace s18  }
0x93: {  	s3 =	sld [smem:$0x3FFC];
	_ =	sdelay $0x3  }
0x94: {  	_ =	strace s3  }
0x95: {  	s3 =	sld [smem:$0x3FFD];
	_ =	sdelay $0x3  }
0x96: {  	_ =	strace s3  }
0x97: {  	_ =	strace $0x8FFFFFFF  }
0x98: {  	s19 =	sld [smem:$0x3FDB];
	_ =	sdelay $0x1  }
0x99: {  	s4 =	simm.s32 $_scs_section_size  }
0x9a: {  	s5 =	simm.s32 $_size__tile_overlayer_lowered;
	s6 =	simm.s32 $_tile_overlayer_lowered  }
0x9b: {  	s22 =	simm.s32 $0x1BFF;
	s21 =	sshll.u32 s6, $0x1;
	s3 =	sadd.s32 s4, s19  }
0x9c: {  	s7 =	simm.s32 $0x0;
	s20 =	sshll.u32 s5, $0x1;
	s5 =	sadd.s32 s21, s3  }
0x9d: {  	[timem:s7], [sflag:s22] =	dma.local [hbm:s5], s20  }
0x9e: {  	_ =	swait.ge [sflag:s22], s20  }
0x9f: {  	s4 =	ssub.s32 $0x0, s20;
	[sflag:s22] =	ssyncset.done $0x0  }
0xa0: {  	[sflag:s22] =	ssyncadd.s32 s4;
	_ =	sdelay $0x1  }
0xa1: {  	s23 =	simm.s32 $0x1B8B  }
0xa2: {  	_ =	swait.ge [sflag:s23], $0x1  }
0xa3: {  	[sflag:s23] =	ssyncset.done $0x0  }
0xa4: {  	s25 =	simm.s32 $0x1B8E;
	s24 =	sld [smem:$0x3FFE];
	[sflag:s23] =	ssyncadd.s32 $0xFFFFFFFF  }
0xa5: {  	s26 =	simm.s32 $execute0_lowered;
	[smem:$0x3FD2] =	sst s25  }
0xa6: {  	s5 =	sshll.u32 s26, $0x1;
	_ =	strace $0x80000046;
	[dreg:$0x1] =	wrdreg $0xFFFFFFFF  }
0xa7: {  	s28 =	simm.s32 $_size_execute0_lowered;
	s3 =	sadd.s32 s3, s5;
	[dreg:$0x0] =	wrdreg $0x0  }
0xa8: {  	s5 =	sshll.u32 s28, $0x1;
	[dreg:$0x2] =	wrdreg s3  }
0xa9: {  	[dreg:$0x3] =	wrdreg s5  }
0xaa: {  	[dreg:$0x4] =	wrdreg $0xC0  }
0xab: {  	_ =	task [dreg:s7], $0x5FFFF  }
0xac: {  	[dreg:$0x1] =	wrdreg $0xFFFFFFFF  }
0xad: {  	[dreg:$0x0] =	wrdreg $0x60  }
0xae: {  	[dreg:$0x2] =	wrdreg s24  }
0xaf: {  	[dreg:$0x3] =	wrdreg s2  }
0xb0: {  	[dreg:$0x4] =	wrdreg $0x12E300  }
0xb1: {  	[dreg:$0x5] =	wrdreg $0x9  }
0xb2: {  	_ =	task.clear_ibuf [dreg:s7], $0x6FFFF;
	_ =	strace $0x90000046  }
0xb3: {  	s29 =	simm.s32 $0x9;
	_ =	strace $0x80000048  }
0xb4: {  	_ =	swait.ge [sflag:s29], $0x1  }
0xb5: {  	[sflag:s29] =	ssyncadd.s32 $0xFFFFFFFF  }
0xb6: {  	_ =	strace $0x90000048  }
0xb7: {  	_ =	sfence  }
0xb8: {  	s30 =	sld [smem:$0x0];
	_ =	sdelay $0x2  }
0xb9: {  	s31 =	sshll.u32 s1, $0xD;
	s1 =	sshrl.u32 s1, $0x2  }
0xba: {  	s3 =	sand.u32 $0x4000, s31;
	s1 =	sadd.s32 s1, s30  }
0xbb: {  	s0 =	sor.u32 s3, s0;
	s1 =	sshll.u32 s1, $0x11  }
0xbc: {  	s0 =	sor.u32 s1, s0  }
0xbd: {  	s0 =	sadd.s32 $0x8F2B, s0  }
0xbe: {  	[sflag:s0] =	ssyncadd.remote.s32 $0x1  }
0xbf: {  	_ =	sfence.sel $0xFFFF  }
0xc0: {  	[dreg:$0x0] =	wrdreg $0xFFFFFFFF;
	(pc) =	sbr.abs _section_cstart, $3  }
0xc1: {  	[dreg:$0x1] =	wrdreg $0xFFFFFFFF  }
0xc2: {  	_ =	task.clear_ibuf [dreg:s7], $0x2FFFF;
	_ =	strace $0x9FFFFFFF  }
0xc3: {  	(tm) =	ssettm $0x7FFFFFFF  }
tec
execute0_lowered:
.L_overlay_start_1:
0x0: {  	(tag) =	ssettag $0x1  }
0x1: {  	s0 =	rddreg [dreg:$0x0]  }
0x2: {  	s2 =	rddreg [dreg:$0x1]  }
0x3: {  	s1 =	rddreg [dreg:$0x2]  }
0x4: {  	s3 =	srdreg.scid;
	s12 =	stileid.u32  }
0x5: {  	s4 =	simm.s32 $0x0;
	s28 =	simm.s32 $0x8;
	s8 =	smul.u32 $0x30D40, s12  }
0x6: {  	s3 =	sand.u32 $0x1, s3;
	[smem:$0x7FF] =	sst s4;
	s11 =	smul.u32 $0x4E20, s12  }
0x7: {  	s4 =	sadd.s32 $0x4E800, s0;
	s6 =	sadd.s32 $0x1A00, s0;
	s5 =	smul.u32 $0x9C4, s3  }
0x8: {  	s25 =	smul.u32 $0x9C4, s12;
	_ =	strace $0x80000047;
	s9 =	ssub.s32 $0x2, s3  }
0x9: {  	s10 =	sshrl.u32 s9, $0x1;
	s8 =	sshrl.u32 s8, $0x2;
	s7 =	sadd.s32 s5, s0  }
0xa: {  	s5 =	sadd.s32 $0xB800, s0;
	s13 =	sadd.s32 s8, s1;
	s8 =	sadd.s32 s6, s25  }
0xb: {  	s0 =	smul.u32 $0x2710, s3;
	s9 =	ssub.s32 s9, s10;
	[dreg:$0x7] =	wrdreg s8  }
0xc: {  	s10 =	sshrl.u32 s11, $0x3;
	s7 =	sadd.s32 $0x600, s7;
	[dreg:$0x4] =	wrdreg s13  }
0xd: {  	s3 =	sshll.u32 s3, $0x3;
	s26 =	sadd.s32 s5, s25;
	[dreg:$0x5] =	wrdreg s7  }
0xe: {  	s29 =	sadd.s32 $0xA, s10;
	s2 =	sadd.s32 s2, s3;
	[dreg:$0x6] =	wrdreg s26  }
0xf: {  	s30 =	simm.s32 $0x6AE0;
	s14 =	sadd.s32 s5, s29;
	[dreg:$0x10] =	wrdreg s2  }
0x10: {  	s15 =	sadd.s32 $0x14, s10;
	s8 =	sadd.s32 s6, s29;
	[dreg:$0x8] =	wrdreg s14  }
0x11: {  	s17 =	sadd.s32 $0x1E, s10;
	s16 =	sadd.s32 s5, s15;
	[dreg:$0x9] =	wrdreg s8  }
0x12: {  	s19 =	sadd.s32 $0x28, s10;
	s18 =	sadd.s32 s5, s17;
	[dreg:$0xa] =	wrdreg s16  }
0x13: {  	s21 =	sadd.s32 $0x32, s10;
	s20 =	sadd.s32 s5, s19;
	[dreg:$0xc] =	wrdreg s18  }
0x14: {  	s31 =	simm.s32 $0x1;
	s22 =	sadd.s32 s5, s21;
	[dreg:$0xe] =	wrdreg s20  }
0x15: {  	s24 =	sadd.s32 $0x3C, s10;
	s23 =	sadd.s32 s6, s21;
	[dreg:$0x11] =	wrdreg s22  }
0x16: {  	s11 =	sadd.s32 $0x46, s10;
	s26 =	sadd.s32 s5, s24;
	[dreg:$0x12] =	wrdreg s23  }
0x17: {  	s7 =	smul.u32 $0xFA, s12;
	s2 =	sadd.s32 s6, s24;
	[dreg:$0x13] =	wrdreg s26  }
0x18: {  	v0 =	vlaneseq.u32;
	s10 =	sadd.s32 s5, s11;
	s21 =	sadd.s32 $0x1900, s13;
	[dreg:$0x14] =	wrdreg s2  }
0x19: {  	v3 =	vmul.u32 $0x50, v0;
	s24 =	sadd.s32 $0x6400, s13;
	v0 =	vmov s0;
	s0 =	simm.s32 $0x6;
	[dreg:$0x15] =	wrdreg s10  }
0x1a: {  	s8 =	sadd.s32 s6, s15;
	s2 =	sadd.s32 s6, s11;
	[dreg:$0x1e] =	wrdreg s21  }
0x1b: {  	s20 =	smul.u32 $0x271, s12;
	s22 =	sadd.s32 $0x3200, s13;
	[smem:$0x7FA] =	sst s24  }
0x1c: {  	s23 =	sadd.s32 $0x4B00, s13;
	s26 =	sadd.s32 $0x9600, s13;
	[dreg:$0xb] =	wrdreg s8  }
0x1d: {  	s24 =	simm.s32 $0x4E70;
	s11 =	simm.s32 $0xB5E0;
	[dreg:$0x16] =	wrdreg s2  }
0x1e: {  	s12 =	simm.s32 $0x4;
	s10 =	simm.s32 $0xE7E0;
	[dreg:$0x1f] =	wrdreg s22  }
0x1f: {  	s8 =	sadd.s32 s6, s17;
	s25 =	smin.u32 s7, $0xEA3;
	[smem:$0x7F9] =	sst s23  }
0x20: {  	s29 =	smin.u32 s7, $0xEA2;
	s15 =	sadd.s32 $0x4, s7;
	[smem:$0x7FC] =	sst s26  }
0x21: {  	s22 =	simm.s32 $0x7;
	s23 =	simm.s32 $0x50;
	[dreg:$0xd] =	wrdreg s8  }
0x22: {  	s7 =	simm.s32 $0x3;
	s8 =	sadd.s32 s6, s19;
	[dreg:$0x17] =	wrdreg s15  }
0x23: {  	s3 =	smul.u32 $0x50, s25;
	s19 =	smax.u32 s9, $0x1;
	[dreg:$0x1d] =	wrdreg s20  }
0x24: {  	s25 =	sadd.s32 $0x7D00, s13;
	s15 =	simm.s32 $0x83E0;
	[dreg:$0xf] =	wrdreg s8  }
0x25: {  	s9 =	simm.s32 $0x9CE0;
	s8 =	smul.u32 $0x50, s29;
	[dreg:$0x1c] =	wrdreg s19  }
0x26: {  	[smem:$0x7FB] =	sst s25;
	s29 =	sadd.s32 $0xAF00, s13;
	s14 =	sshrl.u32 s3, $0x3  }
0x27: {  	s25 =	simm.s32 $0x51E0;
	s13 =	simm.s32 $0xCEE0;
	s2 =	sadd.s32 $0x9D8, s14  }
0x28: {  	[smem:$0x7FD] =	sst s29;
	s16 =	sshrl.u32 s8, $0x3;
	s17 =	sadd.s32 s5, s2  }
0x29: {  	s2 =	sadd.s32 s6, s2;
	s18 =	sadd.s32 $0x9E2, s16;
	[dreg:$0x18] =	wrdreg s17  }
0x2a: {  	s8 =	simm.s32 $0x2;
	[dreg:$0x19] =	wrdreg s2;
	s3 =	sadd.s32 s5, s18  }
0x2b: {  	s14 =	simm.s32 $0x5;
	s2 =	sadd.s32 s6, s18;
	[dreg:$0x1a] =	wrdreg s3  }
0x2c: {  	v1 =	vimm.f32 $0.0e+00;
	v2 =	vadd.s32 $0x40, v3;
	v3 =	vadd.s32 $0x41, v3;
	s16 =	simm.s32 $0x9;
	[dreg:$0x1b] =	wrdreg s2;
	s3 =	simm.s32 $0x0  }
.LBB2_1:
0x2d: {  	[smem:$0x7F8] =	sst s3;
	s2 =	simm.s32 $0x0;
	s3 =	simm.s32 $0x140  }
.LBB2_2:
0x2e: {  	p0 =	sne.s32 s3, $0x62C0;
	[tilespmem:s2+$0xCF20] =	vst v1  }
0x2f: {  	[tilespmem:s2+$0x83E0] =	vst v1  }
0x30: {  	[tilespmem:s2+$0x9CE0] =	vst v1  }
0x31: {  	[tilespmem:s2+$0xB5E0] =	vst v1  }
0x32: {  	[tilespmem:s2+$0xCEE0] =	vst v1  }
0x33: {  	[tilespmem:s2+$0x83F0] =	vst v1  }
0x34: {  	[tilespmem:s2+$0x9CF0] =	vst v1  }
0x35: {  	[tilespmem:s2+$0xB5F0] =	vst v1  }
0x36: {  	[tilespmem:s2+$0xCEF0] =	vst v1  }
0x37: {  	[tilespmem:s2+$0x8400] =	vst v1  }
0x38: {  	[tilespmem:s2+$0x9D00] =	vst v1  }
0x39: {  	[tilespmem:s2+$0xB600] =	vst v1  }
0x3a: {  	[tilespmem:s2+$0xCF00] =	vst v1  }
0x3b: {  	[tilespmem:s2+$0x8410] =	vst v1  }
0x3c: {  	[tilespmem:s2+$0x9D10] =	vst v1  }
.Ltmp0:
0x3d: {  	[tilespmem:s2+$0xB610] =	vst v1;
	(pc) =	sbr.rel @p0 .LBB2_2-.Ltmp0, $4  }
0x3e: {  	[tilespmem:s2+$0xCF10] =	vst v1  }
0x3f: {  	[tilespmem:s2+$0x8420] =	vst v1  }
0x40: {  	[tilespmem:s2+$0x9D20] =	vst v1  }
0x41: {  	[tilespmem:s2+$0xB620] =	vst v1;
	s2 =	sshra.s32 s3, $0x2;
	s3 =	sadd.s32 $0x140, s3  }
0x42: {  	[tilespmem:s2+$0xCF20] =	vst v1  }
0x43: {  	[tilespmem:s2+$0x83E0] =	vst v1  }
0x44: {  	[tilespmem:s2+$0x9CE0] =	vst v1  }
0x45: {  	[tilespmem:s2+$0xB5E0] =	vst v1  }
0x46: {  	[tilespmem:s2+$0xCEE0] =	vst v1  }
0x47: {  	[tilespmem:s2+$0x83F0] =	vst v1  }
0x48: {  	[tilespmem:s2+$0x9CF0] =	vst v1  }
0x49: {  	[tilespmem:s2+$0xB5F0] =	vst v1  }
0x4a: {  	[tilespmem:s2+$0xCEF0] =	vst v1  }
0x4b: {  	[tilespmem:s2+$0x8400] =	vst v1  }
0x4c: {  	[tilespmem:s2+$0x9D00] =	vst v1  }
0x4d: {  	[tilespmem:s2+$0xB600] =	vst v1  }
0x4e: {  	[tilespmem:s2+$0xCF00] =	vst v1  }
0x4f: {  	[tilespmem:s2+$0x8410] =	vst v1  }
0x50: {  	[tilespmem:s2+$0x9D10] =	vst v1  }
0x51: {  	[tilespmem:s2+$0xB610] =	vst v1  }
0x52: {  	[tilespmem:s2+$0xCF10] =	vst v1  }
0x53: {  	[tilespmem:s2+$0x8420] =	vst v1  }
0x54: {  	[tilespmem:s2+$0x9D20] =	vst v1  }
0x55: {  	[tilespmem:s2+$0xB620] =	vst v1;
	s18 =	rddreg [dreg:$0x4]  }
0x56: {  	[spmem:s18] =	stream.linear.scatter [tilespmem:s15], [sflag:$0x9], $0x1900, $0x38;
	[tilespmem:$0x1F180] =	vst v63  }
0x57: {  	_ =	swait.ge [sflag:s16], $0x1900  }
0x58: {  	[sflag:s16] =	ssyncset.done $0x0  }
0x59: {  	s19 =	rddreg [dreg:$0x1e];
	[sflag:s16] =	ssyncadd.s32 $0xFFFFE700  }
0x5a: {  	[spmem:s19] =	stream.linear.scatter [tilespmem:s15], [sflag:$0x9], $0x1900, $0x38;
	[tilespmem:$0x1F180] =	vst v63  }
0x5b: {  	_ =	swait.ge [sflag:s16], $0x1900  }
0x5c: {  	[sflag:s16] =	ssyncset.done $0x0  }
0x5d: {  	s20 =	rddreg [dreg:$0x1f];
	[sflag:s16] =	ssyncadd.s32 $0xFFFFE700  }
0x5e: {  	[spmem:s20] =	stream.linear.scatter [tilespmem:s15], [sflag:$0x9], $0x1900, $0x38;
	[tilespmem:$0x1F180] =	vst v63  }
0x5f: {  	_ =	swait.ge [sflag:s16], $0x1900  }
0x60: {  	s21 =	sld [smem:$0x7F9]  }
0x61: {  	[sflag:s16] =	ssyncset.done $0x0  }
0x62: {  	[sflag:s16] =	ssyncadd.s32 $0xFFFFE700  }
0x63: {  	[spmem:s21] =	stream.linear.scatter [tilespmem:s15], [sflag:$0x9], $0x1900, $0x38;
	[tilespmem:$0x1F180] =	vst v63  }
0x64: {  	_ =	swait.ge [sflag:s16], $0x1900  }
0x65: {  	s26 =	sld [smem:$0x7FA]  }
0x66: {  	[sflag:s16] =	ssyncset.done $0x0  }
0x67: {  	[sflag:s16] =	ssyncadd.s32 $0xFFFFE700  }
0x68: {  	[spmem:s26] =	stream.linear.scatter [tilespmem:s15], [sflag:$0x9], $0x1900, $0x38;
	[tilespmem:$0x1F180] =	vst v63  }
0x69: {  	_ =	swait.ge [sflag:s16], $0x1900  }
0x6a: {  	s29 =	sld [smem:$0x7FB]  }
0x6b: {  	[sflag:s16] =	ssyncset.done $0x0  }
0x6c: {  	[sflag:s16] =	ssyncadd.s32 $0xFFFFE700  }
0x6d: {  	[spmem:s29] =	stream.linear.scatter [tilespmem:s15], [sflag:$0x9], $0x1900, $0x38;
	[tilespmem:$0x1F180] =	vst v63  }
0x6e: {  	_ =	swait.ge [sflag:s16], $0x1900  }
0x6f: {  	s3 =	sld [smem:$0x7FC]  }
0x70: {  	[sflag:s16] =	ssyncset.done $0x0  }
0x71: {  	[sflag:s16] =	ssyncadd.s32 $0xFFFFE700  }
0x72: {  	[spmem:s3] =	stream.linear.scatter [tilespmem:s15], [sflag:$0x9], $0x1900, $0x38;
	[tilespmem:$0x1F180] =	vst v63  }
0x73: {  	_ =	swait.ge [sflag:s16], $0x1900  }
0x74: {  	s17 =	sld [smem:$0x7FD]  }
0x75: {  	[sflag:s16] =	ssyncset.done $0x0  }
0x76: {  	[sflag:s16] =	ssyncadd.s32 $0xFFFFE700  }
0x77: {  	[spmem:s17] =	stream.linear.scatter [tilespmem:s15], [sflag:$0x9], $0x1450, $0x38;
	[tilespmem:$0x1F180] =	vst v63  }
0x78: {  	_ =	swait.ge [sflag:s16], $0x1450  }
0x79: {  	[sflag:s16] =	ssyncset.done $0x0  }
0x7a: {  	s2 =	simm.s32 $0x0;
	s3 =	rddreg [dreg:$0x5];
	[sflag:s16] =	ssyncadd.s32 $0xFFFFEBB0  }
0x7b: {  	[tilespmem:s2], [sflag:$0x9] =	stream.linear.gather [hbm4b:s3+s2], $0x4E20, $0x38;
	[tilespmem:$0x1F180] =	vst v63  }
0x7c: {  	_ =	swait.ge [sflag:s16], $0x4E20  }
0x7d: {  	[sflag:s16] =	ssyncset.done $0x0  }
0x7e: {  	[sflag:s16] =	ssyncadd.s32 $0xFFFFB1E0  }
0x7f: {  	[bflag:$0x0] =	sbarrier.arrive $0xFFFF  }
0x80: {  	s17 =	simm.s32 $0x4E20;
	s18 =	rddreg [dreg:$0x6]  }
0x81: {  	[tilespmem:s17], [sflag:$0x7] =	stream.linear.gather [hbm4b:s18+s2], $0x50, $0x38;
	[tilespmem:$0x1F180] =	vst v63  }
0x82: {  	s19 =	rddreg [dreg:$0x7];
	s18 =	simm.s32 $0x4EC0  }
0x83: {  	[tilespmem:s18], [sflag:$0x7] =	stream.linear.gather [hbm4b:s19+s2], $0x50, $0x38;
	[tilespmem:$0x1F180] =	vst v63  }
0x84: {  	s20 =	rddreg [dreg:$0x8]  }
0x85: {  	[tilespmem:s24], [sflag:$0x8] =	stream.linear.gather [hbm4b:s20+s2], $0x50, $0x38;
	[tilespmem:$0x1F180] =	vst v63  }
0x86: {  	s21 =	rddreg [dreg:$0x9];
	s19 =	simm.s32 $0x4F10  }
0x87: {  	[tilespmem:s19], [sflag:$0x8] =	stream.linear.gather [hbm4b:s21+s2], $0x50, $0x38;
	[tilespmem:$0x1F180] =	vst v63  }
0x88: {  	_ =	swait.ge [sflag:s22], $0x50  }
0x89: {  	[sflag:s22] =	ssyncset.done $0x0  }
0x8a: {  	[sflag:s22] =	ssyncadd.s32 $0xFFFFFFB0  }
0x8b: {  	_ =	swait.ge [sflag:s22], $0x50  }
0x8c: {  	[sflag:s22] =	ssyncset.done $0x0  }
0x8d: {  	[sflag:s22] =	ssyncadd.s32 $0xFFFFFFB0  }
0x8e: {  	v4 =	vld [tilespmem:$0x4E20]  }
0x8f: {  	v5 =	vld [tilespmem:$0x4EC0]  }
0x90: {  	v6 =	vld [tilespmem:$0x4E30]  }
0x91: {  	v7 =	vld [tilespmem:$0x4ED0];
	_ =	sdelay $0x1  }
0x92: {  	v8 =	vld [tilespmem:$0x4E40]  }
0x93: {  	v9 =	vld [tilespmem:$0x4EE0]  }
0x94: {  	[tilespmem:$0x4F60] =	vst v4;
	v4 =	vadd.s32 v0, v5;
	v5 =	vld [tilespmem:$0x4E50]  }
0x95: {  	[tilespmem:$0x4F70] =	vst v6;
	v6 =	vadd.s32 v0, v7;
	v7 =	vld [tilespmem:$0x4E60]  }
0x96: {  	[tilespmem:$0x5140] =	vst v4;
	v4 =	vld [tilespmem:$0x4EF0]  }
0x97: {  	[tilespmem:$0x5150] =	vst v6;
	v6 =	vld [tilespmem:$0x4F00]  }
0x98: {  	[tilespmem:$0x4F80] =	vst v8;
	v8 =	vadd.s32 v0, v9  }
0x99: {  	[tilespmem:$0x5160] =	vst v8  }
0x9a: {  	[tilespmem:$0x4F90] =	vst v5  }
0x9b: {  	[tilespmem:$0x4FA0] =	vst v7;
	v4 =	vadd.s32 v0, v4  }
0x9c: {  	[tilespmem:$0x5170] =	vst v4;
	v4 =	vadd.s32 v0, v6  }
0x9d: {  	s26 =	simm.s32 $0x5140;
	[tilespmem:$0x5180] =	vst v4  }
0x9e: {  	[tilespmem:s25], [sflag:$0x1] =	stream.indirect.gather [hbm4b:s4+s23], $0x50, s26, s23, $0xb8;
	[tilespmem:$0x1F180] =	vst v63  }
0x9f: {  	s29 =	rddreg [dreg:$0xa]  }
0xa0: {  	[tilespmem:s17], [sflag:$0x7] =	stream.linear.gather [hbm4b:s29+s2], $0x50, $0x38;
	[tilespmem:$0x1F180] =	vst v63  }
0xa1: {  	s17 =	rddreg [dreg:$0xb]  }
0xa2: {  	[tilespmem:s18], [sflag:$0x7] =	stream.linear.gather [hbm4b:s17+s2], $0x50, $0x38;
	[tilespmem:$0x1F180] =	vst v63  }
0xa3: {  	_ =	swait.ge [sflag:s28], $0x50  }
0xa4: {  	[sflag:s28] =	ssyncset.done $0x0  }
0xa5: {  	[sflag:s28] =	ssyncadd.s32 $0xFFFFFFB0  }
0xa6: {  	_ =	swait.ge [sflag:s28], $0x50  }
0xa7: {  	[sflag:s28] =	ssyncset.done $0x0  }
0xa8: {  	[sflag:s28] =	ssyncadd.s32 $0xFFFFFFB0  }
0xa9: {  	v4 =	vld [tilespmem:$0x4E70]  }
0xaa: {  	v5 =	vld [tilespmem:$0x4F10]  }
0xab: {  	v6 =	vld [tilespmem:$0x4E80]  }
0xac: {  	v7 =	vld [tilespmem:$0x4F20];
	_ =	sdelay $0x1  }
0xad: {  	v8 =	vld [tilespmem:$0x4E90]  }
0xae: {  	v9 =	vld [tilespmem:$0x4F30]  }
0xaf: {  	[tilespmem:$0x4FB0] =	vst v4;
	v4 =	vadd.s32 v0, v5;
	v5 =	vld [tilespmem:$0x4EA0]  }
0xb0: {  	[tilespmem:$0x4FC0] =	vst v6;
	v6 =	vadd.s32 v0, v7;
	v7 =	vld [tilespmem:$0x4EB0]  }
0xb1: {  	[tilespmem:$0x5190] =	vst v4;
	v4 =	vld [tilespmem:$0x4F40]  }
0xb2: {  	[tilespmem:$0x51A0] =	vst v6;
	v6 =	vld [tilespmem:$0x4F50]  }
0xb3: {  	[tilespmem:$0x4FD0] =	vst v8;
	v8 =	vadd.s32 v0, v9  }
0xb4: {  	[tilespmem:$0x51B0] =	vst v8  }
0xb5: {  	[tilespmem:$0x4FE0] =	vst v5  }
0xb6: {  	[tilespmem:$0x4FF0] =	vst v7;
	v4 =	vadd.s32 v0, v4  }
0xb7: {  	[tilespmem:$0x51C0] =	vst v4;
	v4 =	vadd.s32 v0, v6  }
0xb8: {  	s26 =	simm.s32 $0x5190;
	[tilespmem:$0x51D0] =	vst v4  }
0xb9: {  	[tilespmem:s30], [sflag:$0x2] =	stream.indirect.gather [hbm4b:s4+s23], $0x50, s26, s23, $0xb8;
	[tilespmem:$0x1F180] =	vst v63  }
0xba: {  	s29 =	rddreg [dreg:$0xc]  }
0xbb: {  	[tilespmem:s24], [sflag:$0x8] =	stream.linear.gather [hbm4b:s29+s2], $0x50, $0x38;
	[tilespmem:$0x1F180] =	vst v63  }
0xbc: {  	s17 =	rddreg [dreg:$0xd]  }
0xbd: {  	[tilespmem:s19], [sflag:$0x8] =	stream.linear.gather [hbm4b:s17+s2], $0x50, $0x38;
	[tilespmem:$0x1F180] =	vst v63  }
0xbe: {  	_ =	swait.ge [sflag:s31], $0x1900  }
0xbf: {  	v4 =	vmov s2;
	[sflag:s31] =	ssyncset.done $0x0  }
0xc0: {  	s18 =	simm.s32 $0x4F60;
	v4 =	vmul.u32 $0x50, v4;
	[sflag:s31] =	ssyncadd.s32 $0xFFFFE700  }
0xc1: {  	v6 =	vld [tilespmem:s18+$0x0]  }
0xc2: {  	v4 =	vbroadcast v4, $0x0;
	_ =	sdelay $0x1  }
0xc3: {  	v5 =	vadd.s32 v2, v4  }
0xc4: {  	v4 =	vadd.s32 v3, v4  }
0xc5: {  	v6 =	vshll.u32 v6, $0x1  }
0xc6: {  	s26 =	simm.s32 $0x4F70;
	v7 =	vor.u32 $0x1, v6  }
0xc7: {  	v12 =	vld [tilespmem:s26+$0x0]  }
0xc8: {  	s19 =	simm.s32 $0x10;
	v8 =	vld.idx.msk [tilespmem:v5+s25+$0x0], $0xffff  }
0xc9: {  	v10 =	vmov s19;
	v9 =	vld.idx.msk [tilespmem:v4+s25+$0x0], $0xffff  }
0xca: {  	v11 =	vld.idx.msk [tilespmem:v6+s2+$0x0], $0xffff;
	v6 =	vmul.u32 $0x50, v10  }
0xcb: {  	v10 =	vld.idx.msk [tilespmem:v7+s2+$0x0], $0xffff  }
0xcc: {  	v6 =	vbroadcast v6, $0x0;
	_ =	sdelay $0x1  }
0xcd: {  	v7 =	vadd.s32 v2, v6  }
0xce: {  	v6 =	vadd.s32 v3, v6;
	v11 =	vadd.f32 v11, v8  }
0xcf: {  	v12 =	vshll.u32 v12, $0x1;
	v10 =	vadd.f32 v10, v9  }
0xd0: {  	v13 =	vor.u32 $0x1, v12;
	v9 =	vmul.f32 $2.000000030e-01, v11  }
0xd1: {  	v14 =	vmul.f32 $2.000000030e-01, v10  }
0xd2: {  	v8 =	vld.idx.msk [tilespmem:v7+s25+$0x0], $0xffff;
	v11 =	vmax.f32 v11, v9  }
0xd3: {  	s29 =	simm.s32 $0x20;
	v9 =	vld.idx.msk [tilespmem:v6+s25+$0x0], $0xffff;
	v15 =	vmul.f32 $1.442695020e+00, v11;
	v11 =	vmax.f32 v10, v14  }
0xd4: {  	v10 =	vld.idx.msk [tilespmem:v12+s2+$0x0], $0xffff;
	v12 =	vmov s29;
	v14 =	vmul.f32 $1.442695020e+00, v11  }
0xd5: {  	s3 =	simm.s32 $0x4F80;
	v11 =	vld.idx.msk [tilespmem:v13+s2+$0x0], $0xffff;
	v13 =	vmul.u32 $0x50, v12;
	(erf) = vpow2.f32 v15  }
0xd6: {  	s20 =	simm.s32 $0x4E20;
	s21 =	simm.s32 $0x4EC0;
	s19 =	simm.s32 $0x30;
	v12 =	vld [tilespmem:s3+$0x0];
	(erf) = vpow2.f32 v14  }
.LBB2_4:
0xd7: {  	p0 =	sne.s32 s19, $0x40;
	v13 =	vbroadcast v13, $0x0;
	_ =	sdelay $0x1  }
0xd8: {  	v14 =	vadd.s32 v2, v13  }
0xd9: {  	v13 =	vadd.s32 v3, v13;
	v10 =	vadd.f32 v10, v8  }
0xda: {  	v11 =	vadd.f32 v11, v9;
	v12 =	vshll.u32 v12, $0x1  }
0xdb: {  	v9 =	vmul.f32 $2.000000030e-01, v10;
	v15 =	vor.u32 $0x1, v12  }
0xdc: {  	v19 =	vmul.f32 $2.000000030e-01, v11  }
.Ltmp1:
0xdd: {  	v10 =	vmax.f32 v10, v9;
	v8 =	vld.idx.msk [tilespmem:v14+s25+$0x0], $0xffff;
	v17 =	vpop (erf);
	(pc) =	sbr.rel @p0 .LBB2_4-.Ltmp1, $4  }
0xde: {  	v18 =	vmul.f32 $1.442695020e+00, v10;
	v11 =	vmax.f32 v11, v19;
	v9 =	vld.idx.msk [tilespmem:v13+s25+$0x0], $0xffff;
	[tilespmem:v5+s15+$0x0] =	vst.idx.msk $0xffff, v17;
	v16 =	vpop (erf);
	v5 =	vmov v7  }
0xdf: {  	v17 =	vmov s19;
	v19 =	vmul.f32 $1.442695020e+00, v11;
	v7 =	vmovc v14;
	v10 =	vld.idx.msk [tilespmem:v12+s2+$0x0], $0xffff;
	[tilespmem:v4+s15+$0x0] =	vst.idx.msk $0xffff, v16;
	v4 =	vmovc v6;
	v6 =	vmov v13  }
0xe0: {  	s3 =	sadd.s32 $0x10, s3;
	v13 =	vmul.u32 $0x50, v17;
	v11 =	vld.idx.msk [tilespmem:v15+s2+$0x0], $0xffff;
	(erf) = vpow2.f32 v18  }
0xe1: {  	s19 =	sadd.s32 $0x10, s19;
	v12 =	vld [tilespmem:s3+$0x0];
	(erf) = vpow2.f32 v19  }
0xe2: {  	v13 =	vbroadcast v13, $0x0;
	_ =	sdelay $0x1  }
0xe3: {  	v14 =	vadd.s32 v2, v13  }
0xe4: {  	v13 =	vadd.s32 v3, v13  }
0xe5: {  	v12 =	vshll.u32 v12, $0x1  }
0xe6: {  	v15 =	vor.u32 $0x1, v12;
	_ =	sdelay $0x1  }
0xe7: {  	v16 =	vld.idx.msk [tilespmem:v14+s25+$0x0], $0xffff  }
0xe8: {  	v17 =	vld.idx.msk [tilespmem:v13+s25+$0x0], $0xffff  }
0xe9: {  	v12 =	vld.idx.msk [tilespmem:v12+s2+$0x0], $0xffff  }
0xea: {  	v15 =	vld.idx.msk [tilespmem:v15+s2+$0x0], $0xffff;
	_ =	sdelay $0x1  }
0xeb: {  	v8 =	vadd.f32 v10, v8  }
0xec: {  	v9 =	vadd.f32 v11, v9  }
0xed: {  	v10 =	vmul.f32 $2.000000030e-01, v8;
	v11 =	vadd.f32 v12, v16  }
0xee: {  	v60 =	vmul.f32 $2.000000030e-01, v9;
	v15 =	vadd.f32 v15, v17  }
0xef: {  	v8 =	vmax.f32 v8, v10;
	v10 =	vmul.f32 $2.000000030e-01, v11  }
0xf0: {  	v8 =	vmul.f32 $1.442695020e+00, v8;
	v9 =	vmax.f32 v9, v60;
	v61 =	vmul.f32 $2.000000030e-01, v15  }
0xf1: {  	v9 =	vmul.f32 $1.442695020e+00, v9;
	v10 =	vmax.f32 v11, v10  }
0xf2: {  	(erf) = vpow2.f32 v8;
	v8 =	vmul.f32 $1.442695020e+00, v10;
	v10 =	vmax.f32 v15, v61  }
0xf3: {  	(erf) = vpow2.f32 v9;
	v9 =	vmul.f32 $1.442695020e+00, v10  }
0xf4: {  	(erf) = vpow2.f32 v8  }
0xf5: {  	(erf) = vpow2.f32 v9;
	_ =	sdelay $0x3  }
0xf6: {  	v8 =	vpop (erf)  }
0xf7: {  	v9 =	vpop (erf);
	[tilespmem:v5+s15+$0x0] =	vst.idx.msk $0xffff, v8  }
0xf8: {  	v5 =	vpop (erf);
	[tilespmem:v4+s15+$0x0] =	vst.idx.msk $0xffff, v9  }
0xf9: {  	v4 =	vpop (erf);
	[tilespmem:v7+s15+$0x0] =	vst.idx.msk $0xffff, v5  }
0xfa: {  	[tilespmem:v6+s15+$0x0] =	vst.idx.msk $0xffff, v4;
	v4 =	vpop (erf)  }
0xfb: {  	[tilespmem:v14+s15+$0x0] =	vst.idx.msk $0xffff, v4;
	v4 =	vpop (erf)  }
0xfc: {  	s3 =	simm.s32 $0x0;
	[tilespmem:v13+s15+$0x0] =	vst.idx.msk $0xffff, v4  }
0xfd: {  	v4 =	vld [tilespmem:s3+$0x8420];
	_ =	sdelay $0x1  }
0xfe: {  	v5 =	vld [tilespmem:s3+$0x5210]  }
0xff: {  	v7 =	vld [tilespmem:s3+$0x51E0]  }
0x100: {  	v8 =	vld [tilespmem:s3+$0x51F0]  }
0x101: {  	s2 =	simm.s32 $0x50;
	v9 =	vld [tilespmem:s3+$0x5200];
	v11 =	vbroadcast v4, $0x1  }
0x102: {  	v6 =	vld [tilespmem:s2+$0x8420];
	v10 =	vbroadcast v4, $0x0  }
0x103: {  	v4 =	vld [tilespmem:s2+$0x51E0];
	v62 =	vmul.f32 v5, v11  }
0x104: {  	v63 =	vmul.f32 v10, v7;
	v7 =	vld [tilespmem:s2+$0x5210]  }
0x105: {  	v5 =	vld [tilespmem:s2+$0x51F0];
	v10 =	vmul.f32 v8, v10;
	[tilespmem:s3+$0x8410] =	vst v62  }
0x106: {  	s17 =	simm.s32 $0x280;
	v9 =	vmul.f32 v9, v11;
	v8 =	vld [tilespmem:s2+$0x5200];
	[tilespmem:s3+$0x83E0] =	vst v63  }
.LBB2_6:
0x107: {  	s19 =	sshra.s32 s17, $0x2;
	p0 =	sne.s32 s17, $0x62C0;
	s17 =	sadd.s32 $0x140, s17;
	v11 =	vbroadcast v6, $0x0;
	v12 =	vbroadcast v6, $0x1;
	[tilespmem:s3+$0x83F0] =	vst v10  }
.Ltmp2:
0x108: {  	v6 =	vld [tilespmem:s19+$0x8420];
	[tilespmem:s3+$0x8400] =	vst v9;
	s3 =	smov.u32 s2;
	s2 =	smov.u32 s19;
	(pc) =	sbr.rel @p0 .LBB2_6-.Ltmp2, $4  }
0x109: {  	v13 =	vmul.f32 v11, v4;
	v4 =	vld [tilespmem:s2+$0x51E0];
	v14 =	vmul.f32 v7, v12  }
0x10a: {  	v7 =	vld [tilespmem:s2+$0x5210];
	v10 =	vmul.f32 v5, v11  }
0x10b: {  	v5 =	vld [tilespmem:s2+$0x51F0];
	v9 =	vmul.f32 v8, v12;
	[tilespmem:s3+$0x8410] =	vst v14  }
0x10c: {  	v8 =	vld [tilespmem:s2+$0x5200];
	[tilespmem:s3+$0x83E0] =	vst v13  }
0x10d: {  	v11 =	vbroadcast v6, $0x1  }
0x10e: {  	v6 =	vbroadcast v6, $0x0  }
0x10f: {  	[tilespmem:s3+$0x83F0] =	vst v10;
	v7 =	vmul.f32 v7, v11  }
0x110: {  	[tilespmem:s3+$0x8400] =	vst v9;
	v4 =	vmul.f32 v6, v4  }
0x111: {  	v5 =	vmul.f32 v5, v6;
	[tilespmem:s2+$0x8410] =	vst v7  }
0x112: {  	v6 =	vmul.f32 v8, v11;
	[tilespmem:s2+$0x83E0] =	vst v4  }
0x113: {  	[tilespmem:s2+$0x83F0] =	vst v5  }
0x114: {  	[tilespmem:s2+$0x8400] =	vst v6  }
0x115: {  	v4 =	vld [tilespmem:$0x4F60]  }
0x116: {  	v5 =	vld [tilespmem:$0x4F70]  }
0x117: {  	v6 =	vld [tilespmem:$0x4F80]  }
0x118: {  	v7 =	vld [tilespmem:$0x4F90]  }
0x119: {  	v8 =	vld [tilespmem:$0x4FA0]  }
0x11a: {  	[tilespmem:$0x5000] =	vst v4  }
0x11b: {  	[tilespmem:$0x5010] =	vst v5  }
0x11c: {  	[tilespmem:$0x5020] =	vst v6  }
0x11d: {  	[tilespmem:$0x5030] =	vst v7  }
0x11e: {  	s19 =	simm.s32 $0x5000;
	[tilespmem:$0x5040] =	vst v8  }
0x11f: {  	[spmem:s1] =	stream.indirect.scatter.add.f32 [tilespmem:s15], [sflag:$0x3], $0x50, s19, s23, $0xb8;
	[tilespmem:$0x1F180] =	vst v63  }
0x120: {  	_ =	swait.ge [sflag:s22], $0x50  }
0x121: {  	[sflag:s22] =	ssyncset.done $0x0  }
0x122: {  	[sflag:s22] =	ssyncadd.s32 $0xFFFFFFB0  }
0x123: {  	_ =	swait.ge [sflag:s22], $0x50  }
0x124: {  	[sflag:s22] =	ssyncset.done $0x0  }
0x125: {  	[sflag:s22] =	ssyncadd.s32 $0xFFFFFFB0  }
0x126: {  	v4 =	vld [tilespmem:$0x4E20]  }
0x127: {  	v5 =	vld [tilespmem:$0x4EC0]  }
0x128: {  	v6 =	vld [tilespmem:$0x4E30]  }
0x129: {  	v7 =	vld [tilespmem:$0x4ED0];
	_ =	sdelay $0x1  }
0x12a: {  	v8 =	vld [tilespmem:$0x4E40]  }
0x12b: {  	v9 =	vld [tilespmem:$0x4EE0]  }
0x12c: {  	[tilespmem:$0x4F60] =	vst v4;
	v4 =	vadd.s32 v0, v5;
	v5 =	vld [tilespmem:$0x4E50]  }
0x12d: {  	[tilespmem:$0x4F70] =	vst v6;
	v6 =	vadd.s32 v0, v7;
	v7 =	vld [tilespmem:$0x4E60]  }
0x12e: {  	[tilespmem:$0x5140] =	vst v4;
	v4 =	vld [tilespmem:$0x4EF0]  }
0x12f: {  	[tilespmem:$0x5150] =	vst v6;
	v6 =	vld [tilespmem:$0x4F00]  }
0x130: {  	[tilespmem:$0x4F80] =	vst v8;
	v8 =	vadd.s32 v0, v9  }
0x131: {  	[tilespmem:$0x5160] =	vst v8  }
0x132: {  	[tilespmem:$0x4F90] =	vst v5  }
0x133: {  	[tilespmem:$0x4FA0] =	vst v7;
	v4 =	vadd.s32 v0, v4  }
0x134: {  	[tilespmem:$0x5170] =	vst v4;
	v4 =	vadd.s32 v0, v6  }
0x135: {  	s26 =	simm.s32 $0x5140;
	[tilespmem:$0x5180] =	vst v4  }
0x136: {  	[tilespmem:s25], [sflag:$0x1] =	stream.indirect.gather [hbm4b:s4+s23], $0x50, s26, s23, $0xb8;
	[tilespmem:$0x1F180] =	vst v63  }
0x137: {  	s2 =	simm.s32 $0x0;
	s29 =	rddreg [dreg:$0xe]  }
0x138: {  	[tilespmem:s20], [sflag:$0x7] =	stream.linear.gather [hbm4b:s29+s2], $0x50, $0x38;
	[tilespmem:$0x1F180] =	vst v63  }
0x139: {  	s17 =	rddreg [dreg:$0xf]  }
0x13a: {  	[tilespmem:s21], [sflag:$0x7] =	stream.linear.gather [hbm4b:s17+s2], $0x50, $0x38;
	[tilespmem:$0x1F180] =	vst v63  }
0x13b: {  	_ =	swait.ge [sflag:s8], $0x1900  }
0x13c: {  	v4 =	vmov s2;
	[sflag:s8] =	ssyncset.done $0x0  }
0x13d: {  	s18 =	simm.s32 $0x4FB0;
	v4 =	vmul.u32 $0x50, v4;
	[sflag:s8] =	ssyncadd.s32 $0xFFFFE700  }
0x13e: {  	v6 =	vld [tilespmem:s18+$0x0]  }
0x13f: {  	v4 =	vbroadcast v4, $0x0;
	_ =	sdelay $0x1  }
0x140: {  	v5 =	vadd.s32 v2, v4  }
0x141: {  	v4 =	vadd.s32 v3, v4  }
0x142: {  	v6 =	vshll.u32 v6, $0x1  }
0x143: {  	s26 =	simm.s32 $0x4FC0;
	v7 =	vor.u32 $0x1, v6  }
0x144: {  	v12 =	vld [tilespmem:s26+$0x0]  }
0x145: {  	s19 =	simm.s32 $0x10;
	v8 =	vld.idx.msk [tilespmem:v5+s30+$0x0], $0xffff  }
0x146: {  	v10 =	vmov s19;
	v9 =	vld.idx.msk [tilespmem:v4+s30+$0x0], $0xffff  }
0x147: {  	v11 =	vld.idx.msk [tilespmem:v6+s2+$0x0], $0xffff;
	v6 =	vmul.u32 $0x50, v10  }
0x148: {  	v10 =	vld.idx.msk [tilespmem:v7+s2+$0x0], $0xffff  }
0x149: {  	v6 =	vbroadcast v6, $0x0;
	_ =	sdelay $0x1  }
0x14a: {  	v7 =	vadd.s32 v2, v6  }
0x14b: {  	v6 =	vadd.s32 v3, v6;
	v11 =	vadd.f32 v11, v8  }
0x14c: {  	v12 =	vshll.u32 v12, $0x1;
	v10 =	vadd.f32 v10, v9  }
0x14d: {  	v13 =	vor.u32 $0x1, v12;
	v9 =	vmul.f32 $2.000000030e-01, v11  }
0x14e: {  	v14 =	vmul.f32 $2.000000030e-01, v10  }
0x14f: {  	v8 =	vld.idx.msk [tilespmem:v7+s30+$0x0], $0xffff;
	v11 =	vmax.f32 v11, v9  }
0x150: {  	s29 =	simm.s32 $0x20;
	v9 =	vld.idx.msk [tilespmem:v6+s30+$0x0], $0xffff;
	v15 =	vmul.f32 $1.442695020e+00, v11;
	v11 =	vmax.f32 v10, v14  }
0x151: {  	v10 =	vld.idx.msk [tilespmem:v12+s2+$0x0], $0xffff;
	v12 =	vmov s29;
	v14 =	vmul.f32 $1.442695020e+00, v11  }
0x152: {  	s3 =	simm.s32 $0x4FD0;
	v11 =	vld.idx.msk [tilespmem:v13+s2+$0x0], $0xffff;
	v13 =	vmul.u32 $0x50, v12;
	(erf) = vpow2.f32 v15  }
0x153: {  	s19 =	simm.s32 $0x30;
	v12 =	vld [tilespmem:s3+$0x0];
	(erf) = vpow2.f32 v14  }
.LBB2_8:
0x154: {  	p0 =	sne.s32 s19, $0x40;
	v13 =	vbroadcast v13, $0x0;
	_ =	sdelay $0x1  }
0x155: {  	v14 =	vadd.s32 v2, v13  }
0x156: {  	v13 =	vadd.s32 v3, v13;
	v10 =	vadd.f32 v10, v8  }
0x157: {  	v11 =	vadd.f32 v11, v9;
	v12 =	vshll.u32 v12, $0x1  }
0x158: {  	v9 =	vmul.f32 $2.000000030e-01, v10;
	v15 =	vor.u32 $0x1, v12  }
0x159: {  	v19 =	vmul.f32 $2.000000030e-01, v11  }
.Ltmp3:
0x15a: {  	v10 =	vmax.f32 v10, v9;
	v8 =	vld.idx.msk [tilespmem:v14+s30+$0x0], $0xffff;
	v17 =	vpop (erf);
	(pc) =	sbr.rel @p0 .LBB2_8-.Ltmp3, $4  }
0x15b: {  	v18 =	vmul.f32 $1.442695020e+00, v10;
	v11 =	vmax.f32 v11, v19;
	v9 =	vld.idx.msk [tilespmem:v13+s30+$0x0], $0xffff;
	[tilespmem:v5+s9+$0x0] =	vst.idx.msk $0xffff, v17;
	v16 =	vpop (erf);
	v5 =	vmov v7  }
0x15c: {  	v17 =	vmov s19;
	v19 =	vmul.f32 $1.442695020e+00, v11;
	v7 =	vmovc v14;
	v10 =	vld.idx.msk [tilespmem:v12+s2+$0x0], $0xffff;
	[tilespmem:v4+s9+$0x0] =	vst.idx.msk $0xffff, v16;
	v4 =	vmovc v6;
	v6 =	vmov v13  }
0x15d: {  	s3 =	sadd.s32 $0x10, s3;
	v13 =	vmul.u32 $0x50, v17;
	v11 =	vld.idx.msk [tilespmem:v15+s2+$0x0], $0xffff;
	(erf) = vpow2.f32 v18  }
0x15e: {  	s19 =	sadd.s32 $0x10, s19;
	v12 =	vld [tilespmem:s3+$0x0];
	(erf) = vpow2.f32 v19  }
0x15f: {  	v13 =	vbroadcast v13, $0x0;
	_ =	sdelay $0x1  }
0x160: {  	v14 =	vadd.s32 v2, v13  }
0x161: {  	v13 =	vadd.s32 v3, v13  }
0x162: {  	v12 =	vshll.u32 v12, $0x1  }
0x163: {  	v15 =	vor.u32 $0x1, v12;
	_ =	sdelay $0x1  }
0x164: {  	v16 =	vld.idx.msk [tilespmem:v14+s30+$0x0], $0xffff  }
0x165: {  	v17 =	vld.idx.msk [tilespmem:v13+s30+$0x0], $0xffff  }
0x166: {  	v12 =	vld.idx.msk [tilespmem:v12+s2+$0x0], $0xffff  }
0x167: {  	v15 =	vld.idx.msk [tilespmem:v15+s2+$0x0], $0xffff;
	_ =	sdelay $0x1  }
0x168: {  	v8 =	vadd.f32 v10, v8  }
0x169: {  	v9 =	vadd.f32 v11, v9  }
0x16a: {  	v10 =	vmul.f32 $2.000000030e-01, v8;
	v11 =	vadd.f32 v12, v16  }
0x16b: {  	v60 =	vmul.f32 $2.000000030e-01, v9;
	v15 =	vadd.f32 v15, v17  }
0x16c: {  	v8 =	vmax.f32 v8, v10;
	v10 =	vmul.f32 $2.000000030e-01, v11  }
0x16d: {  	v8 =	vmul.f32 $1.442695020e+00, v8;
	v9 =	vmax.f32 v9, v60;
	v61 =	vmul.f32 $2.000000030e-01, v15  }
0x16e: {  	v9 =	vmul.f32 $1.442695020e+00, v9;
	v10 =	vmax.f32 v11, v10  }
0x16f: {  	(erf) = vpow2.f32 v8;
	v8 =	vmul.f32 $1.442695020e+00, v10;
	v10 =	vmax.f32 v15, v61  }
0x170: {  	(erf) = vpow2.f32 v9;
	v9 =	vmul.f32 $1.442695020e+00, v10  }
0x171: {  	(erf) = vpow2.f32 v8  }
0x172: {  	(erf) = vpow2.f32 v9;
	_ =	sdelay $0x3  }
0x173: {  	v8 =	vpop (erf)  }
0x174: {  	v9 =	vpop (erf);
	[tilespmem:v5+s9+$0x0] =	vst.idx.msk $0xffff, v8  }
0x175: {  	v5 =	vpop (erf);
	[tilespmem:v4+s9+$0x0] =	vst.idx.msk $0xffff, v9  }
0x176: {  	v4 =	vpop (erf);
	[tilespmem:v7+s9+$0x0] =	vst.idx.msk $0xffff, v5  }
0x177: {  	[tilespmem:v6+s9+$0x0] =	vst.idx.msk $0xffff, v4;
	v4 =	vpop (erf)  }
0x178: {  	[tilespmem:v14+s9+$0x0] =	vst.idx.msk $0xffff, v4;
	v4 =	vpop (erf)  }
0x179: {  	s3 =	simm.s32 $0x0;
	[tilespmem:v13+s9+$0x0] =	vst.idx.msk $0xffff, v4  }
0x17a: {  	v4 =	vld [tilespmem:s3+$0x9D20];
	_ =	sdelay $0x1  }
0x17b: {  	v5 =	vld [tilespmem:s3+$0x6B10]  }
0x17c: {  	v7 =	vld [tilespmem:s3+$0x6AE0]  }
0x17d: {  	v8 =	vld [tilespmem:s3+$0x6AF0]  }
0x17e: {  	s2 =	simm.s32 $0x50;
	v9 =	vld [tilespmem:s3+$0x6B00];
	v11 =	vbroadcast v4, $0x1  }
0x17f: {  	v6 =	vld [tilespmem:s2+$0x9D20];
	v10 =	vbroadcast v4, $0x0  }
0x180: {  	v4 =	vld [tilespmem:s2+$0x6AE0];
	v62 =	vmul.f32 v5, v11  }
0x181: {  	v63 =	vmul.f32 v10, v7;
	v7 =	vld [tilespmem:s2+$0x6B10]  }
0x182: {  	v5 =	vld [tilespmem:s2+$0x6AF0];
	v10 =	vmul.f32 v8, v10;
	[tilespmem:s3+$0x9D10] =	vst v62  }
0x183: {  	s17 =	simm.s32 $0x280;
	v9 =	vmul.f32 v9, v11;
	v8 =	vld [tilespmem:s2+$0x6B00];
	[tilespmem:s3+$0x9CE0] =	vst v63  }
.LBB2_10:
0x184: {  	s19 =	sshra.s32 s17, $0x2;
	p0 =	sne.s32 s17, $0x62C0;
	s17 =	sadd.s32 $0x140, s17;
	v11 =	vbroadcast v6, $0x0;
	v12 =	vbroadcast v6, $0x1;
	[tilespmem:s3+$0x9CF0] =	vst v10  }
.Ltmp4:
0x185: {  	v6 =	vld [tilespmem:s19+$0x9D20];
	[tilespmem:s3+$0x9D00] =	vst v9;
	s3 =	smov.u32 s2;
	s2 =	smov.u32 s19;
	(pc) =	sbr.rel @p0 .LBB2_10-.Ltmp4, $4  }
0x186: {  	v13 =	vmul.f32 v11, v4;
	v4 =	vld [tilespmem:s2+$0x6AE0];
	v14 =	vmul.f32 v7, v12  }
0x187: {  	v7 =	vld [tilespmem:s2+$0x6B10];
	v10 =	vmul.f32 v5, v11  }
0x188: {  	v5 =	vld [tilespmem:s2+$0x6AF0];
	v9 =	vmul.f32 v8, v12;
	[tilespmem:s3+$0x9D10] =	vst v14  }
0x189: {  	v8 =	vld [tilespmem:s2+$0x6B00];
	[tilespmem:s3+$0x9CE0] =	vst v13  }
0x18a: {  	v11 =	vbroadcast v6, $0x1  }
0x18b: {  	v6 =	vbroadcast v6, $0x0  }
0x18c: {  	[tilespmem:s3+$0x9CF0] =	vst v10;
	v7 =	vmul.f32 v7, v11  }
0x18d: {  	[tilespmem:s3+$0x9D00] =	vst v9;
	v4 =	vmul.f32 v6, v4  }
0x18e: {  	v5 =	vmul.f32 v5, v6;
	[tilespmem:s2+$0x9D10] =	vst v7  }
0x18f: {  	v6 =	vmul.f32 v8, v11;
	[tilespmem:s2+$0x9CE0] =	vst v4  }
0x190: {  	[tilespmem:s2+$0x9CF0] =	vst v5  }
0x191: {  	[tilespmem:s2+$0x9D00] =	vst v6  }
0x192: {  	v4 =	vld [tilespmem:$0x4FB0]  }
0x193: {  	v5 =	vld [tilespmem:$0x4FC0]  }
0x194: {  	v6 =	vld [tilespmem:$0x4FD0]  }
0x195: {  	v7 =	vld [tilespmem:$0x4FE0]  }
0x196: {  	v8 =	vld [tilespmem:$0x4FF0]  }
0x197: {  	[tilespmem:$0x5050] =	vst v4  }
0x198: {  	[tilespmem:$0x5060] =	vst v5  }
0x199: {  	[tilespmem:$0x5070] =	vst v6  }
0x19a: {  	[tilespmem:$0x5080] =	vst v7  }
0x19b: {  	s18 =	simm.s32 $0x5050;
	[tilespmem:$0x5090] =	vst v8  }
0x19c: {  	[spmem:s1] =	stream.indirect.scatter.add.f32 [tilespmem:s9], [sflag:$0x4], $0x50, s18, s23, $0xb8;
	[tilespmem:$0x1F180] =	vst v63  }
0x19d: {  	_ =	swait.ge [sflag:s28], $0x50  }
0x19e: {  	[sflag:s28] =	ssyncset.done $0x0  }
0x19f: {  	[sflag:s28] =	ssyncadd.s32 $0xFFFFFFB0  }
0x1a0: {  	_ =	swait.ge [sflag:s28], $0x50  }
0x1a1: {  	[sflag:s28] =	ssyncset.done $0x0  }
0x1a2: {  	[sflag:s28] =	ssyncadd.s32 $0xFFFFFFB0  }
0x1a3: {  	v4 =	vld [tilespmem:$0x4E70]  }
0x1a4: {  	v5 =	vld [tilespmem:$0x4F10]  }
0x1a5: {  	v6 =	vld [tilespmem:$0x4E80]  }
0x1a6: {  	v7 =	vld [tilespmem:$0x4F20];
	_ =	sdelay $0x1  }
0x1a7: {  	v8 =	vld [tilespmem:$0x4E90]  }
0x1a8: {  	v9 =	vld [tilespmem:$0x4F30]  }
0x1a9: {  	[tilespmem:$0x4FB0] =	vst v4;
	v4 =	vadd.s32 v0, v5;
	v5 =	vld [tilespmem:$0x4EA0]  }
0x1aa: {  	[tilespmem:$0x4FC0] =	vst v6;
	v6 =	vadd.s32 v0, v7;
	v7 =	vld [tilespmem:$0x4EB0]  }
0x1ab: {  	[tilespmem:$0x5190] =	vst v4;
	v4 =	vld [tilespmem:$0x4F40]  }
0x1ac: {  	[tilespmem:$0x51A0] =	vst v6;
	v6 =	vld [tilespmem:$0x4F50]  }
0x1ad: {  	[tilespmem:$0x4FD0] =	vst v8;
	v8 =	vadd.s32 v0, v9  }
0x1ae: {  	[tilespmem:$0x51B0] =	vst v8  }
0x1af: {  	[tilespmem:$0x4FE0] =	vst v5  }
0x1b0: {  	[tilespmem:$0x4FF0] =	vst v7;
	v4 =	vadd.s32 v0, v4  }
0x1b1: {  	[tilespmem:$0x51C0] =	vst v4;
	v4 =	vadd.s32 v0, v6  }
0x1b2: {  	s19 =	simm.s32 $0x5190;
	[tilespmem:$0x51D0] =	vst v4  }
0x1b3: {  	[tilespmem:s30], [sflag:$0x2] =	stream.indirect.gather [hbm4b:s4+s23], $0x50, s19, s23, $0xb8;
	[tilespmem:$0x1F180] =	vst v63  }
0x1b4: {  	s2 =	simm.s32 $0x0;
	s26 =	rddreg [dreg:$0x11]  }
0x1b5: {  	[tilespmem:s24], [sflag:$0x8] =	stream.linear.gather [hbm4b:s26+s2], $0x50, $0x38;
	[tilespmem:$0x1F180] =	vst v63  }
0x1b6: {  	s17 =	simm.s32 $0x4F10;
	s29 =	rddreg [dreg:$0x12]  }
0x1b7: {  	[tilespmem:s17], [sflag:$0x8] =	stream.linear.gather [hbm4b:s29+s2], $0x50, $0x38;
	[tilespmem:$0x1F180] =	vst v63  }
0x1b8: {  	_ =	swait.ge [sflag:s31], $0x1900  }
0x1b9: {  	v4 =	vmov s2;
	[sflag:s31] =	ssyncset.done $0x0  }
0x1ba: {  	s18 =	simm.s32 $0x4F60;
	v4 =	vmul.u32 $0x50, v4;
	[sflag:s31] =	ssyncadd.s32 $0xFFFFE700  }
0x1bb: {  	v6 =	vld [tilespmem:s18+$0x0]  }
0x1bc: {  	v4 =	vbroadcast v4, $0x0;
	_ =	sdelay $0x1  }
0x1bd: {  	v5 =	vadd.s32 v2, v4  }
0x1be: {  	v4 =	vadd.s32 v3, v4  }
0x1bf: {  	v6 =	vshll.u32 v6, $0x1  }
0x1c0: {  	s26 =	simm.s32 $0x4F70;
	v7 =	vor.u32 $0x1, v6  }
0x1c1: {  	v12 =	vld [tilespmem:s26+$0x0]  }
0x1c2: {  	s19 =	simm.s32 $0x10;
	v8 =	vld.idx.msk [tilespmem:v5+s25+$0x0], $0xffff  }
0x1c3: {  	v10 =	vmov s19;
	v9 =	vld.idx.msk [tilespmem:v4+s25+$0x0], $0xffff  }
0x1c4: {  	v11 =	vld.idx.msk [tilespmem:v6+s2+$0x0], $0xffff;
	v6 =	vmul.u32 $0x50, v10  }
0x1c5: {  	v10 =	vld.idx.msk [tilespmem:v7+s2+$0x0], $0xffff  }
0x1c6: {  	v6 =	vbroadcast v6, $0x0;
	_ =	sdelay $0x1  }
0x1c7: {  	v7 =	vadd.s32 v2, v6  }
0x1c8: {  	v6 =	vadd.s32 v3, v6;
	v11 =	vadd.f32 v11, v8  }
0x1c9: {  	v12 =	vshll.u32 v12, $0x1;
	v10 =	vadd.f32 v10, v9  }
0x1ca: {  	v13 =	vor.u32 $0x1, v12;
	v9 =	vmul.f32 $2.000000030e-01, v11  }
0x1cb: {  	v14 =	vmul.f32 $2.000000030e-01, v10  }
0x1cc: {  	v8 =	vld.idx.msk [tilespmem:v7+s25+$0x0], $0xffff;
	v11 =	vmax.f32 v11, v9  }
0x1cd: {  	s29 =	simm.s32 $0x20;
	v9 =	vld.idx.msk [tilespmem:v6+s25+$0x0], $0xffff;
	v15 =	vmul.f32 $1.442695020e+00, v11;
	v11 =	vmax.f32 v10, v14  }
0x1ce: {  	v10 =	vld.idx.msk [tilespmem:v12+s2+$0x0], $0xffff;
	v12 =	vmov s29;
	v14 =	vmul.f32 $1.442695020e+00, v11  }
0x1cf: {  	s3 =	simm.s32 $0x4F80;
	v11 =	vld.idx.msk [tilespmem:v13+s2+$0x0], $0xffff;
	v13 =	vmul.u32 $0x50, v12;
	(erf) = vpow2.f32 v15  }
0x1d0: {  	s19 =	simm.s32 $0x30;
	v12 =	vld [tilespmem:s3+$0x0];
	(erf) = vpow2.f32 v14  }
.LBB2_12:
0x1d1: {  	p0 =	sne.s32 s19, $0x40;
	v13 =	vbroadcast v13, $0x0;
	_ =	sdelay $0x1  }
0x1d2: {  	v14 =	vadd.s32 v2, v13  }
0x1d3: {  	v13 =	vadd.s32 v3, v13;
	v10 =	vadd.f32 v10, v8  }
0x1d4: {  	v11 =	vadd.f32 v11, v9;
	v12 =	vshll.u32 v12, $0x1  }
0x1d5: {  	v9 =	vmul.f32 $2.000000030e-01, v10;
	v15 =	vor.u32 $0x1, v12  }
0x1d6: {  	v19 =	vmul.f32 $2.000000030e-01, v11  }
.Ltmp5:
0x1d7: {  	v10 =	vmax.f32 v10, v9;
	v8 =	vld.idx.msk [tilespmem:v14+s25+$0x0], $0xffff;
	v17 =	vpop (erf);
	(pc) =	sbr.rel @p0 .LBB2_12-.Ltmp5, $4  }
0x1d8: {  	v18 =	vmul.f32 $1.442695020e+00, v10;
	v11 =	vmax.f32 v11, v19;
	v9 =	vld.idx.msk [tilespmem:v13+s25+$0x0], $0xffff;
	[tilespmem:v5+s11+$0x0] =	vst.idx.msk $0xffff, v17;
	v16 =	vpop (erf);
	v5 =	vmov v7  }
0x1d9: {  	v17 =	vmov s19;
	v19 =	vmul.f32 $1.442695020e+00, v11;
	v7 =	vmovc v14;
	v10 =	vld.idx.msk [tilespmem:v12+s2+$0x0], $0xffff;
	[tilespmem:v4+s11+$0x0] =	vst.idx.msk $0xffff, v16;
	v4 =	vmovc v6;
	v6 =	vmov v13  }
0x1da: {  	s3 =	sadd.s32 $0x10, s3;
	v13 =	vmul.u32 $0x50, v17;
	v11 =	vld.idx.msk [tilespmem:v15+s2+$0x0], $0xffff;
	(erf) = vpow2.f32 v18  }
0x1db: {  	s19 =	sadd.s32 $0x10, s19;
	v12 =	vld [tilespmem:s3+$0x0];
	(erf) = vpow2.f32 v19  }
0x1dc: {  	v13 =	vbroadcast v13, $0x0;
	_ =	sdelay $0x1  }
0x1dd: {  	v14 =	vadd.s32 v2, v13  }
0x1de: {  	v13 =	vadd.s32 v3, v13  }
0x1df: {  	v12 =	vshll.u32 v12, $0x1  }
0x1e0: {  	v15 =	vor.u32 $0x1, v12;
	_ =	sdelay $0x1  }
0x1e1: {  	v16 =	vld.idx.msk [tilespmem:v14+s25+$0x0], $0xffff  }
0x1e2: {  	v17 =	vld.idx.msk [tilespmem:v13+s25+$0x0], $0xffff  }
0x1e3: {  	v12 =	vld.idx.msk [tilespmem:v12+s2+$0x0], $0xffff  }
0x1e4: {  	v15 =	vld.idx.msk [tilespmem:v15+s2+$0x0], $0xffff;
	_ =	sdelay $0x1  }
0x1e5: {  	v8 =	vadd.f32 v10, v8  }
0x1e6: {  	v9 =	vadd.f32 v11, v9  }
0x1e7: {  	v10 =	vmul.f32 $2.000000030e-01, v8;
	v11 =	vadd.f32 v12, v16  }
0x1e8: {  	v60 =	vmul.f32 $2.000000030e-01, v9;
	v15 =	vadd.f32 v15, v17  }
0x1e9: {  	v8 =	vmax.f32 v8, v10;
	v10 =	vmul.f32 $2.000000030e-01, v11  }
0x1ea: {  	v8 =	vmul.f32 $1.442695020e+00, v8;
	v9 =	vmax.f32 v9, v60;
	v61 =	vmul.f32 $2.000000030e-01, v15  }
0x1eb: {  	v9 =	vmul.f32 $1.442695020e+00, v9;
	v10 =	vmax.f32 v11, v10  }
0x1ec: {  	(erf) = vpow2.f32 v8;
	v8 =	vmul.f32 $1.442695020e+00, v10;
	v10 =	vmax.f32 v15, v61  }
0x1ed: {  	(erf) = vpow2.f32 v9;
	v9 =	vmul.f32 $1.442695020e+00, v10  }
0x1ee: {  	(erf) = vpow2.f32 v8  }
0x1ef: {  	(erf) = vpow2.f32 v9;
	_ =	sdelay $0x3  }
0x1f0: {  	v8 =	vpop (erf)  }
0x1f1: {  	v9 =	vpop (erf);
	[tilespmem:v5+s11+$0x0] =	vst.idx.msk $0xffff, v8  }
0x1f2: {  	v5 =	vpop (erf);
	[tilespmem:v4+s11+$0x0] =	vst.idx.msk $0xffff, v9  }
0x1f3: {  	v4 =	vpop (erf);
	[tilespmem:v7+s11+$0x0] =	vst.idx.msk $0xffff, v5  }
0x1f4: {  	[tilespmem:v6+s11+$0x0] =	vst.idx.msk $0xffff, v4;
	v4 =	vpop (erf)  }
0x1f5: {  	[tilespmem:v14+s11+$0x0] =	vst.idx.msk $0xffff, v4;
	v4 =	vpop (erf)  }
0x1f6: {  	s3 =	simm.s32 $0x0;
	[tilespmem:v13+s11+$0x0] =	vst.idx.msk $0xffff, v4  }
0x1f7: {  	v4 =	vld [tilespmem:s3+$0xB620];
	_ =	sdelay $0x1  }
0x1f8: {  	v5 =	vld [tilespmem:s3+$0x5210]  }
0x1f9: {  	v7 =	vld [tilespmem:s3+$0x51E0]  }
0x1fa: {  	v8 =	vld [tilespmem:s3+$0x51F0]  }
0x1fb: {  	s2 =	simm.s32 $0x50;
	v9 =	vld [tilespmem:s3+$0x5200];
	v11 =	vbroadcast v4, $0x1  }
0x1fc: {  	v6 =	vld [tilespmem:s2+$0xB620];
	v10 =	vbroadcast v4, $0x0  }
0x1fd: {  	v4 =	vld [tilespmem:s2+$0x51E0];
	v62 =	vmul.f32 v5, v11  }
0x1fe: {  	v63 =	vmul.f32 v10, v7;
	v7 =	vld [tilespmem:s2+$0x5210]  }
0x1ff: {  	v5 =	vld [tilespmem:s2+$0x51F0];
	v10 =	vmul.f32 v8, v10;
	[tilespmem:s3+$0xB610] =	vst v62  }
0x200: {  	s17 =	simm.s32 $0x280;
	v9 =	vmul.f32 v9, v11;
	v8 =	vld [tilespmem:s2+$0x5200];
	[tilespmem:s3+$0xB5E0] =	vst v63  }
.LBB2_14:
0x201: {  	s19 =	sshra.s32 s17, $0x2;
	p0 =	sne.s32 s17, $0x62C0;
	s17 =	sadd.s32 $0x140, s17;
	v11 =	vbroadcast v6, $0x0;
	v12 =	vbroadcast v6, $0x1;
	[tilespmem:s3+$0xB5F0] =	vst v10  }
.Ltmp6:
0x202: {  	v6 =	vld [tilespmem:s19+$0xB620];
	[tilespmem:s3+$0xB600] =	vst v9;
	s3 =	smov.u32 s2;
	s2 =	smov.u32 s19;
	(pc) =	sbr.rel @p0 .LBB2_14-.Ltmp6, $4  }
0x203: {  	v13 =	vmul.f32 v11, v4;
	v4 =	vld [tilespmem:s2+$0x51E0];
	v14 =	vmul.f32 v7, v12  }
0x204: {  	v7 =	vld [tilespmem:s2+$0x5210];
	v10 =	vmul.f32 v5, v11  }
0x205: {  	v5 =	vld [tilespmem:s2+$0x51F0];
	v9 =	vmul.f32 v8, v12;
	[tilespmem:s3+$0xB610] =	vst v14  }
0x206: {  	v8 =	vld [tilespmem:s2+$0x5200];
	[tilespmem:s3+$0xB5E0] =	vst v13  }
0x207: {  	v11 =	vbroadcast v6, $0x1  }
0x208: {  	v6 =	vbroadcast v6, $0x0  }
0x209: {  	[tilespmem:s3+$0xB5F0] =	vst v10;
	v7 =	vmul.f32 v7, v11  }
0x20a: {  	[tilespmem:s3+$0xB600] =	vst v9;
	v4 =	vmul.f32 v6, v4  }
0x20b: {  	v5 =	vmul.f32 v5, v6;
	[tilespmem:s2+$0xB610] =	vst v7  }
0x20c: {  	v6 =	vmul.f32 v8, v11;
	[tilespmem:s2+$0xB5E0] =	vst v4  }
0x20d: {  	[tilespmem:s2+$0xB5F0] =	vst v5  }
0x20e: {  	[tilespmem:s2+$0xB600] =	vst v6  }
0x20f: {  	v4 =	vld [tilespmem:$0x4F60]  }
0x210: {  	v5 =	vld [tilespmem:$0x4F70]  }
0x211: {  	v6 =	vld [tilespmem:$0x4F80]  }
0x212: {  	v7 =	vld [tilespmem:$0x4F90]  }
0x213: {  	v8 =	vld [tilespmem:$0x4FA0]  }
0x214: {  	[tilespmem:$0x50A0] =	vst v4  }
0x215: {  	[tilespmem:$0x50B0] =	vst v5  }
0x216: {  	[tilespmem:$0x50C0] =	vst v6  }
0x217: {  	[tilespmem:$0x50D0] =	vst v7  }
0x218: {  	s19 =	simm.s32 $0x50A0;
	[tilespmem:$0x50E0] =	vst v8  }
0x219: {  	[spmem:s1] =	stream.indirect.scatter.add.f32 [tilespmem:s11], [sflag:$0x5], $0x50, s19, s23, $0xb8;
	[tilespmem:$0x1F180] =	vst v63  }
0x21a: {  	_ =	swait.ge [sflag:s22], $0x50  }
0x21b: {  	[sflag:s22] =	ssyncset.done $0x0  }
0x21c: {  	[sflag:s22] =	ssyncadd.s32 $0xFFFFFFB0  }
0x21d: {  	_ =	swait.ge [sflag:s22], $0x50  }
0x21e: {  	[sflag:s22] =	ssyncset.done $0x0  }
0x21f: {  	[sflag:s22] =	ssyncadd.s32 $0xFFFFFFB0  }
0x220: {  	v4 =	vld [tilespmem:$0x4E20]  }
0x221: {  	v5 =	vld [tilespmem:$0x4EC0]  }
0x222: {  	v6 =	vld [tilespmem:$0x4E30]  }
0x223: {  	v7 =	vld [tilespmem:$0x4ED0];
	_ =	sdelay $0x1  }
0x224: {  	v8 =	vld [tilespmem:$0x4E40]  }
0x225: {  	v9 =	vld [tilespmem:$0x4EE0]  }
0x226: {  	[tilespmem:$0x4F60] =	vst v4;
	v4 =	vadd.s32 v0, v5;
	v5 =	vld [tilespmem:$0x4E50]  }
0x227: {  	[tilespmem:$0x4F70] =	vst v6;
	v6 =	vadd.s32 v0, v7;
	v7 =	vld [tilespmem:$0x4E60]  }
0x228: {  	[tilespmem:$0x5140] =	vst v4;
	v4 =	vld [tilespmem:$0x4EF0]  }
0x229: {  	[tilespmem:$0x5150] =	vst v6;
	v6 =	vld [tilespmem:$0x4F00]  }
0x22a: {  	[tilespmem:$0x4F80] =	vst v8;
	v8 =	vadd.s32 v0, v9  }
0x22b: {  	[tilespmem:$0x5160] =	vst v8  }
0x22c: {  	[tilespmem:$0x4F90] =	vst v5  }
0x22d: {  	[tilespmem:$0x4FA0] =	vst v7;
	v4 =	vadd.s32 v0, v4  }
0x22e: {  	[tilespmem:$0x5170] =	vst v4;
	v4 =	vadd.s32 v0, v6  }
0x22f: {  	s26 =	simm.s32 $0x5140;
	[tilespmem:$0x5180] =	vst v4  }
0x230: {  	[tilespmem:s25], [sflag:$0x1] =	stream.indirect.gather [hbm4b:s4+s23], $0x50, s26, s23, $0xb8;
	[tilespmem:$0x1F180] =	vst v63  }
0x231: {  	s2 =	simm.s32 $0x0;
	s29 =	rddreg [dreg:$0x13]  }
0x232: {  	[tilespmem:s20], [sflag:$0x7] =	stream.linear.gather [hbm4b:s29+s2], $0x50, $0x38;
	[tilespmem:$0x1F180] =	vst v63  }
0x233: {  	s17 =	rddreg [dreg:$0x14]  }
0x234: {  	[tilespmem:s21], [sflag:$0x7] =	stream.linear.gather [hbm4b:s17+s2], $0x50, $0x38;
	[tilespmem:$0x1F180] =	vst v63  }
0x235: {  	_ =	swait.ge [sflag:s8], $0x1900  }
0x236: {  	v4 =	vmov s2;
	[sflag:s8] =	ssyncset.done $0x0  }
0x237: {  	s18 =	simm.s32 $0x4FB0;
	v4 =	vmul.u32 $0x50, v4;
	[sflag:s8] =	ssyncadd.s32 $0xFFFFE700  }
0x238: {  	v6 =	vld [tilespmem:s18+$0x0]  }
0x239: {  	v4 =	vbroadcast v4, $0x0;
	_ =	sdelay $0x1  }
0x23a: {  	v5 =	vadd.s32 v2, v4  }
0x23b: {  	v4 =	vadd.s32 v3, v4  }
0x23c: {  	v6 =	vshll.u32 v6, $0x1  }
0x23d: {  	s26 =	simm.s32 $0x4FC0;
	v7 =	vor.u32 $0x1, v6  }
0x23e: {  	v12 =	vld [tilespmem:s26+$0x0]  }
0x23f: {  	s19 =	simm.s32 $0x10;
	v8 =	vld.idx.msk [tilespmem:v5+s30+$0x0], $0xffff  }
0x240: {  	v10 =	vmov s19;
	v9 =	vld.idx.msk [tilespmem:v4+s30+$0x0], $0xffff  }
0x241: {  	v11 =	vld.idx.msk [tilespmem:v6+s2+$0x0], $0xffff;
	v6 =	vmul.u32 $0x50, v10  }
0x242: {  	v10 =	vld.idx.msk [tilespmem:v7+s2+$0x0], $0xffff  }
0x243: {  	v6 =	vbroadcast v6, $0x0;
	_ =	sdelay $0x1  }
0x244: {  	v7 =	vadd.s32 v2, v6  }
0x245: {  	v6 =	vadd.s32 v3, v6;
	v11 =	vadd.f32 v11, v8  }
0x246: {  	v12 =	vshll.u32 v12, $0x1;
	v10 =	vadd.f32 v10, v9  }
0x247: {  	v13 =	vor.u32 $0x1, v12;
	v9 =	vmul.f32 $2.000000030e-01, v11  }
0x248: {  	v14 =	vmul.f32 $2.000000030e-01, v10  }
0x249: {  	v8 =	vld.idx.msk [tilespmem:v7+s30+$0x0], $0xffff;
	v11 =	vmax.f32 v11, v9  }
0x24a: {  	s29 =	simm.s32 $0x20;
	v9 =	vld.idx.msk [tilespmem:v6+s30+$0x0], $0xffff;
	v15 =	vmul.f32 $1.442695020e+00, v11;
	v11 =	vmax.f32 v10, v14  }
0x24b: {  	v10 =	vld.idx.msk [tilespmem:v12+s2+$0x0], $0xffff;
	v12 =	vmov s29;
	v14 =	vmul.f32 $1.442695020e+00, v11  }
0x24c: {  	s3 =	simm.s32 $0x4FD0;
	v11 =	vld.idx.msk [tilespmem:v13+s2+$0x0], $0xffff;
	v13 =	vmul.u32 $0x50, v12;
	(erf) = vpow2.f32 v15  }
0x24d: {  	s19 =	simm.s32 $0x30;
	v12 =	vld [tilespmem:s3+$0x0];
	(erf) = vpow2.f32 v14  }
.LBB2_16:
0x24e: {  	p0 =	sne.s32 s19, $0x40;
	v13 =	vbroadcast v13, $0x0;
	_ =	sdelay $0x1  }
0x24f: {  	v14 =	vadd.s32 v2, v13  }
0x250: {  	v13 =	vadd.s32 v3, v13;
	v10 =	vadd.f32 v10, v8  }
0x251: {  	v11 =	vadd.f32 v11, v9;
	v12 =	vshll.u32 v12, $0x1  }
0x252: {  	v9 =	vmul.f32 $2.000000030e-01, v10;
	v15 =	vor.u32 $0x1, v12  }
0x253: {  	v19 =	vmul.f32 $2.000000030e-01, v11  }
.Ltmp7:
0x254: {  	v10 =	vmax.f32 v10, v9;
	v8 =	vld.idx.msk [tilespmem:v14+s30+$0x0], $0xffff;
	v17 =	vpop (erf);
	(pc) =	sbr.rel @p0 .LBB2_16-.Ltmp7, $4  }
0x255: {  	v18 =	vmul.f32 $1.442695020e+00, v10;
	v11 =	vmax.f32 v11, v19;
	v9 =	vld.idx.msk [tilespmem:v13+s30+$0x0], $0xffff;
	[tilespmem:v5+s13+$0x0] =	vst.idx.msk $0xffff, v17;
	v16 =	vpop (erf);
	v5 =	vmov v7  }
0x256: {  	v17 =	vmov s19;
	v19 =	vmul.f32 $1.442695020e+00, v11;
	v7 =	vmovc v14;
	v10 =	vld.idx.msk [tilespmem:v12+s2+$0x0], $0xffff;
	[tilespmem:v4+s13+$0x0] =	vst.idx.msk $0xffff, v16;
	v4 =	vmovc v6;
	v6 =	vmov v13  }
0x257: {  	s3 =	sadd.s32 $0x10, s3;
	v13 =	vmul.u32 $0x50, v17;
	v11 =	vld.idx.msk [tilespmem:v15+s2+$0x0], $0xffff;
	(erf) = vpow2.f32 v18  }
0x258: {  	s19 =	sadd.s32 $0x10, s19;
	v12 =	vld [tilespmem:s3+$0x0];
	(erf) = vpow2.f32 v19  }
0x259: {  	v13 =	vbroadcast v13, $0x0;
	_ =	sdelay $0x1  }
0x25a: {  	v14 =	vadd.s32 v2, v13  }
0x25b: {  	v13 =	vadd.s32 v3, v13  }
0x25c: {  	v12 =	vshll.u32 v12, $0x1  }
0x25d: {  	v15 =	vor.u32 $0x1, v12;
	_ =	sdelay $0x1  }
0x25e: {  	v16 =	vld.idx.msk [tilespmem:v14+s30+$0x0], $0xffff  }
0x25f: {  	v17 =	vld.idx.msk [tilespmem:v13+s30+$0x0], $0xffff  }
0x260: {  	v12 =	vld.idx.msk [tilespmem:v12+s2+$0x0], $0xffff  }
0x261: {  	v15 =	vld.idx.msk [tilespmem:v15+s2+$0x0], $0xffff;
	_ =	sdelay $0x1  }
0x262: {  	v8 =	vadd.f32 v10, v8  }
0x263: {  	v9 =	vadd.f32 v11, v9  }
0x264: {  	v10 =	vmul.f32 $2.000000030e-01, v8;
	v11 =	vadd.f32 v12, v16  }
0x265: {  	v60 =	vmul.f32 $2.000000030e-01, v9;
	v15 =	vadd.f32 v15, v17  }
0x266: {  	v8 =	vmax.f32 v8, v10;
	v10 =	vmul.f32 $2.000000030e-01, v11  }
0x267: {  	v8 =	vmul.f32 $1.442695020e+00, v8;
	v9 =	vmax.f32 v9, v60;
	v61 =	vmul.f32 $2.000000030e-01, v15  }
0x268: {  	v9 =	vmul.f32 $1.442695020e+00, v9;
	v10 =	vmax.f32 v11, v10  }
0x269: {  	(erf) = vpow2.f32 v8;
	v8 =	vmul.f32 $1.442695020e+00, v10;
	v10 =	vmax.f32 v15, v61  }
0x26a: {  	(erf) = vpow2.f32 v9;
	v9 =	vmul.f32 $1.442695020e+00, v10  }
0x26b: {  	(erf) = vpow2.f32 v8  }
0x26c: {  	(erf) = vpow2.f32 v9;
	_ =	sdelay $0x3  }
0x26d: {  	v8 =	vpop (erf)  }
0x26e: {  	v9 =	vpop (erf);
	[tilespmem:v5+s13+$0x0] =	vst.idx.msk $0xffff, v8  }
0x26f: {  	v5 =	vpop (erf);
	[tilespmem:v4+s13+$0x0] =	vst.idx.msk $0xffff, v9  }
0x270: {  	v4 =	vpop (erf);
	[tilespmem:v7+s13+$0x0] =	vst.idx.msk $0xffff, v5  }
0x271: {  	[tilespmem:v6+s13+$0x0] =	vst.idx.msk $0xffff, v4;
	v4 =	vpop (erf)  }
0x272: {  	[tilespmem:v14+s13+$0x0] =	vst.idx.msk $0xffff, v4;
	v4 =	vpop (erf)  }
0x273: {  	s3 =	simm.s32 $0x0;
	[tilespmem:v13+s13+$0x0] =	vst.idx.msk $0xffff, v4  }
0x274: {  	v4 =	vld [tilespmem:s3+$0xCF20];
	_ =	sdelay $0x1  }
0x275: {  	v5 =	vld [tilespmem:s3+$0x6B10]  }
0x276: {  	v7 =	vld [tilespmem:s3+$0x6AE0]  }
0x277: {  	v8 =	vld [tilespmem:s3+$0x6AF0]  }
0x278: {  	s2 =	simm.s32 $0x50;
	v9 =	vld [tilespmem:s3+$0x6B00];
	v11 =	vbroadcast v4, $0x1  }
0x279: {  	v6 =	vld [tilespmem:s2+$0xCF20];
	v10 =	vbroadcast v4, $0x0  }
0x27a: {  	v4 =	vld [tilespmem:s2+$0x6AE0];
	v62 =	vmul.f32 v5, v11  }
0x27b: {  	v63 =	vmul.f32 v10, v7;
	v7 =	vld [tilespmem:s2+$0x6B10]  }
0x27c: {  	v5 =	vld [tilespmem:s2+$0x6AF0];
	v10 =	vmul.f32 v8, v10;
	[tilespmem:s3+$0xCF10] =	vst v62  }
0x27d: {  	s17 =	simm.s32 $0x280;
	v9 =	vmul.f32 v9, v11;
	v8 =	vld [tilespmem:s2+$0x6B00];
	[tilespmem:s3+$0xCEE0] =	vst v63  }
.LBB2_18:
0x27e: {  	s19 =	sshra.s32 s17, $0x2;
	p0 =	sne.s32 s17, $0x62C0;
	s17 =	sadd.s32 $0x140, s17;
	v11 =	vbroadcast v6, $0x0;
	v12 =	vbroadcast v6, $0x1;
	[tilespmem:s3+$0xCEF0] =	vst v10  }
.Ltmp8:
0x27f: {  	v6 =	vld [tilespmem:s19+$0xCF20];
	[tilespmem:s3+$0xCF00] =	vst v9;
	s3 =	smov.u32 s2;
	s2 =	smov.u32 s19;
	(pc) =	sbr.rel @p0 .LBB2_18-.Ltmp8, $4  }
0x280: {  	v13 =	vmul.f32 v11, v4;
	v4 =	vld [tilespmem:s2+$0x6AE0];
	v14 =	vmul.f32 v7, v12  }
0x281: {  	v7 =	vld [tilespmem:s2+$0x6B10];
	v10 =	vmul.f32 v5, v11  }
0x282: {  	v5 =	vld [tilespmem:s2+$0x6AF0];
	v9 =	vmul.f32 v8, v12;
	[tilespmem:s3+$0xCF10] =	vst v14  }
0x283: {  	v8 =	vld [tilespmem:s2+$0x6B00];
	[tilespmem:s3+$0xCEE0] =	vst v13  }
0x284: {  	v11 =	vbroadcast v6, $0x1  }
0x285: {  	v53 =	vbroadcast v6, $0x0  }
0x286: {  	[tilespmem:s3+$0xCEF0] =	vst v10;
	v7 =	vmul.f32 v7, v11  }
0x287: {  	[tilespmem:s3+$0xCF00] =	vst v9;
	v4 =	vmul.f32 v53, v4  }
0x288: {  	v5 =	vmul.f32 v5, v53;
	[tilespmem:s2+$0xCF10] =	vst v7  }
0x289: {  	v54 =	vmul.f32 v8, v11;
	[tilespmem:s2+$0xCEE0] =	vst v4  }
0x28a: {  	[tilespmem:s2+$0xCEF0] =	vst v5  }
0x28b: {  	[tilespmem:s2+$0xCF00] =	vst v54  }
0x28c: {  	v4 =	vld [tilespmem:$0x4FB0]  }
0x28d: {  	v5 =	vld [tilespmem:$0x4FC0]  }
0x28e: {  	v6 =	vld [tilespmem:$0x4FD0]  }
0x28f: {  	v7 =	vld [tilespmem:$0x4FE0]  }
0x290: {  	v55 =	vld [tilespmem:$0x4FF0]  }
0x291: {  	[tilespmem:$0x50F0] =	vst v4  }
0x292: {  	[tilespmem:$0x5100] =	vst v5  }
0x293: {  	[tilespmem:$0x5110] =	vst v6  }
0x294: {  	[tilespmem:$0x5120] =	vst v7  }
0x295: {  	s18 =	simm.s32 $0x50F0;
	[tilespmem:$0x5130] =	vst v55  }
0x296: {  	[spmem:s1] =	stream.indirect.scatter.add.f32 [tilespmem:s13], [sflag:$0x6], $0x50, s18, s23, $0xb8;
	[tilespmem:$0x1F180] =	vst v63  }
0x297: {  	_ =	swait.ge [sflag:s28], $0x50  }
0x298: {  	[sflag:s28] =	ssyncset.done $0x0  }
0x299: {  	[sflag:s28] =	ssyncadd.s32 $0xFFFFFFB0  }
0x29a: {  	_ =	swait.ge [sflag:s28], $0x50  }
0x29b: {  	[sflag:s28] =	ssyncset.done $0x0  }
0x29c: {  	[sflag:s28] =	ssyncadd.s32 $0xFFFFFFB0  }
0x29d: {  	v4 =	vld [tilespmem:$0x4E70]  }
0x29e: {  	v5 =	vld [tilespmem:$0x4F10]  }
0x29f: {  	v56 =	vld [tilespmem:$0x4E80]  }
0x2a0: {  	v57 =	vld [tilespmem:$0x4F20]  }
0x2a1: {  	v58 =	vld [tilespmem:$0x4E90]  }
0x2a2: {  	v61 =	vld [tilespmem:$0x4EB0]  }
0x2a3: {  	v59 =	vld [tilespmem:$0x4F30];
	[tilespmem:$0x4FB0] =	vst v4  }
0x2a4: {  	v4 =	vadd.s32 v0, v5;
	v5 =	vld [tilespmem:$0x4EA0];
	[tilespmem:$0x4FC0] =	vst v56  }
0x2a5: {  	[tilespmem:$0x5190] =	vst v4;
	v4 =	vld [tilespmem:$0x4F40]  }
0x2a6: {  	v62 =	vld [tilespmem:$0x4F50];
	[tilespmem:$0x4FD0] =	vst v58  }
0x2a7: {  	v60 =	vadd.s32 v0, v57;
	[tilespmem:$0x4FF0] =	vst v61  }
0x2a8: {  	v63 =	vadd.s32 v0, v59;
	[tilespmem:$0x51A0] =	vst v60  }
0x2a9: {  	[tilespmem:$0x51B0] =	vst v63  }
0x2aa: {  	[tilespmem:$0x4FE0] =	vst v5;
	v4 =	vadd.s32 v0, v4  }
0x2ab: {  	[tilespmem:$0x51C0] =	vst v4;
	v4 =	vadd.s32 v0, v62  }
0x2ac: {  	s19 =	simm.s32 $0x5190;
	[tilespmem:$0x51D0] =	vst v4  }
0x2ad: {  	[tilespmem:s30], [sflag:$0x2] =	stream.indirect.gather [hbm4b:s4+s23], $0x50, s19, s23, $0xb8;
	[tilespmem:$0x1F180] =	vst v63  }
0x2ae: {  	s2 =	simm.s32 $0x0;
	s26 =	rddreg [dreg:$0x15]  }
0x2af: {  	[tilespmem:s24], [sflag:$0x8] =	stream.linear.gather [hbm4b:s26+s2], $0x50, $0x38;
	[tilespmem:$0x1F180] =	vst v63  }
0x2b0: {  	s17 =	simm.s32 $0x4F10;
	s29 =	rddreg [dreg:$0x16];
	s19 =	simm.s32 $0x0  }
0x2b1: {  	[tilespmem:s17], [sflag:$0x8] =	stream.linear.gather [hbm4b:s29+s2], $0x50, $0x38;
	[tilespmem:$0x1F180] =	vst v63  }
.LBB2_20:
0x2b2: {  	_ =	swait.ge [sflag:s7], $0x1900  }
0x2b3: {  	[sflag:s7] =	ssyncset.done $0x0  }
0x2b4: {  	[sflag:s7] =	ssyncadd.s32 $0xFFFFE700  }
0x2b5: {  	_ =	swait.ge [sflag:s31], $0x1900  }
0x2b6: {  	v4 =	vmov s2;
	[sflag:s31] =	ssyncset.done $0x0  }
0x2b7: {  	s3 =	simm.s32 $0x4F60;
	v4 =	vmul.u32 $0x50, v4;
	[sflag:s31] =	ssyncadd.s32 $0xFFFFE700  }
0x2b8: {  	v6 =	vld [tilespmem:s3+$0x0]  }
0x2b9: {  	v4 =	vbroadcast v4, $0x0;
	_ =	sdelay $0x1  }
0x2ba: {  	v5 =	vadd.s32 v2, v4  }
0x2bb: {  	v4 =	vadd.s32 v3, v4  }
0x2bc: {  	v6 =	vshll.u32 v6, $0x1  }
0x2bd: {  	s26 =	simm.s32 $0x4F70;
	v7 =	vor.u32 $0x1, v6  }
0x2be: {  	v12 =	vld [tilespmem:s26+$0x0]  }
0x2bf: {  	s24 =	simm.s32 $0x10;
	v8 =	vld.idx.msk [tilespmem:v5+s25+$0x0], $0xffff  }
0x2c0: {  	v10 =	vmov s24;
	v9 =	vld.idx.msk [tilespmem:v4+s25+$0x0], $0xffff  }
0x2c1: {  	v11 =	vld.idx.msk [tilespmem:v6+s2+$0x0], $0xffff;
	v6 =	vmul.u32 $0x50, v10  }
0x2c2: {  	v10 =	vld.idx.msk [tilespmem:v7+s2+$0x0], $0xffff  }
0x2c3: {  	v6 =	vbroadcast v6, $0x0;
	_ =	sdelay $0x1  }
0x2c4: {  	v7 =	vadd.s32 v2, v6  }
0x2c5: {  	v6 =	vadd.s32 v3, v6;
	v11 =	vadd.f32 v11, v8  }
0x2c6: {  	v12 =	vshll.u32 v12, $0x1;
	v10 =	vadd.f32 v10, v9  }
0x2c7: {  	v13 =	vor.u32 $0x1, v12;
	v9 =	vmul.f32 $2.000000030e-01, v11  }
0x2c8: {  	v14 =	vmul.f32 $2.000000030e-01, v10  }
0x2c9: {  	v8 =	vld.idx.msk [tilespmem:v7+s25+$0x0], $0xffff;
	v11 =	vmax.f32 v11, v9  }
0x2ca: {  	s29 =	simm.s32 $0x20;
	v9 =	vld.idx.msk [tilespmem:v6+s25+$0x0], $0xffff;
	v15 =	vmul.f32 $1.442695020e+00, v11;
	v11 =	vmax.f32 v10, v14  }
0x2cb: {  	v10 =	vld.idx.msk [tilespmem:v12+s2+$0x0], $0xffff;
	v12 =	vmov s29;
	v14 =	vmul.f32 $1.442695020e+00, v11  }
0x2cc: {  	s3 =	simm.s32 $0x4F80;
	v11 =	vld.idx.msk [tilespmem:v13+s2+$0x0], $0xffff;
	v13 =	vmul.u32 $0x50, v12;
	(erf) = vpow2.f32 v15  }
0x2cd: {  	s24 =	simm.s32 $0x30;
	v12 =	vld [tilespmem:s3+$0x0];
	(erf) = vpow2.f32 v14  }
.LBB2_21:
0x2ce: {  	p0 =	sne.s32 s24, $0x40;
	v13 =	vbroadcast v13, $0x0;
	_ =	sdelay $0x1  }
0x2cf: {  	v14 =	vadd.s32 v2, v13  }
0x2d0: {  	v13 =	vadd.s32 v3, v13;
	v10 =	vadd.f32 v10, v8  }
0x2d1: {  	v11 =	vadd.f32 v11, v9;
	v12 =	vshll.u32 v12, $0x1  }
0x2d2: {  	v9 =	vmul.f32 $2.000000030e-01, v10;
	v15 =	vor.u32 $0x1, v12  }
0x2d3: {  	v19 =	vmul.f32 $2.000000030e-01, v11  }
.Ltmp9:
0x2d4: {  	v10 =	vmax.f32 v10, v9;
	v8 =	vld.idx.msk [tilespmem:v14+s25+$0x0], $0xffff;
	v17 =	vpop (erf);
	(pc) =	sbr.rel @p0 .LBB2_21-.Ltmp9, $4  }
0x2d5: {  	s17 =	simm.s32 $0x0;
	v18 =	vmul.f32 $1.442695020e+00, v10;
	v11 =	vmax.f32 v11, v19;
	v9 =	vld.idx.msk [tilespmem:v13+s25+$0x0], $0xffff;
	[tilespmem:v5+s15+$0x0] =	vst.idx.msk $0xffff, v17;
	v16 =	vpop (erf);
	v5 =	vmov v7  }
0x2d6: {  	v17 =	vmov s24;
	v19 =	vmul.f32 $1.442695020e+00, v11;
	v7 =	vmovc v14;
	v10 =	vld.idx.msk [tilespmem:v12+s17+$0x0], $0xffff;
	[tilespmem:v4+s15+$0x0] =	vst.idx.msk $0xffff, v16;
	v4 =	vmovc v6;
	v6 =	vmov v13  }
0x2d7: {  	s3 =	sadd.s32 $0x10, s3;
	v13 =	vmul.u32 $0x50, v17;
	v11 =	vld.idx.msk [tilespmem:v15+s17+$0x0], $0xffff;
	(erf) = vpow2.f32 v18  }
0x2d8: {  	s24 =	sadd.s32 $0x10, s24;
	v12 =	vld [tilespmem:s3+$0x0];
	(erf) = vpow2.f32 v19  }
0x2d9: {  	v13 =	vbroadcast v13, $0x0;
	_ =	sdelay $0x1  }
0x2da: {  	v14 =	vadd.s32 v2, v13  }
0x2db: {  	v13 =	vadd.s32 v3, v13  }
0x2dc: {  	v12 =	vshll.u32 v12, $0x1  }
0x2dd: {  	v15 =	vor.u32 $0x1, v12;
	_ =	sdelay $0x1  }
0x2de: {  	v16 =	vld.idx.msk [tilespmem:v14+s25+$0x0], $0xffff  }
0x2df: {  	v17 =	vld.idx.msk [tilespmem:v13+s25+$0x0], $0xffff  }
0x2e0: {  	v12 =	vld.idx.msk [tilespmem:v12+s17+$0x0], $0xffff  }
0x2e1: {  	v15 =	vld.idx.msk [tilespmem:v15+s17+$0x0], $0xffff;
	_ =	sdelay $0x1  }
0x2e2: {  	v8 =	vadd.f32 v10, v8  }
0x2e3: {  	v9 =	vadd.f32 v11, v9  }
0x2e4: {  	v10 =	vmul.f32 $2.000000030e-01, v8;
	v11 =	vadd.f32 v12, v16  }
0x2e5: {  	v62 =	vmul.f32 $2.000000030e-01, v9;
	v15 =	vadd.f32 v15, v17  }
0x2e6: {  	v8 =	vmax.f32 v8, v10;
	v10 =	vmul.f32 $2.000000030e-01, v11  }
0x2e7: {  	v8 =	vmul.f32 $1.442695020e+00, v8;
	v9 =	vmax.f32 v9, v62;
	v63 =	vmul.f32 $2.000000030e-01, v15  }
0x2e8: {  	v9 =	vmul.f32 $1.442695020e+00, v9;
	v10 =	vmax.f32 v11, v10  }
0x2e9: {  	(erf) = vpow2.f32 v8;
	v8 =	vmul.f32 $1.442695020e+00, v10;
	v10 =	vmax.f32 v15, v63  }
0x2ea: {  	(erf) = vpow2.f32 v9;
	v9 =	vmul.f32 $1.442695020e+00, v10  }
0x2eb: {  	(erf) = vpow2.f32 v8  }
0x2ec: {  	(erf) = vpow2.f32 v9;
	_ =	sdelay $0x3  }
0x2ed: {  	v8 =	vpop (erf)  }
0x2ee: {  	v9 =	vpop (erf);
	[tilespmem:v5+s15+$0x0] =	vst.idx.msk $0xffff, v8  }
0x2ef: {  	v5 =	vpop (erf);
	[tilespmem:v4+s15+$0x0] =	vst.idx.msk $0xffff, v9  }
0x2f0: {  	v4 =	vpop (erf);
	[tilespmem:v7+s15+$0x0] =	vst.idx.msk $0xffff, v5  }
0x2f1: {  	[tilespmem:v6+s15+$0x0] =	vst.idx.msk $0xffff, v4;
	v4 =	vpop (erf)  }
0x2f2: {  	[tilespmem:v14+s15+$0x0] =	vst.idx.msk $0xffff, v4;
	v4 =	vpop (erf)  }
0x2f3: {  	s3 =	simm.s32 $0x0;
	p1 =	por $0x1, $0x1;
	[tilespmem:v13+s15+$0x0] =	vst.idx.msk $0xffff, v4  }
.Ltmp10:
0x2f4: {  	v5 =	vld [tilespmem:s3+$0x8420];
	(pc) =	sbr.rel @!p1 .LBB2_23-.Ltmp10, $4  }
0x2f5: {  	v11 =	vld [tilespmem:s3+$0x51E0]  }
0x2f6: {  	v6 =	vld [tilespmem:s3+$0x5210]  }
0x2f7: {  	v4 =	vld [tilespmem:s3+$0x51F0]  }
0x2f8: {  	p0 =	por $0x0, $0x0;
	v7 =	vld [tilespmem:s3+$0x5200]  }
0x2f9: {  	s17 =	simm.s32 $0x50;
	v10 =	vbroadcast v5, $0x1;
	p1 =	por $0x1, $0x1  }
.Ltmp11:
0x2fa: {  	v9 =	vbroadcast v5, $0x0;
	v5 =	vld [tilespmem:s17+$0x8420];
	(pc) =	sbr.rel @!p1 .LBB2_25-.Ltmp11, $4  }
0x2fb: {  	v8 =	vld [tilespmem:s17+$0x51E0];
	v12 =	vmul.f32 v6, v10  }
0x2fc: {  	v11 =	vmul.f32 v9, v11;
	v6 =	vld [tilespmem:s17+$0x5210]  }
0x2fd: {  	v9 =	vmul.f32 v4, v9;
	v4 =	vld [tilespmem:s17+$0x51F0];
	[tilespmem:s3+$0x8410] =	vst v12  }
0x2fe: {  	s24 =	simm.s32 $0x280;
	p0 =	por $0x1, $0x1;
	v10 =	vmul.f32 v7, v10;
	v7 =	vld [tilespmem:s17+$0x5200];
	[tilespmem:s3+$0x83E0] =	vst v11  }
.LBB2_26:
0x2ff: {  	s26 =	sshra.s32 s24, $0x2;
	p1 =	sne.s32 s24, $0x62C0;
	s24 =	sadd.s32 $0x140, s24;
	v11 =	vbroadcast v5, $0x0;
	v12 =	vbroadcast v5, $0x1;
	[tilespmem:s3+$0x83F0] =	vst v9  }
.Ltmp12:
0x300: {  	v5 =	vld [tilespmem:s26+$0x8420];
	[tilespmem:s3+$0x8400] =	vst v10;
	s3 =	smov.u32 s17;
	s17 =	smov.u32 s26;
	(pc) =	sbr.rel @p1 .LBB2_26-.Ltmp12, $4  }
0x301: {  	v13 =	vmul.f32 v11, v8;
	v8 =	vld [tilespmem:s17+$0x51E0];
	v14 =	vmul.f32 v6, v12  }
0x302: {  	v6 =	vld [tilespmem:s17+$0x5210];
	v9 =	vmul.f32 v4, v11  }
0x303: {  	v4 =	vld [tilespmem:s17+$0x51F0];
	v10 =	vmul.f32 v7, v12;
	[tilespmem:s3+$0x8410] =	vst v14  }
0x304: {  	v7 =	vld [tilespmem:s17+$0x5200];
	[tilespmem:s3+$0x83E0] =	vst v13  }
0x305: {  	_ = 	snop  }
0x306: {  	s24 =	smov.u32 s3;
	s3 =	smov.u32 s17;
	v11 =	vmov v8  }
.LBB2_28:
0x307: {  	v8 =	vbroadcast v5, $0x1  }
0x308: {  	v5 =	vbroadcast v5, $0x0  }
0x309: {  	[tilespmem:s24+$0x83F0] =	vst @p0 v9;
	v6 =	vmul.f32 v6, v8  }
0x30a: {  	[tilespmem:s24+$0x8400] =	vst @p0 v10;
	v9 =	vmul.f32 v5, v11  }
0x30b: {  	v4 =	vmul.f32 v4, v5;
	[tilespmem:s3+$0x8410] =	vst v6  }
0x30c: {  	v5 =	vmul.f32 v7, v8;
	[tilespmem:s3+$0x83E0] =	vst v9  }
0x30d: {  	[tilespmem:s3+$0x83F0] =	vst v4  }
0x30e: {  	[tilespmem:s3+$0x8400] =	vst v5  }
0x30f: {  	v4 =	vld [tilespmem:$0x4F60]  }
0x310: {  	v5 =	vld [tilespmem:$0x4F70]  }
0x311: {  	v6 =	vld [tilespmem:$0x4F80]  }
0x312: {  	v7 =	vld [tilespmem:$0x4F90]  }
0x313: {  	v8 =	vld [tilespmem:$0x4FA0]  }
0x314: {  	[tilespmem:$0x5000] =	vst v4  }
0x315: {  	[tilespmem:$0x5010] =	vst v5  }
0x316: {  	[tilespmem:$0x5020] =	vst v6  }
0x317: {  	[tilespmem:$0x5030] =	vst v7  }
0x318: {  	s17 =	simm.s32 $0x5000;
	[tilespmem:$0x5040] =	vst v8  }
0x319: {  	[spmem:s1] =	stream.indirect.scatter.add.f32 [tilespmem:s15], [sflag:$0x3], $0x50, s17, s23, $0xb8;
	[tilespmem:$0x1F180] =	vst v63  }
0x31a: {  	_ =	swait.ge [sflag:s22], $0x50  }
0x31b: {  	[sflag:s22] =	ssyncset.done $0x0  }
0x31c: {  	[sflag:s22] =	ssyncadd.s32 $0xFFFFFFB0  }
0x31d: {  	_ =	swait.ge [sflag:s22], $0x50  }
0x31e: {  	[sflag:s22] =	ssyncset.done $0x0  }
0x31f: {  	[sflag:s22] =	ssyncadd.s32 $0xFFFFFFB0  }
0x320: {  	v4 =	vld [tilespmem:$0x4E20]  }
0x321: {  	v5 =	vld [tilespmem:$0x4EC0]  }
0x322: {  	v6 =	vld [tilespmem:$0x4E30]  }
0x323: {  	v7 =	vld [tilespmem:$0x4ED0];
	_ =	sdelay $0x1  }
0x324: {  	v8 =	vld [tilespmem:$0x4E40]  }
0x325: {  	v9 =	vld [tilespmem:$0x4EE0]  }
0x326: {  	[tilespmem:$0x4F60] =	vst v4;
	v4 =	vadd.s32 v0, v5;
	v5 =	vld [tilespmem:$0x4E50]  }
0x327: {  	[tilespmem:$0x4F70] =	vst v6;
	v6 =	vadd.s32 v0, v7;
	v7 =	vld [tilespmem:$0x4E60]  }
0x328: {  	[tilespmem:$0x5140] =	vst v4;
	v4 =	vld [tilespmem:$0x4EF0]  }
0x329: {  	[tilespmem:$0x5150] =	vst v6;
	v6 =	vld [tilespmem:$0x4F00]  }
0x32a: {  	s18 =	sshll.u32 s19, $0x2;
	s17 =	rddreg [dreg:$0x17];
	[tilespmem:$0x4F80] =	vst v8;
	v8 =	vadd.s32 v0, v9  }
0x32b: {  	s26 =	sadd.s32 s18, s17;
	[tilespmem:$0x5160] =	vst v8  }
0x32c: {  	s3 =	smul.u32 $0x50, s26;
	[tilespmem:$0x4F90] =	vst v5  }
0x32d: {  	[tilespmem:$0x4FA0] =	vst v7;
	v4 =	vadd.s32 v0, v4  }
0x32e: {  	s3 =	sshrl.u32 s3, $0x3;
	[tilespmem:$0x5170] =	vst v4;
	v4 =	vadd.s32 v0, v6  }
0x32f: {  	s24 =	simm.s32 $0x5140;
	s18 =	sadd.s32 $0x28, s3;
	[tilespmem:$0x5180] =	vst v4  }
0x330: {  	[tilespmem:s25], [sflag:$0x1] =	stream.indirect.gather [hbm4b:s4+s23], $0x50, s24, s23, $0xb8;
	[tilespmem:$0x1F180] =	vst v63  }
0x331: {  	s29 =	sadd.s32 s5, s18;
	s24 =	simm.s32 $0x0  }
0x332: {  	[tilespmem:s20], [sflag:$0x7] =	stream.linear.gather [hbm4b:s29+s24], $0x50, $0x38;
	[tilespmem:$0x1F180] =	vst v63  }
0x333: {  	s17 =	sadd.s32 s6, s18  }
0x334: {  	[tilespmem:s21], [sflag:$0x7] =	stream.linear.gather [hbm4b:s17+s24], $0x50, $0x38;
	[tilespmem:$0x1F180] =	vst v63  }
0x335: {  	_ =	swait.ge [sflag:s12], $0x1900  }
0x336: {  	[sflag:s12] =	ssyncset.done $0x0  }
0x337: {  	[sflag:s12] =	ssyncadd.s32 $0xFFFFE700  }
0x338: {  	v4 =	vmov s24;
	_ =	swait.ge [sflag:s8], $0x1900  }
0x339: {  	v4 =	vmul.u32 $0x50, v4;
	[sflag:s8] =	ssyncset.done $0x0  }
0x33a: {  	s18 =	simm.s32 $0x4FB0;
	[sflag:s8] =	ssyncadd.s32 $0xFFFFE700  }
0x33b: {  	v4 =	vbroadcast v4, $0x0;
	v6 =	vld [tilespmem:s18+$0x0];
	_ =	sdelay $0x1  }
0x33c: {  	v5 =	vadd.s32 v2, v4  }
0x33d: {  	v4 =	vadd.s32 v3, v4;
	_ =	sdelay $0x1  }
0x33e: {  	v6 =	vshll.u32 v6, $0x1  }
0x33f: {  	v7 =	vor.u32 $0x1, v6  }
0x340: {  	v8 =	vld.idx.msk [tilespmem:v5+s30+$0x0], $0xffff;
	s18 =	simm.s32 $0x10  }
0x341: {  	v9 =	vld.idx.msk [tilespmem:v4+s30+$0x0], $0xffff;
	v10 =	vmov s18;
	s18 =	simm.s32 $0x4FC0  }
0x342: {  	v12 =	vld [tilespmem:s18+$0x0]  }
0x343: {  	v11 =	vld.idx.msk [tilespmem:v6+s24+$0x0], $0xffff;
	v6 =	vmul.u32 $0x50, v10  }
0x344: {  	v10 =	vld.idx.msk [tilespmem:v7+s24+$0x0], $0xffff  }
0x345: {  	v6 =	vbroadcast v6, $0x0;
	_ =	sdelay $0x1  }
0x346: {  	v7 =	vadd.s32 v2, v6  }
0x347: {  	v6 =	vadd.s32 v3, v6;
	v11 =	vadd.f32 v11, v8  }
0x348: {  	v12 =	vshll.u32 v12, $0x1;
	v10 =	vadd.f32 v10, v9  }
0x349: {  	v13 =	vor.u32 $0x1, v12;
	v9 =	vmul.f32 $2.000000030e-01, v11  }
0x34a: {  	v14 =	vmul.f32 $2.000000030e-01, v10  }
0x34b: {  	v8 =	vld.idx.msk [tilespmem:v7+s30+$0x0], $0xffff;
	v11 =	vmax.f32 v11, v9  }
0x34c: {  	s18 =	simm.s32 $0x20;
	v9 =	vld.idx.msk [tilespmem:v6+s30+$0x0], $0xffff;
	v15 =	vmul.f32 $1.442695020e+00, v11;
	v11 =	vmax.f32 v10, v14  }
0x34d: {  	v10 =	vld.idx.msk [tilespmem:v12+s24+$0x0], $0xffff;
	v12 =	vmov s18;
	v14 =	vmul.f32 $1.442695020e+00, v11  }
0x34e: {  	s29 =	simm.s32 $0x4FD0;
	v11 =	vld.idx.msk [tilespmem:v13+s24+$0x0], $0xffff;
	v13 =	vmul.u32 $0x50, v12;
	(erf) = vpow2.f32 v15  }
0x34f: {  	s17 =	simm.s32 $0x30;
	v12 =	vld [tilespmem:s29+$0x0];
	(erf) = vpow2.f32 v14  }
.LBB2_29:
0x350: {  	p0 =	sne.s32 s17, $0x40;
	v13 =	vbroadcast v13, $0x0;
	_ =	sdelay $0x1  }
0x351: {  	v14 =	vadd.s32 v2, v13  }
0x352: {  	v13 =	vadd.s32 v3, v13;
	v10 =	vadd.f32 v10, v8  }
0x353: {  	v11 =	vadd.f32 v11, v9;
	v12 =	vshll.u32 v12, $0x1  }
0x354: {  	v9 =	vmul.f32 $2.000000030e-01, v10;
	v15 =	vor.u32 $0x1, v12  }
0x355: {  	v19 =	vmul.f32 $2.000000030e-01, v11  }
.Ltmp13:
0x356: {  	v10 =	vmax.f32 v10, v9;
	v8 =	vld.idx.msk [tilespmem:v14+s30+$0x0], $0xffff;
	v17 =	vpop (erf);
	(pc) =	sbr.rel @p0 .LBB2_29-.Ltmp13, $4  }
0x357: {  	v18 =	vmul.f32 $1.442695020e+00, v10;
	v11 =	vmax.f32 v11, v19;
	v9 =	vld.idx.msk [tilespmem:v13+s30+$0x0], $0xffff;
	[tilespmem:v5+s9+$0x0] =	vst.idx.msk $0xffff, v17;
	v16 =	vpop (erf);
	v5 =	vmov v7  }
0x358: {  	v17 =	vmov s17;
	v19 =	vmul.f32 $1.442695020e+00, v11;
	v7 =	vmovc v14;
	v10 =	vld.idx.msk [tilespmem:v12+s24+$0x0], $0xffff;
	[tilespmem:v4+s9+$0x0] =	vst.idx.msk $0xffff, v16;
	v4 =	vmovc v6;
	v6 =	vmov v13  }
0x359: {  	s29 =	sadd.s32 $0x10, s29;
	v13 =	vmul.u32 $0x50, v17;
	v11 =	vld.idx.msk [tilespmem:v15+s24+$0x0], $0xffff;
	(erf) = vpow2.f32 v18  }
0x35a: {  	s17 =	sadd.s32 $0x10, s17;
	v12 =	vld [tilespmem:s29+$0x0];
	(erf) = vpow2.f32 v19  }
0x35b: {  	v13 =	vbroadcast v13, $0x0;
	_ =	sdelay $0x1  }
0x35c: {  	v14 =	vadd.s32 v2, v13  }
0x35d: {  	v13 =	vadd.s32 v3, v13  }
0x35e: {  	v12 =	vshll.u32 v12, $0x1  }
0x35f: {  	v15 =	vor.u32 $0x1, v12;
	_ =	sdelay $0x1  }
0x360: {  	v16 =	vld.idx.msk [tilespmem:v14+s30+$0x0], $0xffff  }
0x361: {  	v17 =	vld.idx.msk [tilespmem:v13+s30+$0x0], $0xffff  }
0x362: {  	v12 =	vld.idx.msk [tilespmem:v12+s24+$0x0], $0xffff  }
0x363: {  	v15 =	vld.idx.msk [tilespmem:v15+s24+$0x0], $0xffff;
	_ =	sdelay $0x1  }
0x364: {  	v8 =	vadd.f32 v10, v8  }
0x365: {  	v9 =	vadd.f32 v11, v9  }
0x366: {  	v10 =	vmul.f32 $2.000000030e-01, v8;
	v11 =	vadd.f32 v12, v16  }
0x367: {  	v60 =	vmul.f32 $2.000000030e-01, v9;
	v15 =	vadd.f32 v15, v17  }
0x368: {  	v8 =	vmax.f32 v8, v10;
	v10 =	vmul.f32 $2.000000030e-01, v11  }
0x369: {  	v8 =	vmul.f32 $1.442695020e+00, v8;
	v9 =	vmax.f32 v9, v60;
	v61 =	vmul.f32 $2.000000030e-01, v15  }
0x36a: {  	v9 =	vmul.f32 $1.442695020e+00, v9;
	v10 =	vmax.f32 v11, v10  }
0x36b: {  	(erf) = vpow2.f32 v8;
	v8 =	vmul.f32 $1.442695020e+00, v10;
	v10 =	vmax.f32 v15, v61  }
0x36c: {  	(erf) = vpow2.f32 v9;
	v9 =	vmul.f32 $1.442695020e+00, v10  }
0x36d: {  	(erf) = vpow2.f32 v8  }
0x36e: {  	(erf) = vpow2.f32 v9;
	_ =	sdelay $0x3  }
0x36f: {  	v8 =	vpop (erf)  }
0x370: {  	v9 =	vpop (erf);
	[tilespmem:v5+s9+$0x0] =	vst.idx.msk $0xffff, v8  }
0x371: {  	v5 =	vpop (erf);
	[tilespmem:v4+s9+$0x0] =	vst.idx.msk $0xffff, v9  }
0x372: {  	v4 =	vpop (erf);
	[tilespmem:v7+s9+$0x0] =	vst.idx.msk $0xffff, v5  }
0x373: {  	[tilespmem:v6+s9+$0x0] =	vst.idx.msk $0xffff, v4;
	v4 =	vpop (erf)  }
0x374: {  	[tilespmem:v14+s9+$0x0] =	vst.idx.msk $0xffff, v4;
	v4 =	vpop (erf)  }
0x375: {  	s29 =	simm.s32 $0x0;
	[tilespmem:v13+s9+$0x0] =	vst.idx.msk $0xffff, v4  }
0x376: {  	v4 =	vld [tilespmem:s29+$0x9D20];
	_ =	sdelay $0x1  }
0x377: {  	v5 =	vld [tilespmem:s29+$0x6B10]  }
0x378: {  	v7 =	vld [tilespmem:s29+$0x6AE0]  }
0x379: {  	v8 =	vld [tilespmem:s29+$0x6AF0]  }
0x37a: {  	s24 =	simm.s32 $0x50;
	v9 =	vld [tilespmem:s29+$0x6B00];
	v11 =	vbroadcast v4, $0x1  }
0x37b: {  	v6 =	vld [tilespmem:s24+$0x9D20];
	v10 =	vbroadcast v4, $0x0  }
0x37c: {  	v4 =	vld [tilespmem:s24+$0x6AE0];
	v62 =	vmul.f32 v5, v11  }
0x37d: {  	v63 =	vmul.f32 v10, v7;
	v7 =	vld [tilespmem:s24+$0x6B10]  }
0x37e: {  	v5 =	vld [tilespmem:s24+$0x6AF0];
	v10 =	vmul.f32 v8, v10;
	[tilespmem:s29+$0x9D10] =	vst v62  }
0x37f: {  	s17 =	simm.s32 $0x280;
	v9 =	vmul.f32 v9, v11;
	v8 =	vld [tilespmem:s24+$0x6B00];
	[tilespmem:s29+$0x9CE0] =	vst v63  }
.LBB2_31:
0x380: {  	s18 =	sshra.s32 s17, $0x2;
	p0 =	sne.s32 s17, $0x62C0;
	s17 =	sadd.s32 $0x140, s17;
	v11 =	vbroadcast v6, $0x0;
	v12 =	vbroadcast v6, $0x1;
	[tilespmem:s29+$0x9CF0] =	vst v10  }
.Ltmp14:
0x381: {  	v6 =	vld [tilespmem:s18+$0x9D20];
	[tilespmem:s29+$0x9D00] =	vst v9;
	s29 =	smov.u32 s24;
	s24 =	smov.u32 s18;
	(pc) =	sbr.rel @p0 .LBB2_31-.Ltmp14, $4  }
0x382: {  	v13 =	vmul.f32 v11, v4;
	v4 =	vld [tilespmem:s24+$0x6AE0];
	v14 =	vmul.f32 v7, v12  }
0x383: {  	v7 =	vld [tilespmem:s24+$0x6B10];
	v10 =	vmul.f32 v5, v11  }
0x384: {  	v5 =	vld [tilespmem:s24+$0x6AF0];
	v9 =	vmul.f32 v8, v12;
	[tilespmem:s29+$0x9D10] =	vst v14  }
0x385: {  	v8 =	vld [tilespmem:s24+$0x6B00];
	[tilespmem:s29+$0x9CE0] =	vst v13  }
0x386: {  	v11 =	vbroadcast v6, $0x1  }
0x387: {  	v6 =	vbroadcast v6, $0x0  }
0x388: {  	[tilespmem:s29+$0x9CF0] =	vst v10;
	v7 =	vmul.f32 v7, v11  }
0x389: {  	[tilespmem:s29+$0x9D00] =	vst v9;
	v4 =	vmul.f32 v6, v4  }
0x38a: {  	v5 =	vmul.f32 v5, v6;
	[tilespmem:s24+$0x9D10] =	vst v7  }
0x38b: {  	v6 =	vmul.f32 v8, v11;
	[tilespmem:s24+$0x9CE0] =	vst v4  }
0x38c: {  	[tilespmem:s24+$0x9CF0] =	vst v5  }
0x38d: {  	[tilespmem:s24+$0x9D00] =	vst v6  }
0x38e: {  	v4 =	vld [tilespmem:$0x4FB0]  }
0x38f: {  	v5 =	vld [tilespmem:$0x4FC0]  }
0x390: {  	v6 =	vld [tilespmem:$0x4FD0]  }
0x391: {  	v7 =	vld [tilespmem:$0x4FE0]  }
0x392: {  	v8 =	vld [tilespmem:$0x4FF0]  }
0x393: {  	[tilespmem:$0x5050] =	vst v4  }
0x394: {  	[tilespmem:$0x5060] =	vst v5  }
0x395: {  	[tilespmem:$0x5070] =	vst v6  }
0x396: {  	[tilespmem:$0x5080] =	vst v7  }
0x397: {  	s17 =	simm.s32 $0x5050;
	[tilespmem:$0x5090] =	vst v8  }
0x398: {  	[spmem:s1] =	stream.indirect.scatter.add.f32 [tilespmem:s9], [sflag:$0x4], $0x50, s17, s23, $0xb8;
	[tilespmem:$0x1F180] =	vst v63  }
0x399: {  	_ =	swait.ge [sflag:s28], $0x50  }
0x39a: {  	[sflag:s28] =	ssyncset.done $0x0  }
0x39b: {  	[sflag:s28] =	ssyncadd.s32 $0xFFFFFFB0  }
0x39c: {  	_ =	swait.ge [sflag:s28], $0x50  }
0x39d: {  	[sflag:s28] =	ssyncset.done $0x0  }
0x39e: {  	[sflag:s28] =	ssyncadd.s32 $0xFFFFFFB0  }
0x39f: {  	v4 =	vld [tilespmem:$0x4E70]  }
0x3a0: {  	v5 =	vld [tilespmem:$0x4F10]  }
0x3a1: {  	v6 =	vld [tilespmem:$0x4E80]  }
0x3a2: {  	v7 =	vld [tilespmem:$0x4F20];
	_ =	sdelay $0x1  }
0x3a3: {  	v8 =	vld [tilespmem:$0x4E90]  }
0x3a4: {  	v9 =	vld [tilespmem:$0x4F30]  }
0x3a5: {  	[tilespmem:$0x4FB0] =	vst v4;
	v4 =	vadd.s32 v0, v5;
	v5 =	vld [tilespmem:$0x4EA0]  }
0x3a6: {  	[tilespmem:$0x4FC0] =	vst v6;
	v6 =	vadd.s32 v0, v7;
	v7 =	vld [tilespmem:$0x4EB0]  }
0x3a7: {  	[tilespmem:$0x5190] =	vst v4;
	v4 =	vld [tilespmem:$0x4F40]  }
0x3a8: {  	[tilespmem:$0x51A0] =	vst v6;
	v6 =	vld [tilespmem:$0x4F50]  }
0x3a9: {  	[tilespmem:$0x4FD0] =	vst v8;
	v8 =	vadd.s32 v0, v9  }
0x3aa: {  	[tilespmem:$0x51B0] =	vst v8  }
0x3ab: {  	[tilespmem:$0x4FE0] =	vst v5  }
0x3ac: {  	[tilespmem:$0x4FF0] =	vst v7;
	v4 =	vadd.s32 v0, v4  }
0x3ad: {  	[tilespmem:$0x51C0] =	vst v4;
	v4 =	vadd.s32 v0, v6  }
0x3ae: {  	s18 =	simm.s32 $0x5190;
	s24 =	sadd.s32 $0x32, s3;
	[tilespmem:$0x51D0] =	vst v4  }
0x3af: {  	[tilespmem:s30], [sflag:$0x2] =	stream.indirect.gather [hbm4b:s4+s23], $0x50, s18, s23, $0xb8;
	[tilespmem:$0x1F180] =	vst v63  }
0x3b0: {  	s29 =	simm.s32 $0x4E70;
	s3 =	simm.s32 $0x0;
	s18 =	sadd.s32 s5, s24  }
0x3b1: {  	[tilespmem:s29], [sflag:$0x8] =	stream.linear.gather [hbm4b:s18+s3], $0x50, $0x38;
	[tilespmem:$0x1F180] =	vst v63  }
0x3b2: {  	s17 =	sadd.s32 s6, s24;
	s24 =	simm.s32 $0x4F10  }
0x3b3: {  	[tilespmem:s24], [sflag:$0x8] =	stream.linear.gather [hbm4b:s17+s3], $0x50, $0x38;
	[tilespmem:$0x1F180] =	vst v63  }
0x3b4: {  	_ =	swait.ge [sflag:s14], $0x1900  }
0x3b5: {  	[sflag:s14] =	ssyncset.done $0x0  }
0x3b6: {  	[sflag:s14] =	ssyncadd.s32 $0xFFFFE700  }
0x3b7: {  	v4 =	vmov s3;
	_ =	swait.ge [sflag:s31], $0x1900  }
0x3b8: {  	v4 =	vmul.u32 $0x50, v4;
	[sflag:s31] =	ssyncset.done $0x0  }
0x3b9: {  	s18 =	simm.s32 $0x4F60;
	[sflag:s31] =	ssyncadd.s32 $0xFFFFE700  }
0x3ba: {  	v4 =	vbroadcast v4, $0x0;
	v6 =	vld [tilespmem:s18+$0x0];
	_ =	sdelay $0x1  }
0x3bb: {  	v5 =	vadd.s32 v2, v4  }
0x3bc: {  	v4 =	vadd.s32 v3, v4;
	_ =	sdelay $0x1  }
0x3bd: {  	v6 =	vshll.u32 v6, $0x1  }
0x3be: {  	v7 =	vor.u32 $0x1, v6  }
0x3bf: {  	v8 =	vld.idx.msk [tilespmem:v5+s25+$0x0], $0xffff  }
0x3c0: {  	s24 =	simm.s32 $0x10;
	v9 =	vld.idx.msk [tilespmem:v4+s25+$0x0], $0xffff;
	s18 =	simm.s32 $0x4F70  }
0x3c1: {  	v10 =	vmov s24;
	v12 =	vld [tilespmem:s18+$0x0]  }
0x3c2: {  	v11 =	vld.idx.msk [tilespmem:v6+s3+$0x0], $0xffff;
	v6 =	vmul.u32 $0x50, v10  }
0x3c3: {  	v10 =	vld.idx.msk [tilespmem:v7+s3+$0x0], $0xffff  }
0x3c4: {  	v6 =	vbroadcast v6, $0x0;
	_ =	sdelay $0x1  }
0x3c5: {  	v7 =	vadd.s32 v2, v6  }
0x3c6: {  	v6 =	vadd.s32 v3, v6;
	v11 =	vadd.f32 v11, v8  }
0x3c7: {  	v12 =	vshll.u32 v12, $0x1;
	v10 =	vadd.f32 v10, v9  }
0x3c8: {  	v13 =	vor.u32 $0x1, v12;
	v9 =	vmul.f32 $2.000000030e-01, v11  }
0x3c9: {  	v14 =	vmul.f32 $2.000000030e-01, v10  }
0x3ca: {  	v8 =	vld.idx.msk [tilespmem:v7+s25+$0x0], $0xffff;
	v11 =	vmax.f32 v11, v9  }
0x3cb: {  	s24 =	simm.s32 $0x20;
	v9 =	vld.idx.msk [tilespmem:v6+s25+$0x0], $0xffff;
	v15 =	vmul.f32 $1.442695020e+00, v11;
	v11 =	vmax.f32 v10, v14  }
0x3cc: {  	v10 =	vld.idx.msk [tilespmem:v12+s3+$0x0], $0xffff;
	v12 =	vmov s24;
	v14 =	vmul.f32 $1.442695020e+00, v11  }
0x3cd: {  	s24 =	simm.s32 $0x4F80;
	v11 =	vld.idx.msk [tilespmem:v13+s3+$0x0], $0xffff;
	v13 =	vmul.u32 $0x50, v12;
	(erf) = vpow2.f32 v15  }
0x3ce: {  	s17 =	simm.s32 $0x30;
	v12 =	vld [tilespmem:s24+$0x0];
	(erf) = vpow2.f32 v14  }
.LBB2_33:
0x3cf: {  	p0 =	sne.s32 s17, $0x40;
	v13 =	vbroadcast v13, $0x0;
	_ =	sdelay $0x1  }
0x3d0: {  	v14 =	vadd.s32 v2, v13  }
0x3d1: {  	v13 =	vadd.s32 v3, v13;
	v10 =	vadd.f32 v10, v8  }
0x3d2: {  	v11 =	vadd.f32 v11, v9;
	v12 =	vshll.u32 v12, $0x1  }
0x3d3: {  	v9 =	vmul.f32 $2.000000030e-01, v10;
	v15 =	vor.u32 $0x1, v12  }
0x3d4: {  	v19 =	vmul.f32 $2.000000030e-01, v11  }
.Ltmp15:
0x3d5: {  	v10 =	vmax.f32 v10, v9;
	v8 =	vld.idx.msk [tilespmem:v14+s25+$0x0], $0xffff;
	v17 =	vpop (erf);
	(pc) =	sbr.rel @p0 .LBB2_33-.Ltmp15, $4  }
0x3d6: {  	v18 =	vmul.f32 $1.442695020e+00, v10;
	v11 =	vmax.f32 v11, v19;
	v9 =	vld.idx.msk [tilespmem:v13+s25+$0x0], $0xffff;
	[tilespmem:v5+s11+$0x0] =	vst.idx.msk $0xffff, v17;
	v16 =	vpop (erf);
	v5 =	vmov v7  }
0x3d7: {  	v17 =	vmov s17;
	v19 =	vmul.f32 $1.442695020e+00, v11;
	v7 =	vmovc v14;
	v10 =	vld.idx.msk [tilespmem:v12+s3+$0x0], $0xffff;
	[tilespmem:v4+s11+$0x0] =	vst.idx.msk $0xffff, v16;
	v4 =	vmovc v6;
	v6 =	vmov v13  }
0x3d8: {  	s24 =	sadd.s32 $0x10, s24;
	v13 =	vmul.u32 $0x50, v17;
	v11 =	vld.idx.msk [tilespmem:v15+s3+$0x0], $0xffff;
	(erf) = vpow2.f32 v18  }
0x3d9: {  	s17 =	sadd.s32 $0x10, s17;
	v12 =	vld [tilespmem:s24+$0x0];
	(erf) = vpow2.f32 v19  }
0x3da: {  	v13 =	vbroadcast v13, $0x0;
	_ =	sdelay $0x1  }
0x3db: {  	v14 =	vadd.s32 v2, v13  }
0x3dc: {  	v13 =	vadd.s32 v3, v13  }
0x3dd: {  	v12 =	vshll.u32 v12, $0x1  }
0x3de: {  	v15 =	vor.u32 $0x1, v12;
	_ =	sdelay $0x1  }
0x3df: {  	v16 =	vld.idx.msk [tilespmem:v14+s25+$0x0], $0xffff  }
0x3e0: {  	v17 =	vld.idx.msk [tilespmem:v13+s25+$0x0], $0xffff  }
0x3e1: {  	v12 =	vld.idx.msk [tilespmem:v12+s3+$0x0], $0xffff  }
0x3e2: {  	v15 =	vld.idx.msk [tilespmem:v15+s3+$0x0], $0xffff;
	_ =	sdelay $0x1  }
0x3e3: {  	v8 =	vadd.f32 v10, v8  }
0x3e4: {  	v9 =	vadd.f32 v11, v9  }
0x3e5: {  	v10 =	vmul.f32 $2.000000030e-01, v8;
	v11 =	vadd.f32 v12, v16  }
0x3e6: {  	v60 =	vmul.f32 $2.000000030e-01, v9;
	v15 =	vadd.f32 v15, v17  }
0x3e7: {  	v8 =	vmax.f32 v8, v10;
	v10 =	vmul.f32 $2.000000030e-01, v11  }
0x3e8: {  	v8 =	vmul.f32 $1.442695020e+00, v8;
	v9 =	vmax.f32 v9, v60;
	v61 =	vmul.f32 $2.000000030e-01, v15  }
0x3e9: {  	v9 =	vmul.f32 $1.442695020e+00, v9;
	v10 =	vmax.f32 v11, v10  }
0x3ea: {  	(erf) = vpow2.f32 v8;
	v8 =	vmul.f32 $1.442695020e+00, v10;
	v10 =	vmax.f32 v15, v61  }
0x3eb: {  	(erf) = vpow2.f32 v9;
	v9 =	vmul.f32 $1.442695020e+00, v10  }
0x3ec: {  	(erf) = vpow2.f32 v8  }
0x3ed: {  	(erf) = vpow2.f32 v9;
	_ =	sdelay $0x3  }
0x3ee: {  	v8 =	vpop (erf)  }
0x3ef: {  	v9 =	vpop (erf);
	[tilespmem:v5+s11+$0x0] =	vst.idx.msk $0xffff, v8  }
0x3f0: {  	v5 =	vpop (erf);
	[tilespmem:v4+s11+$0x0] =	vst.idx.msk $0xffff, v9  }
0x3f1: {  	v4 =	vpop (erf);
	[tilespmem:v7+s11+$0x0] =	vst.idx.msk $0xffff, v5  }
0x3f2: {  	[tilespmem:v6+s11+$0x0] =	vst.idx.msk $0xffff, v4;
	v4 =	vpop (erf)  }
0x3f3: {  	[tilespmem:v14+s11+$0x0] =	vst.idx.msk $0xffff, v4;
	v4 =	vpop (erf)  }
0x3f4: {  	s24 =	simm.s32 $0x0;
	[tilespmem:v13+s11+$0x0] =	vst.idx.msk $0xffff, v4  }
0x3f5: {  	v4 =	vld [tilespmem:s24+$0xB620];
	_ =	sdelay $0x1  }
0x3f6: {  	v5 =	vld [tilespmem:s24+$0x5210]  }
0x3f7: {  	v7 =	vld [tilespmem:s24+$0x51E0]  }
0x3f8: {  	v8 =	vld [tilespmem:s24+$0x51F0]  }
0x3f9: {  	s3 =	simm.s32 $0x50;
	v9 =	vld [tilespmem:s24+$0x5200];
	v11 =	vbroadcast v4, $0x1  }
0x3fa: {  	v6 =	vld [tilespmem:s3+$0xB620];
	v10 =	vbroadcast v4, $0x0  }
0x3fb: {  	v4 =	vld [tilespmem:s3+$0x51E0];
	v62 =	vmul.f32 v5, v11  }
0x3fc: {  	v63 =	vmul.f32 v10, v7;
	v7 =	vld [tilespmem:s3+$0x5210]  }
0x3fd: {  	v5 =	vld [tilespmem:s3+$0x51F0];
	v10 =	vmul.f32 v8, v10;
	[tilespmem:s24+$0xB610] =	vst v62  }
0x3fe: {  	s17 =	simm.s32 $0x280;
	v9 =	vmul.f32 v9, v11;
	v8 =	vld [tilespmem:s3+$0x5200];
	[tilespmem:s24+$0xB5E0] =	vst v63  }
.LBB2_35:
0x3ff: {  	s18 =	sshra.s32 s17, $0x2;
	p0 =	sne.s32 s17, $0x62C0;
	s17 =	sadd.s32 $0x140, s17;
	v11 =	vbroadcast v6, $0x0;
	v12 =	vbroadcast v6, $0x1;
	[tilespmem:s24+$0xB5F0] =	vst v10  }
.Ltmp16:
0x400: {  	v6 =	vld [tilespmem:s18+$0xB620];
	[tilespmem:s24+$0xB600] =	vst v9;
	s24 =	smov.u32 s3;
	s3 =	smov.u32 s18;
	(pc) =	sbr.rel @p0 .LBB2_35-.Ltmp16, $4  }
0x401: {  	v13 =	vmul.f32 v11, v4;
	v4 =	vld [tilespmem:s3+$0x51E0];
	v14 =	vmul.f32 v7, v12  }
0x402: {  	v7 =	vld [tilespmem:s3+$0x5210];
	v10 =	vmul.f32 v5, v11  }
0x403: {  	v5 =	vld [tilespmem:s3+$0x51F0];
	v9 =	vmul.f32 v8, v12;
	[tilespmem:s24+$0xB610] =	vst v14  }
0x404: {  	v8 =	vld [tilespmem:s3+$0x5200];
	[tilespmem:s24+$0xB5E0] =	vst v13  }
0x405: {  	v11 =	vbroadcast v6, $0x1  }
0x406: {  	v6 =	vbroadcast v6, $0x0  }
0x407: {  	[tilespmem:s24+$0xB5F0] =	vst v10;
	v7 =	vmul.f32 v7, v11  }
0x408: {  	[tilespmem:s24+$0xB600] =	vst v9;
	v4 =	vmul.f32 v6, v4  }
0x409: {  	v5 =	vmul.f32 v5, v6;
	[tilespmem:s3+$0xB610] =	vst v7  }
0x40a: {  	v6 =	vmul.f32 v8, v11;
	[tilespmem:s3+$0xB5E0] =	vst v4  }
0x40b: {  	[tilespmem:s3+$0xB5F0] =	vst v5  }
0x40c: {  	[tilespmem:s3+$0xB600] =	vst v6  }
0x40d: {  	v4 =	vld [tilespmem:$0x4F60]  }
0x40e: {  	v5 =	vld [tilespmem:$0x4F70]  }
0x40f: {  	v6 =	vld [tilespmem:$0x4F80]  }
0x410: {  	v7 =	vld [tilespmem:$0x4F90]  }
0x411: {  	v8 =	vld [tilespmem:$0x4FA0]  }
0x412: {  	[tilespmem:$0x50A0] =	vst v4  }
0x413: {  	[tilespmem:$0x50B0] =	vst v5  }
0x414: {  	[tilespmem:$0x50C0] =	vst v6  }
0x415: {  	[tilespmem:$0x50D0] =	vst v7  }
0x416: {  	s17 =	simm.s32 $0x50A0;
	[tilespmem:$0x50E0] =	vst v8  }
0x417: {  	[spmem:s1] =	stream.indirect.scatter.add.f32 [tilespmem:s11], [sflag:$0x5], $0x50, s17, s23, $0xb8;
	[tilespmem:$0x1F180] =	vst v63  }
0x418: {  	_ =	swait.ge [sflag:s22], $0x50  }
0x419: {  	[sflag:s22] =	ssyncset.done $0x0  }
0x41a: {  	[sflag:s22] =	ssyncadd.s32 $0xFFFFFFB0  }
0x41b: {  	_ =	swait.ge [sflag:s22], $0x50  }
0x41c: {  	[sflag:s22] =	ssyncset.done $0x0  }
0x41d: {  	[sflag:s22] =	ssyncadd.s32 $0xFFFFFFB0  }
0x41e: {  	v4 =	vld [tilespmem:$0x4E20]  }
0x41f: {  	v5 =	vld [tilespmem:$0x4EC0]  }
0x420: {  	v6 =	vld [tilespmem:$0x4E30]  }
0x421: {  	v7 =	vld [tilespmem:$0x4ED0];
	_ =	sdelay $0x1  }
0x422: {  	v8 =	vld [tilespmem:$0x4E40]  }
0x423: {  	v9 =	vld [tilespmem:$0x4EE0]  }
0x424: {  	[tilespmem:$0x4F60] =	vst v4;
	v4 =	vadd.s32 v0, v5;
	v5 =	vld [tilespmem:$0x4E50]  }
0x425: {  	[tilespmem:$0x4F70] =	vst v6;
	v6 =	vadd.s32 v0, v7;
	v7 =	vld [tilespmem:$0x4E60]  }
0x426: {  	[tilespmem:$0x5140] =	vst v4;
	v4 =	vld [tilespmem:$0x4EF0]  }
0x427: {  	[tilespmem:$0x5150] =	vst v6;
	v6 =	vld [tilespmem:$0x4F00]  }
0x428: {  	[tilespmem:$0x4F80] =	vst v8;
	v8 =	vadd.s32 v0, v9  }
0x429: {  	s18 =	smin.u32 s26, $0xF99;
	[tilespmem:$0x5160] =	vst v8  }
0x42a: {  	s3 =	smul.u32 $0x50, s18;
	[tilespmem:$0x4F90] =	vst v5  }
0x42b: {  	[tilespmem:$0x4FA0] =	vst v7;
	v4 =	vadd.s32 v0, v4  }
0x42c: {  	s3 =	sshrl.u32 s3, $0x3;
	[tilespmem:$0x5170] =	vst v4;
	v4 =	vadd.s32 v0, v6  }
0x42d: {  	s24 =	sadd.s32 $0x3C, s3;
	s17 =	simm.s32 $0x5140;
	[tilespmem:$0x5180] =	vst v4  }
0x42e: {  	[tilespmem:s25], [sflag:$0x1] =	stream.indirect.gather [hbm4b:s4+s23], $0x50, s17, s23, $0xb8;
	[tilespmem:$0x1F180] =	vst v63  }
0x42f: {  	s3 =	simm.s32 $0x0;
	s18 =	sadd.s32 s5, s24  }
0x430: {  	[tilespmem:s20], [sflag:$0x7] =	stream.linear.gather [hbm4b:s18+s3], $0x50, $0x38;
	[tilespmem:$0x1F180] =	vst v63  }
0x431: {  	s17 =	sadd.s32 s6, s24  }
0x432: {  	[tilespmem:s21], [sflag:$0x7] =	stream.linear.gather [hbm4b:s17+s3], $0x50, $0x38;
	[tilespmem:$0x1F180] =	vst v63  }
0x433: {  	_ =	swait.ge [sflag:s0], $0x1900  }
0x434: {  	[sflag:s0] =	ssyncset.done $0x0  }
0x435: {  	[sflag:s0] =	ssyncadd.s32 $0xFFFFE700  }
0x436: {  	v4 =	vmov s3;
	_ =	swait.ge [sflag:s8], $0x1900  }
0x437: {  	v4 =	vmul.u32 $0x50, v4;
	[sflag:s8] =	ssyncset.done $0x0  }
0x438: {  	s18 =	simm.s32 $0x4FB0;
	[sflag:s8] =	ssyncadd.s32 $0xFFFFE700  }
0x439: {  	v4 =	vbroadcast v4, $0x0;
	v6 =	vld [tilespmem:s18+$0x0];
	_ =	sdelay $0x1  }
0x43a: {  	v5 =	vadd.s32 v2, v4  }
0x43b: {  	v4 =	vadd.s32 v3, v4;
	_ =	sdelay $0x1  }
0x43c: {  	v6 =	vshll.u32 v6, $0x1  }
0x43d: {  	v7 =	vor.u32 $0x1, v6  }
0x43e: {  	v8 =	vld.idx.msk [tilespmem:v5+s30+$0x0], $0xffff  }
0x43f: {  	s24 =	simm.s32 $0x10;
	v9 =	vld.idx.msk [tilespmem:v4+s30+$0x0], $0xffff;
	s18 =	simm.s32 $0x4FC0  }
0x440: {  	v10 =	vmov s24;
	v12 =	vld [tilespmem:s18+$0x0]  }
0x441: {  	v11 =	vld.idx.msk [tilespmem:v6+s3+$0x0], $0xffff;
	v6 =	vmul.u32 $0x50, v10  }
0x442: {  	v10 =	vld.idx.msk [tilespmem:v7+s3+$0x0], $0xffff  }
0x443: {  	v6 =	vbroadcast v6, $0x0;
	_ =	sdelay $0x1  }
0x444: {  	v7 =	vadd.s32 v2, v6  }
0x445: {  	v6 =	vadd.s32 v3, v6;
	v11 =	vadd.f32 v11, v8  }
0x446: {  	v12 =	vshll.u32 v12, $0x1;
	v10 =	vadd.f32 v10, v9  }
0x447: {  	v13 =	vor.u32 $0x1, v12;
	v9 =	vmul.f32 $2.000000030e-01, v11  }
0x448: {  	v14 =	vmul.f32 $2.000000030e-01, v10  }
0x449: {  	v8 =	vld.idx.msk [tilespmem:v7+s30+$0x0], $0xffff;
	v11 =	vmax.f32 v11, v9  }
0x44a: {  	s24 =	simm.s32 $0x20;
	v9 =	vld.idx.msk [tilespmem:v6+s30+$0x0], $0xffff;
	v15 =	vmul.f32 $1.442695020e+00, v11;
	v11 =	vmax.f32 v10, v14  }
0x44b: {  	v10 =	vld.idx.msk [tilespmem:v12+s3+$0x0], $0xffff;
	v12 =	vmov s24;
	v14 =	vmul.f32 $1.442695020e+00, v11  }
0x44c: {  	s24 =	simm.s32 $0x4FD0;
	v11 =	vld.idx.msk [tilespmem:v13+s3+$0x0], $0xffff;
	v13 =	vmul.u32 $0x50, v12;
	(erf) = vpow2.f32 v15  }
0x44d: {  	s17 =	simm.s32 $0x30;
	v12 =	vld [tilespmem:s24+$0x0];
	(erf) = vpow2.f32 v14  }
.LBB2_37:
0x44e: {  	p0 =	sne.s32 s17, $0x40;
	v13 =	vbroadcast v13, $0x0;
	_ =	sdelay $0x1  }
0x44f: {  	v14 =	vadd.s32 v2, v13  }
0x450: {  	v13 =	vadd.s32 v3, v13;
	v10 =	vadd.f32 v10, v8  }
0x451: {  	v11 =	vadd.f32 v11, v9;
	v12 =	vshll.u32 v12, $0x1  }
0x452: {  	v9 =	vmul.f32 $2.000000030e-01, v10;
	v15 =	vor.u32 $0x1, v12  }
0x453: {  	v19 =	vmul.f32 $2.000000030e-01, v11  }
.Ltmp17:
0x454: {  	v10 =	vmax.f32 v10, v9;
	v8 =	vld.idx.msk [tilespmem:v14+s30+$0x0], $0xffff;
	v17 =	vpop (erf);
	(pc) =	sbr.rel @p0 .LBB2_37-.Ltmp17, $4  }
0x455: {  	v18 =	vmul.f32 $1.442695020e+00, v10;
	v11 =	vmax.f32 v11, v19;
	v9 =	vld.idx.msk [tilespmem:v13+s30+$0x0], $0xffff;
	[tilespmem:v5+s13+$0x0] =	vst.idx.msk $0xffff, v17;
	v16 =	vpop (erf);
	v5 =	vmov v7  }
0x456: {  	v17 =	vmov s17;
	v19 =	vmul.f32 $1.442695020e+00, v11;
	v7 =	vmovc v14;
	v10 =	vld.idx.msk [tilespmem:v12+s3+$0x0], $0xffff;
	[tilespmem:v4+s13+$0x0] =	vst.idx.msk $0xffff, v16;
	v4 =	vmovc v6;
	v6 =	vmov v13  }
0x457: {  	s24 =	sadd.s32 $0x10, s24;
	v13 =	vmul.u32 $0x50, v17;
	v11 =	vld.idx.msk [tilespmem:v15+s3+$0x0], $0xffff;
	(erf) = vpow2.f32 v18  }
0x458: {  	s17 =	sadd.s32 $0x10, s17;
	v12 =	vld [tilespmem:s24+$0x0];
	(erf) = vpow2.f32 v19  }
0x459: {  	v13 =	vbroadcast v13, $0x0;
	_ =	sdelay $0x1  }
0x45a: {  	v14 =	vadd.s32 v2, v13  }
0x45b: {  	v13 =	vadd.s32 v3, v13  }
0x45c: {  	v12 =	vshll.u32 v12, $0x1  }
0x45d: {  	v15 =	vor.u32 $0x1, v12;
	_ =	sdelay $0x1  }
0x45e: {  	v16 =	vld.idx.msk [tilespmem:v14+s30+$0x0], $0xffff  }
0x45f: {  	v17 =	vld.idx.msk [tilespmem:v13+s30+$0x0], $0xffff  }
0x460: {  	v12 =	vld.idx.msk [tilespmem:v12+s3+$0x0], $0xffff  }
0x461: {  	v15 =	vld.idx.msk [tilespmem:v15+s3+$0x0], $0xffff;
	_ =	sdelay $0x1  }
0x462: {  	v8 =	vadd.f32 v10, v8  }
0x463: {  	v9 =	vadd.f32 v11, v9  }
0x464: {  	v10 =	vmul.f32 $2.000000030e-01, v8;
	v11 =	vadd.f32 v12, v16  }
0x465: {  	v60 =	vmul.f32 $2.000000030e-01, v9;
	v15 =	vadd.f32 v15, v17  }
0x466: {  	v8 =	vmax.f32 v8, v10;
	v10 =	vmul.f32 $2.000000030e-01, v11  }
0x467: {  	v8 =	vmul.f32 $1.442695020e+00, v8;
	v9 =	vmax.f32 v9, v60;
	v61 =	vmul.f32 $2.000000030e-01, v15  }
0x468: {  	v9 =	vmul.f32 $1.442695020e+00, v9;
	v10 =	vmax.f32 v11, v10  }
0x469: {  	(erf) = vpow2.f32 v8;
	v8 =	vmul.f32 $1.442695020e+00, v10;
	v10 =	vmax.f32 v15, v61  }
0x46a: {  	(erf) = vpow2.f32 v9;
	v9 =	vmul.f32 $1.442695020e+00, v10  }
0x46b: {  	(erf) = vpow2.f32 v8  }
0x46c: {  	(erf) = vpow2.f32 v9;
	_ =	sdelay $0x3  }
0x46d: {  	v8 =	vpop (erf)  }
0x46e: {  	v9 =	vpop (erf);
	[tilespmem:v5+s13+$0x0] =	vst.idx.msk $0xffff, v8  }
0x46f: {  	v5 =	vpop (erf);
	[tilespmem:v4+s13+$0x0] =	vst.idx.msk $0xffff, v9  }
0x470: {  	v4 =	vpop (erf);
	[tilespmem:v7+s13+$0x0] =	vst.idx.msk $0xffff, v5  }
0x471: {  	[tilespmem:v6+s13+$0x0] =	vst.idx.msk $0xffff, v4;
	v4 =	vpop (erf)  }
0x472: {  	[tilespmem:v14+s13+$0x0] =	vst.idx.msk $0xffff, v4;
	v4 =	vpop (erf)  }
0x473: {  	s24 =	simm.s32 $0x0;
	[tilespmem:v13+s13+$0x0] =	vst.idx.msk $0xffff, v4  }
0x474: {  	v4 =	vld [tilespmem:s24+$0xCF20];
	_ =	sdelay $0x1  }
0x475: {  	v5 =	vld [tilespmem:s24+$0x6B10]  }
0x476: {  	v7 =	vld [tilespmem:s24+$0x6AE0]  }
0x477: {  	v8 =	vld [tilespmem:s24+$0x6AF0]  }
0x478: {  	s3 =	simm.s32 $0x50;
	v9 =	vld [tilespmem:s24+$0x6B00];
	v11 =	vbroadcast v4, $0x1  }
0x479: {  	v6 =	vld [tilespmem:s3+$0xCF20];
	v10 =	vbroadcast v4, $0x0  }
0x47a: {  	v4 =	vld [tilespmem:s3+$0x6AE0];
	v62 =	vmul.f32 v5, v11  }
0x47b: {  	v63 =	vmul.f32 v10, v7;
	v7 =	vld [tilespmem:s3+$0x6B10]  }
0x47c: {  	v5 =	vld [tilespmem:s3+$0x6AF0];
	v10 =	vmul.f32 v8, v10;
	[tilespmem:s24+$0xCF10] =	vst v62  }
0x47d: {  	s17 =	simm.s32 $0x280;
	v9 =	vmul.f32 v9, v11;
	v8 =	vld [tilespmem:s3+$0x6B00];
	[tilespmem:s24+$0xCEE0] =	vst v63  }
.LBB2_39:
0x47e: {  	s18 =	sshra.s32 s17, $0x2;
	p0 =	sne.s32 s17, $0x62C0;
	s17 =	sadd.s32 $0x140, s17;
	v11 =	vbroadcast v6, $0x0;
	v12 =	vbroadcast v6, $0x1;
	[tilespmem:s24+$0xCEF0] =	vst v10  }
.Ltmp18:
0x47f: {  	v6 =	vld [tilespmem:s18+$0xCF20];
	[tilespmem:s24+$0xCF00] =	vst v9;
	s24 =	smov.u32 s3;
	s3 =	smov.u32 s18;
	(pc) =	sbr.rel @p0 .LBB2_39-.Ltmp18, $4  }
0x480: {  	v13 =	vmul.f32 v11, v4;
	v4 =	vld [tilespmem:s3+$0x6AE0];
	v14 =	vmul.f32 v7, v12  }
0x481: {  	v7 =	vld [tilespmem:s3+$0x6B10];
	v10 =	vmul.f32 v5, v11  }
0x482: {  	v5 =	vld [tilespmem:s3+$0x6AF0];
	v9 =	vmul.f32 v8, v12;
	[tilespmem:s24+$0xCF10] =	vst v14  }
0x483: {  	v8 =	vld [tilespmem:s3+$0x6B00];
	[tilespmem:s24+$0xCEE0] =	vst v13  }
0x484: {  	v11 =	vbroadcast v6, $0x1  }
0x485: {  	v53 =	vbroadcast v6, $0x0  }
0x486: {  	[tilespmem:s24+$0xCEF0] =	vst v10;
	v7 =	vmul.f32 v7, v11  }
0x487: {  	[tilespmem:s24+$0xCF00] =	vst v9;
	v4 =	vmul.f32 v53, v4  }
0x488: {  	v5 =	vmul.f32 v5, v53;
	[tilespmem:s3+$0xCF10] =	vst v7  }
0x489: {  	v54 =	vmul.f32 v8, v11;
	[tilespmem:s3+$0xCEE0] =	vst v4  }
0x48a: {  	[tilespmem:s3+$0xCEF0] =	vst v5  }
0x48b: {  	[tilespmem:s3+$0xCF00] =	vst v54  }
0x48c: {  	v4 =	vld [tilespmem:$0x4FB0]  }
0x48d: {  	v5 =	vld [tilespmem:$0x4FC0]  }
0x48e: {  	v6 =	vld [tilespmem:$0x4FD0]  }
0x48f: {  	v7 =	vld [tilespmem:$0x4FE0]  }
0x490: {  	v55 =	vld [tilespmem:$0x4FF0]  }
0x491: {  	[tilespmem:$0x50F0] =	vst v4  }
0x492: {  	[tilespmem:$0x5100] =	vst v5  }
0x493: {  	[tilespmem:$0x5110] =	vst v6  }
0x494: {  	[tilespmem:$0x5120] =	vst v7  }
0x495: {  	s17 =	simm.s32 $0x50F0;
	[tilespmem:$0x5130] =	vst v55  }
0x496: {  	[spmem:s1] =	stream.indirect.scatter.add.f32 [tilespmem:s13], [sflag:$0x6], $0x50, s17, s23, $0xb8;
	[tilespmem:$0x1F180] =	vst v63  }
0x497: {  	_ =	swait.ge [sflag:s28], $0x50  }
0x498: {  	[sflag:s28] =	ssyncset.done $0x0  }
0x499: {  	[sflag:s28] =	ssyncadd.s32 $0xFFFFFFB0  }
0x49a: {  	_ =	swait.ge [sflag:s28], $0x50  }
0x49b: {  	[sflag:s28] =	ssyncset.done $0x0  }
0x49c: {  	[sflag:s28] =	ssyncadd.s32 $0xFFFFFFB0  }
0x49d: {  	v4 =	vld [tilespmem:$0x4E70]  }
0x49e: {  	v5 =	vld [tilespmem:$0x4F10]  }
0x49f: {  	v56 =	vld [tilespmem:$0x4E80]  }
0x4a0: {  	v57 =	vld [tilespmem:$0x4F20]  }
0x4a1: {  	v58 =	vld [tilespmem:$0x4E90]  }
0x4a2: {  	v61 =	vld [tilespmem:$0x4EB0]  }
0x4a3: {  	v59 =	vld [tilespmem:$0x4F30];
	[tilespmem:$0x4FB0] =	vst v4  }
0x4a4: {  	v4 =	vadd.s32 v0, v5;
	v5 =	vld [tilespmem:$0x4EA0];
	[tilespmem:$0x4FC0] =	vst v56  }
0x4a5: {  	[tilespmem:$0x5190] =	vst v4;
	v4 =	vld [tilespmem:$0x4F40]  }
0x4a6: {  	v62 =	vld [tilespmem:$0x4F50];
	[tilespmem:$0x4FD0] =	vst v58  }
0x4a7: {  	v60 =	vadd.s32 v0, v57;
	[tilespmem:$0x4FF0] =	vst v61  }
0x4a8: {  	v63 =	vadd.s32 v0, v59;
	[tilespmem:$0x51A0] =	vst v60  }
0x4a9: {  	s18 =	smin.u32 s26, $0xF98;
	[tilespmem:$0x51B0] =	vst v63  }
0x4aa: {  	s3 =	smul.u32 $0x50, s18;
	[tilespmem:$0x4FE0] =	vst v5;
	v4 =	vadd.s32 v0, v4  }
0x4ab: {  	s19 =	sadd.s32 $0x1, s19;
	[tilespmem:$0x51C0] =	vst v4;
	v4 =	vadd.s32 v0, v62  }
0x4ac: {  	p0 =	sne.s32 s19, $0x3D;
	s3 =	sshrl.u32 s3, $0x3;
	s17 =	simm.s32 $0x5190;
	[tilespmem:$0x51D0] =	vst v4  }
0x4ad: {  	[tilespmem:s30], [sflag:$0x2] =	stream.indirect.gather [hbm4b:s4+s23], $0x50, s17, s23, $0xb8;
	[tilespmem:$0x1F180] =	vst v63  }
.Ltmp19:
0x4ae: {  	s3 =	sadd.s32 $0x46, s3;
	(pc) =	sbr.rel @p0 .LBB2_20-.Ltmp19, $4  }
.Ltmp20:
0x4af: {  	s18 =	simm.s32 $0x0;
	s24 =	sadd.s32 s5, s3;
	(pc) =	sbr.rel @!p0 .LBB2_41-.Ltmp20, $4  }
0x4b0: {  	[tilespmem:s29], [sflag:$0x8] =	stream.linear.gather [hbm4b:s24+s18], $0x50, $0x38;
	[tilespmem:$0x1F180] =	vst v63  }
0x4b1: {  	s26 =	simm.s32 $0x4F10;
	s3 =	sadd.s32 s6, s3  }
0x4b2: {  	[tilespmem:s26], [sflag:$0x8] =	stream.linear.gather [hbm4b:s3+s18], $0x50, $0x38;
	[tilespmem:$0x1F180] =	vst v63  }
0x4b3: {  	_ = 	snop  }
.LBB2_23:
.Ltmp21:
0x4b4: {  	(pc) =	sbr.rel .LBB2_28-.Ltmp21, $2  }
0x4b5: {  	_ =	sdelay $0x2  }
0x4b6: {  	_ = 	snop  }
.LBB2_25:
.Ltmp22:
0x4b7: {  	(pc) =	sbr.rel .LBB2_28-.Ltmp22, $2  }
0x4b8: {  	_ =	sdelay $0x2  }
0x4b9: {  	s24 =	simm.s32 $0x0;
	s3 =	simm.s32 $0x50;
	v11 =	vmov v8  }
.LBB2_41:
0x4ba: {  	_ =	swait.ge [sflag:s7], $0x1900  }
0x4bb: {  	[sflag:s7] =	ssyncset.done $0x0  }
0x4bc: {  	[sflag:s7] =	ssyncadd.s32 $0xFFFFE700  }
0x4bd: {  	s2 =	simm.s32 $0x0;
	_ =	swait.ge [sflag:s31], $0x1900  }
0x4be: {  	v4 =	vmov s2;
	[sflag:s31] =	ssyncset.done $0x0  }
0x4bf: {  	s3 =	simm.s32 $0x4F60;
	v4 =	vmul.u32 $0x50, v4;
	[sflag:s31] =	ssyncadd.s32 $0xFFFFE700  }
0x4c0: {  	v6 =	vld [tilespmem:s3+$0x0]  }
0x4c1: {  	v4 =	vbroadcast v4, $0x0;
	_ =	sdelay $0x1  }
0x4c2: {  	v5 =	vadd.s32 v2, v4  }
0x4c3: {  	v4 =	vadd.s32 v3, v4  }
0x4c4: {  	v6 =	vshll.u32 v6, $0x1  }
0x4c5: {  	s24 =	simm.s32 $0x4F70;
	v7 =	vor.u32 $0x1, v6  }
0x4c6: {  	v12 =	vld [tilespmem:s24+$0x0]  }
0x4c7: {  	s19 =	simm.s32 $0x10;
	v8 =	vld.idx.msk [tilespmem:v5+s25+$0x0], $0xffff  }
0x4c8: {  	v10 =	vmov s19;
	v9 =	vld.idx.msk [tilespmem:v4+s25+$0x0], $0xffff  }
0x4c9: {  	v11 =	vld.idx.msk [tilespmem:v6+s2+$0x0], $0xffff;
	v6 =	vmul.u32 $0x50, v10  }
0x4ca: {  	v10 =	vld.idx.msk [tilespmem:v7+s2+$0x0], $0xffff  }
0x4cb: {  	v6 =	vbroadcast v6, $0x0;
	_ =	sdelay $0x1  }
0x4cc: {  	v7 =	vadd.s32 v2, v6  }
0x4cd: {  	v6 =	vadd.s32 v3, v6;
	v11 =	vadd.f32 v11, v8  }
0x4ce: {  	v12 =	vshll.u32 v12, $0x1;
	v10 =	vadd.f32 v10, v9  }
0x4cf: {  	v13 =	vor.u32 $0x1, v12;
	v9 =	vmul.f32 $2.000000030e-01, v11  }
0x4d0: {  	v14 =	vmul.f32 $2.000000030e-01, v10  }
0x4d1: {  	v8 =	vld.idx.msk [tilespmem:v7+s25+$0x0], $0xffff;
	v11 =	vmax.f32 v11, v9  }
0x4d2: {  	s26 =	simm.s32 $0x20;
	v9 =	vld.idx.msk [tilespmem:v6+s25+$0x0], $0xffff;
	v15 =	vmul.f32 $1.442695020e+00, v11;
	v11 =	vmax.f32 v10, v14  }
0x4d3: {  	v10 =	vld.idx.msk [tilespmem:v12+s2+$0x0], $0xffff;
	v12 =	vmov s26;
	v14 =	vmul.f32 $1.442695020e+00, v11  }
0x4d4: {  	s3 =	simm.s32 $0x4F80;
	v11 =	vld.idx.msk [tilespmem:v13+s2+$0x0], $0xffff;
	v13 =	vmul.u32 $0x50, v12;
	(erf) = vpow2.f32 v15  }
0x4d5: {  	s17 =	simm.s32 $0x30;
	v12 =	vld [tilespmem:s3+$0x0];
	(erf) = vpow2.f32 v14  }
.LBB2_42:
0x4d6: {  	p0 =	sne.s32 s17, $0x40;
	v13 =	vbroadcast v13, $0x0;
	_ =	sdelay $0x1  }
0x4d7: {  	v14 =	vadd.s32 v2, v13  }
0x4d8: {  	v13 =	vadd.s32 v3, v13;
	v10 =	vadd.f32 v10, v8  }
0x4d9: {  	v11 =	vadd.f32 v11, v9;
	v12 =	vshll.u32 v12, $0x1  }
0x4da: {  	v9 =	vmul.f32 $2.000000030e-01, v10;
	v15 =	vor.u32 $0x1, v12  }
0x4db: {  	v19 =	vmul.f32 $2.000000030e-01, v11  }
.Ltmp23:
0x4dc: {  	v10 =	vmax.f32 v10, v9;
	v8 =	vld.idx.msk [tilespmem:v14+s25+$0x0], $0xffff;
	v17 =	vpop (erf);
	(pc) =	sbr.rel @p0 .LBB2_42-.Ltmp23, $4  }
0x4dd: {  	v18 =	vmul.f32 $1.442695020e+00, v10;
	v11 =	vmax.f32 v11, v19;
	v9 =	vld.idx.msk [tilespmem:v13+s25+$0x0], $0xffff;
	[tilespmem:v5+s15+$0x0] =	vst.idx.msk $0xffff, v17;
	v16 =	vpop (erf);
	v5 =	vmov v7  }
0x4de: {  	v17 =	vmov s17;
	v19 =	vmul.f32 $1.442695020e+00, v11;
	v7 =	vmovc v14;
	v10 =	vld.idx.msk [tilespmem:v12+s2+$0x0], $0xffff;
	[tilespmem:v4+s15+$0x0] =	vst.idx.msk $0xffff, v16;
	v4 =	vmovc v6;
	v6 =	vmov v13  }
0x4df: {  	s3 =	sadd.s32 $0x10, s3;
	v13 =	vmul.u32 $0x50, v17;
	v11 =	vld.idx.msk [tilespmem:v15+s2+$0x0], $0xffff;
	(erf) = vpow2.f32 v18  }
0x4e0: {  	s17 =	sadd.s32 $0x10, s17;
	v12 =	vld [tilespmem:s3+$0x0];
	(erf) = vpow2.f32 v19  }
0x4e1: {  	v13 =	vbroadcast v13, $0x0;
	_ =	sdelay $0x1  }
0x4e2: {  	v14 =	vadd.s32 v2, v13  }
0x4e3: {  	v13 =	vadd.s32 v3, v13  }
0x4e4: {  	v12 =	vshll.u32 v12, $0x1  }
0x4e5: {  	v15 =	vor.u32 $0x1, v12;
	_ =	sdelay $0x1  }
0x4e6: {  	v16 =	vld.idx.msk [tilespmem:v14+s25+$0x0], $0xffff  }
0x4e7: {  	v17 =	vld.idx.msk [tilespmem:v13+s25+$0x0], $0xffff  }
0x4e8: {  	v12 =	vld.idx.msk [tilespmem:v12+s2+$0x0], $0xffff  }
0x4e9: {  	v15 =	vld.idx.msk [tilespmem:v15+s2+$0x0], $0xffff;
	_ =	sdelay $0x1  }
0x4ea: {  	v8 =	vadd.f32 v10, v8  }
0x4eb: {  	v9 =	vadd.f32 v11, v9  }
0x4ec: {  	v10 =	vmul.f32 $2.000000030e-01, v8;
	v11 =	vadd.f32 v12, v16  }
0x4ed: {  	v60 =	vmul.f32 $2.000000030e-01, v9;
	v15 =	vadd.f32 v15, v17  }
0x4ee: {  	v8 =	vmax.f32 v8, v10;
	v10 =	vmul.f32 $2.000000030e-01, v11  }
0x4ef: {  	v8 =	vmul.f32 $1.442695020e+00, v8;
	v9 =	vmax.f32 v9, v60;
	v61 =	vmul.f32 $2.000000030e-01, v15  }
0x4f0: {  	v9 =	vmul.f32 $1.442695020e+00, v9;
	v10 =	vmax.f32 v11, v10  }
0x4f1: {  	(erf) = vpow2.f32 v8;
	v8 =	vmul.f32 $1.442695020e+00, v10;
	v10 =	vmax.f32 v15, v61  }
0x4f2: {  	(erf) = vpow2.f32 v9;
	v9 =	vmul.f32 $1.442695020e+00, v10  }
0x4f3: {  	(erf) = vpow2.f32 v8  }
0x4f4: {  	(erf) = vpow2.f32 v9;
	_ =	sdelay $0x3  }
0x4f5: {  	v8 =	vpop (erf)  }
0x4f6: {  	v9 =	vpop (erf);
	[tilespmem:v5+s15+$0x0] =	vst.idx.msk $0xffff, v8  }
0x4f7: {  	v5 =	vpop (erf);
	[tilespmem:v4+s15+$0x0] =	vst.idx.msk $0xffff, v9  }
0x4f8: {  	v4 =	vpop (erf);
	[tilespmem:v7+s15+$0x0] =	vst.idx.msk $0xffff, v5  }
0x4f9: {  	[tilespmem:v6+s15+$0x0] =	vst.idx.msk $0xffff, v4;
	v4 =	vpop (erf)  }
0x4fa: {  	[tilespmem:v14+s15+$0x0] =	vst.idx.msk $0xffff, v4;
	v4 =	vpop (erf)  }
0x4fb: {  	s3 =	simm.s32 $0x0;
	[tilespmem:v13+s15+$0x0] =	vst.idx.msk $0xffff, v4  }
0x4fc: {  	v4 =	vld [tilespmem:s3+$0x8420];
	_ =	sdelay $0x1  }
0x4fd: {  	v5 =	vld [tilespmem:s3+$0x5210]  }
0x4fe: {  	v7 =	vld [tilespmem:s3+$0x51E0]  }
0x4ff: {  	v8 =	vld [tilespmem:s3+$0x51F0]  }
0x500: {  	s2 =	simm.s32 $0x50;
	v9 =	vld [tilespmem:s3+$0x5200];
	v11 =	vbroadcast v4, $0x1  }
0x501: {  	v6 =	vld [tilespmem:s2+$0x8420];
	v10 =	vbroadcast v4, $0x0  }
0x502: {  	v4 =	vld [tilespmem:s2+$0x51E0];
	v62 =	vmul.f32 v5, v11  }
0x503: {  	v63 =	vmul.f32 v10, v7;
	v7 =	vld [tilespmem:s2+$0x5210]  }
0x504: {  	v5 =	vld [tilespmem:s2+$0x51F0];
	v10 =	vmul.f32 v8, v10;
	[tilespmem:s3+$0x8410] =	vst v62  }
0x505: {  	s17 =	simm.s32 $0x280;
	v9 =	vmul.f32 v9, v11;
	v8 =	vld [tilespmem:s2+$0x5200];
	[tilespmem:s3+$0x83E0] =	vst v63  }
.LBB2_44:
0x506: {  	s18 =	sshra.s32 s17, $0x2;
	p0 =	sne.s32 s17, $0x62C0;
	s17 =	sadd.s32 $0x140, s17;
	v11 =	vbroadcast v6, $0x0;
	v12 =	vbroadcast v6, $0x1;
	[tilespmem:s3+$0x83F0] =	vst v10  }
.Ltmp24:
0x507: {  	v6 =	vld [tilespmem:s18+$0x8420];
	[tilespmem:s3+$0x8400] =	vst v9;
	s3 =	smov.u32 s2;
	s2 =	smov.u32 s18;
	(pc) =	sbr.rel @p0 .LBB2_44-.Ltmp24, $4  }
0x508: {  	v13 =	vmul.f32 v11, v4;
	v4 =	vld [tilespmem:s2+$0x51E0];
	v14 =	vmul.f32 v7, v12  }
0x509: {  	v7 =	vld [tilespmem:s2+$0x5210];
	v10 =	vmul.f32 v5, v11  }
0x50a: {  	v5 =	vld [tilespmem:s2+$0x51F0];
	v9 =	vmul.f32 v8, v12;
	[tilespmem:s3+$0x8410] =	vst v14  }
0x50b: {  	v8 =	vld [tilespmem:s2+$0x5200];
	[tilespmem:s3+$0x83E0] =	vst v13  }
0x50c: {  	v11 =	vbroadcast v6, $0x1  }
0x50d: {  	v6 =	vbroadcast v6, $0x0  }
0x50e: {  	[tilespmem:s3+$0x83F0] =	vst v10;
	v7 =	vmul.f32 v7, v11  }
0x50f: {  	[tilespmem:s3+$0x8400] =	vst v9;
	v4 =	vmul.f32 v6, v4  }
0x510: {  	v5 =	vmul.f32 v5, v6;
	[tilespmem:s2+$0x8410] =	vst v7  }
0x511: {  	v6 =	vmul.f32 v8, v11;
	[tilespmem:s2+$0x83E0] =	vst v4  }
0x512: {  	[tilespmem:s2+$0x83F0] =	vst v5  }
0x513: {  	[tilespmem:s2+$0x8400] =	vst v6  }
0x514: {  	v4 =	vld [tilespmem:$0x4F60]  }
0x515: {  	v5 =	vld [tilespmem:$0x4F70]  }
0x516: {  	v6 =	vld [tilespmem:$0x4F80]  }
0x517: {  	v7 =	vld [tilespmem:$0x4F90]  }
0x518: {  	v8 =	vld [tilespmem:$0x4FA0]  }
0x519: {  	[tilespmem:$0x5000] =	vst v4  }
0x51a: {  	[tilespmem:$0x5010] =	vst v5  }
0x51b: {  	[tilespmem:$0x5020] =	vst v6  }
0x51c: {  	[tilespmem:$0x5030] =	vst v7  }
0x51d: {  	s3 =	simm.s32 $0x5000;
	[tilespmem:$0x5040] =	vst v8  }
0x51e: {  	[spmem:s1] =	stream.indirect.scatter.add.f32 [tilespmem:s15], [sflag:$0x3], $0x50, s3, s23, $0xb8;
	[tilespmem:$0x1F180] =	vst v63  }
0x51f: {  	_ =	swait.ge [sflag:s22], $0x50  }
0x520: {  	[sflag:s22] =	ssyncset.done $0x0  }
0x521: {  	[sflag:s22] =	ssyncadd.s32 $0xFFFFFFB0  }
0x522: {  	_ =	swait.ge [sflag:s22], $0x50  }
0x523: {  	[sflag:s22] =	ssyncset.done $0x0  }
0x524: {  	[sflag:s22] =	ssyncadd.s32 $0xFFFFFFB0  }
0x525: {  	v4 =	vld [tilespmem:$0x4E20]  }
0x526: {  	v5 =	vld [tilespmem:$0x4EC0]  }
0x527: {  	v6 =	vld [tilespmem:$0x4E30]  }
0x528: {  	v7 =	vld [tilespmem:$0x4ED0];
	_ =	sdelay $0x1  }
0x529: {  	v8 =	vld [tilespmem:$0x4E40]  }
0x52a: {  	v9 =	vld [tilespmem:$0x4EE0]  }
0x52b: {  	[tilespmem:$0x4F60] =	vst v4;
	v4 =	vadd.s32 v0, v5;
	v5 =	vld [tilespmem:$0x4E50]  }
0x52c: {  	[tilespmem:$0x4F70] =	vst v6;
	v6 =	vadd.s32 v0, v7;
	v7 =	vld [tilespmem:$0x4E60]  }
0x52d: {  	[tilespmem:$0x5140] =	vst v4;
	v4 =	vld [tilespmem:$0x4EF0]  }
0x52e: {  	[tilespmem:$0x5150] =	vst v6;
	v6 =	vld [tilespmem:$0x4F00]  }
0x52f: {  	[tilespmem:$0x4F80] =	vst v8;
	v8 =	vadd.s32 v0, v9  }
0x530: {  	[tilespmem:$0x5160] =	vst v8  }
0x531: {  	[tilespmem:$0x4F90] =	vst v5  }
0x532: {  	[tilespmem:$0x4FA0] =	vst v7;
	v4 =	vadd.s32 v0, v4  }
0x533: {  	[tilespmem:$0x5170] =	vst v4;
	v4 =	vadd.s32 v0, v6  }
0x534: {  	s17 =	simm.s32 $0x5140;
	[tilespmem:$0x5180] =	vst v4  }
0x535: {  	[tilespmem:s25], [sflag:$0x1] =	stream.indirect.gather [hbm4b:s4+s23], $0x50, s17, s23, $0xb8;
	[tilespmem:$0x1F180] =	vst v63  }
0x536: {  	s2 =	simm.s32 $0x0;
	s18 =	rddreg [dreg:$0x18]  }
0x537: {  	[tilespmem:s20], [sflag:$0x7] =	stream.linear.gather [hbm4b:s18+s2], $0x50, $0x38;
	[tilespmem:$0x1F180] =	vst v63  }
0x538: {  	s19 =	rddreg [dreg:$0x19]  }
0x539: {  	[tilespmem:s21], [sflag:$0x7] =	stream.linear.gather [hbm4b:s19+s2], $0x50, $0x38;
	[tilespmem:$0x1F180] =	vst v63  }
0x53a: {  	_ =	swait.ge [sflag:s12], $0x1900  }
0x53b: {  	[sflag:s12] =	ssyncset.done $0x0  }
0x53c: {  	[sflag:s12] =	ssyncadd.s32 $0xFFFFE700  }
0x53d: {  	v4 =	vmov s2;
	_ =	swait.ge [sflag:s8], $0x1900  }
0x53e: {  	v4 =	vmul.u32 $0x50, v4;
	[sflag:s8] =	ssyncset.done $0x0  }
0x53f: {  	s20 =	simm.s32 $0x4FB0;
	[sflag:s8] =	ssyncadd.s32 $0xFFFFE700  }
0x540: {  	v4 =	vbroadcast v4, $0x0;
	v6 =	vld [tilespmem:s20+$0x0];
	_ =	sdelay $0x1  }
0x541: {  	v5 =	vadd.s32 v2, v4  }
0x542: {  	v4 =	vadd.s32 v3, v4;
	_ =	sdelay $0x1  }
0x543: {  	v6 =	vshll.u32 v6, $0x1  }
0x544: {  	v7 =	vor.u32 $0x1, v6  }
0x545: {  	v8 =	vld.idx.msk [tilespmem:v5+s30+$0x0], $0xffff  }
0x546: {  	s24 =	simm.s32 $0x4FC0;
	s21 =	simm.s32 $0x10;
	v9 =	vld.idx.msk [tilespmem:v4+s30+$0x0], $0xffff  }
0x547: {  	v10 =	vmov s21;
	v12 =	vld [tilespmem:s24+$0x0]  }
0x548: {  	v11 =	vld.idx.msk [tilespmem:v6+s2+$0x0], $0xffff;
	v6 =	vmul.u32 $0x50, v10  }
0x549: {  	v10 =	vld.idx.msk [tilespmem:v7+s2+$0x0], $0xffff  }
0x54a: {  	v6 =	vbroadcast v6, $0x0;
	_ =	sdelay $0x1  }
0x54b: {  	v7 =	vadd.s32 v2, v6  }
0x54c: {  	v6 =	vadd.s32 v3, v6;
	v11 =	vadd.f32 v11, v8  }
0x54d: {  	v12 =	vshll.u32 v12, $0x1;
	v10 =	vadd.f32 v10, v9  }
0x54e: {  	v13 =	vor.u32 $0x1, v12;
	v9 =	vmul.f32 $2.000000030e-01, v11  }
0x54f: {  	v14 =	vmul.f32 $2.000000030e-01, v10  }
0x550: {  	v8 =	vld.idx.msk [tilespmem:v7+s30+$0x0], $0xffff;
	v11 =	vmax.f32 v11, v9  }
0x551: {  	s26 =	simm.s32 $0x20;
	v9 =	vld.idx.msk [tilespmem:v6+s30+$0x0], $0xffff;
	v15 =	vmul.f32 $1.442695020e+00, v11;
	v11 =	vmax.f32 v10, v14  }
0x552: {  	v10 =	vld.idx.msk [tilespmem:v12+s2+$0x0], $0xffff;
	v12 =	vmov s26;
	v14 =	vmul.f32 $1.442695020e+00, v11  }
0x553: {  	s3 =	simm.s32 $0x4FD0;
	v11 =	vld.idx.msk [tilespmem:v13+s2+$0x0], $0xffff;
	v13 =	vmul.u32 $0x50, v12;
	(erf) = vpow2.f32 v15  }
0x554: {  	s17 =	simm.s32 $0x30;
	v12 =	vld [tilespmem:s3+$0x0];
	(erf) = vpow2.f32 v14  }
.LBB2_46:
0x555: {  	p0 =	sne.s32 s17, $0x40;
	v13 =	vbroadcast v13, $0x0;
	_ =	sdelay $0x1  }
0x556: {  	v14 =	vadd.s32 v2, v13  }
0x557: {  	v13 =	vadd.s32 v3, v13;
	v10 =	vadd.f32 v10, v8  }
0x558: {  	v11 =	vadd.f32 v11, v9;
	v12 =	vshll.u32 v12, $0x1  }
0x559: {  	v9 =	vmul.f32 $2.000000030e-01, v10;
	v15 =	vor.u32 $0x1, v12  }
0x55a: {  	v19 =	vmul.f32 $2.000000030e-01, v11  }
.Ltmp25:
0x55b: {  	v10 =	vmax.f32 v10, v9;
	v8 =	vld.idx.msk [tilespmem:v14+s30+$0x0], $0xffff;
	v17 =	vpop (erf);
	(pc) =	sbr.rel @p0 .LBB2_46-.Ltmp25, $4  }
0x55c: {  	v18 =	vmul.f32 $1.442695020e+00, v10;
	v11 =	vmax.f32 v11, v19;
	v9 =	vld.idx.msk [tilespmem:v13+s30+$0x0], $0xffff;
	[tilespmem:v5+s9+$0x0] =	vst.idx.msk $0xffff, v17;
	v16 =	vpop (erf);
	v5 =	vmov v7  }
0x55d: {  	v17 =	vmov s17;
	v19 =	vmul.f32 $1.442695020e+00, v11;
	v7 =	vmovc v14;
	v10 =	vld.idx.msk [tilespmem:v12+s2+$0x0], $0xffff;
	[tilespmem:v4+s9+$0x0] =	vst.idx.msk $0xffff, v16;
	v4 =	vmovc v6;
	v6 =	vmov v13  }
0x55e: {  	s3 =	sadd.s32 $0x10, s3;
	v13 =	vmul.u32 $0x50, v17;
	v11 =	vld.idx.msk [tilespmem:v15+s2+$0x0], $0xffff;
	(erf) = vpow2.f32 v18  }
0x55f: {  	s17 =	sadd.s32 $0x10, s17;
	v12 =	vld [tilespmem:s3+$0x0];
	(erf) = vpow2.f32 v19  }
0x560: {  	v13 =	vbroadcast v13, $0x0;
	_ =	sdelay $0x1  }
0x561: {  	v14 =	vadd.s32 v2, v13  }
0x562: {  	v13 =	vadd.s32 v3, v13  }
0x563: {  	v12 =	vshll.u32 v12, $0x1  }
0x564: {  	v15 =	vor.u32 $0x1, v12;
	_ =	sdelay $0x1  }
0x565: {  	v16 =	vld.idx.msk [tilespmem:v14+s30+$0x0], $0xffff  }
0x566: {  	v17 =	vld.idx.msk [tilespmem:v13+s30+$0x0], $0xffff  }
0x567: {  	v12 =	vld.idx.msk [tilespmem:v12+s2+$0x0], $0xffff  }
0x568: {  	v15 =	vld.idx.msk [tilespmem:v15+s2+$0x0], $0xffff;
	_ =	sdelay $0x1  }
0x569: {  	v8 =	vadd.f32 v10, v8  }
0x56a: {  	v9 =	vadd.f32 v11, v9  }
0x56b: {  	v10 =	vmul.f32 $2.000000030e-01, v8;
	v11 =	vadd.f32 v12, v16  }
0x56c: {  	v60 =	vmul.f32 $2.000000030e-01, v9;
	v15 =	vadd.f32 v15, v17  }
0x56d: {  	v8 =	vmax.f32 v8, v10;
	v10 =	vmul.f32 $2.000000030e-01, v11  }
0x56e: {  	v8 =	vmul.f32 $1.442695020e+00, v8;
	v9 =	vmax.f32 v9, v60;
	v61 =	vmul.f32 $2.000000030e-01, v15  }
0x56f: {  	v9 =	vmul.f32 $1.442695020e+00, v9;
	v10 =	vmax.f32 v11, v10  }
0x570: {  	(erf) = vpow2.f32 v8;
	v8 =	vmul.f32 $1.442695020e+00, v10;
	v10 =	vmax.f32 v15, v61  }
0x571: {  	(erf) = vpow2.f32 v9;
	v9 =	vmul.f32 $1.442695020e+00, v10  }
0x572: {  	(erf) = vpow2.f32 v8  }
0x573: {  	(erf) = vpow2.f32 v9;
	_ =	sdelay $0x3  }
0x574: {  	v8 =	vpop (erf)  }
0x575: {  	v9 =	vpop (erf);
	[tilespmem:v5+s9+$0x0] =	vst.idx.msk $0xffff, v8  }
0x576: {  	v5 =	vpop (erf);
	[tilespmem:v4+s9+$0x0] =	vst.idx.msk $0xffff, v9  }
0x577: {  	v4 =	vpop (erf);
	[tilespmem:v7+s9+$0x0] =	vst.idx.msk $0xffff, v5  }
0x578: {  	[tilespmem:v6+s9+$0x0] =	vst.idx.msk $0xffff, v4;
	v4 =	vpop (erf)  }
0x579: {  	[tilespmem:v14+s9+$0x0] =	vst.idx.msk $0xffff, v4;
	v4 =	vpop (erf)  }
0x57a: {  	s3 =	simm.s32 $0x0;
	[tilespmem:v13+s9+$0x0] =	vst.idx.msk $0xffff, v4  }
0x57b: {  	v4 =	vld [tilespmem:s3+$0x9D20];
	_ =	sdelay $0x1  }
0x57c: {  	v5 =	vld [tilespmem:s3+$0x6B10]  }
0x57d: {  	v7 =	vld [tilespmem:s3+$0x6AE0]  }
0x57e: {  	v8 =	vld [tilespmem:s3+$0x6AF0]  }
0x57f: {  	s2 =	simm.s32 $0x50;
	v9 =	vld [tilespmem:s3+$0x6B00];
	v11 =	vbroadcast v4, $0x1  }
0x580: {  	v6 =	vld [tilespmem:s2+$0x9D20];
	v10 =	vbroadcast v4, $0x0  }
0x581: {  	v4 =	vld [tilespmem:s2+$0x6AE0];
	v62 =	vmul.f32 v5, v11  }
0x582: {  	v63 =	vmul.f32 v10, v7;
	v7 =	vld [tilespmem:s2+$0x6B10]  }
0x583: {  	v5 =	vld [tilespmem:s2+$0x6AF0];
	v10 =	vmul.f32 v8, v10;
	[tilespmem:s3+$0x9D10] =	vst v62  }
0x584: {  	s17 =	simm.s32 $0x280;
	s20 =	simm.s32 $0x40;
	s21 =	simm.s32 $0x80;
	v9 =	vmul.f32 v9, v11;
	v8 =	vld [tilespmem:s2+$0x6B00];
	[tilespmem:s3+$0x9CE0] =	vst v63  }
.LBB2_48:
0x585: {  	s18 =	sshra.s32 s17, $0x2;
	p0 =	sne.s32 s17, $0x62C0;
	s17 =	sadd.s32 $0x140, s17;
	v11 =	vbroadcast v6, $0x0;
	v12 =	vbroadcast v6, $0x1;
	[tilespmem:s3+$0x9CF0] =	vst v10  }
.Ltmp26:
0x586: {  	v6 =	vld [tilespmem:s18+$0x9D20];
	[tilespmem:s3+$0x9D00] =	vst v9;
	s3 =	smov.u32 s2;
	s2 =	smov.u32 s18;
	(pc) =	sbr.rel @p0 .LBB2_48-.Ltmp26, $4  }
0x587: {  	v13 =	vmul.f32 v11, v4;
	v4 =	vld [tilespmem:s2+$0x6AE0];
	v14 =	vmul.f32 v7, v12  }
0x588: {  	v7 =	vld [tilespmem:s2+$0x6B10];
	v10 =	vmul.f32 v5, v11  }
0x589: {  	v5 =	vld [tilespmem:s2+$0x6AF0];
	v9 =	vmul.f32 v8, v12;
	[tilespmem:s3+$0x9D10] =	vst v14  }
0x58a: {  	v8 =	vld [tilespmem:s2+$0x6B00];
	[tilespmem:s3+$0x9CE0] =	vst v13  }
0x58b: {  	v11 =	vbroadcast v6, $0x1  }
0x58c: {  	v53 =	vbroadcast v6, $0x0  }
0x58d: {  	[tilespmem:s3+$0x9CF0] =	vst v10;
	v7 =	vmul.f32 v7, v11  }
0x58e: {  	[tilespmem:s3+$0x9D00] =	vst v9;
	v4 =	vmul.f32 v53, v4  }
0x58f: {  	v5 =	vmul.f32 v5, v53;
	[tilespmem:s2+$0x9D10] =	vst v7  }
0x590: {  	v54 =	vmul.f32 v8, v11;
	[tilespmem:s2+$0x9CE0] =	vst v4  }
0x591: {  	[tilespmem:s2+$0x9CF0] =	vst v5  }
0x592: {  	[tilespmem:s2+$0x9D00] =	vst v54  }
0x593: {  	v4 =	vld [tilespmem:$0x4FB0]  }
0x594: {  	v5 =	vld [tilespmem:$0x4FC0]  }
0x595: {  	v6 =	vld [tilespmem:$0x4FD0]  }
0x596: {  	v7 =	vld [tilespmem:$0x4FE0]  }
0x597: {  	v55 =	vld [tilespmem:$0x4FF0]  }
0x598: {  	[tilespmem:$0x5050] =	vst v4  }
0x599: {  	[tilespmem:$0x5060] =	vst v5  }
0x59a: {  	[tilespmem:$0x5070] =	vst v6  }
0x59b: {  	[tilespmem:$0x5080] =	vst v7  }
0x59c: {  	s19 =	simm.s32 $0x5050;
	[tilespmem:$0x5090] =	vst v55  }
0x59d: {  	[spmem:s1] =	stream.indirect.scatter.add.f32 [tilespmem:s9], [sflag:$0x4], $0x50, s19, s23, $0xb8;
	[tilespmem:$0x1F180] =	vst v63  }
0x59e: {  	_ =	swait.ge [sflag:s28], $0x50  }
0x59f: {  	[sflag:s28] =	ssyncset.done $0x0  }
0x5a0: {  	[sflag:s28] =	ssyncadd.s32 $0xFFFFFFB0  }
0x5a1: {  	_ =	swait.ge [sflag:s28], $0x50  }
0x5a2: {  	[sflag:s28] =	ssyncset.done $0x0  }
0x5a3: {  	[sflag:s28] =	ssyncadd.s32 $0xFFFFFFB0  }
0x5a4: {  	v4 =	vld [tilespmem:$0x4E70]  }
0x5a5: {  	v5 =	vld [tilespmem:$0x4F10]  }
0x5a6: {  	v56 =	vld [tilespmem:$0x4E80]  }
0x5a7: {  	v57 =	vld [tilespmem:$0x4F20]  }
0x5a8: {  	v58 =	vld [tilespmem:$0x4E90]  }
0x5a9: {  	v61 =	vld [tilespmem:$0x4EB0]  }
0x5aa: {  	v59 =	vld [tilespmem:$0x4F30];
	[tilespmem:$0x4FB0] =	vst v4  }
0x5ab: {  	v4 =	vadd.s32 v0, v5;
	v5 =	vld [tilespmem:$0x4EA0];
	[tilespmem:$0x4FC0] =	vst v56  }
0x5ac: {  	[tilespmem:$0x5190] =	vst v4;
	v4 =	vld [tilespmem:$0x4F40]  }
0x5ad: {  	v62 =	vld [tilespmem:$0x4F50];
	[tilespmem:$0x4FD0] =	vst v58  }
0x5ae: {  	v60 =	vadd.s32 v0, v57;
	[tilespmem:$0x4FF0] =	vst v61  }
0x5af: {  	v63 =	vadd.s32 v0, v59;
	[tilespmem:$0x51A0] =	vst v60  }
0x5b0: {  	[tilespmem:$0x51B0] =	vst v63  }
0x5b1: {  	[tilespmem:$0x4FE0] =	vst v5;
	v4 =	vadd.s32 v0, v4  }
0x5b2: {  	[tilespmem:$0x51C0] =	vst v4;
	v4 =	vadd.s32 v0, v62  }
0x5b3: {  	s24 =	simm.s32 $0x5190;
	[tilespmem:$0x51D0] =	vst v4  }
0x5b4: {  	[tilespmem:s30], [sflag:$0x2] =	stream.indirect.gather [hbm4b:s4+s23], $0x50, s24, s23, $0xb8;
	[tilespmem:$0x1F180] =	vst v63  }
0x5b5: {  	s2 =	simm.s32 $0x0;
	s26 =	rddreg [dreg:$0x1a]  }
0x5b6: {  	[tilespmem:s29], [sflag:$0x8] =	stream.linear.gather [hbm4b:s26+s2], $0x50, $0x38;
	[tilespmem:$0x1F180] =	vst v63  }
0x5b7: {  	s17 =	simm.s32 $0x4F10;
	s29 =	rddreg [dreg:$0x1b]  }
0x5b8: {  	[tilespmem:s17], [sflag:$0x8] =	stream.linear.gather [hbm4b:s29+s2], $0x50, $0x38;
	[tilespmem:$0x1F180] =	vst v63  }
0x5b9: {  	_ =	swait.ge [sflag:s7], $0x1900  }
0x5ba: {  	[sflag:s7] =	ssyncset.done $0x0  }
0x5bb: {  	[sflag:s7] =	ssyncadd.s32 $0xFFFFE700  }
0x5bc: {  	_ =	swait.ge [sflag:s12], $0x1900  }
0x5bd: {  	[sflag:s12] =	ssyncset.done $0x0  }
0x5be: {  	[sflag:s12] =	ssyncadd.s32 $0xFFFFE700  }
0x5bf: {  	_ =	swait.ge [sflag:s14], $0x1900  }
0x5c0: {  	[sflag:s14] =	ssyncset.done $0x0  }
0x5c1: {  	[sflag:s14] =	ssyncadd.s32 $0xFFFFE700  }
0x5c2: {  	_ =	swait.ge [sflag:s0], $0x1900  }
0x5c3: {  	[sflag:s0] =	ssyncset.done $0x0  }
0x5c4: {  	[sflag:s0] =	ssyncadd.s32 $0xFFFFE700  }
0x5c5: {  	_ =	swait.ge [sflag:s31], $0x1900  }
0x5c6: {  	[sflag:s31] =	ssyncset.done $0x0  }
0x5c7: {  	[sflag:s31] =	ssyncadd.s32 $0xFFFFE700  }
0x5c8: {  	_ =	swait.ge [sflag:s22], $0x50  }
0x5c9: {  	[sflag:s22] =	ssyncset.done $0x0  }
0x5ca: {  	[sflag:s22] =	ssyncadd.s32 $0xFFFFFFB0  }
0x5cb: {  	_ =	swait.ge [sflag:s22], $0x50  }
0x5cc: {  	[sflag:s22] =	ssyncset.done $0x0  }
0x5cd: {  	[sflag:s22] =	ssyncadd.s32 $0xFFFFFFB0  }
0x5ce: {  	_ =	swait.ge [sflag:s8], $0x1900  }
0x5cf: {  	[sflag:s8] =	ssyncset.done $0x0  }
0x5d0: {  	[sflag:s8] =	ssyncadd.s32 $0xFFFFE700  }
0x5d1: {  	_ =	swait.ge [sflag:s28], $0x50  }
0x5d2: {  	[sflag:s28] =	ssyncset.done $0x0  }
0x5d3: {  	[sflag:s28] =	ssyncadd.s32 $0xFFFFFFB0  }
0x5d4: {  	_ =	swait.ge [sflag:s28], $0x50  }
0x5d5: {  	[sflag:s28] =	ssyncset.done $0x0  }
0x5d6: {  	[sflag:s28] =	ssyncadd.s32 $0xFFFFFFB0  }
0x5d7: {  	s3 =	simm.s32 $0x0;
	[bflag:$0x0] =	sbarrier.arrive $0xFFFF  }
.LBB2_50:
0x5d8: {  	s17 =	smul.u32 $0x7D, s3  }
0x5d9: {  	v4 =	vmov s2;
	s18 =	rddreg [dreg:$0x1d]  }
0x5da: {  	v4 =	vmul.u32 $0x50, v4;
	s19 =	sadd.s32 s18, s17  }
0x5db: {  	s17 =	smul.u32 $0x140, s19  }
0x5dc: {  	v4 =	vadd.s32 $0x40, v4  }
0x5dd: {  	v4 =	vbroadcast v4, $0x0;
	s17 =	sshra.s32 s17, $0x2  }
0x5de: {  	s17 =	sadd.s32 s17, s1  }
0x5df: {  	[tilespmem:s10], [sflag:$0x9] =	stream.linear.gather [spmem:s17], $0x2710, $0x38;
	[tilespmem:$0x1F180] =	vst v63  }
0x5e0: {  	_ =	swait.ge [sflag:s16], $0x2710  }
0x5e1: {  	[sflag:s16] =	ssyncset.done $0x0  }
0x5e2: {  	[sflag:s16] =	ssyncadd.s32 $0xFFFFD8F0  }
0x5e3: {  	v5 =	vld.idx.msk [tilespmem:v4+s10+$0x0], $0xffff;
	_ =	sdelay $0x4  }
0x5e4: {  	v5 =	vadd.f32 $1.000000020e-16, v5;
	_ =	sdelay $0x1  }
0x5e5: {  	(erf) = vrcp.f32 v5;
	_ =	sdelay $0x3  }
0x5e6: {  	s24 =	simm.s32 $0xE800;
	v4 =	vor.u32 $0x1, v4  }
0x5e7: {  	v5 =	vld [tilespmem:s24+$0xFFFFFFE0];
	_ =	sdelay $0x3  }
0x5e8: {  	v4 =	vld.idx.msk [tilespmem:v4+s10+$0x0], $0xffff;
	v6 =	vpop (erf)  }
0x5e9: {  	v5 =	vmul.f32 v6, v5  }
0x5ea: {  	s26 =	simm.s32 $0x10F10  }
0x5eb: {  	[tilespmem:s26+$0xFFFFFFE0] =	vst v5  }
0x5ec: {  	v5 =	vld [tilespmem:s24+$0xFFFFFFF0]  }
0x5ed: {  	v4 =	vadd.f32 $1.000000020e-16, v4;
	_ =	sdelay $0x1  }
0x5ee: {  	(erf) = vrcp.f32 v4;
	_ =	sdelay $0x1  }
0x5ef: {  	v4 =	vmul.f32 v5, v6;
	_ =	sdelay $0x1  }
0x5f0: {  	[tilespmem:s26+$0xFFFFFFF0] =	vst v4  }
0x5f1: {  	v4 =	vld [tilespmem:s24+$0x0];
	_ =	sdelay $0x3  }
0x5f2: {  	v6 =	vpop (erf)  }
0x5f3: {  	s29 =	simm.s32 $0x1;
	v4 =	vmul.f32 v4, v6  }
0x5f4: {  	v5 =	vmov s29  }
0x5f5: {  	[tilespmem:s26+$0x0] =	vst v4;
	v4 =	vmul.u32 $0x50, v5  }
0x5f6: {  	v7 =	vld [tilespmem:s24+$0x10]  }
0x5f7: {  	v4 =	vadd.s32 $0x40, v4  }
0x5f8: {  	v5 =	vbroadcast v4, $0x0;
	_ =	sdelay $0x2  }
0x5f9: {  	s17 =	simm.s32 $0x2;
	v4 =	vor.u32 $0x1, v5;
	v6 =	vmul.f32 v7, v6  }
.LBB2_51:
0x5fa: {  	s24 =	sadd.s32 $0x50, s24  }
0x5fb: {  	s18 =	smov.u32 s17;
	s29 =	sadd.s32 $0x1, s17;
	[tilespmem:s26+$0x10] =	vst v6;
	s26 =	sadd.s32 $0x40, s26  }
0x5fc: {  	p0 =	sne.s32 s17, $0x7C;
	v5 =	vld.idx.msk [tilespmem:v5+s10+$0x0], $0xffff;
	_ =	sdelay $0x5  }
0x5fd: {  	v5 =	vadd.f32 $1.000000020e-16, v5;
	_ =	sdelay $0x1  }
0x5fe: {  	(erf) = vrcp.f32 v5;
	_ =	sdelay $0x4  }
0x5ff: {  	v5 =	vld [tilespmem:s24+$0xFFFFFFE0];
	_ =	sdelay $0x2  }
0x600: {  	v4 =	vld.idx.msk [tilespmem:v4+s10+$0x0], $0xffff  }
0x601: {  	v6 =	vpop (erf)  }
0x602: {  	v5 =	vmul.f32 v6, v5;
	_ =	sdelay $0x1  }
0x603: {  	[tilespmem:s26+$0xFFFFFFE0] =	vst v5  }
0x604: {  	v5 =	vld [tilespmem:s24+$0xFFFFFFF0]  }
0x605: {  	v4 =	vadd.f32 $1.000000020e-16, v4;
	_ =	sdelay $0x1  }
0x606: {  	(erf) = vrcp.f32 v4;
	_ =	sdelay $0x1  }
0x607: {  	v4 =	vmul.f32 v5, v6;
	_ =	sdelay $0x1  }
0x608: {  	[tilespmem:s26+$0xFFFFFFF0] =	vst v4  }
0x609: {  	v4 =	vld [tilespmem:s24+$0x0];
	_ =	sdelay $0x3  }
0x60a: {  	v6 =	vpop (erf)  }
0x60b: {  	v4 =	vmul.f32 v4, v6  }
0x60c: {  	v5 =	vmov s18  }
0x60d: {  	v5 =	vmul.u32 $0x50, v5;
	[tilespmem:s26+$0x0] =	vst v4  }
0x60e: {  	v7 =	vld [tilespmem:s24+$0x10]  }
.Ltmp27:
0x60f: {  	v4 =	vadd.s32 $0x40, v5;
	(pc) =	sbr.rel @p0 .LBB2_51-.Ltmp27, $3  }
0x610: {  	v5 =	vbroadcast v4, $0x0;
	_ =	sdelay $0x1  }
0x611: {  	v4 =	vor.u32 $0x1, v5  }
0x612: {  	s17 =	smov.u32 s29;
	v6 =	vmul.f32 v7, v6  }
0x613: {  	_ =	sdelay $0x2  }
0x614: {  	[tilespmem:s26+$0x10] =	vst v6  }
0x615: {  	v5 =	vld.idx.msk [tilespmem:v5+s10+$0x0], $0xffff;
	_ =	sdelay $0x4  }
0x616: {  	v5 =	vadd.f32 $1.000000020e-16, v5;
	_ =	sdelay $0x1  }
0x617: {  	(erf) = vrcp.f32 v5;
	_ =	sdelay $0x3  }
0x618: {  	s17 =	sadd.s32 $0x50, s24  }
0x619: {  	v5 =	vld [tilespmem:s17+$0xFFFFFFE0];
	_ =	sdelay $0x3  }
0x61a: {  	v4 =	vld.idx.msk [tilespmem:v4+s10+$0x0], $0xffff;
	v63 =	vpop (erf)  }
0x61b: {  	v5 =	vmul.f32 v63, v5  }
0x61c: {  	s18 =	sadd.s32 $0x40, s26  }
0x61d: {  	[tilespmem:s18+$0xFFFFFFE0] =	vst v5  }
0x61e: {  	v5 =	vld [tilespmem:s17+$0xFFFFFFF0]  }
0x61f: {  	v4 =	vadd.f32 $1.000000020e-16, v4;
	_ =	sdelay $0x1  }
0x620: {  	(erf) = vrcp.f32 v4;
	_ =	sdelay $0x1  }
0x621: {  	v4 =	vmul.f32 v5, v63;
	_ =	sdelay $0x1  }
0x622: {  	[tilespmem:s18+$0xFFFFFFF0] =	vst v4  }
0x623: {  	v4 =	vld [tilespmem:s17+$0x0];
	_ =	sdelay $0x3  }
0x624: {  	v5 =	vpop (erf)  }
0x625: {  	v4 =	vmul.f32 v4, v5;
	_ =	sdelay $0x1  }
0x626: {  	[tilespmem:s18+$0x0] =	vst v4  }
0x627: {  	v4 =	vld [tilespmem:s17+$0x10];
	_ =	sdelay $0x4  }
0x628: {  	s3 =	sadd.s32 $0x1, s3;
	v4 =	vmul.f32 v4, v5  }
0x629: {  	s24 =	sshll.u32 s19, $0x4;
	s26 =	rddreg [dreg:$0x10];
	p0 =	sne.s32 s3, $0x5  }
.Ltmp28:
0x62a: {  	s29 =	simm.s32 $0x10EF0;
	s17 =	sadd.s32 s24, s26;
	[tilespmem:s18+$0x10] =	vst v4;
	(pc) =	sbr.rel @p0 .LBB2_50-.Ltmp28, $4  }
0x62b: {  	[hbm4b:s17+s20] =	stream.strided.scatter [tilespmem:s29], [sflag:$0x9], $0x1F40, s21, s20, $0x38;
	[tilespmem:$0x1F180] =	vst v63  }
0x62c: {  	_ =	swait.ge [sflag:s16], $0x1F40  }
0x62d: {  	[sflag:s16] =	ssyncset.done $0x0  }
0x62e: {  	[sflag:s16] =	ssyncadd.s32 $0xFFFFE0C0  }
0x62f: {  	s3 =	sld [smem:$0x7F8];
	_ =	sdelay $0x2  }
0x630: {  	s2 =	rddreg [dreg:$0x1c];
	s3 =	sadd.s32 $0x1, s3  }
0x631: {  	p0 =	sne.s32 s3, s2  }
.Ltmp29:
0x632: {  	_ = 	snop;
	(pc) =	sbr.rel @p0 .LBB2_1-.Ltmp29, $2  }
0x633: {  	_ =	sdelay $0x2  }
0x634: {  	s24 =	simm.s32 $0x4E70  }
0x635: {  	_ =	sfence.sel $0x180000  }
0x636: {  	[bflag:$0x0] =	sbarrier.arrive $0xFFFF  }
0x637: {  	_ =	strace $0x90000047  }
0x638: {  	s0 =	stileid.u32;
	[bflag:$0x2] =	sbarrier.arrive $0xFFFF  }
0x639: {  	p0 =	sne.s32 s0, $0x0;
	s0 =	rddreg [dreg:$0x3]  }
0x63a: {  	s0 =	sadd.s32 @!p0 $0x100000, s0  }
0x63b: {  	[sflag:s0] =	ssyncadd.tile.s32 @!p0 $0x1;
	_ =	shalt  }
.Lfunc_end2:
_tile_overlayer_lowered:
.L_overlay_start_2:
0x63c: {  	(tag) =	ssettag $0x2  }
0x63d: {  	s0 =	rddreg [dreg:$0x0];
	s2 =	stileid.u32  }
0x63e: {  	s1 =	rddreg [dreg:$0x1];
	p0 =	sne.s32 s2, $0x0  }
0x63f: {  	s3 =	rddreg [dreg:$0x2];
	[bflag:$0x3] =	sbarrier.arrive $0xFFFF;
	s2 =	simm.s32 @!p0 $0x1C09  }
0x640: {  	[timem:s3], [sflag:s2] =	dma.local @!p0 [hbm:s0], s1  }
0x641: {  	s0 =	simm.s32 @!p0 $0x9  }
0x642: {  	_ =	swait.ge @!p0 [sflag:s0], s1  }
0x643: {  	s1 =	ssub.s32 @!p0 $0x0, s1;
	[sflag:s0] =	ssyncset.done @!p0 $0x0  }
0x644: {  	[sflag:s0] =	ssyncadd.s32 @!p0 s1  }
0x645: {  	[bflag:$0x3] =	sbarrier.arrive $0xFFFF  }
0x646: {  	_ =	shalt  }

</sc_bundles>
